<compile_context>
chip_gen: v7x
topology: tpu7x:2x2x1
jax: 0.10.2.dev20260603
libtpu: 0.0.44.dev20260713+nightly
codegen_flags: <defaults>
</compile_context>

<pallas_src>
import dataclasses
import functools

import jax
import jax.numpy as jnp
from jax import lax
from jax.experimental import pallas as pl
from jax.experimental.pallas import tpu as pltpu
from jax.experimental.pallas import tpu_sc as plsc

N = 10000
NP = 10240
F_IN = 128
RW1 = 72
RW2 = 16
DW = 16
K = 128
NTILES = 32


def _make_edge_pass(ch, nrow, rw, jpc, er, tot):
    sup = K * jpc
    mesh = plsc.VectorSubcoreMesh(core_axis_name="c", subcore_axis_name="s")
    cp = pltpu.CompilerParams()
    if "needs_layout_passes" in pltpu.CompilerParams.__dataclass_fields__:
        cp = dataclasses.replace(cp, needs_layout_passes=False)
    if "use_tc_tiling_on_sc" in pltpu.CompilerParams.__dataclass_fields__:
        cp = dataclasses.replace(cp, use_tc_tiling_on_sc=False)

    nidx = ch * jpc

    @functools.partial(
        pl.kernel,
        out_type=[jax.ShapeDtypeStruct((nrow, rw), jnp.float32),
                  jax.ShapeDtypeStruct((nrow, rw), jnp.float32)],
        mesh=mesh,
        compiler_params=cp,
        scratch_types=[
            pltpu.VMEM_SHARED((nrow, rw), jnp.float32),
            pltpu.VMEM((nidx, K), jnp.int32),
            pltpu.VMEM((nidx, K), jnp.int32),
            pltpu.VMEM((sup, rw), jnp.float32),
            pltpu.VMEM((sup, rw), jnp.float32),
            pltpu.VMEM((sup, DW), jnp.float32),
            pltpu.VMEM((sup, DW), jnp.float32),
            pltpu.SemaphoreType.DMA,
            pltpu.SemaphoreType.DMA,
            pltpu.SemaphoreType.DMA,
        ],
    )
    def edge_pass(ei_hbm, tbl_hbm, dtbl_hbm, zero_hbm,
                  out_a_hbm, out_b_hbm,
                  acc, sidx, didx, rows_a, rows_b, drows_a, drows_b,
                  gsem, ssem, isem):
        cid = lax.axis_index("c")
        sid = lax.axis_index("s")
        wid = cid * 16 + sid
        iota = lax.iota(jnp.int32, 16)

        zrows = nrow // 16
        pltpu.sync_copy(zero_hbm.at[pl.ds(sid * zrows, zrows)],
                        acc.at[pl.ds(sid * zrows, zrows)])

        @pl.loop(0, nidx)
        def _fill(i):
            r = wid * nidx + i

            @pl.when(r < er)
            def _():
                pltpu.async_copy(ei_hbm.at[0, r], sidx.at[i], isem)
                pltpu.async_copy(ei_hbm.at[1, r], didx.at[i], isem)

            @pl.when(r >= er)
            def _():
                for j in range(8):
                    p = r * K + 16 * j + iota
                    v = jnp.where(p < tot, p - er * K,
                                  N + lax.rem(p, nrow - N))
                    sidx[i, pl.ds(16 * j, 16)] = v
                    didx[i, pl.ds(16 * j, 16)] = v

        @pl.loop(0, nidx)
        def _dr(i):
            r = wid * nidx + i

            @pl.when(r < er)
            def _():
                pltpu.make_async_copy(ei_hbm.at[0, r], sidx.at[i], isem).wait()
                pltpu.make_async_copy(ei_hbm.at[1, r], didx.at[i], isem).wait()

        plsc.subcore_barrier()
        if rw == RW1:
            pats = [8 + iota // 8 + 2 * cc for cc in range(4)]
            pat_tail = (iota + 8) & 15
            m_lt8 = iota < 8
        else:
            splat8 = jnp.zeros((16,), jnp.int32) + 8
            m_lt8 = iota < 8
            m_eq8 = iota == 8
            zero_v = jnp.zeros((16,), jnp.float32)

        def g_fire(g, rows, drows):
            for j in range(jpc):
                r = g * jpc + j
                pltpu.async_copy(tbl_hbm.at[sidx.at[r]],
                                 rows.at[pl.ds(j * K, K)], gsem)
                pltpu.async_copy(dtbl_hbm.at[didx.at[r]],
                                 drows.at[pl.ds(j * K, K)], gsem)

        def g_drain(rows, drows):
            for j in range(jpc):
                pltpu.make_async_copy(tbl_hbm.at[pl.ds(0, K)],
                                      rows.at[pl.ds(j * K, K)], gsem).wait()
                pltpu.make_async_copy(dtbl_hbm.at[pl.ds(0, K)],
                                      drows.at[pl.ds(j * K, K)], gsem).wait()

        def s_start(g, rows):
            for j in range(jpc):
                r = g * jpc + j
                pltpu.async_copy(rows.at[pl.ds(j * K, K)],
                                 acc.at[didx.at[r]], ssem, add=True)

        def s_drain(rows):
            for j in range(jpc):
                pltpu.make_async_copy(rows.at[pl.ds(j * K, K)],
                                      acc.at[pl.ds(0, K)], ssem).wait()

        def compute(rows, drows):
            @plsc.parallel_loop(0, sup, unroll=4)
            def _edge(e):
                dv = drows[e, pl.ds(0, 16)]
                if rw == RW1:
                    av = rows[e, pl.ds(56, 16)]
                    s = av + dv
                    w = jnp.exp(jnp.maximum(s, 0.2 * s))
                    m3 = None
                    for cc in range(4):
                        xwc = rows[e, pl.ds(cc * 16, 16)]
                        wb = w.at[pats[cc]].get(mode="promise_in_bounds")
                        m3 = xwc * wb
                        rows[e, pl.ds(cc * 16, 16)] = m3
                    m3s = m3.at[pat_tail].get(mode="promise_in_bounds")
                    rows[e, pl.ds(56, 16)] = jnp.where(m_lt8, m3s, w)
                else:
                    row = rows[e, pl.ds(0, 16)]
                    sv = row.at[splat8].get(mode="promise_in_bounds") + dv
                    w = jnp.exp(jnp.maximum(sv, 0.2 * sv))
                    out = jnp.where(m_lt8, w * row, jnp.where(m_eq8, w, zero_v))
                    rows[e, pl.ds(0, 16)] = out

        g_fire(0, rows_a, drows_a)

        @pl.loop(0, ch // 2)
        def _pair(t):
            g0 = 2 * t
            g1 = g0 + 1

            @pl.when(t > 0)
            def _():
                s_drain(rows_b)

            g_fire(g1, rows_b, drows_b)
            g_drain(rows_a, drows_a)
            compute(rows_a, drows_a)
            s_start(g0, rows_a)
            g_drain(rows_b, drows_b)
            compute(rows_b, drows_b)
            s_drain(rows_a)

            @pl.when(g1 + 1 < ch)
            def _():
                g_fire(g1 + 1, rows_a, drows_a)

            s_start(g1, rows_b)

        s_drain(rows_b)
        plsc.subcore_barrier()

        @pl.when(cid == 0)
        def _writeout0():
            pltpu.sync_copy(acc.at[pl.ds(sid * zrows, zrows)],
                            out_a_hbm.at[pl.ds(sid * zrows, zrows)])

        @pl.when(cid == 1)
        def _writeout1():
            pltpu.sync_copy(acc.at[pl.ds(sid * zrows, zrows)],
                            out_b_hbm.at[pl.ds(sid * zrows, zrows)])

    return edge_pass


def _tc1(xp, w1, a1s, a1d):
    blk = 2048

    def body(x_ref, w_ref, s_ref, d_ref, t_ref, dd_ref):
        xw = jnp.dot(x_ref[...], w_ref[...], preferred_element_type=jnp.float32)
        asrc = jnp.dot(xw, s_ref[...], preferred_element_type=jnp.float32)
        adst = jnp.dot(xw, d_ref[...], preferred_element_type=jnp.float32)
        z8 = jnp.zeros((blk, 8), jnp.float32)
        t_ref[...] = jnp.concatenate([xw, asrc], axis=1)
        dd_ref[...] = jnp.concatenate([z8, adst], axis=1)

    return pl.pallas_call(
        body,
        grid=(NP // blk,),
        in_specs=[
            pl.BlockSpec((blk, F_IN), lambda i: (i, 0)),
            pl.BlockSpec((F_IN, 64), lambda i: (0, 0)),
            pl.BlockSpec((64, 8), lambda i: (0, 0)),
            pl.BlockSpec((64, 8), lambda i: (0, 0)),
        ],
        out_specs=[
            pl.BlockSpec((blk, RW1), lambda i: (i, 0)),
            pl.BlockSpec((blk, DW), lambda i: (i, 0)),
        ],
        out_shape=[
            jax.ShapeDtypeStruct((NP, RW1), jnp.float32),
            jax.ShapeDtypeStruct((NP, DW), jnp.float32),
        ],
    )(xp, w1, a1s, a1d)


def _tc2(acc1a, acc1b, rep8, b1, w2, as2, ad2):
    blk = 1024

    def body(aa_ref, ab_ref, rep_ref, b_ref, w_ref, s_ref, d_ref, t_ref,
             dd_ref):
        m = aa_ref[...] + ab_ref[...]
        msg = m[:, 0:64]
        den = m[:, 64:72]
        dex = jnp.dot(den, rep_ref[...], preferred_element_type=jnp.float32)
        h = msg / (dex + 1e-16) + b_ref[...]
        h = jnp.where(h > 0, h, jnp.exp(h) - 1.0)
        xw2 = jnp.dot(h, w_ref[...], preferred_element_type=jnp.float32)
        asrc2 = jnp.sum(xw2 * s_ref[...], axis=1, keepdims=True)
        adst2 = jnp.sum(xw2 * d_ref[...], axis=1, keepdims=True)
        z7 = jnp.zeros((blk, 7), jnp.float32)
        t_ref[...] = jnp.concatenate([xw2, asrc2, z7], axis=1)
        dd_ref[...] = jnp.broadcast_to(adst2, (blk, DW))

    return pl.pallas_call(
        body,
        grid=(NP // blk,),
        in_specs=[
            pl.BlockSpec((blk, RW1), lambda i: (i, 0)),
            pl.BlockSpec((blk, RW1), lambda i: (i, 0)),
            pl.BlockSpec((8, 64), lambda i: (0, 0)),
            pl.BlockSpec((1, 64), lambda i: (0, 0)),
            pl.BlockSpec((64, 8), lambda i: (0, 0)),
            pl.BlockSpec((1, 8), lambda i: (0, 0)),
            pl.BlockSpec((1, 8), lambda i: (0, 0)),
        ],
        out_specs=[
            pl.BlockSpec((blk, RW2), lambda i: (i, 0)),
            pl.BlockSpec((blk, DW), lambda i: (i, 0)),
        ],
        out_shape=[
            jax.ShapeDtypeStruct((NP, RW2), jnp.float32),
            jax.ShapeDtypeStruct((NP, DW), jnp.float32),
        ],
    )(acc1a, acc1b, rep8, b1, w2, as2, ad2)


def _tc3(acc2a, acc2b, b2):
    blk = 2000

    def body(aa_ref, ab_ref, b_ref, o_ref):
        m = aa_ref[...] + ab_ref[...]
        v = m[:, 0:8] / (m[:, 8:9] + 1e-16) + b_ref[...]
        mx = jnp.max(v, axis=1, keepdims=True)
        lse = mx + jnp.log(jnp.sum(jnp.exp(v - mx), axis=1, keepdims=True))
        o_ref[...] = v - lse

    return pl.pallas_call(
        body,
        grid=(N // blk,),
        in_specs=[
            pl.BlockSpec((blk, RW2), lambda i: (i, 0)),
            pl.BlockSpec((blk, RW2), lambda i: (i, 0)),
            pl.BlockSpec((1, 8), lambda i: (0, 0)),
        ],
        out_specs=pl.BlockSpec((blk, 8), lambda i: (i, 0)),
        out_shape=jax.ShapeDtypeStruct((N, 8), jnp.float32),
    )(acc2a, acc2b, b2)


def kernel(x, edge_index, W1, att_src1, att_dst1, b1,
           W2, att_src2, att_dst2, b2):
    e = edge_index.shape[1]
    tot = e + N
    jpc1, jpc2 = 2, 4
    ch1 = 2 * -(-tot // (2 * NTILES * K * jpc1))
    ch2 = 2 * -(-tot // (2 * NTILES * K * jpc2))
    ep = NTILES * K * max(jpc1 * ch1, jpc2 * ch2)

    er = e // K
    ei3 = edge_index.reshape(2, er, K)

    xp = jnp.pad(x, ((0, NP - N), (0, 0)))
    eye8 = jnp.eye(8, dtype=jnp.float32)
    a1s = (att_src1[:, :, None] * eye8[:, None, :]).reshape(64, 8)
    a1d = (att_dst1[:, :, None] * eye8[:, None, :]).reshape(64, 8)

    t1, d1 = _tc1(xp, W1, a1s, a1d)
    zero1 = jnp.zeros((NP, RW1), jnp.float32)
    acc1a, acc1b = _make_edge_pass(ch1, NP, RW1, jpc1, er, tot)(ei3, t1, d1, zero1)

    rep8 = jnp.repeat(eye8, 8, axis=1)
    t2, d2 = _tc2(acc1a, acc1b, rep8, b1.reshape(1, 64), W2,
                  att_src2.reshape(1, 8), att_dst2.reshape(1, 8))
    zero2 = jnp.zeros((NP, RW2), jnp.float32)
    acc2a, acc2b = _make_edge_pass(ch2, NP, RW2, jpc2, er, tot)(ei3, t2, d2, zero2)

    return _tc3(acc2a, acc2b, b2.reshape(1, 8))

# --- scband reference (transcript-rebuilt; emitter-appended) ---
"""Pipeline reference for scband-vessel-dhnet-73985106641563 (READ-ONLY COPY).

The authoritative reference and input builder live on the scoring server;
editing this copy changes nothing except your own understanding.
"""

import jax, jax.numpy as jnp
import numpy as np

N = 10000
E = 320000
F_IN = 128
H1 = 8
C1 = 8
NUM_CLASSES = 8


def setup_inputs(seed: int = 0) -> dict:
    key = jax.random.key(seed)
    ks = jax.random.split(key, 10)
    x = jax.random.normal(ks[0], (N, F_IN), dtype=jnp.float32)
    edge_index = jax.random.randint(ks[1], (2, E), 0, N, dtype=jnp.int32)
    W1 = jax.random.normal(ks[2], (F_IN, H1 * C1), dtype=jnp.float32) * (1.0 / np.sqrt(F_IN))
    att_src1 = jax.random.normal(ks[3], (H1, C1), dtype=jnp.float32) * 0.1
    att_dst1 = jax.random.normal(ks[4], (H1, C1), dtype=jnp.float32) * 0.1
    b1 = jnp.zeros((H1 * C1,), dtype=jnp.float32)
    W2 = jax.random.normal(ks[5], (H1 * C1, 1 * NUM_CLASSES), dtype=jnp.float32) * (1.0 / np.sqrt(H1 * C1))
    att_src2 = jax.random.normal(ks[6], (1, NUM_CLASSES), dtype=jnp.float32) * 0.1
    att_dst2 = jax.random.normal(ks[7], (1, NUM_CLASSES), dtype=jnp.float32) * 0.1
    b2 = jnp.zeros((1 * NUM_CLASSES,), dtype=jnp.float32)
    return {"x": x, "edge_index": edge_index, "W1": W1, "att_src1": att_src1,
            "att_dst1": att_dst1, "b1": b1, "W2": W2, "att_src2": att_src2,
            "att_dst2": att_dst2, "b2": b2}


def gat_layer(x, edge_index, W, att_src, att_dst, bias, H, C):
    # PyG GATConv (eval mode, add_self_loops=True, negative_slope=0.2)
    n = x.shape[0]
    xw = (x @ W).reshape(n, H, C)
    loops = jnp.arange(n, dtype=edge_index.dtype)
    ei = jnp.concatenate([edge_index, jnp.stack([loops, loops])], axis=1)
    src, dst = ei[0], ei[1]
    a_src = (xw * att_src[None, :, :]).sum(-1)  # [N, H]
    a_dst = (xw * att_dst[None, :, :]).sum(-1)  # [N, H]
    alpha = a_src[src] + a_dst[dst]             # [E, H]
    alpha = jax.nn.leaky_relu(alpha, 0.2)
    amax = jax.ops.segment_max(alpha, dst, num_segments=n)
    alpha = jnp.exp(alpha - amax[dst])
    denom = jax.ops.segment_sum(alpha, dst, num_segments=n)
    alpha = alpha / (denom[dst] + 1e-16)
    msg = xw[src] * alpha[:, :, None]           # [E, H, C]
    out = jax.ops.segment_sum(msg, dst, num_segments=n)  # [N, H, C]
    return out.reshape(n, H * C) + bias


def reference(x, edge_index, W1, att_src1, att_dst1, b1, W2, att_src2, att_dst2, b2):
    # dropout is identity in eval mode
    h = gat_layer(x, edge_index, W1, att_src1, att_dst1, b1, H1, C1)
    h = jax.nn.elu(h)
    h = gat_layer(h, edge_index, W2, att_src2, att_dst2, b2, 1, NUM_CLASSES)
    return jax.nn.log_softmax(h, axis=1)

if __name__ == "__main__":
    import jax
    _d = setup_inputs()
    print(jax.jit(kernel)(*tuple(_d.values())))

</pallas_src>

<mosaic_0001>
#map = affine_map<(d0, d1) -> (0, 0, 0)>
#map1 = affine_map<(d0, d1) -> (0, 0)>
module attributes {stable_mosaic.version = 14 : i64} {
  func.func @edge_pass(%arg0: i32, %arg1: i32, %arg2: memref<2x2500x128xi32, #tpu.memory_space<hbm>>, %arg3: memref<10240x72xf32, #tpu.memory_space<hbm>>, %arg4: memref<10240x16xf32, #tpu.memory_space<hbm>>, %arg5: memref<10240x72xf32, #tpu.memory_space<hbm>>, %arg6: memref<10240x72xf32, #tpu.memory_space<hbm>>, %arg7: memref<10240x72xf32, #tpu.memory_space<hbm>>, %arg8: memref<10240x72xf32, #tpu.memory_space<vmem_shared>>, %arg9: memref<84x128xi32, #tpu.memory_space<vmem>>, %arg10: memref<84x128xi32, #tpu.memory_space<vmem>>, %arg11: memref<256x72xf32, #tpu.memory_space<vmem>>, %arg12: memref<256x72xf32, #tpu.memory_space<vmem>>, %arg13: memref<256x16xf32, #tpu.memory_space<vmem>>, %arg14: memref<256x16xf32, #tpu.memory_space<vmem>>, %arg15: memref<!tpu.dma_semaphore, #tpu.memory_space<semaphore_mem>>, %arg16: memref<!tpu.dma_semaphore, #tpu.memory_space<semaphore_mem>>, %arg17: memref<!tpu.dma_semaphore, #tpu.memory_space<semaphore_mem>>) attributes {dimension_semantics = [#tpu.dimension_semantics<core_parallel>, #tpu.dimension_semantics<subcore_parallel>], iteration_bounds = array<i64: 2, 16>, scalar_prefetch = 0 : i64, scratch_operands = 10 : i64, tpu.core_type = #tpu.core_type<sc_vector_subcore>, window_params = [{transform_indices = #map}, {transform_indices = #map1}, {transform_indices = #map1}, {transform_indices = #map1}, {transform_indices = #map1}, {transform_indices = #map1}]} {
    %mul3A = arith.constant 16 : i32
    %mul3A_0 = arith.muli %arg0, %mul3A : i32
    %add3A = arith.addi %mul3A_0, %arg1 : i32
    %iota3A = tpu.iota {dimensions = array<i32: 0>} : vector<16xi32>
    %mul3A_1 = arith.constant 640 : i32
    %mul3A_2 = arith.muli %arg1, %mul3A_1 : i32
    %mul3A_3 = arith.constant 640 : i32
    %mul3A_4 = arith.muli %arg1, %mul3A_3 : i32
    "tpu.region"() ({
      %run_scoped3A = tpu.sem_alloc : memref<!tpu.dma_semaphore, #tpu.memory_space<semaphore_mem>>
      %dma_start3A_237 = arith.constant 0 : i32
      %dma_start3A_238 = tpu.memref_slice %arg8[%mul3A_4, %dma_start3A_237] : memref<10240x72xf32, #tpu.memory_space<vmem_shared>> -> memref<640x72xf32, #tpu.memory_space<vmem_shared>>
      %dma_start3A_239 = arith.constant 0 : i32
      %dma_start3A_240 = tpu.memref_slice %arg5[%mul3A_2, %dma_start3A_239] : memref<10240x72xf32, #tpu.memory_space<hbm>> -> memref<640x72xf32, #tpu.memory_space<hbm>>
      tpu.enqueue_dma source(%dma_start3A_240 : memref<640x72xf32, #tpu.memory_space<hbm>>) target(%dma_start3A_238 : memref<640x72xf32, #tpu.memory_space<vmem_shared>>) target_semaphore(%run_scoped3A : memref<!tpu.dma_semaphore, #tpu.memory_space<semaphore_mem>>)
      %dma_wait3A_241 = arith.constant 0 : i32
      %dma_wait3A_242 = tpu.memref_slice %arg8[%mul3A_4, %dma_wait3A_241] : memref<10240x72xf32, #tpu.memory_space<vmem_shared>> -> memref<640x72xf32, #tpu.memory_space<vmem_shared>>
      %dma_wait3A_243 = arith.constant 0 : i32
      %dma_wait3A_244 = tpu.memref_slice %arg5[%mul3A_2, %dma_wait3A_243] : memref<10240x72xf32, #tpu.memory_space<hbm>> -> memref<640x72xf32, #tpu.memory_space<hbm>>
      tpu.wait_dma2 semaphore(%run_scoped3A : memref<!tpu.dma_semaphore, #tpu.memory_space<semaphore_mem>>) src(%dma_wait3A_244 : memref<640x72xf32, #tpu.memory_space<hbm>>) dst(%dma_wait3A_242 : memref<640x72xf32, #tpu.memory_space<vmem_shared>>)
      tpu.yield
    }) : () -> ()
    %scan3A = arith.constant 0 : i32
    %scan3A_5 = arith.constant 84 : i32
    %scan3A_6 = arith.addi %scan3A, %scan3A_5 : i32
    %scan3A_7 = arith.constant 1 : i32
    scf.for %scan3A_237 = %scan3A to %scan3A_6 step %scan3A_7  : i32 {
      %mul3A_238 = arith.constant 1 : i32
      %mul3A_239 = arith.muli %scan3A_237, %mul3A_238 : i32
      %add3A_240 = arith.constant 0 : i32
      %add3A_241 = arith.addi %add3A_240, %mul3A_239 : i32
      %mul3A_242 = arith.constant 84 : i32
      %mul3A_243 = arith.muli %add3A, %mul3A_242 : i32
      %add3A_244 = arith.addi %mul3A_243, %add3A_241 : i32
      %lt3A_245 = arith.constant 2500 : i32
      %lt3A_246 = arith.cmpi slt, %add3A_244, %lt3A_245 : i32
      %convert_element_type3A_247 = arith.extui %lt3A_246 : i1 to i32
      %cond3A_248 = arith.constant 0 : i32
      %cond3A_249 = arith.cmpi ne, %convert_element_type3A_247, %cond3A_248 : i32
      scf.if %cond3A_249 {
        %dma_start3A_254 = arith.constant 0 : i32
        %dma_start3A_255 = arith.constant 0 : i32
        %dma_start3A_256 = tpu.memref_slice %arg9[%add3A_241, %dma_start3A_255] : memref<84x128xi32, #tpu.memory_space<vmem>> -> memref<1x128xi32, #tpu.memory_space<vmem>>
        %dma_start3A_257 = tpu.memref_squeeze %dma_start3A_256 : memref<1x128xi32, #tpu.memory_space<vmem>> -> memref<128xi32, #tpu.memory_space<vmem>>
        %dma_start3A_258 = arith.constant 0 : i32
        %dma_start3A_259 = tpu.memref_slice %arg2[%dma_start3A_254, %add3A_244, %dma_start3A_258] : memref<2x2500x128xi32, #tpu.memory_space<hbm>> -> memref<1x1x128xi32, #tpu.memory_space<hbm>>
        %dma_start3A_260 = tpu.memref_squeeze %dma_start3A_259 : memref<1x1x128xi32, #tpu.memory_space<hbm>> -> memref<128xi32, #tpu.memory_space<hbm>>
        %dma_start3A_261 = arith.constant 0 : i32
        %dma_start3A_262 = tpu.memref_slice %arg9[%add3A_241, %dma_start3A_261] : memref<84x128xi32, #tpu.memory_space<vmem>> -> memref<1x128xi32, #tpu.memory_space<vmem>>
        %dma_start3A_263 = tpu.memref_squeeze %dma_start3A_262 : memref<1x128xi32, #tpu.memory_space<vmem>> -> memref<128xi32, #tpu.memory_space<vmem>>
        %dma_start3A_264 = arith.constant 0 : i32
        %dma_start3A_265 = tpu.memref_slice %arg2[%dma_start3A_254, %add3A_244, %dma_start3A_264] : memref<2x2500x128xi32, #tpu.memory_space<hbm>> -> memref<1x1x128xi32, #tpu.memory_space<hbm>>
        %dma_start3A_266 = tpu.memref_squeeze %dma_start3A_265 : memref<1x1x128xi32, #tpu.memory_space<hbm>> -> memref<128xi32, #tpu.memory_space<hbm>>
        tpu.enqueue_dma source(%dma_start3A_266 : memref<128xi32, #tpu.memory_space<hbm>>) target(%dma_start3A_263 : memref<128xi32, #tpu.memory_space<vmem>>) target_semaphore(%arg17 : memref<!tpu.dma_semaphore, #tpu.memory_space<semaphore_mem>>)
        %dma_start3A_267 = arith.constant 1 : i32
        %dma_start3A_268 = arith.constant 0 : i32
        %dma_start3A_269 = tpu.memref_slice %arg10[%add3A_241, %dma_start3A_268] : memref<84x128xi32, #tpu.memory_space<vmem>> -> memref<1x128xi32, #tpu.memory_space<vmem>>
        %dma_start3A_270 = tpu.memref_squeeze %dma_start3A_269 : memref<1x128xi32, #tpu.memory_space<vmem>> -> memref<128xi32, #tpu.memory_space<vmem>>
        %dma_start3A_271 = arith.constant 0 : i32
        %dma_start3A_272 = tpu.memref_slice %arg2[%dma_start3A_267, %add3A_244, %dma_start3A_271] : memref<2x2500x128xi32, #tpu.memory_space<hbm>> -> memref<1x1x128xi32, #tpu.memory_space<hbm>>
        %dma_start3A_273 = tpu.memref_squeeze %dma_start3A_272 : memref<1x1x128xi32, #tpu.memory_space<hbm>> -> memref<128xi32, #tpu.memory_space<hbm>>
        %dma_start3A_274 = arith.constant 0 : i32
        %dma_start3A_275 = tpu.memref_slice %arg10[%add3A_241, %dma_start3A_274] : memref<84x128xi32, #tpu.memory_space<vmem>> -> memref<1x128xi32, #tpu.memory_space<vmem>>
        %dma_start3A_276 = tpu.memref_squeeze %dma_start3A_275 : memref<1x128xi32, #tpu.memory_space<vmem>> -> memref<128xi32, #tpu.memory_space<vmem>>
        %dma_start3A_277 = arith.constant 0 : i32
        %dma_start3A_278 = tpu.memref_slice %arg2[%dma_start3A_267, %add3A_244, %dma_start3A_277] : memref<2x2500x128xi32, #tpu.memory_space<hbm>> -> memref<1x1x128xi32, #tpu.memory_space<hbm>>
        %dma_start3A_279 = tpu.memref_squeeze %dma_start3A_278 : memref<1x1x128xi32, #tpu.memory_space<hbm>> -> memref<128xi32, #tpu.memory_space<hbm>>
        tpu.enqueue_dma source(%dma_start3A_279 : memref<128xi32, #tpu.memory_space<hbm>>) target(%dma_start3A_276 : memref<128xi32, #tpu.memory_space<vmem>>) target_semaphore(%arg17 : memref<!tpu.dma_semaphore, #tpu.memory_space<semaphore_mem>>)
      } else {
      }
      %ge3A = arith.constant 2500 : i32
      %ge3A_250 = arith.cmpi sge, %add3A_244, %ge3A : i32
      %convert_element_type3A_251 = arith.extui %ge3A_250 : i1 to i32
      %cond3A_252 = arith.constant 0 : i32
      %cond3A_253 = arith.cmpi ne, %convert_element_type3A_251, %cond3A_252 : i32
      scf.if %cond3A_253 {
        %mul3A_254 = arith.constant 128 : i32
        %mul3A_255 = arith.muli %add3A_244, %mul3A_254 : i32
        %add3A_256 = arith.constant 0 : i32
        %add3A_257 = arith.addi %mul3A_255, %add3A_256 : i32
        %add3A_258 = vector.broadcast %add3A_257 : i32 to vector<16xi32>
        %add3A_259 = arith.addi %add3A_258, %iota3A : vector<16xi32>
        %lt3A_260 = arith.constant 330000 : i32
        %lt3A_261 = vector.broadcast %lt3A_260 : i32 to vector<16xi32>
        %lt3A_262 = arith.cmpi slt, %add3A_259, %lt3A_261 : vector<16xi32>
        %sub3A_263 = arith.constant 320000 : i32
        %sub3A_264 = vector.broadcast %sub3A_263 : i32 to vector<16xi32>
        %sub3A_265 = arith.subi %add3A_259, %sub3A_264 : vector<16xi32>
        %rem3A_266 = arith.constant 240 : i32
        %rem3A_267 = vector.broadcast %rem3A_266 : i32 to vector<16xi32>
        %rem3A_268 = arith.remsi %add3A_259, %rem3A_267 : vector<16xi32>
        %add3A_269 = arith.constant 10000 : i32
        %add3A_270 = vector.broadcast %add3A_269 : i32 to vector<16xi32>
        %add3A_271 = arith.addi %add3A_270, %rem3A_268 : vector<16xi32>
        %select_n3A_272 = arith.select %lt3A_262, %sub3A_265, %add3A_271 : vector<16xi1>, vector<16xi32>
        %swap3A = arith.index_cast %add3A_241 : i32 to index
        %swap3A_273 = arith.constant 0 : index
        %swap3A_274 = tpu.vector_load %arg9[%swap3A, %swap3A_273] {strides = array<i32>} : memref<84x128xi32, #tpu.memory_space<vmem>>, vector<16xi32>,
        tpu.vector_store %arg9[%swap3A, %swap3A_273], %select_n3A_272 {strides = array<i32>} : memref<84x128xi32, #tpu.memory_space<vmem>>, vector<16xi32>,
        %swap3A_275 = arith.index_cast %add3A_241 : i32 to index
        %swap3A_276 = arith.constant 0 : index
        %swap3A_277 = tpu.vector_load %arg10[%swap3A_275, %swap3A_276] {strides = array<i32>} : memref<84x128xi32, #tpu.memory_space<vmem>>, vector<16xi32>,
        tpu.vector_store %arg10[%swap3A_275, %swap3A_276], %select_n3A_272 {strides = array<i32>} : memref<84x128xi32, #tpu.memory_space<vmem>>, vector<16xi32>,
        %mul3A_278 = arith.constant 128 : i32
        %mul3A_279 = arith.muli %add3A_244, %mul3A_278 : i32
        %add3A_280 = arith.constant 16 : i32
        %add3A_281 = arith.addi %mul3A_279, %add3A_280 : i32
        %add3A_282 = vector.broadcast %add3A_281 : i32 to vector<16xi32>
        %add3A_283 = arith.addi %add3A_282, %iota3A : vector<16xi32>
        %lt3A_284 = arith.constant 330000 : i32
        %lt3A_285 = vector.broadcast %lt3A_284 : i32 to vector<16xi32>
        %lt3A_286 = arith.cmpi slt, %add3A_283, %lt3A_285 : vector<16xi32>
        %sub3A_287 = arith.constant 320000 : i32
        %sub3A_288 = vector.broadcast %sub3A_287 : i32 to vector<16xi32>
        %sub3A_289 = arith.subi %add3A_283, %sub3A_288 : vector<16xi32>
        %rem3A_290 = arith.constant 240 : i32
        %rem3A_291 = vector.broadcast %rem3A_290 : i32 to vector<16xi32>
        %rem3A_292 = arith.remsi %add3A_283, %rem3A_291 : vector<16xi32>
        %add3A_293 = arith.constant 10000 : i32
        %add3A_294 = vector.broadcast %add3A_293 : i32 to vector<16xi32>
        %add3A_295 = arith.addi %add3A_294, %rem3A_292 : vector<16xi32>
        %select_n3A_296 = arith.select %lt3A_286, %sub3A_289, %add3A_295 : vector<16xi1>, vector<16xi32>
        %swap3A_297 = arith.index_cast %add3A_241 : i32 to index
        %swap3A_298 = arith.constant 16 : index
        %swap3A_299 = tpu.vector_load %arg9[%swap3A_297, %swap3A_298] {strides = array<i32>} : memref<84x128xi32, #tpu.memory_space<vmem>>, vector<16xi32>,
        tpu.vector_store %arg9[%swap3A_297, %swap3A_298], %select_n3A_296 {strides = array<i32>} : memref<84x128xi32, #tpu.memory_space<vmem>>, vector<16xi32>,
        %swap3A_300 = arith.index_cast %add3A_241 : i32 to index
        %swap3A_301 = arith.constant 16 : index
        %swap3A_302 = tpu.vector_load %arg10[%swap3A_300, %swap3A_301] {strides = array<i32>} : memref<84x128xi32, #tpu.memory_space<vmem>>, vector<16xi32>,
        tpu.vector_store %arg10[%swap3A_300, %swap3A_301], %select_n3A_296 {strides = array<i32>} : memref<84x128xi32, #tpu.memory_space<vmem>>, vector<16xi32>,
        %mul3A_303 = arith.constant 128 : i32
        %mul3A_304 = arith.muli %add3A_244, %mul3A_303 : i32
        %add3A_305 = arith.constant 32 : i32
        %add3A_306 = arith.addi %mul3A_304, %add3A_305 : i32
        %add3A_307 = vector.broadcast %add3A_306 : i32 to vector<16xi32>
        %add3A_308 = arith.addi %add3A_307, %iota3A : vector<16xi32>
        %lt3A_309 = arith.constant 330000 : i32
        %lt3A_310 = vector.broadcast %lt3A_309 : i32 to vector<16xi32>
        %lt3A_311 = arith.cmpi slt, %add3A_308, %lt3A_310 : vector<16xi32>
        %sub3A_312 = arith.constant 320000 : i32
        %sub3A_313 = vector.broadcast %sub3A_312 : i32 to vector<16xi32>
        %sub3A_314 = arith.subi %add3A_308, %sub3A_313 : vector<16xi32>
        %rem3A_315 = arith.constant 240 : i32
        %rem3A_316 = vector.broadcast %rem3A_315 : i32 to vector<16xi32>
        %rem3A_317 = arith.remsi %add3A_308, %rem3A_316 : vector<16xi32>
        %add3A_318 = arith.constant 10000 : i32
        %add3A_319 = vector.broadcast %add3A_318 : i32 to vector<16xi32>
        %add3A_320 = arith.addi %add3A_319, %rem3A_317 : vector<16xi32>
        %select_n3A_321 = arith.select %lt3A_311, %sub3A_314, %add3A_320 : vector<16xi1>, vector<16xi32>
        %swap3A_322 = arith.index_cast %add3A_241 : i32 to index
        %swap3A_323 = arith.constant 32 : index
        %swap3A_324 = tpu.vector_load %arg9[%swap3A_322, %swap3A_323] {strides = array<i32>} : memref<84x128xi32, #tpu.memory_space<vmem>>, vector<16xi32>,
        tpu.vector_store %arg9[%swap3A_322, %swap3A_323], %select_n3A_321 {strides = array<i32>} : memref<84x128xi32, #tpu.memory_space<vmem>>, vector<16xi32>,
        %swap3A_325 = arith.index_cast %add3A_241 : i32 to index
        %swap3A_326 = arith.constant 32 : index
        %swap3A_327 = tpu.vector_load %arg10[%swap3A_325, %swap3A_326] {strides = array<i32>} : memref<84x128xi32, #tpu.memory_space<vmem>>, vector<16xi32>,
        tpu.vector_store %arg10[%swap3A_325, %swap3A_326], %select_n3A_321 {strides = array<i32>} : memref<84x128xi32, #tpu.memory_space<vmem>>, vector<16xi32>,
        %mul3A_328 = arith.constant 128 : i32
        %mul3A_329 = arith.muli %add3A_244, %mul3A_328 : i32
        %add3A_330 = arith.constant 48 : i32
        %add3A_331 = arith.addi %mul3A_329, %add3A_330 : i32
        %add3A_332 = vector.broadcast %add3A_331 : i32 to vector<16xi32>
        %add3A_333 = arith.addi %add3A_332, %iota3A : vector<16xi32>
        %lt3A_334 = arith.constant 330000 : i32
        %lt3A_335 = vector.broadcast %lt3A_334 : i32 to vector<16xi32>
        %lt3A_336 = arith.cmpi slt, %add3A_333, %lt3A_335 : vector<16xi32>
        %sub3A_337 = arith.constant 320000 : i32
        %sub3A_338 = vector.broadcast %sub3A_337 : i32 to vector<16xi32>
        %sub3A_339 = arith.subi %add3A_333, %sub3A_338 : vector<16xi32>
        %rem3A_340 = arith.constant 240 : i32
        %rem3A_341 = vector.broadcast %rem3A_340 : i32 to vector<16xi32>
        %rem3A_342 = arith.remsi %add3A_333, %rem3A_341 : vector<16xi32>
        %add3A_343 = arith.constant 10000 : i32
        %add3A_344 = vector.broadcast %add3A_343 : i32 to vector<16xi32>
        %add3A_345 = arith.addi %add3A_344, %rem3A_342 : vector<16xi32>
        %select_n3A_346 = arith.select %lt3A_336, %sub3A_339, %add3A_345 : vector<16xi1>, vector<16xi32>
        %swap3A_347 = arith.index_cast %add3A_241 : i32 to index
        %swap3A_348 = arith.constant 48 : index
        %swap3A_349 = tpu.vector_load %arg9[%swap3A_347, %swap3A_348] {strides = array<i32>} : memref<84x128xi32, #tpu.memory_space<vmem>>, vector<16xi32>,
        tpu.vector_store %arg9[%swap3A_347, %swap3A_348], %select_n3A_346 {strides = array<i32>} : memref<84x128xi32, #tpu.memory_space<vmem>>, vector<16xi32>,
        %swap3A_350 = arith.index_cast %add3A_241 : i32 to index
        %swap3A_351 = arith.constant 48 : index
        %swap3A_352 = tpu.vector_load %arg10[%swap3A_350, %swap3A_351] {strides = array<i32>} : memref<84x128xi32, #tpu.memory_space<vmem>>, vector<16xi32>,
        tpu.vector_store %arg10[%swap3A_350, %swap3A_351], %select_n3A_346 {strides = array<i32>} : memref<84x128xi32, #tpu.memory_space<vmem>>, vector<16xi32>,
        %mul3A_353 = arith.constant 128 : i32
        %mul3A_354 = arith.muli %add3A_244, %mul3A_353 : i32
        %add3A_355 = arith.constant 64 : i32
        %add3A_356 = arith.addi %mul3A_354, %add3A_355 : i32
        %add3A_357 = vector.broadcast %add3A_356 : i32 to vector<16xi32>
        %add3A_358 = arith.addi %add3A_357, %iota3A : vector<16xi32>
        %lt3A_359 = arith.constant 330000 : i32
        %lt3A_360 = vector.broadcast %lt3A_359 : i32 to vector<16xi32>
        %lt3A_361 = arith.cmpi slt, %add3A_358, %lt3A_360 : vector<16xi32>
        %sub3A_362 = arith.constant 320000 : i32
        %sub3A_363 = vector.broadcast %sub3A_362 : i32 to vector<16xi32>
        %sub3A_364 = arith.subi %add3A_358, %sub3A_363 : vector<16xi32>
        %rem3A_365 = arith.constant 240 : i32
        %rem3A_366 = vector.broadcast %rem3A_365 : i32 to vector<16xi32>
        %rem3A_367 = arith.remsi %add3A_358, %rem3A_366 : vector<16xi32>
        %add3A_368 = arith.constant 10000 : i32
        %add3A_369 = vector.broadcast %add3A_368 : i32 to vector<16xi32>
        %add3A_370 = arith.addi %add3A_369, %rem3A_367 : vector<16xi32>
        %select_n3A_371 = arith.select %lt3A_361, %sub3A_364, %add3A_370 : vector<16xi1>, vector<16xi32>
        %swap3A_372 = arith.index_cast %add3A_241 : i32 to index
        %swap3A_373 = arith.constant 64 : index
        %swap3A_374 = tpu.vector_load %arg9[%swap3A_372, %swap3A_373] {strides = array<i32>} : memref<84x128xi32, #tpu.memory_space<vmem>>, vector<16xi32>,
        tpu.vector_store %arg9[%swap3A_372, %swap3A_373], %select_n3A_371 {strides = array<i32>} : memref<84x128xi32, #tpu.memory_space<vmem>>, vector<16xi32>,
        %swap3A_375 = arith.index_cast %add3A_241 : i32 to index
        %swap3A_376 = arith.constant 64 : index
        %swap3A_377 = tpu.vector_load %arg10[%swap3A_375, %swap3A_376] {strides = array<i32>} : memref<84x128xi32, #tpu.memory_space<vmem>>, vector<16xi32>,
        tpu.vector_store %arg10[%swap3A_375, %swap3A_376], %select_n3A_371 {strides = array<i32>} : memref<84x128xi32, #tpu.memory_space<vmem>>, vector<16xi32>,
        %mul3A_378 = arith.constant 128 : i32
        %mul3A_379 = arith.muli %add3A_244, %mul3A_378 : i32
        %add3A_380 = arith.constant 80 : i32
        %add3A_381 = arith.addi %mul3A_379, %add3A_380 : i32
        %add3A_382 = vector.broadcast %add3A_381 : i32 to vector<16xi32>
        %add3A_383 = arith.addi %add3A_382, %iota3A : vector<16xi32>
        %lt3A_384 = arith.constant 330000 : i32
        %lt3A_385 = vector.broadcast %lt3A_384 : i32 to vector<16xi32>
        %lt3A_386 = arith.cmpi slt, %add3A_383, %lt3A_385 : vector<16xi32>
        %sub3A_387 = arith.constant 320000 : i32
        %sub3A_388 = vector.broadcast %sub3A_387 : i32 to vector<16xi32>
        %sub3A_389 = arith.subi %add3A_383, %sub3A_388 : vector<16xi32>
        %rem3A_390 = arith.constant 240 : i32
        %rem3A_391 = vector.broadcast %rem3A_390 : i32 to vector<16xi32>
        %rem3A_392 = arith.remsi %add3A_383, %rem3A_391 : vector<16xi32>
        %add3A_393 = arith.constant 10000 : i32
        %add3A_394 = vector.broadcast %add3A_393 : i32 to vector<16xi32>
        %add3A_395 = arith.addi %add3A_394, %rem3A_392 : vector<16xi32>
        %select_n3A_396 = arith.select %lt3A_386, %sub3A_389, %add3A_395 : vector<16xi1>, vector<16xi32>
        %swap3A_397 = arith.index_cast %add3A_241 : i32 to index
        %swap3A_398 = arith.constant 80 : index
        %swap3A_399 = tpu.vector_load %arg9[%swap3A_397, %swap3A_398] {strides = array<i32>} : memref<84x128xi32, #tpu.memory_space<vmem>>, vector<16xi32>,
        tpu.vector_store %arg9[%swap3A_397, %swap3A_398], %select_n3A_396 {strides = array<i32>} : memref<84x128xi32, #tpu.memory_space<vmem>>, vector<16xi32>,
        %swap3A_400 = arith.index_cast %add3A_241 : i32 to index
        %swap3A_401 = arith.constant 80 : index
        %swap3A_402 = tpu.vector_load %arg10[%swap3A_400, %swap3A_401] {strides = array<i32>} : memref<84x128xi32, #tpu.memory_space<vmem>>, vector<16xi32>,
        tpu.vector_store %arg10[%swap3A_400, %swap3A_401], %select_n3A_396 {strides = array<i32>} : memref<84x128xi32, #tpu.memory_space<vmem>>, vector<16xi32>,
        %mul3A_403 = arith.constant 128 : i32
        %mul3A_404 = arith.muli %add3A_244, %mul3A_403 : i32
        %add3A_405 = arith.constant 96 : i32
        %add3A_406 = arith.addi %mul3A_404, %add3A_405 : i32
        %add3A_407 = vector.broadcast %add3A_406 : i32 to vector<16xi32>
        %add3A_408 = arith.addi %add3A_407, %iota3A : vector<16xi32>
        %lt3A_409 = arith.constant 330000 : i32
        %lt3A_410 = vector.broadcast %lt3A_409 : i32 to vector<16xi32>
        %lt3A_411 = arith.cmpi slt, %add3A_408, %lt3A_410 : vector<16xi32>
        %sub3A_412 = arith.constant 320000 : i32
        %sub3A_413 = vector.broadcast %sub3A_412 : i32 to vector<16xi32>
        %sub3A_414 = arith.subi %add3A_408, %sub3A_413 : vector<16xi32>
        %rem3A_415 = arith.constant 240 : i32
        %rem3A_416 = vector.broadcast %rem3A_415 : i32 to vector<16xi32>
        %rem3A_417 = arith.remsi %add3A_408, %rem3A_416 : vector<16xi32>
        %add3A_418 = arith.constant 10000 : i32
        %add3A_419 = vector.broadcast %add3A_418 : i32 to vector<16xi32>
        %add3A_420 = arith.addi %add3A_419, %rem3A_417 : vector<16xi32>
        %select_n3A_421 = arith.select %lt3A_411, %sub3A_414, %add3A_420 : vector<16xi1>, vector<16xi32>
        %swap3A_422 = arith.index_cast %add3A_241 : i32 to index
        %swap3A_423 = arith.constant 96 : index
        %swap3A_424 = tpu.vector_load %arg9[%swap3A_422, %swap3A_423] {strides = array<i32>} : memref<84x128xi32, #tpu.memory_space<vmem>>, vector<16xi32>,
        tpu.vector_store %arg9[%swap3A_422, %swap3A_423], %select_n3A_421 {strides = array<i32>} : memref<84x128xi32, #tpu.memory_space<vmem>>, vector<16xi32>,
        %swap3A_425 = arith.index_cast %add3A_241 : i32 to index
        %swap3A_426 = arith.constant 96 : index
        %swap3A_427 = tpu.vector_load %arg10[%swap3A_425, %swap3A_426] {strides = array<i32>} : memref<84x128xi32, #tpu.memory_space<vmem>>, vector<16xi32>,
        tpu.vector_store %arg10[%swap3A_425, %swap3A_426], %select_n3A_421 {strides = array<i32>} : memref<84x128xi32, #tpu.memory_space<vmem>>, vector<16xi32>,
        %mul3A_428 = arith.constant 128 : i32
        %mul3A_429 = arith.muli %add3A_244, %mul3A_428 : i32
        %add3A_430 = arith.constant 112 : i32
        %add3A_431 = arith.addi %mul3A_429, %add3A_430 : i32
        %add3A_432 = vector.broadcast %add3A_431 : i32 to vector<16xi32>
        %add3A_433 = arith.addi %add3A_432, %iota3A : vector<16xi32>
        %lt3A_434 = arith.constant 330000 : i32
        %lt3A_435 = vector.broadcast %lt3A_434 : i32 to vector<16xi32>
        %lt3A_436 = arith.cmpi slt, %add3A_433, %lt3A_435 : vector<16xi32>
        %sub3A_437 = arith.constant 320000 : i32
        %sub3A_438 = vector.broadcast %sub3A_437 : i32 to vector<16xi32>
        %sub3A_439 = arith.subi %add3A_433, %sub3A_438 : vector<16xi32>
        %rem3A_440 = arith.constant 240 : i32
        %rem3A_441 = vector.broadcast %rem3A_440 : i32 to vector<16xi32>
        %rem3A_442 = arith.remsi %add3A_433, %rem3A_441 : vector<16xi32>
        %add3A_443 = arith.constant 10000 : i32
        %add3A_444 = vector.broadcast %add3A_443 : i32 to vector<16xi32>
        %add3A_445 = arith.addi %add3A_444, %rem3A_442 : vector<16xi32>
        %select_n3A_446 = arith.select %lt3A_436, %sub3A_439, %add3A_445 : vector<16xi1>, vector<16xi32>
        %swap3A_447 = arith.index_cast %add3A_241 : i32 to index
        %swap3A_448 = arith.constant 112 : index
        %swap3A_449 = tpu.vector_load %arg9[%swap3A_447, %swap3A_448] {strides = array<i32>} : memref<84x128xi32, #tpu.memory_space<vmem>>, vector<16xi32>,
        tpu.vector_store %arg9[%swap3A_447, %swap3A_448], %select_n3A_446 {strides = array<i32>} : memref<84x128xi32, #tpu.memory_space<vmem>>, vector<16xi32>,
        %swap3A_450 = arith.index_cast %add3A_241 : i32 to index
        %swap3A_451 = arith.constant 112 : index
        %swap3A_452 = tpu.vector_load %arg10[%swap3A_450, %swap3A_451] {strides = array<i32>} : memref<84x128xi32, #tpu.memory_space<vmem>>, vector<16xi32>,
        tpu.vector_store %arg10[%swap3A_450, %swap3A_451], %select_n3A_446 {strides = array<i32>} : memref<84x128xi32, #tpu.memory_space<vmem>>, vector<16xi32>,
      } else {
      }
    }
    %scan3A_8 = arith.constant 84 : i32
    %scan3A_9 = arith.constant 0 : i32
    %scan3A_10 = arith.constant 84 : i32
    %scan3A_11 = arith.addi %scan3A_9, %scan3A_10 : i32
    %scan3A_12 = arith.constant 1 : i32
    scf.for %scan3A_237 = %scan3A_9 to %scan3A_11 step %scan3A_12  : i32 {
      %mul3A_238 = arith.constant 1 : i32
      %mul3A_239 = arith.muli %scan3A_237, %mul3A_238 : i32
      %add3A_240 = arith.constant 0 : i32
      %add3A_241 = arith.addi %add3A_240, %mul3A_239 : i32
      %mul3A_242 = arith.constant 84 : i32
      %mul3A_243 = arith.muli %add3A, %mul3A_242 : i32
      %add3A_244 = arith.addi %mul3A_243, %add3A_241 : i32
      %lt3A_245 = arith.constant 2500 : i32
      %lt3A_246 = arith.cmpi slt, %add3A_244, %lt3A_245 : i32
      %convert_element_type3A_247 = arith.extui %lt3A_246 : i1 to i32
      %cond3A_248 = arith.constant 0 : i32
      %cond3A_249 = arith.cmpi ne, %convert_element_type3A_247, %cond3A_248 : i32
      scf.if %cond3A_249 {
        %dma_wait3A_250 = arith.constant 0 : i32
        %dma_wait3A_251 = arith.constant 0 : i32
        %dma_wait3A_252 = tpu.memref_slice %arg9[%add3A_241, %dma_wait3A_251] : memref<84x128xi32, #tpu.memory_space<vmem>> -> memref<1x128xi32, #tpu.memory_space<vmem>>
        %dma_wait3A_253 = tpu.memref_squeeze %dma_wait3A_252 : memref<1x128xi32, #tpu.memory_space<vmem>> -> memref<128xi32, #tpu.memory_space<vmem>>
        %dma_wait3A_254 = arith.constant 0 : i32
        %dma_wait3A_255 = tpu.memref_slice %arg2[%dma_wait3A_250, %add3A_244, %dma_wait3A_254] : memref<2x2500x128xi32, #tpu.memory_space<hbm>> -> memref<1x1x128xi32, #tpu.memory_space<hbm>>
        %dma_wait3A_256 = tpu.memref_squeeze %dma_wait3A_255 : memref<1x1x128xi32, #tpu.memory_space<hbm>> -> memref<128xi32, #tpu.memory_space<hbm>>
        %dma_wait3A_257 = arith.constant 0 : i32
        %dma_wait3A_258 = tpu.memref_slice %arg9[%add3A_241, %dma_wait3A_257] : memref<84x128xi32, #tpu.memory_space<vmem>> -> memref<1x128xi32, #tpu.memory_space<vmem>>
        %dma_wait3A_259 = tpu.memref_squeeze %dma_wait3A_258 : memref<1x128xi32, #tpu.memory_space<vmem>> -> memref<128xi32, #tpu.memory_space<vmem>>
        %dma_wait3A_260 = arith.constant 0 : i32
        %dma_wait3A_261 = tpu.memref_slice %arg2[%dma_wait3A_250, %add3A_244, %dma_wait3A_260] : memref<2x2500x128xi32, #tpu.memory_space<hbm>> -> memref<1x1x128xi32, #tpu.memory_space<hbm>>
        %dma_wait3A_262 = tpu.memref_squeeze %dma_wait3A_261 : memref<1x1x128xi32, #tpu.memory_space<hbm>> -> memref<128xi32, #tpu.memory_space<hbm>>
        tpu.wait_dma2 semaphore(%arg17 : memref<!tpu.dma_semaphore, #tpu.memory_space<semaphore_mem>>) src(%dma_wait3A_262 : memref<128xi32, #tpu.memory_space<hbm>>) dst(%dma_wait3A_259 : memref<128xi32, #tpu.memory_space<vmem>>)
        %dma_wait3A_263 = arith.constant 1 : i32
        %dma_wait3A_264 = arith.constant 0 : i32
        %dma_wait3A_265 = tpu.memref_slice %arg10[%add3A_241, %dma_wait3A_264] : memref<84x128xi32, #tpu.memory_space<vmem>> -> memref<1x128xi32, #tpu.memory_space<vmem>>
        %dma_wait3A_266 = tpu.memref_squeeze %dma_wait3A_265 : memref<1x128xi32, #tpu.memory_space<vmem>> -> memref<128xi32, #tpu.memory_space<vmem>>
        %dma_wait3A_267 = arith.constant 0 : i32
        %dma_wait3A_268 = tpu.memref_slice %arg2[%dma_wait3A_263, %add3A_244, %dma_wait3A_267] : memref<2x2500x128xi32, #tpu.memory_space<hbm>> -> memref<1x1x128xi32, #tpu.memory_space<hbm>>
        %dma_wait3A_269 = tpu.memref_squeeze %dma_wait3A_268 : memref<1x1x128xi32, #tpu.memory_space<hbm>> -> memref<128xi32, #tpu.memory_space<hbm>>
        %dma_wait3A_270 = arith.constant 0 : i32
        %dma_wait3A_271 = tpu.memref_slice %arg10[%add3A_241, %dma_wait3A_270] : memref<84x128xi32, #tpu.memory_space<vmem>> -> memref<1x128xi32, #tpu.memory_space<vmem>>
        %dma_wait3A_272 = tpu.memref_squeeze %dma_wait3A_271 : memref<1x128xi32, #tpu.memory_space<vmem>> -> memref<128xi32, #tpu.memory_space<vmem>>
        %dma_wait3A_273 = arith.constant 0 : i32
        %dma_wait3A_274 = tpu.memref_slice %arg2[%dma_wait3A_263, %add3A_244, %dma_wait3A_273] : memref<2x2500x128xi32, #tpu.memory_space<hbm>> -> memref<1x1x128xi32, #tpu.memory_space<hbm>>
        %dma_wait3A_275 = tpu.memref_squeeze %dma_wait3A_274 : memref<1x1x128xi32, #tpu.memory_space<hbm>> -> memref<128xi32, #tpu.memory_space<hbm>>
        tpu.wait_dma2 semaphore(%arg17 : memref<!tpu.dma_semaphore, #tpu.memory_space<semaphore_mem>>) src(%dma_wait3A_275 : memref<128xi32, #tpu.memory_space<hbm>>) dst(%dma_wait3A_272 : memref<128xi32, #tpu.memory_space<vmem>>)
      } else {
      }
    }
    %scan3A_13 = arith.constant 84 : i32
    %barrier3A = arith.constant 0 : index
    tpu.barrier barrier_id(%barrier3A)
    %jit3A = arith.constant 8 : i32
    %div3A = vector.broadcast %jit3A : i32 to vector<16xi32>
    %div3A_14 = arith.divsi %iota3A, %div3A : vector<16xi32>
    %sign3A = arith.constant 0 : i32
    %sign3A_15 = vector.broadcast %sign3A : i32 to vector<16xi32>
    %sign3A_16 = arith.cmpi sgt, %iota3A, %sign3A_15 : vector<16xi32>
    %sign3A_17 = arith.extui %sign3A_16 : vector<16xi1> to vector<16xi32>
    %sign3A_18 = arith.constant 0 : i32
    %sign3A_19 = vector.broadcast %sign3A_18 : i32 to vector<16xi32>
    %sign3A_20 = arith.cmpi slt, %iota3A, %sign3A_19 : vector<16xi32>
    %sign3A_21 = arith.extui %sign3A_20 : vector<16xi1> to vector<16xi32>
    %sign3A_22 = arith.subi %sign3A_17, %sign3A_21 : vector<16xi32>
    %sign3A_23 = arith.constant 0 : i32
    %sign3A_24 = arith.cmpi sgt, %jit3A, %sign3A_23 : i32
    %sign3A_25 = arith.extui %sign3A_24 : i1 to i32
    %sign3A_26 = arith.constant 0 : i32
    %sign3A_27 = arith.cmpi slt, %jit3A, %sign3A_26 : i32
    %sign3A_28 = arith.extui %sign3A_27 : i1 to i32
    %sign3A_29 = arith.subi %sign3A_25, %sign3A_28 : i32
    %ne3A = vector.broadcast %sign3A_29 : i32 to vector<16xi32>
    %ne3A_30 = arith.cmpi ne, %sign3A_22, %ne3A : vector<16xi32>
    %rem3A = vector.broadcast %jit3A : i32 to vector<16xi32>
    %rem3A_31 = arith.remsi %iota3A, %rem3A : vector<16xi32>
    %ne3A_32 = arith.constant 0 : i32
    %ne3A_33 = vector.broadcast %ne3A_32 : i32 to vector<16xi32>
    %ne3A_34 = arith.cmpi ne, %rem3A_31, %ne3A_33 : vector<16xi32>
    %and3A = arith.andi %ne3A_30, %ne3A_34 : vector<16xi1>
    %sub3A = arith.constant 1 : i32
    %sub3A_35 = vector.broadcast %sub3A : i32 to vector<16xi32>
    %sub3A_36 = arith.subi %div3A_14, %sub3A_35 : vector<16xi32>
    %select_n3A = arith.select %and3A, %sub3A_36, %div3A_14 : vector<16xi1>, vector<16xi32>
    %add3A_37 = arith.constant 8 : i32
    %add3A_38 = vector.broadcast %add3A_37 : i32 to vector<16xi32>
    %add3A_39 = arith.addi %add3A_38, %select_n3A : vector<16xi32>
    %add3A_40 = arith.constant 0 : i32
    %add3A_41 = vector.broadcast %add3A_40 : i32 to vector<16xi32>
    %add3A_42 = arith.addi %add3A_39, %add3A_41 : vector<16xi32>
    %jit3A_43 = arith.constant 8 : i32
    %div3A_44 = vector.broadcast %jit3A_43 : i32 to vector<16xi32>
    %div3A_45 = arith.divsi %iota3A, %div3A_44 : vector<16xi32>
    %sign3A_46 = arith.constant 0 : i32
    %sign3A_47 = vector.broadcast %sign3A_46 : i32 to vector<16xi32>
    %sign3A_48 = arith.cmpi sgt, %iota3A, %sign3A_47 : vector<16xi32>
    %sign3A_49 = arith.extui %sign3A_48 : vector<16xi1> to vector<16xi32>
    %sign3A_50 = arith.constant 0 : i32
    %sign3A_51 = vector.broadcast %sign3A_50 : i32 to vector<16xi32>
    %sign3A_52 = arith.cmpi slt, %iota3A, %sign3A_51 : vector<16xi32>
    %sign3A_53 = arith.extui %sign3A_52 : vector<16xi1> to vector<16xi32>
    %sign3A_54 = arith.subi %sign3A_49, %sign3A_53 : vector<16xi32>
    %sign3A_55 = arith.constant 0 : i32
    %sign3A_56 = arith.cmpi sgt, %jit3A_43, %sign3A_55 : i32
    %sign3A_57 = arith.extui %sign3A_56 : i1 to i32
    %sign3A_58 = arith.constant 0 : i32
    %sign3A_59 = arith.cmpi slt, %jit3A_43, %sign3A_58 : i32
    %sign3A_60 = arith.extui %sign3A_59 : i1 to i32
    %sign3A_61 = arith.subi %sign3A_57, %sign3A_60 : i32
    %ne3A_62 = vector.broadcast %sign3A_61 : i32 to vector<16xi32>
    %ne3A_63 = arith.cmpi ne, %sign3A_54, %ne3A_62 : vector<16xi32>
    %rem3A_64 = vector.broadcast %jit3A_43 : i32 to vector<16xi32>
    %rem3A_65 = arith.remsi %iota3A, %rem3A_64 : vector<16xi32>
    %ne3A_66 = arith.constant 0 : i32
    %ne3A_67 = vector.broadcast %ne3A_66 : i32 to vector<16xi32>
    %ne3A_68 = arith.cmpi ne, %rem3A_65, %ne3A_67 : vector<16xi32>
    %and3A_69 = arith.andi %ne3A_63, %ne3A_68 : vector<16xi1>
    %sub3A_70 = arith.constant 1 : i32
    %sub3A_71 = vector.broadcast %sub3A_70 : i32 to vector<16xi32>
    %sub3A_72 = arith.subi %div3A_45, %sub3A_71 : vector<16xi32>
    %select_n3A_73 = arith.select %and3A_69, %sub3A_72, %div3A_45 : vector<16xi1>, vector<16xi32>
    %add3A_74 = arith.constant 8 : i32
    %add3A_75 = vector.broadcast %add3A_74 : i32 to vector<16xi32>
    %add3A_76 = arith.addi %add3A_75, %select_n3A_73 : vector<16xi32>
    %add3A_77 = arith.constant 2 : i32
    %add3A_78 = vector.broadcast %add3A_77 : i32 to vector<16xi32>
    %add3A_79 = arith.addi %add3A_76, %add3A_78 : vector<16xi32>
    %jit3A_80 = arith.constant 8 : i32
    %div3A_81 = vector.broadcast %jit3A_80 : i32 to vector<16xi32>
    %div3A_82 = arith.divsi %iota3A, %div3A_81 : vector<16xi32>
    %sign3A_83 = arith.constant 0 : i32
    %sign3A_84 = vector.broadcast %sign3A_83 : i32 to vector<16xi32>
    %sign3A_85 = arith.cmpi sgt, %iota3A, %sign3A_84 : vector<16xi32>
    %sign3A_86 = arith.extui %sign3A_85 : vector<16xi1> to vector<16xi32>
    %sign3A_87 = arith.constant 0 : i32
    %sign3A_88 = vector.broadcast %sign3A_87 : i32 to vector<16xi32>
    %sign3A_89 = arith.cmpi slt, %iota3A, %sign3A_88 : vector<16xi32>
    %sign3A_90 = arith.extui %sign3A_89 : vector<16xi1> to vector<16xi32>
    %sign3A_91 = arith.subi %sign3A_86, %sign3A_90 : vector<16xi32>
    %sign3A_92 = arith.constant 0 : i32
    %sign3A_93 = arith.cmpi sgt, %jit3A_80, %sign3A_92 : i32
    %sign3A_94 = arith.extui %sign3A_93 : i1 to i32
    %sign3A_95 = arith.constant 0 : i32
    %sign3A_96 = arith.cmpi slt, %jit3A_80, %sign3A_95 : i32
    %sign3A_97 = arith.extui %sign3A_96 : i1 to i32
    %sign3A_98 = arith.subi %sign3A_94, %sign3A_97 : i32
    %ne3A_99 = vector.broadcast %sign3A_98 : i32 to vector<16xi32>
    %ne3A_100 = arith.cmpi ne, %sign3A_91, %ne3A_99 : vector<16xi32>
    %rem3A_101 = vector.broadcast %jit3A_80 : i32 to vector<16xi32>
    %rem3A_102 = arith.remsi %iota3A, %rem3A_101 : vector<16xi32>
    %ne3A_103 = arith.constant 0 : i32
    %ne3A_104 = vector.broadcast %ne3A_103 : i32 to vector<16xi32>
    %ne3A_105 = arith.cmpi ne, %rem3A_102, %ne3A_104 : vector<16xi32>
    %and3A_106 = arith.andi %ne3A_100, %ne3A_105 : vector<16xi1>
    %sub3A_107 = arith.constant 1 : i32
    %sub3A_108 = vector.broadcast %sub3A_107 : i32 to vector<16xi32>
    %sub3A_109 = arith.subi %div3A_82, %sub3A_108 : vector<16xi32>
    %select_n3A_110 = arith.select %and3A_106, %sub3A_109, %div3A_82 : vector<16xi1>, vector<16xi32>
    %add3A_111 = arith.constant 8 : i32
    %add3A_112 = vector.broadcast %add3A_111 : i32 to vector<16xi32>
    %add3A_113 = arith.addi %add3A_112, %select_n3A_110 : vector<16xi32>
    %add3A_114 = arith.constant 4 : i32
    %add3A_115 = vector.broadcast %add3A_114 : i32 to vector<16xi32>
    %add3A_116 = arith.addi %add3A_113, %add3A_115 : vector<16xi32>
    %jit3A_117 = arith.constant 8 : i32
    %div3A_118 = vector.broadcast %jit3A_117 : i32 to vector<16xi32>
    %div3A_119 = arith.divsi %iota3A, %div3A_118 : vector<16xi32>
    %sign3A_120 = arith.constant 0 : i32
    %sign3A_121 = vector.broadcast %sign3A_120 : i32 to vector<16xi32>
    %sign3A_122 = arith.cmpi sgt, %iota3A, %sign3A_121 : vector<16xi32>
    %sign3A_123 = arith.extui %sign3A_122 : vector<16xi1> to vector<16xi32>
    %sign3A_124 = arith.constant 0 : i32
    %sign3A_125 = vector.broadcast %sign3A_124 : i32 to vector<16xi32>
    %sign3A_126 = arith.cmpi slt, %iota3A, %sign3A_125 : vector<16xi32>
    %sign3A_127 = arith.extui %sign3A_126 : vector<16xi1> to vector<16xi32>
    %sign3A_128 = arith.subi %sign3A_123, %sign3A_127 : vector<16xi32>
    %sign3A_129 = arith.constant 0 : i32
    %sign3A_130 = arith.cmpi sgt, %jit3A_117, %sign3A_129 : i32
    %sign3A_131 = arith.extui %sign3A_130 : i1 to i32
    %sign3A_132 = arith.constant 0 : i32
    %sign3A_133 = arith.cmpi slt, %jit3A_117, %sign3A_132 : i32
    %sign3A_134 = arith.extui %sign3A_133 : i1 to i32
    %sign3A_135 = arith.subi %sign3A_131, %sign3A_134 : i32
    %ne3A_136 = vector.broadcast %sign3A_135 : i32 to vector<16xi32>
    %ne3A_137 = arith.cmpi ne, %sign3A_128, %ne3A_136 : vector<16xi32>
    %rem3A_138 = vector.broadcast %jit3A_117 : i32 to vector<16xi32>
    %rem3A_139 = arith.remsi %iota3A, %rem3A_138 : vector<16xi32>
    %ne3A_140 = arith.constant 0 : i32
    %ne3A_141 = vector.broadcast %ne3A_140 : i32 to vector<16xi32>
    %ne3A_142 = arith.cmpi ne, %rem3A_139, %ne3A_141 : vector<16xi32>
    %and3A_143 = arith.andi %ne3A_137, %ne3A_142 : vector<16xi1>
    %sub3A_144 = arith.constant 1 : i32
    %sub3A_145 = vector.broadcast %sub3A_144 : i32 to vector<16xi32>
    %sub3A_146 = arith.subi %div3A_119, %sub3A_145 : vector<16xi32>
    %select_n3A_147 = arith.select %and3A_143, %sub3A_146, %div3A_119 : vector<16xi1>, vector<16xi32>
    %add3A_148 = arith.constant 8 : i32
    %add3A_149 = vector.broadcast %add3A_148 : i32 to vector<16xi32>
    %add3A_150 = arith.addi %add3A_149, %select_n3A_147 : vector<16xi32>
    %add3A_151 = arith.constant 6 : i32
    %add3A_152 = vector.broadcast %add3A_151 : i32 to vector<16xi32>
    %add3A_153 = arith.addi %add3A_150, %add3A_152 : vector<16xi32>
    %add3A_154 = arith.constant 8 : i32
    %add3A_155 = vector.broadcast %add3A_154 : i32 to vector<16xi32>
    %add3A_156 = arith.addi %iota3A, %add3A_155 : vector<16xi32>
    %and3A_157 = arith.constant 15 : i32
    %and3A_158 = vector.broadcast %and3A_157 : i32 to vector<16xi32>
    %and3A_159 = arith.andi %add3A_156, %and3A_158 : vector<16xi32>
    %lt3A = arith.constant 8 : i32
    %lt3A_160 = vector.broadcast %lt3A : i32 to vector<16xi32>
    %lt3A_161 = arith.cmpi slt, %iota3A, %lt3A_160 : vector<16xi32>
    %dma_start3A = arith.constant 0 : i32
    %dma_start3A_162 = arith.constant 0 : i32
    %dma_start3A_163 = arith.constant 0 : i32
    %dma_start3A_164 = tpu.memref_slice %arg11[%dma_start3A_162, %dma_start3A_163] : memref<256x72xf32, #tpu.memory_space<vmem>> -> memref<128x72xf32, #tpu.memory_space<vmem>>
    %dma_start3A_165 = arith.constant 0 : i32
    %dma_start3A_166 = tpu.memref_slice %arg9[%dma_start3A, %dma_start3A_165] : memref<84x128xi32, #tpu.memory_space<vmem>> -> memref<1x128xi32, #tpu.memory_space<vmem>>
    %dma_start3A_167 = tpu.memref_squeeze %dma_start3A_166 : memref<1x128xi32, #tpu.memory_space<vmem>> -> memref<128xi32, #tpu.memory_space<vmem>>
    %dma_start3A_168 = arith.constant 0 : i32
    %dma_start3A_169 = arith.constant 0 : i32
    %dma_start3A_170 = tpu.memref_slice %arg3[%dma_start3A_168, %dma_start3A_169] : memref<10240x72xf32, #tpu.memory_space<hbm>> -> memref<10240x72xf32, #tpu.memory_space<hbm>>
    tpu.enqueue_indirect_dma source(%dma_start3A_170 : memref<10240x72xf32, #tpu.memory_space<hbm>>) target(%dma_start3A_164 : memref<128x72xf32, #tpu.memory_space<vmem>>) offsets(%dma_start3A_167 : memref<128xi32, #tpu.memory_space<vmem>>) semaphore(%arg15 : memref<!tpu.dma_semaphore, #tpu.memory_space<semaphore_mem>>)
    %dma_start3A_171 = arith.constant 0 : i32
    %dma_start3A_172 = arith.constant 0 : i32
    %dma_start3A_173 = arith.constant 0 : i32
    %dma_start3A_174 = tpu.memref_slice %arg13[%dma_start3A_172, %dma_start3A_173] : memref<256x16xf32, #tpu.memory_space<vmem>> -> memref<128x16xf32, #tpu.memory_space<vmem>>
    %dma_start3A_175 = arith.constant 0 : i32
    %dma_start3A_176 = tpu.memref_slice %arg10[%dma_start3A_171, %dma_start3A_175] : memref<84x128xi32, #tpu.memory_space<vmem>> -> memref<1x128xi32, #tpu.memory_space<vmem>>
    %dma_start3A_177 = tpu.memref_squeeze %dma_start3A_176 : memref<1x128xi32, #tpu.memory_space<vmem>> -> memref<128xi32, #tpu.memory_space<vmem>>
    %dma_start3A_178 = arith.constant 0 : i32
    %dma_start3A_179 = arith.constant 0 : i32
    %dma_start3A_180 = tpu.memref_slice %arg4[%dma_start3A_178, %dma_start3A_179] : memref<10240x16xf32, #tpu.memory_space<hbm>> -> memref<10240x16xf32, #tpu.memory_space<hbm>>
    tpu.enqueue_indirect_dma source(%dma_start3A_180 : memref<10240x16xf32, #tpu.memory_space<hbm>>) target(%dma_start3A_174 : memref<128x16xf32, #tpu.memory_space<vmem>>) offsets(%dma_start3A_177 : memref<128xi32, #tpu.memory_space<vmem>>) semaphore(%arg15 : memref<!tpu.dma_semaphore, #tpu.memory_space<semaphore_mem>>)
    %dma_start3A_181 = arith.constant 1 : i32
    %dma_start3A_182 = arith.constant 128 : i32
    %dma_start3A_183 = arith.constant 0 : i32
    %dma_start3A_184 = tpu.memref_slice %arg11[%dma_start3A_182, %dma_start3A_183] : memref<256x72xf32, #tpu.memory_space<vmem>> -> memref<128x72xf32, #tpu.memory_space<vmem>>
    %dma_start3A_185 = arith.constant 0 : i32
    %dma_start3A_186 = tpu.memref_slice %arg9[%dma_start3A_181, %dma_start3A_185] : memref<84x128xi32, #tpu.memory_space<vmem>> -> memref<1x128xi32, #tpu.memory_space<vmem>>
    %dma_start3A_187 = tpu.memref_squeeze %dma_start3A_186 : memref<1x128xi32, #tpu.memory_space<vmem>> -> memref<128xi32, #tpu.memory_space<vmem>>
    %dma_start3A_188 = arith.constant 0 : i32
    %dma_start3A_189 = arith.constant 0 : i32
    %dma_start3A_190 = tpu.memref_slice %arg3[%dma_start3A_188, %dma_start3A_189] : memref<10240x72xf32, #tpu.memory_space<hbm>> -> memref<10240x72xf32, #tpu.memory_space<hbm>>
    tpu.enqueue_indirect_dma source(%dma_start3A_190 : memref<10240x72xf32, #tpu.memory_space<hbm>>) target(%dma_start3A_184 : memref<128x72xf32, #tpu.memory_space<vmem>>) offsets(%dma_start3A_187 : memref<128xi32, #tpu.memory_space<vmem>>) semaphore(%arg15 : memref<!tpu.dma_semaphore, #tpu.memory_space<semaphore_mem>>)
    %dma_start3A_191 = arith.constant 1 : i32
    %dma_start3A_192 = arith.constant 128 : i32
    %dma_start3A_193 = arith.constant 0 : i32
    %dma_start3A_194 = tpu.memref_slice %arg13[%dma_start3A_192, %dma_start3A_193] : memref<256x16xf32, #tpu.memory_space<vmem>> -> memref<128x16xf32, #tpu.memory_space<vmem>>
    %dma_start3A_195 = arith.constant 0 : i32
    %dma_start3A_196 = tpu.memref_slice %arg10[%dma_start3A_191, %dma_start3A_195] : memref<84x128xi32, #tpu.memory_space<vmem>> -> memref<1x128xi32, #tpu.memory_space<vmem>>
    %dma_start3A_197 = tpu.memref_squeeze %dma_start3A_196 : memref<1x128xi32, #tpu.memory_space<vmem>> -> memref<128xi32, #tpu.memory_space<vmem>>
    %dma_start3A_198 = arith.constant 0 : i32
    %dma_start3A_199 = arith.constant 0 : i32
    %dma_start3A_200 = tpu.memref_slice %arg4[%dma_start3A_198, %dma_start3A_199] : memref<10240x16xf32, #tpu.memory_space<hbm>> -> memref<10240x16xf32, #tpu.memory_space<hbm>>
    tpu.enqueue_indirect_dma source(%dma_start3A_200 : memref<10240x16xf32, #tpu.memory_space<hbm>>) target(%dma_start3A_194 : memref<128x16xf32, #tpu.memory_space<vmem>>) offsets(%dma_start3A_197 : memref<128xi32, #tpu.memory_space<vmem>>) semaphore(%arg15 : memref<!tpu.dma_semaphore, #tpu.memory_space<semaphore_mem>>)
    %scan3A_201 = arith.constant 0 : i32
    %scan3A_202 = arith.constant 21 : i32
    %scan3A_203 = arith.addi %scan3A_201, %scan3A_202 : i32
    %scan3A_204 = arith.constant 1 : i32
    scf.for %scan3A_237 = %scan3A_201 to %scan3A_203 step %scan3A_204  : i32 {
      %mul3A_238 = arith.constant 1 : i32
      %mul3A_239 = arith.muli %scan3A_237, %mul3A_238 : i32
      %add3A_240 = arith.constant 0 : i32
      %add3A_241 = arith.addi %add3A_240, %mul3A_239 : i32
      %mul3A_242 = arith.constant 2 : i32
      %mul3A_243 = arith.muli %mul3A_242, %add3A_241 : i32
      %add3A_244 = arith.constant 1 : i32
      %add3A_245 = arith.addi %mul3A_243, %add3A_244 : i32
      %gt3A = arith.constant 0 : i32
      %gt3A_246 = arith.cmpi sgt, %add3A_241, %gt3A : i32
      %convert_element_type3A_247 = arith.extui %gt3A_246 : i1 to i32
      %cond3A_248 = arith.constant 0 : i32
      %cond3A_249 = arith.cmpi ne, %convert_element_type3A_247, %cond3A_248 : i32
      scf.if %cond3A_249 {
        %dma_wait3A_478 = arith.constant 0 : i32
        %dma_wait3A_479 = arith.constant 0 : i32
        %dma_wait3A_480 = tpu.memref_slice %arg12[%dma_wait3A_478, %dma_wait3A_479] : memref<256x72xf32, #tpu.memory_space<vmem>> -> memref<128x72xf32, #tpu.memory_space<vmem>>
        %dma_wait3A_481 = arith.constant 0 : i32
        %dma_wait3A_482 = arith.constant 0 : i32
        %dma_wait3A_483 = tpu.memref_slice %arg8[%dma_wait3A_481, %dma_wait3A_482] : memref<10240x72xf32, #tpu.memory_space<vmem_shared>> -> memref<128x72xf32, #tpu.memory_space<vmem_shared>>
        %dma_wait3A_484 = arith.constant 0 : i32
        %dma_wait3A_485 = arith.constant 0 : i32
        %dma_wait3A_486 = tpu.memref_slice %arg8[%dma_wait3A_484, %dma_wait3A_485] : memref<10240x72xf32, #tpu.memory_space<vmem_shared>> -> memref<128x72xf32, #tpu.memory_space<vmem_shared>>
        %dma_wait3A_487 = arith.constant 0 : i32
        %dma_wait3A_488 = arith.constant 0 : i32
        %dma_wait3A_489 = tpu.memref_slice %arg12[%dma_wait3A_487, %dma_wait3A_488] : memref<256x72xf32, #tpu.memory_space<vmem>> -> memref<128x72xf32, #tpu.memory_space<vmem>>
        tpu.wait_dma2 semaphore(%arg16 : memref<!tpu.dma_semaphore, #tpu.memory_space<semaphore_mem>>) src(%dma_wait3A_489 : memref<128x72xf32, #tpu.memory_space<vmem>>) dst(%dma_wait3A_486 : memref<128x72xf32, #tpu.memory_space<vmem_shared>>)
        %dma_wait3A_490 = arith.constant 128 : i32
        %dma_wait3A_491 = arith.constant 0 : i32
        %dma_wait3A_492 = tpu.memref_slice %arg12[%dma_wait3A_490, %dma_wait3A_491] : memref<256x72xf32, #tpu.memory_space<vmem>> -> memref<128x72xf32, #tpu.memory_space<vmem>>
        %dma_wait3A_493 = arith.constant 0 : i32
        %dma_wait3A_494 = arith.constant 0 : i32
        %dma_wait3A_495 = tpu.memref_slice %arg8[%dma_wait3A_493, %dma_wait3A_494] : memref<10240x72xf32, #tpu.memory_space<vmem_shared>> -> memref<128x72xf32, #tpu.memory_space<vmem_shared>>
        %dma_wait3A_496 = arith.constant 0 : i32
        %dma_wait3A_497 = arith.constant 0 : i32
        %dma_wait3A_498 = tpu.memref_slice %arg8[%dma_wait3A_496, %dma_wait3A_497] : memref<10240x72xf32, #tpu.memory_space<vmem_shared>> -> memref<128x72xf32, #tpu.memory_space<vmem_shared>>
        %dma_wait3A_499 = arith.constant 128 : i32
        %dma_wait3A_500 = arith.constant 0 : i32
        %dma_wait3A_501 = tpu.memref_slice %arg12[%dma_wait3A_499, %dma_wait3A_500] : memref<256x72xf32, #tpu.memory_space<vmem>> -> memref<128x72xf32, #tpu.memory_space<vmem>>
        tpu.wait_dma2 semaphore(%arg16 : memref<!tpu.dma_semaphore, #tpu.memory_space<semaphore_mem>>) src(%dma_wait3A_501 : memref<128x72xf32, #tpu.memory_space<vmem>>) dst(%dma_wait3A_498 : memref<128x72xf32, #tpu.memory_space<vmem_shared>>)
      } else {
      }
      %mul3A_250 = arith.constant 2 : i32
      %mul3A_251 = arith.muli %add3A_245, %mul3A_250 : i32
      %add3A_252 = arith.constant 0 : i32
      %add3A_253 = arith.addi %mul3A_251, %add3A_252 : i32
      %dma_start3A_254 = arith.constant 0 : i32
      %dma_start3A_255 = arith.constant 0 : i32
      %dma_start3A_256 = tpu.memref_slice %arg12[%dma_start3A_254, %dma_start3A_255] : memref<256x72xf32, #tpu.memory_space<vmem>> -> memref<128x72xf32, #tpu.memory_space<vmem>>
      %dma_start3A_257 = arith.constant 0 : i32
      %dma_start3A_258 = tpu.memref_slice %arg9[%add3A_253, %dma_start3A_257] : memref<84x128xi32, #tpu.memory_space<vmem>> -> memref<1x128xi32, #tpu.memory_space<vmem>>
      %dma_start3A_259 = tpu.memref_squeeze %dma_start3A_258 : memref<1x128xi32, #tpu.memory_space<vmem>> -> memref<128xi32, #tpu.memory_space<vmem>>
      %dma_start3A_260 = arith.constant 0 : i32
      %dma_start3A_261 = arith.constant 0 : i32
      %dma_start3A_262 = tpu.memref_slice %arg3[%dma_start3A_260, %dma_start3A_261] : memref<10240x72xf32, #tpu.memory_space<hbm>> -> memref<10240x72xf32, #tpu.memory_space<hbm>>
      tpu.enqueue_indirect_dma source(%dma_start3A_262 : memref<10240x72xf32, #tpu.memory_space<hbm>>) target(%dma_start3A_256 : memref<128x72xf32, #tpu.memory_space<vmem>>) offsets(%dma_start3A_259 : memref<128xi32, #tpu.memory_space<vmem>>) semaphore(%arg15 : memref<!tpu.dma_semaphore, #tpu.memory_space<semaphore_mem>>)
      %dma_start3A_263 = arith.constant 0 : i32
      %dma_start3A_264 = arith.constant 0 : i32
      %dma_start3A_265 = tpu.memref_slice %arg14[%dma_start3A_263, %dma_start3A_264] : memref<256x16xf32, #tpu.memory_space<vmem>> -> memref<128x16xf32, #tpu.memory_space<vmem>>
      %dma_start3A_266 = arith.constant 0 : i32
      %dma_start3A_267 = tpu.memref_slice %arg10[%add3A_253, %dma_start3A_266] : memref<84x128xi32, #tpu.memory_space<vmem>> -> memref<1x128xi32, #tpu.memory_space<vmem>>
      %dma_start3A_268 = tpu.memref_squeeze %dma_start3A_267 : memref<1x128xi32, #tpu.memory_space<vmem>> -> memref<128xi32, #tpu.memory_space<vmem>>
      %dma_start3A_269 = arith.constant 0 : i32
      %dma_start3A_270 = arith.constant 0 : i32
      %dma_start3A_271 = tpu.memref_slice %arg4[%dma_start3A_269, %dma_start3A_270] : memref<10240x16xf32, #tpu.memory_space<hbm>> -> memref<10240x16xf32, #tpu.memory_space<hbm>>
      tpu.enqueue_indirect_dma source(%dma_start3A_271 : memref<10240x16xf32, #tpu.memory_space<hbm>>) target(%dma_start3A_265 : memref<128x16xf32, #tpu.memory_space<vmem>>) offsets(%dma_start3A_268 : memref<128xi32, #tpu.memory_space<vmem>>) semaphore(%arg15 : memref<!tpu.dma_semaphore, #tpu.memory_space<semaphore_mem>>)
      %mul3A_272 = arith.constant 2 : i32
      %mul3A_273 = arith.muli %add3A_245, %mul3A_272 : i32
      %add3A_274 = arith.constant 1 : i32
      %add3A_275 = arith.addi %mul3A_273, %add3A_274 : i32
      %dma_start3A_276 = arith.constant 128 : i32
      %dma_start3A_277 = arith.constant 0 : i32
      %dma_start3A_278 = tpu.memref_slice %arg12[%dma_start3A_276, %dma_start3A_277] : memref<256x72xf32, #tpu.memory_space<vmem>> -> memref<128x72xf32, #tpu.memory_space<vmem>>
      %dma_start3A_279 = arith.constant 0 : i32
      %dma_start3A_280 = tpu.memref_slice %arg9[%add3A_275, %dma_start3A_279] : memref<84x128xi32, #tpu.memory_space<vmem>> -> memref<1x128xi32, #tpu.memory_space<vmem>>
      %dma_start3A_281 = tpu.memref_squeeze %dma_start3A_280 : memref<1x128xi32, #tpu.memory_space<vmem>> -> memref<128xi32, #tpu.memory_space<vmem>>
      %dma_start3A_282 = arith.constant 0 : i32
      %dma_start3A_283 = arith.constant 0 : i32
      %dma_start3A_284 = tpu.memref_slice %arg3[%dma_start3A_282, %dma_start3A_283] : memref<10240x72xf32, #tpu.memory_space<hbm>> -> memref<10240x72xf32, #tpu.memory_space<hbm>>
      tpu.enqueue_indirect_dma source(%dma_start3A_284 : memref<10240x72xf32, #tpu.memory_space<hbm>>) target(%dma_start3A_278 : memref<128x72xf32, #tpu.memory_space<vmem>>) offsets(%dma_start3A_281 : memref<128xi32, #tpu.memory_space<vmem>>) semaphore(%arg15 : memref<!tpu.dma_semaphore, #tpu.memory_space<semaphore_mem>>)
      %dma_start3A_285 = arith.constant 128 : i32
      %dma_start3A_286 = arith.constant 0 : i32
      %dma_start3A_287 = tpu.memref_slice %arg14[%dma_start3A_285, %dma_start3A_286] : memref<256x16xf32, #tpu.memory_space<vmem>> -> memref<128x16xf32, #tpu.memory_space<vmem>>
      %dma_start3A_288 = arith.constant 0 : i32
      %dma_start3A_289 = tpu.memref_slice %arg10[%add3A_275, %dma_start3A_288] : memref<84x128xi32, #tpu.memory_space<vmem>> -> memref<1x128xi32, #tpu.memory_space<vmem>>
      %dma_start3A_290 = tpu.memref_squeeze %dma_start3A_289 : memref<1x128xi32, #tpu.memory_space<vmem>> -> memref<128xi32, #tpu.memory_space<vmem>>
      %dma_start3A_291 = arith.constant 0 : i32
      %dma_start3A_292 = arith.constant 0 : i32
      %dma_start3A_293 = tpu.memref_slice %arg4[%dma_start3A_291, %dma_start3A_292] : memref<10240x16xf32, #tpu.memory_space<hbm>> -> memref<10240x16xf32, #tpu.memory_space<hbm>>
      tpu.enqueue_indirect_dma source(%dma_start3A_293 : memref<10240x16xf32, #tpu.memory_space<hbm>>) target(%dma_start3A_287 : memref<128x16xf32, #tpu.memory_space<vmem>>) offsets(%dma_start3A_290 : memref<128xi32, #tpu.memory_space<vmem>>) semaphore(%arg15 : memref<!tpu.dma_semaphore, #tpu.memory_space<semaphore_mem>>)
      %dma_wait3A_294 = arith.constant 0 : i32
      %dma_wait3A_295 = arith.constant 0 : i32
      %dma_wait3A_296 = tpu.memref_slice %arg11[%dma_wait3A_294, %dma_wait3A_295] : memref<256x72xf32, #tpu.memory_space<vmem>> -> memref<128x72xf32, #tpu.memory_space<vmem>>
      %dma_wait3A_297 = arith.constant 0 : i32
      %dma_wait3A_298 = arith.constant 0 : i32
      %dma_wait3A_299 = tpu.memref_slice %arg3[%dma_wait3A_297, %dma_wait3A_298] : memref<10240x72xf32, #tpu.memory_space<hbm>> -> memref<128x72xf32, #tpu.memory_space<hbm>>
      %dma_wait3A_300 = arith.constant 0 : i32
      %dma_wait3A_301 = arith.constant 0 : i32
      %dma_wait3A_302 = tpu.memref_slice %arg11[%dma_wait3A_300, %dma_wait3A_301] : memref<256x72xf32, #tpu.memory_space<vmem>> -> memref<128x72xf32, #tpu.memory_space<vmem>>
      %dma_wait3A_303 = arith.constant 0 : i32
      %dma_wait3A_304 = arith.constant 0 : i32
      %dma_wait3A_305 = tpu.memref_slice %arg3[%dma_wait3A_303, %dma_wait3A_304] : memref<10240x72xf32, #tpu.memory_space<hbm>> -> memref<128x72xf32, #tpu.memory_space<hbm>>
      tpu.wait_dma2 semaphore(%arg15 : memref<!tpu.dma_semaphore, #tpu.memory_space<semaphore_mem>>) src(%dma_wait3A_305 : memref<128x72xf32, #tpu.memory_space<hbm>>) dst(%dma_wait3A_302 : memref<128x72xf32, #tpu.memory_space<vmem>>)
      %dma_wait3A_306 = arith.constant 0 : i32
      %dma_wait3A_307 = arith.constant 0 : i32
      %dma_wait3A_308 = tpu.memref_slice %arg13[%dma_wait3A_306, %dma_wait3A_307] : memref<256x16xf32, #tpu.memory_space<vmem>> -> memref<128x16xf32, #tpu.memory_space<vmem>>
      %dma_wait3A_309 = arith.constant 0 : i32
      %dma_wait3A_310 = arith.constant 0 : i32
      %dma_wait3A_311 = tpu.memref_slice %arg4[%dma_wait3A_309, %dma_wait3A_310] : memref<10240x16xf32, #tpu.memory_space<hbm>> -> memref<128x16xf32, #tpu.memory_space<hbm>>
      %dma_wait3A_312 = arith.constant 0 : i32
      %dma_wait3A_313 = arith.constant 0 : i32
      %dma_wait3A_314 = tpu.memref_slice %arg13[%dma_wait3A_312, %dma_wait3A_313] : memref<256x16xf32, #tpu.memory_space<vmem>> -> memref<128x16xf32, #tpu.memory_space<vmem>>
      %dma_wait3A_315 = arith.constant 0 : i32
      %dma_wait3A_316 = arith.constant 0 : i32
      %dma_wait3A_317 = tpu.memref_slice %arg4[%dma_wait3A_315, %dma_wait3A_316] : memref<10240x16xf32, #tpu.memory_space<hbm>> -> memref<128x16xf32, #tpu.memory_space<hbm>>
      tpu.wait_dma2 semaphore(%arg15 : memref<!tpu.dma_semaphore, #tpu.memory_space<semaphore_mem>>) src(%dma_wait3A_317 : memref<128x16xf32, #tpu.memory_space<hbm>>) dst(%dma_wait3A_314 : memref<128x16xf32, #tpu.memory_space<vmem>>)
      %dma_wait3A_318 = arith.constant 128 : i32
      %dma_wait3A_319 = arith.constant 0 : i32
      %dma_wait3A_320 = tpu.memref_slice %arg11[%dma_wait3A_318, %dma_wait3A_319] : memref<256x72xf32, #tpu.memory_space<vmem>> -> memref<128x72xf32, #tpu.memory_space<vmem>>
      %dma_wait3A_321 = arith.constant 0 : i32
      %dma_wait3A_322 = arith.constant 0 : i32
      %dma_wait3A_323 = tpu.memref_slice %arg3[%dma_wait3A_321, %dma_wait3A_322] : memref<10240x72xf32, #tpu.memory_space<hbm>> -> memref<128x72xf32, #tpu.memory_space<hbm>>
      %dma_wait3A_324 = arith.constant 128 : i32
      %dma_wait3A_325 = arith.constant 0 : i32
      %dma_wait3A_326 = tpu.memref_slice %arg11[%dma_wait3A_324, %dma_wait3A_325] : memref<256x72xf32, #tpu.memory_space<vmem>> -> memref<128x72xf32, #tpu.memory_space<vmem>>
      %dma_wait3A_327 = arith.constant 0 : i32
      %dma_wait3A_328 = arith.constant 0 : i32
      %dma_wait3A_329 = tpu.memref_slice %arg3[%dma_wait3A_327, %dma_wait3A_328] : memref<10240x72xf32, #tpu.memory_space<hbm>> -> memref<128x72xf32, #tpu.memory_space<hbm>>
      tpu.wait_dma2 semaphore(%arg15 : memref<!tpu.dma_semaphore, #tpu.memory_space<semaphore_mem>>) src(%dma_wait3A_329 : memref<128x72xf32, #tpu.memory_space<hbm>>) dst(%dma_wait3A_326 : memref<128x72xf32, #tpu.memory_space<vmem>>)
      %dma_wait3A_330 = arith.constant 128 : i32
      %dma_wait3A_331 = arith.constant 0 : i32
      %dma_wait3A_332 = tpu.memref_slice %arg13[%dma_wait3A_330, %dma_wait3A_331] : memref<256x16xf32, #tpu.memory_space<vmem>> -> memref<128x16xf32, #tpu.memory_space<vmem>>
      %dma_wait3A_333 = arith.constant 0 : i32
      %dma_wait3A_334 = arith.constant 0 : i32
      %dma_wait3A_335 = tpu.memref_slice %arg4[%dma_wait3A_333, %dma_wait3A_334] : memref<10240x16xf32, #tpu.memory_space<hbm>> -> memref<128x16xf32, #tpu.memory_space<hbm>>
      %dma_wait3A_336 = arith.constant 128 : i32
      %dma_wait3A_337 = arith.constant 0 : i32
      %dma_wait3A_338 = tpu.memref_slice %arg13[%dma_wait3A_336, %dma_wait3A_337] : memref<256x16xf32, #tpu.memory_space<vmem>> -> memref<128x16xf32, #tpu.memory_space<vmem>>
      %dma_wait3A_339 = arith.constant 0 : i32
      %dma_wait3A_340 = arith.constant 0 : i32
      %dma_wait3A_341 = tpu.memref_slice %arg4[%dma_wait3A_339, %dma_wait3A_340] : memref<10240x16xf32, #tpu.memory_space<hbm>> -> memref<128x16xf32, #tpu.memory_space<hbm>>
      tpu.wait_dma2 semaphore(%arg15 : memref<!tpu.dma_semaphore, #tpu.memory_space<semaphore_mem>>) src(%dma_wait3A_341 : memref<128x16xf32, #tpu.memory_space<hbm>>) dst(%dma_wait3A_338 : memref<128x16xf32, #tpu.memory_space<vmem>>)
      %parallel_loop3A = arith.constant 0 : i32
      %parallel_loop3A_342 = arith.constant 256 : i32
      %parallel_loop3A_343 = arith.constant 1 : i32
      scf.for %parallel_loop3A_478 = %parallel_loop3A to %parallel_loop3A_342 step %parallel_loop3A_343  : i32 {
        %parallel_loop3A_479 = arith.index_cast %parallel_loop3A_478 : i32 to index
        %parallel_loop3A_480 = arith.constant 0 : index
        %parallel_loop3A_481 = tpu.vector_load %arg13[%parallel_loop3A_479, %parallel_loop3A_480] {strides = array<i32>} : memref<256x16xf32, #tpu.memory_space<vmem>>, vector<16xf32>,
        %parallel_loop3A_482 = arith.index_cast %parallel_loop3A_478 : i32 to index
        %parallel_loop3A_483 = arith.constant 56 : index
        %parallel_loop3A_484 = tpu.vector_load %arg11[%parallel_loop3A_482, %parallel_loop3A_483] {strides = array<i32>} : memref<256x72xf32, #tpu.memory_space<vmem>>, vector<16xf32>,
        %parallel_loop3A_485 = arith.addf %parallel_loop3A_484, %parallel_loop3A_481 : vector<16xf32>
        %parallel_loop3A_486 = arith.constant 2.000000e-01 : f32
        %parallel_loop3A_487 = vector.broadcast %parallel_loop3A_486 : f32 to vector<16xf32>
        %parallel_loop3A_488 = arith.mulf %parallel_loop3A_487, %parallel_loop3A_485 : vector<16xf32>
        %parallel_loop3A_489 = arith.maximumf %parallel_loop3A_485, %parallel_loop3A_488 : vector<16xf32>
        %parallel_loop3A_490 = math.exp %parallel_loop3A_489 : vector<16xf32>
        %parallel_loop3A_491 = arith.index_cast %parallel_loop3A_478 : i32 to index
        %parallel_loop3A_492 = arith.constant 0 : index
        %parallel_loop3A_493 = tpu.vector_load %arg11[%parallel_loop3A_491, %parallel_loop3A_492] {strides = array<i32>} : memref<256x72xf32, #tpu.memory_space<vmem>>, vector<16xf32>,
        %parallel_loop3A_494 = arith.constant 0 : i32
        %parallel_loop3A_495 = vector.broadcast %parallel_loop3A_494 : i32 to vector<16xi32>
        %parallel_loop3A_496 = arith.cmpi slt, %add3A_42, %parallel_loop3A_495 : vector<16xi32>
        %parallel_loop3A_497 = arith.constant 16 : i32
        %parallel_loop3A_498 = vector.broadcast %parallel_loop3A_497 : i32 to vector<16xi32>
        %parallel_loop3A_499 = arith.addi %add3A_42, %parallel_loop3A_498 : vector<16xi32>
        %parallel_loop3A_500 = arith.select %parallel_loop3A_496, %parallel_loop3A_499, %add3A_42 : vector<16xi1>, vector<16xi32>
        %parallel_loop3A_501 = vector.shape_cast %parallel_loop3A_500 : vector<16xi32> to vector<16x1xi32>
        %parallel_loop3A_502 = vector.shape_cast %parallel_loop3A_501 : vector<16x1xi32> to vector<16xi32>
        %parallel_loop3A_503 = tpu.dynamic_gather %parallel_loop3A_490[%parallel_loop3A_502] in [0] : vector<16xf32>, vector<16xi32> -> vector<16xf32>
        %parallel_loop3A_504 = arith.mulf %parallel_loop3A_493, %parallel_loop3A_503 : vector<16xf32>
        %parallel_loop3A_505 = arith.index_cast %parallel_loop3A_478 : i32 to index
        %parallel_loop3A_506 = arith.constant 0 : index
        %parallel_loop3A_507 = tpu.vector_load %arg11[%parallel_loop3A_505, %parallel_loop3A_506] {strides = array<i32>} : memref<256x72xf32, #tpu.memory_space<vmem>>, vector<16xf32>,
        tpu.vector_store %arg11[%parallel_loop3A_505, %parallel_loop3A_506], %parallel_loop3A_504 {strides = array<i32>} : memref<256x72xf32, #tpu.memory_space<vmem>>, vector<16xf32>,
        %parallel_loop3A_508 = arith.index_cast %parallel_loop3A_478 : i32 to index
        %parallel_loop3A_509 = arith.constant 16 : index
        %parallel_loop3A_510 = tpu.vector_load %arg11[%parallel_loop3A_508, %parallel_loop3A_509] {strides = array<i32>} : memref<256x72xf32, #tpu.memory_space<vmem>>, vector<16xf32>,
        %parallel_loop3A_511 = arith.constant 0 : i32
        %parallel_loop3A_512 = vector.broadcast %parallel_loop3A_511 : i32 to vector<16xi32>
        %parallel_loop3A_513 = arith.cmpi slt, %add3A_79, %parallel_loop3A_512 : vector<16xi32>
        %parallel_loop3A_514 = arith.constant 16 : i32
        %parallel_loop3A_515 = vector.broadcast %parallel_loop3A_514 : i32 to vector<16xi32>
        %parallel_loop3A_516 = arith.addi %add3A_79, %parallel_loop3A_515 : vector<16xi32>
        %parallel_loop3A_517 = arith.select %parallel_loop3A_513, %parallel_loop3A_516, %add3A_79 : vector<16xi1>, vector<16xi32>
        %parallel_loop3A_518 = vector.shape_cast %parallel_loop3A_517 : vector<16xi32> to vector<16x1xi32>
        %parallel_loop3A_519 = vector.shape_cast %parallel_loop3A_518 : vector<16x1xi32> to vector<16xi32>
        %parallel_loop3A_520 = tpu.dynamic_gather %parallel_loop3A_490[%parallel_loop3A_519] in [0] : vector<16xf32>, vector<16xi32> -> vector<16xf32>
        %parallel_loop3A_521 = arith.mulf %parallel_loop3A_510, %parallel_loop3A_520 : vector<16xf32>
        %parallel_loop3A_522 = arith.index_cast %parallel_loop3A_478 : i32 to index
        %parallel_loop3A_523 = arith.constant 16 : index
        %parallel_loop3A_524 = tpu.vector_load %arg11[%parallel_loop3A_522, %parallel_loop3A_523] {strides = array<i32>} : memref<256x72xf32, #tpu.memory_space<vmem>>, vector<16xf32>,
        tpu.vector_store %arg11[%parallel_loop3A_522, %parallel_loop3A_523], %parallel_loop3A_521 {strides = array<i32>} : memref<256x72xf32, #tpu.memory_space<vmem>>, vector<16xf32>,
        %parallel_loop3A_525 = arith.index_cast %parallel_loop3A_478 : i32 to index
        %parallel_loop3A_526 = arith.constant 32 : index
        %parallel_loop3A_527 = tpu.vector_load %arg11[%parallel_loop3A_525, %parallel_loop3A_526] {strides = array<i32>} : memref<256x72xf32, #tpu.memory_space<vmem>>, vector<16xf32>,
        %parallel_loop3A_528 = arith.constant 0 : i32
        %parallel_loop3A_529 = vector.broadcast %parallel_loop3A_528 : i32 to vector<16xi32>
        %parallel_loop3A_530 = arith.cmpi slt, %add3A_116, %parallel_loop3A_529 : vector<16xi32>
        %parallel_loop3A_531 = arith.constant 16 : i32
        %parallel_loop3A_532 = vector.broadcast %parallel_loop3A_531 : i32 to vector<16xi32>
        %parallel_loop3A_533 = arith.addi %add3A_116, %parallel_loop3A_532 : vector<16xi32>
        %parallel_loop3A_534 = arith.select %parallel_loop3A_530, %parallel_loop3A_533, %add3A_116 : vector<16xi1>, vector<16xi32>
        %parallel_loop3A_535 = vector.shape_cast %parallel_loop3A_534 : vector<16xi32> to vector<16x1xi32>
        %parallel_loop3A_536 = vector.shape_cast %parallel_loop3A_535 : vector<16x1xi32> to vector<16xi32>
        %parallel_loop3A_537 = tpu.dynamic_gather %parallel_loop3A_490[%parallel_loop3A_536] in [0] : vector<16xf32>, vector<16xi32> -> vector<16xf32>
        %parallel_loop3A_538 = arith.mulf %parallel_loop3A_527, %parallel_loop3A_537 : vector<16xf32>
        %parallel_loop3A_539 = arith.index_cast %parallel_loop3A_478 : i32 to index
        %parallel_loop3A_540 = arith.constant 32 : index
        %parallel_loop3A_541 = tpu.vector_load %arg11[%parallel_loop3A_539, %parallel_loop3A_540] {strides = array<i32>} : memref<256x72xf32, #tpu.memory_space<vmem>>, vector<16xf32>,
        tpu.vector_store %arg11[%parallel_loop3A_539, %parallel_loop3A_540], %parallel_loop3A_538 {strides = array<i32>} : memref<256x72xf32, #tpu.memory_space<vmem>>, vector<16xf32>,
        %parallel_loop3A_542 = arith.index_cast %parallel_loop3A_478 : i32 to index
        %parallel_loop3A_543 = arith.constant 48 : index
        %parallel_loop3A_544 = tpu.vector_load %arg11[%parallel_loop3A_542, %parallel_loop3A_543] {strides = array<i32>} : memref<256x72xf32, #tpu.memory_space<vmem>>, vector<16xf32>,
        %parallel_loop3A_545 = arith.constant 0 : i32
        %parallel_loop3A_546 = vector.broadcast %parallel_loop3A_545 : i32 to vector<16xi32>
        %parallel_loop3A_547 = arith.cmpi slt, %add3A_153, %parallel_loop3A_546 : vector<16xi32>
        %parallel_loop3A_548 = arith.constant 16 : i32
        %parallel_loop3A_549 = vector.broadcast %parallel_loop3A_548 : i32 to vector<16xi32>
        %parallel_loop3A_550 = arith.addi %add3A_153, %parallel_loop3A_549 : vector<16xi32>
        %parallel_loop3A_551 = arith.select %parallel_loop3A_547, %parallel_loop3A_550, %add3A_153 : vector<16xi1>, vector<16xi32>
        %parallel_loop3A_552 = vector.shape_cast %parallel_loop3A_551 : vector<16xi32> to vector<16x1xi32>
        %parallel_loop3A_553 = vector.shape_cast %parallel_loop3A_552 : vector<16x1xi32> to vector<16xi32>
        %parallel_loop3A_554 = tpu.dynamic_gather %parallel_loop3A_490[%parallel_loop3A_553] in [0] : vector<16xf32>, vector<16xi32> -> vector<16xf32>
        %parallel_loop3A_555 = arith.mulf %parallel_loop3A_544, %parallel_loop3A_554 : vector<16xf32>
        %parallel_loop3A_556 = arith.index_cast %parallel_loop3A_478 : i32 to index
        %parallel_loop3A_557 = arith.constant 48 : index
        %parallel_loop3A_558 = tpu.vector_load %arg11[%parallel_loop3A_556, %parallel_loop3A_557] {strides = array<i32>} : memref<256x72xf32, #tpu.memory_space<vmem>>, vector<16xf32>,
        tpu.vector_store %arg11[%parallel_loop3A_556, %parallel_loop3A_557], %parallel_loop3A_555 {strides = array<i32>} : memref<256x72xf32, #tpu.memory_space<vmem>>, vector<16xf32>,
        %parallel_loop3A_559 = arith.constant 0 : i32
        %parallel_loop3A_560 = vector.broadcast %parallel_loop3A_559 : i32 to vector<16xi32>
        %parallel_loop3A_561 = arith.cmpi slt, %and3A_159, %parallel_loop3A_560 : vector<16xi32>
        %parallel_loop3A_562 = arith.constant 16 : i32
        %parallel_loop3A_563 = vector.broadcast %parallel_loop3A_562 : i32 to vector<16xi32>
        %parallel_loop3A_564 = arith.addi %and3A_159, %parallel_loop3A_563 : vector<16xi32>
        %parallel_loop3A_565 = arith.select %parallel_loop3A_561, %parallel_loop3A_564, %and3A_159 : vector<16xi1>, vector<16xi32>
        %parallel_loop3A_566 = vector.shape_cast %parallel_loop3A_565 : vector<16xi32> to vector<16x1xi32>
        %parallel_loop3A_567 = vector.shape_cast %parallel_loop3A_566 : vector<16x1xi32> to vector<16xi32>
        %parallel_loop3A_568 = tpu.dynamic_gather %parallel_loop3A_555[%parallel_loop3A_567] in [0] : vector<16xf32>, vector<16xi32> -> vector<16xf32>
        %parallel_loop3A_569 = arith.select %lt3A_161, %parallel_loop3A_568, %parallel_loop3A_490 : vector<16xi1>, vector<16xf32>
        %parallel_loop3A_570 = arith.index_cast %parallel_loop3A_478 : i32 to index
        %parallel_loop3A_571 = arith.constant 56 : index
        %parallel_loop3A_572 = tpu.vector_load %arg11[%parallel_loop3A_570, %parallel_loop3A_571] {strides = array<i32>} : memref<256x72xf32, #tpu.memory_space<vmem>>, vector<16xf32>,
        tpu.vector_store %arg11[%parallel_loop3A_570, %parallel_loop3A_571], %parallel_loop3A_569 {strides = array<i32>} : memref<256x72xf32, #tpu.memory_space<vmem>>, vector<16xf32>,
      } {sc.loop_unroll_factor = 4 : i64, sc.parallel_access}
      %mul3A_344 = arith.constant 2 : i32
      %mul3A_345 = arith.muli %mul3A_243, %mul3A_344 : i32
      %add3A_346 = arith.constant 0 : i32
      %add3A_347 = arith.addi %mul3A_345, %add3A_346 : i32
      %dma_start3A_348 = arith.constant 0 : i32
      %dma_start3A_349 = arith.constant 0 : i32
      %dma_start3A_350 = tpu.memref_slice %arg11[%dma_start3A_348, %dma_start3A_349] : memref<256x72xf32, #tpu.memory_space<vmem>> -> memref<128x72xf32, #tpu.memory_space<vmem>>
      %dma_start3A_351 = arith.constant 0 : i32
      %dma_start3A_352 = tpu.memref_slice %arg10[%add3A_347, %dma_start3A_351] : memref<84x128xi32, #tpu.memory_space<vmem>> -> memref<1x128xi32, #tpu.memory_space<vmem>>
      %dma_start3A_353 = tpu.memref_squeeze %dma_start3A_352 : memref<1x128xi32, #tpu.memory_space<vmem>> -> memref<128xi32, #tpu.memory_space<vmem>>
      %dma_start3A_354 = arith.constant 0 : i32
      %dma_start3A_355 = arith.constant 0 : i32
      %dma_start3A_356 = tpu.memref_slice %arg8[%dma_start3A_354, %dma_start3A_355] : memref<10240x72xf32, #tpu.memory_space<vmem_shared>> -> memref<10240x72xf32, #tpu.memory_space<vmem_shared>>
      tpu.enqueue_indirect_dma source(%dma_start3A_350 : memref<128x72xf32, #tpu.memory_space<vmem>>) target(%dma_start3A_356 : memref<10240x72xf32, #tpu.memory_space<vmem_shared>>) offsets(%dma_start3A_353 : memref<128xi32, #tpu.memory_space<vmem>>) semaphore(%arg16 : memref<!tpu.dma_semaphore, #tpu.memory_space<semaphore_mem>>) {add = true}
      %mul3A_357 = arith.constant 2 : i32
      %mul3A_358 = arith.muli %mul3A_243, %mul3A_357 : i32
      %add3A_359 = arith.constant 1 : i32
      %add3A_360 = arith.addi %mul3A_358, %add3A_359 : i32
      %dma_start3A_361 = arith.constant 128 : i32
      %dma_start3A_362 = arith.constant 0 : i32
      %dma_start3A_363 = tpu.memref_slice %arg11[%dma_start3A_361, %dma_start3A_362] : memref<256x72xf32, #tpu.memory_space<vmem>> -> memref<128x72xf32, #tpu.memory_space<vmem>>
      %dma_start3A_364 = arith.constant 0 : i32
      %dma_start3A_365 = tpu.memref_slice %arg10[%add3A_360, %dma_start3A_364] : memref<84x128xi32, #tpu.memory_space<vmem>> -> memref<1x128xi32, #tpu.memory_space<vmem>>
      %dma_start3A_366 = tpu.memref_squeeze %dma_start3A_365 : memref<1x128xi32, #tpu.memory_space<vmem>> -> memref<128xi32, #tpu.memory_space<vmem>>
      %dma_start3A_367 = arith.constant 0 : i32
      %dma_start3A_368 = arith.constant 0 : i32
      %dma_start3A_369 = tpu.memref_slice %arg8[%dma_start3A_367, %dma_start3A_368] : memref<10240x72xf32, #tpu.memory_space<vmem_shared>> -> memref<10240x72xf32, #tpu.memory_space<vmem_shared>>
      tpu.enqueue_indirect_dma source(%dma_start3A_363 : memref<128x72xf32, #tpu.memory_space<vmem>>) target(%dma_start3A_369 : memref<10240x72xf32, #tpu.memory_space<vmem_shared>>) offsets(%dma_start3A_366 : memref<128xi32, #tpu.memory_space<vmem>>) semaphore(%arg16 : memref<!tpu.dma_semaphore, #tpu.memory_space<semaphore_mem>>) {add = true}
      %dma_wait3A_370 = arith.constant 0 : i32
      %dma_wait3A_371 = arith.constant 0 : i32
      %dma_wait3A_372 = tpu.memref_slice %arg12[%dma_wait3A_370, %dma_wait3A_371] : memref<256x72xf32, #tpu.memory_space<vmem>> -> memref<128x72xf32, #tpu.memory_space<vmem>>
      %dma_wait3A_373 = arith.constant 0 : i32
      %dma_wait3A_374 = arith.constant 0 : i32
      %dma_wait3A_375 = tpu.memref_slice %arg3[%dma_wait3A_373, %dma_wait3A_374] : memref<10240x72xf32, #tpu.memory_space<hbm>> -> memref<128x72xf32, #tpu.memory_space<hbm>>
      %dma_wait3A_376 = arith.constant 0 : i32
      %dma_wait3A_377 = arith.constant 0 : i32
      %dma_wait3A_378 = tpu.memref_slice %arg12[%dma_wait3A_376, %dma_wait3A_377] : memref<256x72xf32, #tpu.memory_space<vmem>> -> memref<128x72xf32, #tpu.memory_space<vmem>>
      %dma_wait3A_379 = arith.constant 0 : i32
      %dma_wait3A_380 = arith.constant 0 : i32
      %dma_wait3A_381 = tpu.memref_slice %arg3[%dma_wait3A_379, %dma_wait3A_380] : memref<10240x72xf32, #tpu.memory_space<hbm>> -> memref<128x72xf32, #tpu.memory_space<hbm>>
      tpu.wait_dma2 semaphore(%arg15 : memref<!tpu.dma_semaphore, #tpu.memory_space<semaphore_mem>>) src(%dma_wait3A_381 : memref<128x72xf32, #tpu.memory_space<hbm>>) dst(%dma_wait3A_378 : memref<128x72xf32, #tpu.memory_space<vmem>>)
      %dma_wait3A_382 = arith.constant 0 : i32
      %dma_wait3A_383 = arith.constant 0 : i32
      %dma_wait3A_384 = tpu.memref_slice %arg14[%dma_wait3A_382, %dma_wait3A_383] : memref<256x16xf32, #tpu.memory_space<vmem>> -> memref<128x16xf32, #tpu.memory_space<vmem>>
      %dma_wait3A_385 = arith.constant 0 : i32
      %dma_wait3A_386 = arith.constant 0 : i32
      %dma_wait3A_387 = tpu.memref_slice %arg4[%dma_wait3A_385, %dma_wait3A_386] : memref<10240x16xf32, #tpu.memory_space<hbm>> -> memref<128x16xf32, #tpu.memory_space<hbm>>
      %dma_wait3A_388 = arith.constant 0 : i32
      %dma_wait3A_389 = arith.constant 0 : i32
      %dma_wait3A_390 = tpu.memref_slice %arg14[%dma_wait3A_388, %dma_wait3A_389] : memref<256x16xf32, #tpu.memory_space<vmem>> -> memref<128x16xf32, #tpu.memory_space<vmem>>
      %dma_wait3A_391 = arith.constant 0 : i32
      %dma_wait3A_392 = arith.constant 0 : i32
      %dma_wait3A_393 = tpu.memref_slice %arg4[%dma_wait3A_391, %dma_wait3A_392] : memref<10240x16xf32, #tpu.memory_space<hbm>> -> memref<128x16xf32, #tpu.memory_space<hbm>>
      tpu.wait_dma2 semaphore(%arg15 : memref<!tpu.dma_semaphore, #tpu.memory_space<semaphore_mem>>) src(%dma_wait3A_393 : memref<128x16xf32, #tpu.memory_space<hbm>>) dst(%dma_wait3A_390 : memref<128x16xf32, #tpu.memory_space<vmem>>)
      %dma_wait3A_394 = arith.constant 128 : i32
      %dma_wait3A_395 = arith.constant 0 : i32
      %dma_wait3A_396 = tpu.memref_slice %arg12[%dma_wait3A_394, %dma_wait3A_395] : memref<256x72xf32, #tpu.memory_space<vmem>> -> memref<128x72xf32, #tpu.memory_space<vmem>>
      %dma_wait3A_397 = arith.constant 0 : i32
      %dma_wait3A_398 = arith.constant 0 : i32
      %dma_wait3A_399 = tpu.memref_slice %arg3[%dma_wait3A_397, %dma_wait3A_398] : memref<10240x72xf32, #tpu.memory_space<hbm>> -> memref<128x72xf32, #tpu.memory_space<hbm>>
      %dma_wait3A_400 = arith.constant 128 : i32
      %dma_wait3A_401 = arith.constant 0 : i32
      %dma_wait3A_402 = tpu.memref_slice %arg12[%dma_wait3A_400, %dma_wait3A_401] : memref<256x72xf32, #tpu.memory_space<vmem>> -> memref<128x72xf32, #tpu.memory_space<vmem>>
      %dma_wait3A_403 = arith.constant 0 : i32
      %dma_wait3A_404 = arith.constant 0 : i32
      %dma_wait3A_405 = tpu.memref_slice %arg3[%dma_wait3A_403, %dma_wait3A_404] : memref<10240x72xf32, #tpu.memory_space<hbm>> -> memref<128x72xf32, #tpu.memory_space<hbm>>
      tpu.wait_dma2 semaphore(%arg15 : memref<!tpu.dma_semaphore, #tpu.memory_space<semaphore_mem>>) src(%dma_wait3A_405 : memref<128x72xf32, #tpu.memory_space<hbm>>) dst(%dma_wait3A_402 : memref<128x72xf32, #tpu.memory_space<vmem>>)
      %dma_wait3A_406 = arith.constant 128 : i32
      %dma_wait3A_407 = arith.constant 0 : i32
      %dma_wait3A_408 = tpu.memref_slice %arg14[%dma_wait3A_406, %dma_wait3A_407] : memref<256x16xf32, #tpu.memory_space<vmem>> -> memref<128x16xf32, #tpu.memory_space<vmem>>
      %dma_wait3A_409 = arith.constant 0 : i32
      %dma_wait3A_410 = arith.constant 0 : i32
      %dma_wait3A_411 = tpu.memref_slice %arg4[%dma_wait3A_409, %dma_wait3A_410] : memref<10240x16xf32, #tpu.memory_space<hbm>> -> memref<128x16xf32, #tpu.memory_space<hbm>>
      %dma_wait3A_412 = arith.constant 128 : i32
      %dma_wait3A_413 = arith.constant 0 : i32
      %dma_wait3A_414 = tpu.memref_slice %arg14[%dma_wait3A_412, %dma_wait3A_413] : memref<256x16xf32, #tpu.memory_space<vmem>> -> memref<128x16xf32, #tpu.memory_space<vmem>>
      %dma_wait3A_415 = arith.constant 0 : i32
      %dma_wait3A_416 = arith.constant 0 : i32
      %dma_wait3A_417 = tpu.memref_slice %arg4[%dma_wait3A_415, %dma_wait3A_416] : memref<10240x16xf32, #tpu.memory_space<hbm>> -> memref<128x16xf32, #tpu.memory_space<hbm>>
      tpu.wait_dma2 semaphore(%arg15 : memref<!tpu.dma_semaphore, #tpu.memory_space<semaphore_mem>>) src(%dma_wait3A_417 : memref<128x16xf32, #tpu.memory_space<hbm>>) dst(%dma_wait3A_414 : memref<128x16xf32, #tpu.memory_space<vmem>>)
      %parallel_loop3A_418 = arith.constant 0 : i32
      %parallel_loop3A_419 = arith.constant 256 : i32
      %parallel_loop3A_420 = arith.constant 1 : i32
      scf.for %parallel_loop3A_478 = %parallel_loop3A_418 to %parallel_loop3A_419 step %parallel_loop3A_420  : i32 {
        %parallel_loop3A_479 = arith.index_cast %parallel_loop3A_478 : i32 to index
        %parallel_loop3A_480 = arith.constant 0 : index
        %parallel_loop3A_481 = tpu.vector_load %arg14[%parallel_loop3A_479, %parallel_loop3A_480] {strides = array<i32>} : memref<256x16xf32, #tpu.memory_space<vmem>>, vector<16xf32>,
        %parallel_loop3A_482 = arith.index_cast %parallel_loop3A_478 : i32 to index
        %parallel_loop3A_483 = arith.constant 56 : index
        %parallel_loop3A_484 = tpu.vector_load %arg12[%parallel_loop3A_482, %parallel_loop3A_483] {strides = array<i32>} : memref<256x72xf32, #tpu.memory_space<vmem>>, vector<16xf32>,
        %parallel_loop3A_485 = arith.addf %parallel_loop3A_484, %parallel_loop3A_481 : vector<16xf32>
        %parallel_loop3A_486 = arith.constant 2.000000e-01 : f32
        %parallel_loop3A_487 = vector.broadcast %parallel_loop3A_486 : f32 to vector<16xf32>
        %parallel_loop3A_488 = arith.mulf %parallel_loop3A_487, %parallel_loop3A_485 : vector<16xf32>
        %parallel_loop3A_489 = arith.maximumf %parallel_loop3A_485, %parallel_loop3A_488 : vector<16xf32>
        %parallel_loop3A_490 = math.exp %parallel_loop3A_489 : vector<16xf32>
        %parallel_loop3A_491 = arith.index_cast %parallel_loop3A_478 : i32 to index
        %parallel_loop3A_492 = arith.constant 0 : index
        %parallel_loop3A_493 = tpu.vector_load %arg12[%parallel_loop3A_491, %parallel_loop3A_492] {strides = array<i32>} : memref<256x72xf32, #tpu.memory_space<vmem>>, vector<16xf32>,
        %parallel_loop3A_494 = arith.constant 0 : i32
        %parallel_loop3A_495 = vector.broadcast %parallel_loop3A_494 : i32 to vector<16xi32>
        %parallel_loop3A_496 = arith.cmpi slt, %add3A_42, %parallel_loop3A_495 : vector<16xi32>
        %parallel_loop3A_497 = arith.constant 16 : i32
        %parallel_loop3A_498 = vector.broadcast %parallel_loop3A_497 : i32 to vector<16xi32>
        %parallel_loop3A_499 = arith.addi %add3A_42, %parallel_loop3A_498 : vector<16xi32>
        %parallel_loop3A_500 = arith.select %parallel_loop3A_496, %parallel_loop3A_499, %add3A_42 : vector<16xi1>, vector<16xi32>
        %parallel_loop3A_501 = vector.shape_cast %parallel_loop3A_500 : vector<16xi32> to vector<16x1xi32>
        %parallel_loop3A_502 = vector.shape_cast %parallel_loop3A_501 : vector<16x1xi32> to vector<16xi32>
        %parallel_loop3A_503 = tpu.dynamic_gather %parallel_loop3A_490[%parallel_loop3A_502] in [0] : vector<16xf32>, vector<16xi32> -> vector<16xf32>
        %parallel_loop3A_504 = arith.mulf %parallel_loop3A_493, %parallel_loop3A_503 : vector<16xf32>
        %parallel_loop3A_505 = arith.index_cast %parallel_loop3A_478 : i32 to index
        %parallel_loop3A_506 = arith.constant 0 : index
        %parallel_loop3A_507 = tpu.vector_load %arg12[%parallel_loop3A_505, %parallel_loop3A_506] {strides = array<i32>} : memref<256x72xf32, #tpu.memory_space<vmem>>, vector<16xf32>,
        tpu.vector_store %arg12[%parallel_loop3A_505, %parallel_loop3A_506], %parallel_loop3A_504 {strides = array<i32>} : memref<256x72xf32, #tpu.memory_space<vmem>>, vector<16xf32>,
        %parallel_loop3A_508 = arith.index_cast %parallel_loop3A_478 : i32 to index
        %parallel_loop3A_509 = arith.constant 16 : index
        %parallel_loop3A_510 = tpu.vector_load %arg12[%parallel_loop3A_508, %parallel_loop3A_509] {strides = array<i32>} : memref<256x72xf32, #tpu.memory_space<vmem>>, vector<16xf32>,
        %parallel_loop3A_511 = arith.constant 0 : i32
        %parallel_loop3A_512 = vector.broadcast %parallel_loop3A_511 : i32 to vector<16xi32>
        %parallel_loop3A_513 = arith.cmpi slt, %add3A_79, %parallel_loop3A_512 : vector<16xi32>
        %parallel_loop3A_514 = arith.constant 16 : i32
        %parallel_loop3A_515 = vector.broadcast %parallel_loop3A_514 : i32 to vector<16xi32>
        %parallel_loop3A_516 = arith.addi %add3A_79, %parallel_loop3A_515 : vector<16xi32>
        %parallel_loop3A_517 = arith.select %parallel_loop3A_513, %parallel_loop3A_516, %add3A_79 : vector<16xi1>, vector<16xi32>
        %parallel_loop3A_518 = vector.shape_cast %parallel_loop3A_517 : vector<16xi32> to vector<16x1xi32>
        %parallel_loop3A_519 = vector.shape_cast %parallel_loop3A_518 : vector<16x1xi32> to vector<16xi32>
        %parallel_loop3A_520 = tpu.dynamic_gather %parallel_loop3A_490[%parallel_loop3A_519] in [0] : vector<16xf32>, vector<16xi32> -> vector<16xf32>
        %parallel_loop3A_521 = arith.mulf %parallel_loop3A_510, %parallel_loop3A_520 : vector<16xf32>
        %parallel_loop3A_522 = arith.index_cast %parallel_loop3A_478 : i32 to index
        %parallel_loop3A_523 = arith.constant 16 : index
        %parallel_loop3A_524 = tpu.vector_load %arg12[%parallel_loop3A_522, %parallel_loop3A_523] {strides = array<i32>} : memref<256x72xf32, #tpu.memory_space<vmem>>, vector<16xf32>,
        tpu.vector_store %arg12[%parallel_loop3A_522, %parallel_loop3A_523], %parallel_loop3A_521 {strides = array<i32>} : memref<256x72xf32, #tpu.memory_space<vmem>>, vector<16xf32>,
        %parallel_loop3A_525 = arith.index_cast %parallel_loop3A_478 : i32 to index
        %parallel_loop3A_526 = arith.constant 32 : index
        %parallel_loop3A_527 = tpu.vector_load %arg12[%parallel_loop3A_525, %parallel_loop3A_526] {strides = array<i32>} : memref<256x72xf32, #tpu.memory_space<vmem>>, vector<16xf32>,
        %parallel_loop3A_528 = arith.constant 0 : i32
        %parallel_loop3A_529 = vector.broadcast %parallel_loop3A_528 : i32 to vector<16xi32>
        %parallel_loop3A_530 = arith.cmpi slt, %add3A_116, %parallel_loop3A_529 : vector<16xi32>
        %parallel_loop3A_531 = arith.constant 16 : i32
        %parallel_loop3A_532 = vector.broadcast %parallel_loop3A_531 : i32 to vector<16xi32>
        %parallel_loop3A_533 = arith.addi %add3A_116, %parallel_loop3A_532 : vector<16xi32>
        %parallel_loop3A_534 = arith.select %parallel_loop3A_530, %parallel_loop3A_533, %add3A_116 : vector<16xi1>, vector<16xi32>
        %parallel_loop3A_535 = vector.shape_cast %parallel_loop3A_534 : vector<16xi32> to vector<16x1xi32>
        %parallel_loop3A_536 = vector.shape_cast %parallel_loop3A_535 : vector<16x1xi32> to vector<16xi32>
        %parallel_loop3A_537 = tpu.dynamic_gather %parallel_loop3A_490[%parallel_loop3A_536] in [0] : vector<16xf32>, vector<16xi32> -> vector<16xf32>
        %parallel_loop3A_538 = arith.mulf %parallel_loop3A_527, %parallel_loop3A_537 : vector<16xf32>
        %parallel_loop3A_539 = arith.index_cast %parallel_loop3A_478 : i32 to index
        %parallel_loop3A_540 = arith.constant 32 : index
        %parallel_loop3A_541 = tpu.vector_load %arg12[%parallel_loop3A_539, %parallel_loop3A_540] {strides = array<i32>} : memref<256x72xf32, #tpu.memory_space<vmem>>, vector<16xf32>,
        tpu.vector_store %arg12[%parallel_loop3A_539, %parallel_loop3A_540], %parallel_loop3A_538 {strides = array<i32>} : memref<256x72xf32, #tpu.memory_space<vmem>>, vector<16xf32>,
        %parallel_loop3A_542 = arith.index_cast %parallel_loop3A_478 : i32 to index
        %parallel_loop3A_543 = arith.constant 48 : index
        %parallel_loop3A_544 = tpu.vector_load %arg12[%parallel_loop3A_542, %parallel_loop3A_543] {strides = array<i32>} : memref<256x72xf32, #tpu.memory_space<vmem>>, vector<16xf32>,
        %parallel_loop3A_545 = arith.constant 0 : i32
        %parallel_loop3A_546 = vector.broadcast %parallel_loop3A_545 : i32 to vector<16xi32>
        %parallel_loop3A_547 = arith.cmpi slt, %add3A_153, %parallel_loop3A_546 : vector<16xi32>
        %parallel_loop3A_548 = arith.constant 16 : i32
        %parallel_loop3A_549 = vector.broadcast %parallel_loop3A_548 : i32 to vector<16xi32>
        %parallel_loop3A_550 = arith.addi %add3A_153, %parallel_loop3A_549 : vector<16xi32>
        %parallel_loop3A_551 = arith.select %parallel_loop3A_547, %parallel_loop3A_550, %add3A_153 : vector<16xi1>, vector<16xi32>
        %parallel_loop3A_552 = vector.shape_cast %parallel_loop3A_551 : vector<16xi32> to vector<16x1xi32>
        %parallel_loop3A_553 = vector.shape_cast %parallel_loop3A_552 : vector<16x1xi32> to vector<16xi32>
        %parallel_loop3A_554 = tpu.dynamic_gather %parallel_loop3A_490[%parallel_loop3A_553] in [0] : vector<16xf32>, vector<16xi32> -> vector<16xf32>
        %parallel_loop3A_555 = arith.mulf %parallel_loop3A_544, %parallel_loop3A_554 : vector<16xf32>
        %parallel_loop3A_556 = arith.index_cast %parallel_loop3A_478 : i32 to index
        %parallel_loop3A_557 = arith.constant 48 : index
        %parallel_loop3A_558 = tpu.vector_load %arg12[%parallel_loop3A_556, %parallel_loop3A_557] {strides = array<i32>} : memref<256x72xf32, #tpu.memory_space<vmem>>, vector<16xf32>,
        tpu.vector_store %arg12[%parallel_loop3A_556, %parallel_loop3A_557], %parallel_loop3A_555 {strides = array<i32>} : memref<256x72xf32, #tpu.memory_space<vmem>>, vector<16xf32>,
        %parallel_loop3A_559 = arith.constant 0 : i32
        %parallel_loop3A_560 = vector.broadcast %parallel_loop3A_559 : i32 to vector<16xi32>
        %parallel_loop3A_561 = arith.cmpi slt, %and3A_159, %parallel_loop3A_560 : vector<16xi32>
        %parallel_loop3A_562 = arith.constant 16 : i32
        %parallel_loop3A_563 = vector.broadcast %parallel_loop3A_562 : i32 to vector<16xi32>
        %parallel_loop3A_564 = arith.addi %and3A_159, %parallel_loop3A_563 : vector<16xi32>
        %parallel_loop3A_565 = arith.select %parallel_loop3A_561, %parallel_loop3A_564, %and3A_159 : vector<16xi1>, vector<16xi32>
        %parallel_loop3A_566 = vector.shape_cast %parallel_loop3A_565 : vector<16xi32> to vector<16x1xi32>
        %parallel_loop3A_567 = vector.shape_cast %parallel_loop3A_566 : vector<16x1xi32> to vector<16xi32>
        %parallel_loop3A_568 = tpu.dynamic_gather %parallel_loop3A_555[%parallel_loop3A_567] in [0] : vector<16xf32>, vector<16xi32> -> vector<16xf32>
        %parallel_loop3A_569 = arith.select %lt3A_161, %parallel_loop3A_568, %parallel_loop3A_490 : vector<16xi1>, vector<16xf32>
        %parallel_loop3A_570 = arith.index_cast %parallel_loop3A_478 : i32 to index
        %parallel_loop3A_571 = arith.constant 56 : index
        %parallel_loop3A_572 = tpu.vector_load %arg12[%parallel_loop3A_570, %parallel_loop3A_571] {strides = array<i32>} : memref<256x72xf32, #tpu.memory_space<vmem>>, vector<16xf32>,
        tpu.vector_store %arg12[%parallel_loop3A_570, %parallel_loop3A_571], %parallel_loop3A_569 {strides = array<i32>} : memref<256x72xf32, #tpu.memory_space<vmem>>, vector<16xf32>,
      } {sc.loop_unroll_factor = 4 : i64, sc.parallel_access}
      %dma_wait3A_421 = arith.constant 0 : i32
      %dma_wait3A_422 = arith.constant 0 : i32
      %dma_wait3A_423 = tpu.memref_slice %arg11[%dma_wait3A_421, %dma_wait3A_422] : memref<256x72xf32, #tpu.memory_space<vmem>> -> memref<128x72xf32, #tpu.memory_space<vmem>>
      %dma_wait3A_424 = arith.constant 0 : i32
      %dma_wait3A_425 = arith.constant 0 : i32
      %dma_wait3A_426 = tpu.memref_slice %arg8[%dma_wait3A_424, %dma_wait3A_425] : memref<10240x72xf32, #tpu.memory_space<vmem_shared>> -> memref<128x72xf32, #tpu.memory_space<vmem_shared>>
      %dma_wait3A_427 = arith.constant 0 : i32
      %dma_wait3A_428 = arith.constant 0 : i32
      %dma_wait3A_429 = tpu.memref_slice %arg8[%dma_wait3A_427, %dma_wait3A_428] : memref<10240x72xf32, #tpu.memory_space<vmem_shared>> -> memref<128x72xf32, #tpu.memory_space<vmem_shared>>
      %dma_wait3A_430 = arith.constant 0 : i32
      %dma_wait3A_431 = arith.constant 0 : i32
      %dma_wait3A_432 = tpu.memref_slice %arg11[%dma_wait3A_430, %dma_wait3A_431] : memref<256x72xf32, #tpu.memory_space<vmem>> -> memref<128x72xf32, #tpu.memory_space<vmem>>
      tpu.wait_dma2 semaphore(%arg16 : memref<!tpu.dma_semaphore, #tpu.memory_space<semaphore_mem>>) src(%dma_wait3A_432 : memref<128x72xf32, #tpu.memory_space<vmem>>) dst(%dma_wait3A_429 : memref<128x72xf32, #tpu.memory_space<vmem_shared>>)
      %dma_wait3A_433 = arith.constant 128 : i32
      %dma_wait3A_434 = arith.constant 0 : i32
      %dma_wait3A_435 = tpu.memref_slice %arg11[%dma_wait3A_433, %dma_wait3A_434] : memref<256x72xf32, #tpu.memory_space<vmem>> -> memref<128x72xf32, #tpu.memory_space<vmem>>
      %dma_wait3A_436 = arith.constant 0 : i32
      %dma_wait3A_437 = arith.constant 0 : i32
      %dma_wait3A_438 = tpu.memref_slice %arg8[%dma_wait3A_436, %dma_wait3A_437] : memref<10240x72xf32, #tpu.memory_space<vmem_shared>> -> memref<128x72xf32, #tpu.memory_space<vmem_shared>>
      %dma_wait3A_439 = arith.constant 0 : i32
      %dma_wait3A_440 = arith.constant 0 : i32
      %dma_wait3A_441 = tpu.memref_slice %arg8[%dma_wait3A_439, %dma_wait3A_440] : memref<10240x72xf32, #tpu.memory_space<vmem_shared>> -> memref<128x72xf32, #tpu.memory_space<vmem_shared>>
      %dma_wait3A_442 = arith.constant 128 : i32
      %dma_wait3A_443 = arith.constant 0 : i32
      %dma_wait3A_444 = tpu.memref_slice %arg11[%dma_wait3A_442, %dma_wait3A_443] : memref<256x72xf32, #tpu.memory_space<vmem>> -> memref<128x72xf32, #tpu.memory_space<vmem>>
      tpu.wait_dma2 semaphore(%arg16 : memref<!tpu.dma_semaphore, #tpu.memory_space<semaphore_mem>>) src(%dma_wait3A_444 : memref<128x72xf32, #tpu.memory_space<vmem>>) dst(%dma_wait3A_441 : memref<128x72xf32, #tpu.memory_space<vmem_shared>>)
      %add3A_445 = arith.constant 1 : i32
      %add3A_446 = arith.addi %add3A_245, %add3A_445 : i32
      %lt3A_447 = arith.constant 42 : i32
      %lt3A_448 = arith.cmpi slt, %add3A_446, %lt3A_447 : i32
      %convert_element_type3A_449 = arith.extui %lt3A_448 : i1 to i32
      %cond3A_450 = arith.constant 0 : i32
      %cond3A_451 = arith.cmpi ne, %convert_element_type3A_449, %cond3A_450 : i32
      scf.if %cond3A_451 {
        %add3A_478 = arith.constant 1 : i32
        %add3A_479 = arith.addi %add3A_245, %add3A_478 : i32
        %mul3A_480 = arith.constant 2 : i32
        %mul3A_481 = arith.muli %add3A_479, %mul3A_480 : i32
        %add3A_482 = arith.constant 0 : i32
        %add3A_483 = arith.addi %mul3A_481, %add3A_482 : i32
        %dma_start3A_484 = arith.constant 0 : i32
        %dma_start3A_485 = arith.constant 0 : i32
        %dma_start3A_486 = tpu.memref_slice %arg11[%dma_start3A_484, %dma_start3A_485] : memref<256x72xf32, #tpu.memory_space<vmem>> -> memref<128x72xf32, #tpu.memory_space<vmem>>
        %dma_start3A_487 = arith.constant 0 : i32
        %dma_start3A_488 = tpu.memref_slice %arg9[%add3A_483, %dma_start3A_487] : memref<84x128xi32, #tpu.memory_space<vmem>> -> memref<1x128xi32, #tpu.memory_space<vmem>>
        %dma_start3A_489 = tpu.memref_squeeze %dma_start3A_488 : memref<1x128xi32, #tpu.memory_space<vmem>> -> memref<128xi32, #tpu.memory_space<vmem>>
        %dma_start3A_490 = arith.constant 0 : i32
        %dma_start3A_491 = arith.constant 0 : i32
        %dma_start3A_492 = tpu.memref_slice %arg3[%dma_start3A_490, %dma_start3A_491] : memref<10240x72xf32, #tpu.memory_space<hbm>> -> memref<10240x72xf32, #tpu.memory_space<hbm>>
        tpu.enqueue_indirect_dma source(%dma_start3A_492 : memref<10240x72xf32, #tpu.memory_space<hbm>>) target(%dma_start3A_486 : memref<128x72xf32, #tpu.memory_space<vmem>>) offsets(%dma_start3A_489 : memref<128xi32, #tpu.memory_space<vmem>>) semaphore(%arg15 : memref<!tpu.dma_semaphore, #tpu.memory_space<semaphore_mem>>)
        %dma_start3A_493 = arith.constant 0 : i32
        %dma_start3A_494 = arith.constant 0 : i32
        %dma_start3A_495 = tpu.memref_slice %arg13[%dma_start3A_493, %dma_start3A_494] : memref<256x16xf32, #tpu.memory_space<vmem>> -> memref<128x16xf32, #tpu.memory_space<vmem>>
        %dma_start3A_496 = arith.constant 0 : i32
        %dma_start3A_497 = tpu.memref_slice %arg10[%add3A_483, %dma_start3A_496] : memref<84x128xi32, #tpu.memory_space<vmem>> -> memref<1x128xi32, #tpu.memory_space<vmem>>
        %dma_start3A_498 = tpu.memref_squeeze %dma_start3A_497 : memref<1x128xi32, #tpu.memory_space<vmem>> -> memref<128xi32, #tpu.memory_space<vmem>>
        %dma_start3A_499 = arith.constant 0 : i32
        %dma_start3A_500 = arith.constant 0 : i32
        %dma_start3A_501 = tpu.memref_slice %arg4[%dma_start3A_499, %dma_start3A_500] : memref<10240x16xf32, #tpu.memory_space<hbm>> -> memref<10240x16xf32, #tpu.memory_space<hbm>>
        tpu.enqueue_indirect_dma source(%dma_start3A_501 : memref<10240x16xf32, #tpu.memory_space<hbm>>) target(%dma_start3A_495 : memref<128x16xf32, #tpu.memory_space<vmem>>) offsets(%dma_start3A_498 : memref<128xi32, #tpu.memory_space<vmem>>) semaphore(%arg15 : memref<!tpu.dma_semaphore, #tpu.memory_space<semaphore_mem>>)
        %mul3A_502 = arith.constant 2 : i32
        %mul3A_503 = arith.muli %add3A_479, %mul3A_502 : i32
        %add3A_504 = arith.constant 1 : i32
        %add3A_505 = arith.addi %mul3A_503, %add3A_504 : i32
        %dma_start3A_506 = arith.constant 128 : i32
        %dma_start3A_507 = arith.constant 0 : i32
        %dma_start3A_508 = tpu.memref_slice %arg11[%dma_start3A_506, %dma_start3A_507] : memref<256x72xf32, #tpu.memory_space<vmem>> -> memref<128x72xf32, #tpu.memory_space<vmem>>
        %dma_start3A_509 = arith.constant 0 : i32
        %dma_start3A_510 = tpu.memref_slice %arg9[%add3A_505, %dma_start3A_509] : memref<84x128xi32, #tpu.memory_space<vmem>> -> memref<1x128xi32, #tpu.memory_space<vmem>>
        %dma_start3A_511 = tpu.memref_squeeze %dma_start3A_510 : memref<1x128xi32, #tpu.memory_space<vmem>> -> memref<128xi32, #tpu.memory_space<vmem>>
        %dma_start3A_512 = arith.constant 0 : i32
        %dma_start3A_513 = arith.constant 0 : i32
        %dma_start3A_514 = tpu.memref_slice %arg3[%dma_start3A_512, %dma_start3A_513] : memref<10240x72xf32, #tpu.memory_space<hbm>> -> memref<10240x72xf32, #tpu.memory_space<hbm>>
        tpu.enqueue_indirect_dma source(%dma_start3A_514 : memref<10240x72xf32, #tpu.memory_space<hbm>>) target(%dma_start3A_508 : memref<128x72xf32, #tpu.memory_space<vmem>>) offsets(%dma_start3A_511 : memref<128xi32, #tpu.memory_space<vmem>>) semaphore(%arg15 : memref<!tpu.dma_semaphore, #tpu.memory_space<semaphore_mem>>)
        %dma_start3A_515 = arith.constant 128 : i32
        %dma_start3A_516 = arith.constant 0 : i32
        %dma_start3A_517 = tpu.memref_slice %arg13[%dma_start3A_515, %dma_start3A_516] : memref<256x16xf32, #tpu.memory_space<vmem>> -> memref<128x16xf32, #tpu.memory_space<vmem>>
        %dma_start3A_518 = arith.constant 0 : i32
        %dma_start3A_519 = tpu.memref_slice %arg10[%add3A_505, %dma_start3A_518] : memref<84x128xi32, #tpu.memory_space<vmem>> -> memref<1x128xi32, #tpu.memory_space<vmem>>
        %dma_start3A_520 = tpu.memref_squeeze %dma_start3A_519 : memref<1x128xi32, #tpu.memory_space<vmem>> -> memref<128xi32, #tpu.memory_space<vmem>>
        %dma_start3A_521 = arith.constant 0 : i32
        %dma_start3A_522 = arith.constant 0 : i32
        %dma_start3A_523 = tpu.memref_slice %arg4[%dma_start3A_521, %dma_start3A_522] : memref<10240x16xf32, #tpu.memory_space<hbm>> -> memref<10240x16xf32, #tpu.memory_space<hbm>>
        tpu.enqueue_indirect_dma source(%dma_start3A_523 : memref<10240x16xf32, #tpu.memory_space<hbm>>) target(%dma_start3A_517 : memref<128x16xf32, #tpu.memory_space<vmem>>) offsets(%dma_start3A_520 : memref<128xi32, #tpu.memory_space<vmem>>) semaphore(%arg15 : memref<!tpu.dma_semaphore, #tpu.memory_space<semaphore_mem>>)
      } else {
      }
      %mul3A_452 = arith.constant 2 : i32
      %mul3A_453 = arith.muli %add3A_245, %mul3A_452 : i32
      %add3A_454 = arith.constant 0 : i32
      %add3A_455 = arith.addi %mul3A_453, %add3A_454 : i32
      %dma_start3A_456 = arith.constant 0 : i32
      %dma_start3A_457 = arith.constant 0 : i32
      %dma_start3A_458 = tpu.memref_slice %arg12[%dma_start3A_456, %dma_start3A_457] : memref<256x72xf32, #tpu.memory_space<vmem>> -> memref<128x72xf32, #tpu.memory_space<vmem>>
      %dma_start3A_459 = arith.constant 0 : i32
      %dma_start3A_460 = tpu.memref_slice %arg10[%add3A_455, %dma_start3A_459] : memref<84x128xi32, #tpu.memory_space<vmem>> -> memref<1x128xi32, #tpu.memory_space<vmem>>
      %dma_start3A_461 = tpu.memref_squeeze %dma_start3A_460 : memref<1x128xi32, #tpu.memory_space<vmem>> -> memref<128xi32, #tpu.memory_space<vmem>>
      %dma_start3A_462 = arith.constant 0 : i32
      %dma_start3A_463 = arith.constant 0 : i32
      %dma_start3A_464 = tpu.memref_slice %arg8[%dma_start3A_462, %dma_start3A_463] : memref<10240x72xf32, #tpu.memory_space<vmem_shared>> -> memref<10240x72xf32, #tpu.memory_space<vmem_shared>>
      tpu.enqueue_indirect_dma source(%dma_start3A_458 : memref<128x72xf32, #tpu.memory_space<vmem>>) target(%dma_start3A_464 : memref<10240x72xf32, #tpu.memory_space<vmem_shared>>) offsets(%dma_start3A_461 : memref<128xi32, #tpu.memory_space<vmem>>) semaphore(%arg16 : memref<!tpu.dma_semaphore, #tpu.memory_space<semaphore_mem>>) {add = true}
      %mul3A_465 = arith.constant 2 : i32
      %mul3A_466 = arith.muli %add3A_245, %mul3A_465 : i32
      %add3A_467 = arith.constant 1 : i32
      %add3A_468 = arith.addi %mul3A_466, %add3A_467 : i32
      %dma_start3A_469 = arith.constant 128 : i32
      %dma_start3A_470 = arith.constant 0 : i32
      %dma_start3A_471 = tpu.memref_slice %arg12[%dma_start3A_469, %dma_start3A_470] : memref<256x72xf32, #tpu.memory_space<vmem>> -> memref<128x72xf32, #tpu.memory_space<vmem>>
      %dma_start3A_472 = arith.constant 0 : i32
      %dma_start3A_473 = tpu.memref_slice %arg10[%add3A_468, %dma_start3A_472] : memref<84x128xi32, #tpu.memory_space<vmem>> -> memref<1x128xi32, #tpu.memory_space<vmem>>
      %dma_start3A_474 = tpu.memref_squeeze %dma_start3A_473 : memref<1x128xi32, #tpu.memory_space<vmem>> -> memref<128xi32, #tpu.memory_space<vmem>>
      %dma_start3A_475 = arith.constant 0 : i32
      %dma_start3A_476 = arith.constant 0 : i32
      %dma_start3A_477 = tpu.memref_slice %arg8[%dma_start3A_475, %dma_start3A_476] : memref<10240x72xf32, #tpu.memory_space<vmem_shared>> -> memref<10240x72xf32, #tpu.memory_space<vmem_shared>>
      tpu.enqueue_indirect_dma source(%dma_start3A_471 : memref<128x72xf32, #tpu.memory_space<vmem>>) target(%dma_start3A_477 : memref<10240x72xf32, #tpu.memory_space<vmem_shared>>) offsets(%dma_start3A_474 : memref<128xi32, #tpu.memory_space<vmem>>) semaphore(%arg16 : memref<!tpu.dma_semaphore, #tpu.memory_space<semaphore_mem>>) {add = true}
    }
    %scan3A_205 = arith.constant 21 : i32
    %dma_wait3A = arith.constant 0 : i32
    %dma_wait3A_206 = arith.constant 0 : i32
    %dma_wait3A_207 = tpu.memref_slice %arg12[%dma_wait3A, %dma_wait3A_206] : memref<256x72xf32, #tpu.memory_space<vmem>> -> memref<128x72xf32, #tpu.memory_space<vmem>>
    %dma_wait3A_208 = arith.constant 0 : i32
    %dma_wait3A_209 = arith.constant 0 : i32
    %dma_wait3A_210 = tpu.memref_slice %arg8[%dma_wait3A_208, %dma_wait3A_209] : memref<10240x72xf32, #tpu.memory_space<vmem_shared>> -> memref<128x72xf32, #tpu.memory_space<vmem_shared>>
    %dma_wait3A_211 = arith.constant 0 : i32
    %dma_wait3A_212 = arith.constant 0 : i32
    %dma_wait3A_213 = tpu.memref_slice %arg8[%dma_wait3A_211, %dma_wait3A_212] : memref<10240x72xf32, #tpu.memory_space<vmem_shared>> -> memref<128x72xf32, #tpu.memory_space<vmem_shared>>
    %dma_wait3A_214 = arith.constant 0 : i32
    %dma_wait3A_215 = arith.constant 0 : i32
    %dma_wait3A_216 = tpu.memref_slice %arg12[%dma_wait3A_214, %dma_wait3A_215] : memref<256x72xf32, #tpu.memory_space<vmem>> -> memref<128x72xf32, #tpu.memory_space<vmem>>
    tpu.wait_dma2 semaphore(%arg16 : memref<!tpu.dma_semaphore, #tpu.memory_space<semaphore_mem>>) src(%dma_wait3A_216 : memref<128x72xf32, #tpu.memory_space<vmem>>) dst(%dma_wait3A_213 : memref<128x72xf32, #tpu.memory_space<vmem_shared>>)
    %dma_wait3A_217 = arith.constant 128 : i32
    %dma_wait3A_218 = arith.constant 0 : i32
    %dma_wait3A_219 = tpu.memref_slice %arg12[%dma_wait3A_217, %dma_wait3A_218] : memref<256x72xf32, #tpu.memory_space<vmem>> -> memref<128x72xf32, #tpu.memory_space<vmem>>
    %dma_wait3A_220 = arith.constant 0 : i32
    %dma_wait3A_221 = arith.constant 0 : i32
    %dma_wait3A_222 = tpu.memref_slice %arg8[%dma_wait3A_220, %dma_wait3A_221] : memref<10240x72xf32, #tpu.memory_space<vmem_shared>> -> memref<128x72xf32, #tpu.memory_space<vmem_shared>>
    %dma_wait3A_223 = arith.constant 0 : i32
    %dma_wait3A_224 = arith.constant 0 : i32
    %dma_wait3A_225 = tpu.memref_slice %arg8[%dma_wait3A_223, %dma_wait3A_224] : memref<10240x72xf32, #tpu.memory_space<vmem_shared>> -> memref<128x72xf32, #tpu.memory_space<vmem_shared>>
    %dma_wait3A_226 = arith.constant 128 : i32
    %dma_wait3A_227 = arith.constant 0 : i32
    %dma_wait3A_228 = tpu.memref_slice %arg12[%dma_wait3A_226, %dma_wait3A_227] : memref<256x72xf32, #tpu.memory_space<vmem>> -> memref<128x72xf32, #tpu.memory_space<vmem>>
    tpu.wait_dma2 semaphore(%arg16 : memref<!tpu.dma_semaphore, #tpu.memory_space<semaphore_mem>>) src(%dma_wait3A_228 : memref<128x72xf32, #tpu.memory_space<vmem>>) dst(%dma_wait3A_225 : memref<128x72xf32, #tpu.memory_space<vmem_shared>>)
    %barrier3A_229 = arith.constant 0 : index
    tpu.barrier barrier_id(%barrier3A_229)
    %eq3A = arith.constant 0 : i32
    %eq3A_230 = arith.cmpi eq, %arg0, %eq3A : i32
    %convert_element_type3A = arith.extui %eq3A_230 : i1 to i32
    %cond3A = arith.constant 0 : i32
    %cond3A_231 = arith.cmpi ne, %convert_element_type3A, %cond3A : i32
    scf.if %cond3A_231 {
      %mul3A_237 = arith.constant 640 : i32
      %mul3A_238 = arith.muli %arg1, %mul3A_237 : i32
      %mul3A_239 = arith.constant 640 : i32
      %mul3A_240 = arith.muli %arg1, %mul3A_239 : i32
      "tpu.region"() ({
        %run_scoped3A = tpu.sem_alloc : memref<!tpu.dma_semaphore, #tpu.memory_space<semaphore_mem>>
        %dma_start3A_241 = arith.constant 0 : i32
        %dma_start3A_242 = tpu.memref_slice %arg6[%mul3A_240, %dma_start3A_241] : memref<10240x72xf32, #tpu.memory_space<hbm>> -> memref<640x72xf32, #tpu.memory_space<hbm>>
        %dma_start3A_243 = arith.constant 0 : i32
        %dma_start3A_244 = tpu.memref_slice %arg8[%mul3A_238, %dma_start3A_243] : memref<10240x72xf32, #tpu.memory_space<vmem_shared>> -> memref<640x72xf32, #tpu.memory_space<vmem_shared>>
        tpu.enqueue_dma source(%dma_start3A_244 : memref<640x72xf32, #tpu.memory_space<vmem_shared>>) target(%dma_start3A_242 : memref<640x72xf32, #tpu.memory_space<hbm>>) target_semaphore(%run_scoped3A : memref<!tpu.dma_semaphore, #tpu.memory_space<semaphore_mem>>)
        %dma_wait3A_245 = arith.constant 0 : i32
        %dma_wait3A_246 = tpu.memref_slice %arg6[%mul3A_240, %dma_wait3A_245] : memref<10240x72xf32, #tpu.memory_space<hbm>> -> memref<640x72xf32, #tpu.memory_space<hbm>>
        %dma_wait3A_247 = arith.constant 0 : i32
        %dma_wait3A_248 = tpu.memref_slice %arg8[%mul3A_238, %dma_wait3A_247] : memref<10240x72xf32, #tpu.memory_space<vmem_shared>> -> memref<640x72xf32, #tpu.memory_space<vmem_shared>>
        tpu.wait_dma2 semaphore(%run_scoped3A : memref<!tpu.dma_semaphore, #tpu.memory_space<semaphore_mem>>) src(%dma_wait3A_248 : memref<640x72xf32, #tpu.memory_space<vmem_shared>>) dst(%dma_wait3A_246 : memref<640x72xf32, #tpu.memory_space<hbm>>)
        tpu.yield
      }) : () -> ()
    } else {
    }
    %eq3A_232 = arith.constant 1 : i32
    %eq3A_233 = arith.cmpi eq, %arg0, %eq3A_232 : i32
    %convert_element_type3A_234 = arith.extui %eq3A_233 : i1 to i32
    %cond3A_235 = arith.constant 0 : i32
    %cond3A_236 = arith.cmpi ne, %convert_element_type3A_234, %cond3A_235 : i32
    scf.if %cond3A_236 {
      %mul3A_237 = arith.constant 640 : i32
      %mul3A_238 = arith.muli %arg1, %mul3A_237 : i32
      %mul3A_239 = arith.constant 640 : i32
      %mul3A_240 = arith.muli %arg1, %mul3A_239 : i32
      "tpu.region"() ({
        %run_scoped3A = tpu.sem_alloc : memref<!tpu.dma_semaphore, #tpu.memory_space<semaphore_mem>>
        %dma_start3A_241 = arith.constant 0 : i32
        %dma_start3A_242 = tpu.memref_slice %arg7[%mul3A_240, %dma_start3A_241] : memref<10240x72xf32, #tpu.memory_space<hbm>> -> memref<640x72xf32, #tpu.memory_space<hbm>>
        %dma_start3A_243 = arith.constant 0 : i32
        %dma_start3A_244 = tpu.memref_slice %arg8[%mul3A_238, %dma_start3A_243] : memref<10240x72xf32, #tpu.memory_space<vmem_shared>> -> memref<640x72xf32, #tpu.memory_space<vmem_shared>>
        tpu.enqueue_dma source(%dma_start3A_244 : memref<640x72xf32, #tpu.memory_space<vmem_shared>>) target(%dma_start3A_242 : memref<640x72xf32, #tpu.memory_space<hbm>>) target_semaphore(%run_scoped3A : memref<!tpu.dma_semaphore, #tpu.memory_space<semaphore_mem>>)
        %dma_wait3A_245 = arith.constant 0 : i32
        %dma_wait3A_246 = tpu.memref_slice %arg7[%mul3A_240, %dma_wait3A_245] : memref<10240x72xf32, #tpu.memory_space<hbm>> -> memref<640x72xf32, #tpu.memory_space<hbm>>
        %dma_wait3A_247 = arith.constant 0 : i32
        %dma_wait3A_248 = tpu.memref_slice %arg8[%mul3A_238, %dma_wait3A_247] : memref<10240x72xf32, #tpu.memory_space<vmem_shared>> -> memref<640x72xf32, #tpu.memory_space<vmem_shared>>
        tpu.wait_dma2 semaphore(%run_scoped3A : memref<!tpu.dma_semaphore, #tpu.memory_space<semaphore_mem>>) src(%dma_wait3A_248 : memref<640x72xf32, #tpu.memory_space<vmem_shared>>) dst(%dma_wait3A_246 : memref<640x72xf32, #tpu.memory_space<hbm>>)
        tpu.yield
      }) : () -> ()
    } else {
    }
    return
  }
}

#map = affine_map<(d0, d1) -> (0, 0, 0)>
#map1 = affine_map<(d0, d1) -> (0, 0)>
module attributes {stable_mosaic.version = 14 : i64} {
  func.func @edge_pass(%arg0: i32, %arg1: i32, %arg2: memref<2x2500x128xi32, #tpu.memory_space<hbm>>, %arg3: memref<10240x16xf32, #tpu.memory_space<hbm>>, %arg4: memref<10240x16xf32, #tpu.memory_space<hbm>>, %arg5: memref<10240x16xf32, #tpu.memory_space<hbm>>, %arg6: memref<10240x16xf32, #tpu.memory_space<hbm>>, %arg7: memref<10240x16xf32, #tpu.memory_space<hbm>>, %arg8: memref<10240x16xf32, #tpu.memory_space<vmem_shared>>, %arg9: memref<88x128xi32, #tpu.memory_space<vmem>>, %arg10: memref<88x128xi32, #tpu.memory_space<vmem>>, %arg11: memref<512x16xf32, #tpu.memory_space<vmem>>, %arg12: memref<512x16xf32, #tpu.memory_space<vmem>>, %arg13: memref<512x16xf32, #tpu.memory_space<vmem>>, %arg14: memref<512x16xf32, #tpu.memory_space<vmem>>, %arg15: memref<!tpu.dma_semaphore, #tpu.memory_space<semaphore_mem>>, %arg16: memref<!tpu.dma_semaphore, #tpu.memory_space<semaphore_mem>>, %arg17: memref<!tpu.dma_semaphore, #tpu.memory_space<semaphore_mem>>) attributes {dimension_semantics = [#tpu.dimension_semantics<core_parallel>, #tpu.dimension_semantics<subcore_parallel>], iteration_bounds = array<i64: 2, 16>, scalar_prefetch = 0 : i64, scratch_operands = 10 : i64, tpu.core_type = #tpu.core_type<sc_vector_subcore>, window_params = [{transform_indices = #map}, {transform_indices = #map1}, {transform_indices = #map1}, {transform_indices = #map1}, {transform_indices = #map1}, {transform_indices = #map1}]} {
    %mul3A = arith.constant 16 : i32
    %mul3A_0 = arith.muli %arg0, %mul3A : i32
    %add3A = arith.addi %mul3A_0, %arg1 : i32
    %iota3A = tpu.iota {dimensions = array<i32: 0>} : vector<16xi32>
    %mul3A_1 = arith.constant 640 : i32
    %mul3A_2 = arith.muli %arg1, %mul3A_1 : i32
    %mul3A_3 = arith.constant 640 : i32
    %mul3A_4 = arith.muli %arg1, %mul3A_3 : i32
    "tpu.region"() ({
      %run_scoped3A = tpu.sem_alloc : memref<!tpu.dma_semaphore, #tpu.memory_space<semaphore_mem>>
      %dma_start3A_164 = arith.constant 0 : i32
      %dma_start3A_165 = tpu.memref_slice %arg8[%mul3A_4, %dma_start3A_164] : memref<10240x16xf32, #tpu.memory_space<vmem_shared>> -> memref<640x16xf32, #tpu.memory_space<vmem_shared>>
      %dma_start3A_166 = arith.constant 0 : i32
      %dma_start3A_167 = tpu.memref_slice %arg5[%mul3A_2, %dma_start3A_166] : memref<10240x16xf32, #tpu.memory_space<hbm>> -> memref<640x16xf32, #tpu.memory_space<hbm>>
      tpu.enqueue_dma source(%dma_start3A_167 : memref<640x16xf32, #tpu.memory_space<hbm>>) target(%dma_start3A_165 : memref<640x16xf32, #tpu.memory_space<vmem_shared>>) target_semaphore(%run_scoped3A : memref<!tpu.dma_semaphore, #tpu.memory_space<semaphore_mem>>)
      %dma_wait3A_168 = arith.constant 0 : i32
      %dma_wait3A_169 = tpu.memref_slice %arg8[%mul3A_4, %dma_wait3A_168] : memref<10240x16xf32, #tpu.memory_space<vmem_shared>> -> memref<640x16xf32, #tpu.memory_space<vmem_shared>>
      %dma_wait3A_170 = arith.constant 0 : i32
      %dma_wait3A_171 = tpu.memref_slice %arg5[%mul3A_2, %dma_wait3A_170] : memref<10240x16xf32, #tpu.memory_space<hbm>> -> memref<640x16xf32, #tpu.memory_space<hbm>>
      tpu.wait_dma2 semaphore(%run_scoped3A : memref<!tpu.dma_semaphore, #tpu.memory_space<semaphore_mem>>) src(%dma_wait3A_171 : memref<640x16xf32, #tpu.memory_space<hbm>>) dst(%dma_wait3A_169 : memref<640x16xf32, #tpu.memory_space<vmem_shared>>)
      tpu.yield
    }) : () -> ()
    %scan3A = arith.constant 0 : i32
    %scan3A_5 = arith.constant 88 : i32
    %scan3A_6 = arith.addi %scan3A, %scan3A_5 : i32
    %scan3A_7 = arith.constant 1 : i32
    scf.for %scan3A_164 = %scan3A to %scan3A_6 step %scan3A_7  : i32 {
      %mul3A_165 = arith.constant 1 : i32
      %mul3A_166 = arith.muli %scan3A_164, %mul3A_165 : i32
      %add3A_167 = arith.constant 0 : i32
      %add3A_168 = arith.addi %add3A_167, %mul3A_166 : i32
      %mul3A_169 = arith.constant 88 : i32
      %mul3A_170 = arith.muli %add3A, %mul3A_169 : i32
      %add3A_171 = arith.addi %mul3A_170, %add3A_168 : i32
      %lt3A_172 = arith.constant 2500 : i32
      %lt3A_173 = arith.cmpi slt, %add3A_171, %lt3A_172 : i32
      %convert_element_type3A_174 = arith.extui %lt3A_173 : i1 to i32
      %cond3A_175 = arith.constant 0 : i32
      %cond3A_176 = arith.cmpi ne, %convert_element_type3A_174, %cond3A_175 : i32
      scf.if %cond3A_176 {
        %dma_start3A_181 = arith.constant 0 : i32
        %dma_start3A_182 = arith.constant 0 : i32
        %dma_start3A_183 = tpu.memref_slice %arg9[%add3A_168, %dma_start3A_182] : memref<88x128xi32, #tpu.memory_space<vmem>> -> memref<1x128xi32, #tpu.memory_space<vmem>>
        %dma_start3A_184 = tpu.memref_squeeze %dma_start3A_183 : memref<1x128xi32, #tpu.memory_space<vmem>> -> memref<128xi32, #tpu.memory_space<vmem>>
        %dma_start3A_185 = arith.constant 0 : i32
        %dma_start3A_186 = tpu.memref_slice %arg2[%dma_start3A_181, %add3A_171, %dma_start3A_185] : memref<2x2500x128xi32, #tpu.memory_space<hbm>> -> memref<1x1x128xi32, #tpu.memory_space<hbm>>
        %dma_start3A_187 = tpu.memref_squeeze %dma_start3A_186 : memref<1x1x128xi32, #tpu.memory_space<hbm>> -> memref<128xi32, #tpu.memory_space<hbm>>
        %dma_start3A_188 = arith.constant 0 : i32
        %dma_start3A_189 = tpu.memref_slice %arg9[%add3A_168, %dma_start3A_188] : memref<88x128xi32, #tpu.memory_space<vmem>> -> memref<1x128xi32, #tpu.memory_space<vmem>>
        %dma_start3A_190 = tpu.memref_squeeze %dma_start3A_189 : memref<1x128xi32, #tpu.memory_space<vmem>> -> memref<128xi32, #tpu.memory_space<vmem>>
        %dma_start3A_191 = arith.constant 0 : i32
        %dma_start3A_192 = tpu.memref_slice %arg2[%dma_start3A_181, %add3A_171, %dma_start3A_191] : memref<2x2500x128xi32, #tpu.memory_space<hbm>> -> memref<1x1x128xi32, #tpu.memory_space<hbm>>
        %dma_start3A_193 = tpu.memref_squeeze %dma_start3A_192 : memref<1x1x128xi32, #tpu.memory_space<hbm>> -> memref<128xi32, #tpu.memory_space<hbm>>
        tpu.enqueue_dma source(%dma_start3A_193 : memref<128xi32, #tpu.memory_space<hbm>>) target(%dma_start3A_190 : memref<128xi32, #tpu.memory_space<vmem>>) target_semaphore(%arg17 : memref<!tpu.dma_semaphore, #tpu.memory_space<semaphore_mem>>)
        %dma_start3A_194 = arith.constant 1 : i32
        %dma_start3A_195 = arith.constant 0 : i32
        %dma_start3A_196 = tpu.memref_slice %arg10[%add3A_168, %dma_start3A_195] : memref<88x128xi32, #tpu.memory_space<vmem>> -> memref<1x128xi32, #tpu.memory_space<vmem>>
        %dma_start3A_197 = tpu.memref_squeeze %dma_start3A_196 : memref<1x128xi32, #tpu.memory_space<vmem>> -> memref<128xi32, #tpu.memory_space<vmem>>
        %dma_start3A_198 = arith.constant 0 : i32
        %dma_start3A_199 = tpu.memref_slice %arg2[%dma_start3A_194, %add3A_171, %dma_start3A_198] : memref<2x2500x128xi32, #tpu.memory_space<hbm>> -> memref<1x1x128xi32, #tpu.memory_space<hbm>>
        %dma_start3A_200 = tpu.memref_squeeze %dma_start3A_199 : memref<1x1x128xi32, #tpu.memory_space<hbm>> -> memref<128xi32, #tpu.memory_space<hbm>>
        %dma_start3A_201 = arith.constant 0 : i32
        %dma_start3A_202 = tpu.memref_slice %arg10[%add3A_168, %dma_start3A_201] : memref<88x128xi32, #tpu.memory_space<vmem>> -> memref<1x128xi32, #tpu.memory_space<vmem>>
        %dma_start3A_203 = tpu.memref_squeeze %dma_start3A_202 : memref<1x128xi32, #tpu.memory_space<vmem>> -> memref<128xi32, #tpu.memory_space<vmem>>
        %dma_start3A_204 = arith.constant 0 : i32
        %dma_start3A_205 = tpu.memref_slice %arg2[%dma_start3A_194, %add3A_171, %dma_start3A_204] : memref<2x2500x128xi32, #tpu.memory_space<hbm>> -> memref<1x1x128xi32, #tpu.memory_space<hbm>>
        %dma_start3A_206 = tpu.memref_squeeze %dma_start3A_205 : memref<1x1x128xi32, #tpu.memory_space<hbm>> -> memref<128xi32, #tpu.memory_space<hbm>>
        tpu.enqueue_dma source(%dma_start3A_206 : memref<128xi32, #tpu.memory_space<hbm>>) target(%dma_start3A_203 : memref<128xi32, #tpu.memory_space<vmem>>) target_semaphore(%arg17 : memref<!tpu.dma_semaphore, #tpu.memory_space<semaphore_mem>>)
      } else {
      }
      %ge3A = arith.constant 2500 : i32
      %ge3A_177 = arith.cmpi sge, %add3A_171, %ge3A : i32
      %convert_element_type3A_178 = arith.extui %ge3A_177 : i1 to i32
      %cond3A_179 = arith.constant 0 : i32
      %cond3A_180 = arith.cmpi ne, %convert_element_type3A_178, %cond3A_179 : i32
      scf.if %cond3A_180 {
        %mul3A_181 = arith.constant 128 : i32
        %mul3A_182 = arith.muli %add3A_171, %mul3A_181 : i32
        %add3A_183 = arith.constant 0 : i32
        %add3A_184 = arith.addi %mul3A_182, %add3A_183 : i32
        %add3A_185 = vector.broadcast %add3A_184 : i32 to vector<16xi32>
        %add3A_186 = arith.addi %add3A_185, %iota3A : vector<16xi32>
        %lt3A_187 = arith.constant 330000 : i32
        %lt3A_188 = vector.broadcast %lt3A_187 : i32 to vector<16xi32>
        %lt3A_189 = arith.cmpi slt, %add3A_186, %lt3A_188 : vector<16xi32>
        %sub3A = arith.constant 320000 : i32
        %sub3A_190 = vector.broadcast %sub3A : i32 to vector<16xi32>
        %sub3A_191 = arith.subi %add3A_186, %sub3A_190 : vector<16xi32>
        %rem3A = arith.constant 240 : i32
        %rem3A_192 = vector.broadcast %rem3A : i32 to vector<16xi32>
        %rem3A_193 = arith.remsi %add3A_186, %rem3A_192 : vector<16xi32>
        %add3A_194 = arith.constant 10000 : i32
        %add3A_195 = vector.broadcast %add3A_194 : i32 to vector<16xi32>
        %add3A_196 = arith.addi %add3A_195, %rem3A_193 : vector<16xi32>
        %select_n3A = arith.select %lt3A_189, %sub3A_191, %add3A_196 : vector<16xi1>, vector<16xi32>
        %swap3A = arith.index_cast %add3A_168 : i32 to index
        %swap3A_197 = arith.constant 0 : index
        %swap3A_198 = tpu.vector_load %arg9[%swap3A, %swap3A_197] {strides = array<i32>} : memref<88x128xi32, #tpu.memory_space<vmem>>, vector<16xi32>,
        tpu.vector_store %arg9[%swap3A, %swap3A_197], %select_n3A {strides = array<i32>} : memref<88x128xi32, #tpu.memory_space<vmem>>, vector<16xi32>,
        %swap3A_199 = arith.index_cast %add3A_168 : i32 to index
        %swap3A_200 = arith.constant 0 : index
        %swap3A_201 = tpu.vector_load %arg10[%swap3A_199, %swap3A_200] {strides = array<i32>} : memref<88x128xi32, #tpu.memory_space<vmem>>, vector<16xi32>,
        tpu.vector_store %arg10[%swap3A_199, %swap3A_200], %select_n3A {strides = array<i32>} : memref<88x128xi32, #tpu.memory_space<vmem>>, vector<16xi32>,
        %mul3A_202 = arith.constant 128 : i32
        %mul3A_203 = arith.muli %add3A_171, %mul3A_202 : i32
        %add3A_204 = arith.constant 16 : i32
        %add3A_205 = arith.addi %mul3A_203, %add3A_204 : i32
        %add3A_206 = vector.broadcast %add3A_205 : i32 to vector<16xi32>
        %add3A_207 = arith.addi %add3A_206, %iota3A : vector<16xi32>
        %lt3A_208 = arith.constant 330000 : i32
        %lt3A_209 = vector.broadcast %lt3A_208 : i32 to vector<16xi32>
        %lt3A_210 = arith.cmpi slt, %add3A_207, %lt3A_209 : vector<16xi32>
        %sub3A_211 = arith.constant 320000 : i32
        %sub3A_212 = vector.broadcast %sub3A_211 : i32 to vector<16xi32>
        %sub3A_213 = arith.subi %add3A_207, %sub3A_212 : vector<16xi32>
        %rem3A_214 = arith.constant 240 : i32
        %rem3A_215 = vector.broadcast %rem3A_214 : i32 to vector<16xi32>
        %rem3A_216 = arith.remsi %add3A_207, %rem3A_215 : vector<16xi32>
        %add3A_217 = arith.constant 10000 : i32
        %add3A_218 = vector.broadcast %add3A_217 : i32 to vector<16xi32>
        %add3A_219 = arith.addi %add3A_218, %rem3A_216 : vector<16xi32>
        %select_n3A_220 = arith.select %lt3A_210, %sub3A_213, %add3A_219 : vector<16xi1>, vector<16xi32>
        %swap3A_221 = arith.index_cast %add3A_168 : i32 to index
        %swap3A_222 = arith.constant 16 : index
        %swap3A_223 = tpu.vector_load %arg9[%swap3A_221, %swap3A_222] {strides = array<i32>} : memref<88x128xi32, #tpu.memory_space<vmem>>, vector<16xi32>,
        tpu.vector_store %arg9[%swap3A_221, %swap3A_222], %select_n3A_220 {strides = array<i32>} : memref<88x128xi32, #tpu.memory_space<vmem>>, vector<16xi32>,
        %swap3A_224 = arith.index_cast %add3A_168 : i32 to index
        %swap3A_225 = arith.constant 16 : index
        %swap3A_226 = tpu.vector_load %arg10[%swap3A_224, %swap3A_225] {strides = array<i32>} : memref<88x128xi32, #tpu.memory_space<vmem>>, vector<16xi32>,
        tpu.vector_store %arg10[%swap3A_224, %swap3A_225], %select_n3A_220 {strides = array<i32>} : memref<88x128xi32, #tpu.memory_space<vmem>>, vector<16xi32>,
        %mul3A_227 = arith.constant 128 : i32
        %mul3A_228 = arith.muli %add3A_171, %mul3A_227 : i32
        %add3A_229 = arith.constant 32 : i32
        %add3A_230 = arith.addi %mul3A_228, %add3A_229 : i32
        %add3A_231 = vector.broadcast %add3A_230 : i32 to vector<16xi32>
        %add3A_232 = arith.addi %add3A_231, %iota3A : vector<16xi32>
        %lt3A_233 = arith.constant 330000 : i32
        %lt3A_234 = vector.broadcast %lt3A_233 : i32 to vector<16xi32>
        %lt3A_235 = arith.cmpi slt, %add3A_232, %lt3A_234 : vector<16xi32>
        %sub3A_236 = arith.constant 320000 : i32
        %sub3A_237 = vector.broadcast %sub3A_236 : i32 to vector<16xi32>
        %sub3A_238 = arith.subi %add3A_232, %sub3A_237 : vector<16xi32>
        %rem3A_239 = arith.constant 240 : i32
        %rem3A_240 = vector.broadcast %rem3A_239 : i32 to vector<16xi32>
        %rem3A_241 = arith.remsi %add3A_232, %rem3A_240 : vector<16xi32>
        %add3A_242 = arith.constant 10000 : i32
        %add3A_243 = vector.broadcast %add3A_242 : i32 to vector<16xi32>
        %add3A_244 = arith.addi %add3A_243, %rem3A_241 : vector<16xi32>
        %select_n3A_245 = arith.select %lt3A_235, %sub3A_238, %add3A_244 : vector<16xi1>, vector<16xi32>
        %swap3A_246 = arith.index_cast %add3A_168 : i32 to index
        %swap3A_247 = arith.constant 32 : index
        %swap3A_248 = tpu.vector_load %arg9[%swap3A_246, %swap3A_247] {strides = array<i32>} : memref<88x128xi32, #tpu.memory_space<vmem>>, vector<16xi32>,
        tpu.vector_store %arg9[%swap3A_246, %swap3A_247], %select_n3A_245 {strides = array<i32>} : memref<88x128xi32, #tpu.memory_space<vmem>>, vector<16xi32>,
        %swap3A_249 = arith.index_cast %add3A_168 : i32 to index
        %swap3A_250 = arith.constant 32 : index
        %swap3A_251 = tpu.vector_load %arg10[%swap3A_249, %swap3A_250] {strides = array<i32>} : memref<88x128xi32, #tpu.memory_space<vmem>>, vector<16xi32>,
        tpu.vector_store %arg10[%swap3A_249, %swap3A_250], %select_n3A_245 {strides = array<i32>} : memref<88x128xi32, #tpu.memory_space<vmem>>, vector<16xi32>,
        %mul3A_252 = arith.constant 128 : i32
        %mul3A_253 = arith.muli %add3A_171, %mul3A_252 : i32
        %add3A_254 = arith.constant 48 : i32
        %add3A_255 = arith.addi %mul3A_253, %add3A_254 : i32
        %add3A_256 = vector.broadcast %add3A_255 : i32 to vector<16xi32>
        %add3A_257 = arith.addi %add3A_256, %iota3A : vector<16xi32>
        %lt3A_258 = arith.constant 330000 : i32
        %lt3A_259 = vector.broadcast %lt3A_258 : i32 to vector<16xi32>
        %lt3A_260 = arith.cmpi slt, %add3A_257, %lt3A_259 : vector<16xi32>
        %sub3A_261 = arith.constant 320000 : i32
        %sub3A_262 = vector.broadcast %sub3A_261 : i32 to vector<16xi32>
        %sub3A_263 = arith.subi %add3A_257, %sub3A_262 : vector<16xi32>
        %rem3A_264 = arith.constant 240 : i32
        %rem3A_265 = vector.broadcast %rem3A_264 : i32 to vector<16xi32>
        %rem3A_266 = arith.remsi %add3A_257, %rem3A_265 : vector<16xi32>
        %add3A_267 = arith.constant 10000 : i32
        %add3A_268 = vector.broadcast %add3A_267 : i32 to vector<16xi32>
        %add3A_269 = arith.addi %add3A_268, %rem3A_266 : vector<16xi32>
        %select_n3A_270 = arith.select %lt3A_260, %sub3A_263, %add3A_269 : vector<16xi1>, vector<16xi32>
        %swap3A_271 = arith.index_cast %add3A_168 : i32 to index
        %swap3A_272 = arith.constant 48 : index
        %swap3A_273 = tpu.vector_load %arg9[%swap3A_271, %swap3A_272] {strides = array<i32>} : memref<88x128xi32, #tpu.memory_space<vmem>>, vector<16xi32>,
        tpu.vector_store %arg9[%swap3A_271, %swap3A_272], %select_n3A_270 {strides = array<i32>} : memref<88x128xi32, #tpu.memory_space<vmem>>, vector<16xi32>,
        %swap3A_274 = arith.index_cast %add3A_168 : i32 to index
        %swap3A_275 = arith.constant 48 : index
        %swap3A_276 = tpu.vector_load %arg10[%swap3A_274, %swap3A_275] {strides = array<i32>} : memref<88x128xi32, #tpu.memory_space<vmem>>, vector<16xi32>,
        tpu.vector_store %arg10[%swap3A_274, %swap3A_275], %select_n3A_270 {strides = array<i32>} : memref<88x128xi32, #tpu.memory_space<vmem>>, vector<16xi32>,
        %mul3A_277 = arith.constant 128 : i32
        %mul3A_278 = arith.muli %add3A_171, %mul3A_277 : i32
        %add3A_279 = arith.constant 64 : i32
        %add3A_280 = arith.addi %mul3A_278, %add3A_279 : i32
        %add3A_281 = vector.broadcast %add3A_280 : i32 to vector<16xi32>
        %add3A_282 = arith.addi %add3A_281, %iota3A : vector<16xi32>
        %lt3A_283 = arith.constant 330000 : i32
        %lt3A_284 = vector.broadcast %lt3A_283 : i32 to vector<16xi32>
        %lt3A_285 = arith.cmpi slt, %add3A_282, %lt3A_284 : vector<16xi32>
        %sub3A_286 = arith.constant 320000 : i32
        %sub3A_287 = vector.broadcast %sub3A_286 : i32 to vector<16xi32>
        %sub3A_288 = arith.subi %add3A_282, %sub3A_287 : vector<16xi32>
        %rem3A_289 = arith.constant 240 : i32
        %rem3A_290 = vector.broadcast %rem3A_289 : i32 to vector<16xi32>
        %rem3A_291 = arith.remsi %add3A_282, %rem3A_290 : vector<16xi32>
        %add3A_292 = arith.constant 10000 : i32
        %add3A_293 = vector.broadcast %add3A_292 : i32 to vector<16xi32>
        %add3A_294 = arith.addi %add3A_293, %rem3A_291 : vector<16xi32>
        %select_n3A_295 = arith.select %lt3A_285, %sub3A_288, %add3A_294 : vector<16xi1>, vector<16xi32>
        %swap3A_296 = arith.index_cast %add3A_168 : i32 to index
        %swap3A_297 = arith.constant 64 : index
        %swap3A_298 = tpu.vector_load %arg9[%swap3A_296, %swap3A_297] {strides = array<i32>} : memref<88x128xi32, #tpu.memory_space<vmem>>, vector<16xi32>,
        tpu.vector_store %arg9[%swap3A_296, %swap3A_297], %select_n3A_295 {strides = array<i32>} : memref<88x128xi32, #tpu.memory_space<vmem>>, vector<16xi32>,
        %swap3A_299 = arith.index_cast %add3A_168 : i32 to index
        %swap3A_300 = arith.constant 64 : index
        %swap3A_301 = tpu.vector_load %arg10[%swap3A_299, %swap3A_300] {strides = array<i32>} : memref<88x128xi32, #tpu.memory_space<vmem>>, vector<16xi32>,
        tpu.vector_store %arg10[%swap3A_299, %swap3A_300], %select_n3A_295 {strides = array<i32>} : memref<88x128xi32, #tpu.memory_space<vmem>>, vector<16xi32>,
        %mul3A_302 = arith.constant 128 : i32
        %mul3A_303 = arith.muli %add3A_171, %mul3A_302 : i32
        %add3A_304 = arith.constant 80 : i32
        %add3A_305 = arith.addi %mul3A_303, %add3A_304 : i32
        %add3A_306 = vector.broadcast %add3A_305 : i32 to vector<16xi32>
        %add3A_307 = arith.addi %add3A_306, %iota3A : vector<16xi32>
        %lt3A_308 = arith.constant 330000 : i32
        %lt3A_309 = vector.broadcast %lt3A_308 : i32 to vector<16xi32>
        %lt3A_310 = arith.cmpi slt, %add3A_307, %lt3A_309 : vector<16xi32>
        %sub3A_311 = arith.constant 320000 : i32
        %sub3A_312 = vector.broadcast %sub3A_311 : i32 to vector<16xi32>
        %sub3A_313 = arith.subi %add3A_307, %sub3A_312 : vector<16xi32>
        %rem3A_314 = arith.constant 240 : i32
        %rem3A_315 = vector.broadcast %rem3A_314 : i32 to vector<16xi32>
        %rem3A_316 = arith.remsi %add3A_307, %rem3A_315 : vector<16xi32>
        %add3A_317 = arith.constant 10000 : i32
        %add3A_318 = vector.broadcast %add3A_317 : i32 to vector<16xi32>
        %add3A_319 = arith.addi %add3A_318, %rem3A_316 : vector<16xi32>
        %select_n3A_320 = arith.select %lt3A_310, %sub3A_313, %add3A_319 : vector<16xi1>, vector<16xi32>
        %swap3A_321 = arith.index_cast %add3A_168 : i32 to index
        %swap3A_322 = arith.constant 80 : index
        %swap3A_323 = tpu.vector_load %arg9[%swap3A_321, %swap3A_322] {strides = array<i32>} : memref<88x128xi32, #tpu.memory_space<vmem>>, vector<16xi32>,
        tpu.vector_store %arg9[%swap3A_321, %swap3A_322], %select_n3A_320 {strides = array<i32>} : memref<88x128xi32, #tpu.memory_space<vmem>>, vector<16xi32>,
        %swap3A_324 = arith.index_cast %add3A_168 : i32 to index
        %swap3A_325 = arith.constant 80 : index
        %swap3A_326 = tpu.vector_load %arg10[%swap3A_324, %swap3A_325] {strides = array<i32>} : memref<88x128xi32, #tpu.memory_space<vmem>>, vector<16xi32>,
        tpu.vector_store %arg10[%swap3A_324, %swap3A_325], %select_n3A_320 {strides = array<i32>} : memref<88x128xi32, #tpu.memory_space<vmem>>, vector<16xi32>,
        %mul3A_327 = arith.constant 128 : i32
        %mul3A_328 = arith.muli %add3A_171, %mul3A_327 : i32
        %add3A_329 = arith.constant 96 : i32
        %add3A_330 = arith.addi %mul3A_328, %add3A_329 : i32
        %add3A_331 = vector.broadcast %add3A_330 : i32 to vector<16xi32>
        %add3A_332 = arith.addi %add3A_331, %iota3A : vector<16xi32>
        %lt3A_333 = arith.constant 330000 : i32
        %lt3A_334 = vector.broadcast %lt3A_333 : i32 to vector<16xi32>
        %lt3A_335 = arith.cmpi slt, %add3A_332, %lt3A_334 : vector<16xi32>
        %sub3A_336 = arith.constant 320000 : i32
        %sub3A_337 = vector.broadcast %sub3A_336 : i32 to vector<16xi32>
        %sub3A_338 = arith.subi %add3A_332, %sub3A_337 : vector<16xi32>
        %rem3A_339 = arith.constant 240 : i32
        %rem3A_340 = vector.broadcast %rem3A_339 : i32 to vector<16xi32>
        %rem3A_341 = arith.remsi %add3A_332, %rem3A_340 : vector<16xi32>
        %add3A_342 = arith.constant 10000 : i32
        %add3A_343 = vector.broadcast %add3A_342 : i32 to vector<16xi32>
        %add3A_344 = arith.addi %add3A_343, %rem3A_341 : vector<16xi32>
        %select_n3A_345 = arith.select %lt3A_335, %sub3A_338, %add3A_344 : vector<16xi1>, vector<16xi32>
        %swap3A_346 = arith.index_cast %add3A_168 : i32 to index
        %swap3A_347 = arith.constant 96 : index
        %swap3A_348 = tpu.vector_load %arg9[%swap3A_346, %swap3A_347] {strides = array<i32>} : memref<88x128xi32, #tpu.memory_space<vmem>>, vector<16xi32>,
        tpu.vector_store %arg9[%swap3A_346, %swap3A_347], %select_n3A_345 {strides = array<i32>} : memref<88x128xi32, #tpu.memory_space<vmem>>, vector<16xi32>,
        %swap3A_349 = arith.index_cast %add3A_168 : i32 to index
        %swap3A_350 = arith.constant 96 : index
        %swap3A_351 = tpu.vector_load %arg10[%swap3A_349, %swap3A_350] {strides = array<i32>} : memref<88x128xi32, #tpu.memory_space<vmem>>, vector<16xi32>,
        tpu.vector_store %arg10[%swap3A_349, %swap3A_350], %select_n3A_345 {strides = array<i32>} : memref<88x128xi32, #tpu.memory_space<vmem>>, vector<16xi32>,
        %mul3A_352 = arith.constant 128 : i32
        %mul3A_353 = arith.muli %add3A_171, %mul3A_352 : i32
        %add3A_354 = arith.constant 112 : i32
        %add3A_355 = arith.addi %mul3A_353, %add3A_354 : i32
        %add3A_356 = vector.broadcast %add3A_355 : i32 to vector<16xi32>
        %add3A_357 = arith.addi %add3A_356, %iota3A : vector<16xi32>
        %lt3A_358 = arith.constant 330000 : i32
        %lt3A_359 = vector.broadcast %lt3A_358 : i32 to vector<16xi32>
        %lt3A_360 = arith.cmpi slt, %add3A_357, %lt3A_359 : vector<16xi32>
        %sub3A_361 = arith.constant 320000 : i32
        %sub3A_362 = vector.broadcast %sub3A_361 : i32 to vector<16xi32>
        %sub3A_363 = arith.subi %add3A_357, %sub3A_362 : vector<16xi32>
        %rem3A_364 = arith.constant 240 : i32
        %rem3A_365 = vector.broadcast %rem3A_364 : i32 to vector<16xi32>
        %rem3A_366 = arith.remsi %add3A_357, %rem3A_365 : vector<16xi32>
        %add3A_367 = arith.constant 10000 : i32
        %add3A_368 = vector.broadcast %add3A_367 : i32 to vector<16xi32>
        %add3A_369 = arith.addi %add3A_368, %rem3A_366 : vector<16xi32>
        %select_n3A_370 = arith.select %lt3A_360, %sub3A_363, %add3A_369 : vector<16xi1>, vector<16xi32>
        %swap3A_371 = arith.index_cast %add3A_168 : i32 to index
        %swap3A_372 = arith.constant 112 : index
        %swap3A_373 = tpu.vector_load %arg9[%swap3A_371, %swap3A_372] {strides = array<i32>} : memref<88x128xi32, #tpu.memory_space<vmem>>, vector<16xi32>,
        tpu.vector_store %arg9[%swap3A_371, %swap3A_372], %select_n3A_370 {strides = array<i32>} : memref<88x128xi32, #tpu.memory_space<vmem>>, vector<16xi32>,
        %swap3A_374 = arith.index_cast %add3A_168 : i32 to index
        %swap3A_375 = arith.constant 112 : index
        %swap3A_376 = tpu.vector_load %arg10[%swap3A_374, %swap3A_375] {strides = array<i32>} : memref<88x128xi32, #tpu.memory_space<vmem>>, vector<16xi32>,
        tpu.vector_store %arg10[%swap3A_374, %swap3A_375], %select_n3A_370 {strides = array<i32>} : memref<88x128xi32, #tpu.memory_space<vmem>>, vector<16xi32>,
      } else {
      }
    }
    %scan3A_8 = arith.constant 88 : i32
    %scan3A_9 = arith.constant 0 : i32
    %scan3A_10 = arith.constant 88 : i32
    %scan3A_11 = arith.addi %scan3A_9, %scan3A_10 : i32
    %scan3A_12 = arith.constant 1 : i32
    scf.for %scan3A_164 = %scan3A_9 to %scan3A_11 step %scan3A_12  : i32 {
      %mul3A_165 = arith.constant 1 : i32
      %mul3A_166 = arith.muli %scan3A_164, %mul3A_165 : i32
      %add3A_167 = arith.constant 0 : i32
      %add3A_168 = arith.addi %add3A_167, %mul3A_166 : i32
      %mul3A_169 = arith.constant 88 : i32
      %mul3A_170 = arith.muli %add3A, %mul3A_169 : i32
      %add3A_171 = arith.addi %mul3A_170, %add3A_168 : i32
      %lt3A_172 = arith.constant 2500 : i32
      %lt3A_173 = arith.cmpi slt, %add3A_171, %lt3A_172 : i32
      %convert_element_type3A_174 = arith.extui %lt3A_173 : i1 to i32
      %cond3A_175 = arith.constant 0 : i32
      %cond3A_176 = arith.cmpi ne, %convert_element_type3A_174, %cond3A_175 : i32
      scf.if %cond3A_176 {
        %dma_wait3A_177 = arith.constant 0 : i32
        %dma_wait3A_178 = arith.constant 0 : i32
        %dma_wait3A_179 = tpu.memref_slice %arg9[%add3A_168, %dma_wait3A_178] : memref<88x128xi32, #tpu.memory_space<vmem>> -> memref<1x128xi32, #tpu.memory_space<vmem>>
        %dma_wait3A_180 = tpu.memref_squeeze %dma_wait3A_179 : memref<1x128xi32, #tpu.memory_space<vmem>> -> memref<128xi32, #tpu.memory_space<vmem>>
        %dma_wait3A_181 = arith.constant 0 : i32
        %dma_wait3A_182 = tpu.memref_slice %arg2[%dma_wait3A_177, %add3A_171, %dma_wait3A_181] : memref<2x2500x128xi32, #tpu.memory_space<hbm>> -> memref<1x1x128xi32, #tpu.memory_space<hbm>>
        %dma_wait3A_183 = tpu.memref_squeeze %dma_wait3A_182 : memref<1x1x128xi32, #tpu.memory_space<hbm>> -> memref<128xi32, #tpu.memory_space<hbm>>
        %dma_wait3A_184 = arith.constant 0 : i32
        %dma_wait3A_185 = tpu.memref_slice %arg9[%add3A_168, %dma_wait3A_184] : memref<88x128xi32, #tpu.memory_space<vmem>> -> memref<1x128xi32, #tpu.memory_space<vmem>>
        %dma_wait3A_186 = tpu.memref_squeeze %dma_wait3A_185 : memref<1x128xi32, #tpu.memory_space<vmem>> -> memref<128xi32, #tpu.memory_space<vmem>>
        %dma_wait3A_187 = arith.constant 0 : i32
        %dma_wait3A_188 = tpu.memref_slice %arg2[%dma_wait3A_177, %add3A_171, %dma_wait3A_187] : memref<2x2500x128xi32, #tpu.memory_space<hbm>> -> memref<1x1x128xi32, #tpu.memory_space<hbm>>
        %dma_wait3A_189 = tpu.memref_squeeze %dma_wait3A_188 : memref<1x1x128xi32, #tpu.memory_space<hbm>> -> memref<128xi32, #tpu.memory_space<hbm>>
        tpu.wait_dma2 semaphore(%arg17 : memref<!tpu.dma_semaphore, #tpu.memory_space<semaphore_mem>>) src(%dma_wait3A_189 : memref<128xi32, #tpu.memory_space<hbm>>) dst(%dma_wait3A_186 : memref<128xi32, #tpu.memory_space<vmem>>)
        %dma_wait3A_190 = arith.constant 1 : i32
        %dma_wait3A_191 = arith.constant 0 : i32
        %dma_wait3A_192 = tpu.memref_slice %arg10[%add3A_168, %dma_wait3A_191] : memref<88x128xi32, #tpu.memory_space<vmem>> -> memref<1x128xi32, #tpu.memory_space<vmem>>
        %dma_wait3A_193 = tpu.memref_squeeze %dma_wait3A_192 : memref<1x128xi32, #tpu.memory_space<vmem>> -> memref<128xi32, #tpu.memory_space<vmem>>
        %dma_wait3A_194 = arith.constant 0 : i32
        %dma_wait3A_195 = tpu.memref_slice %arg2[%dma_wait3A_190, %add3A_171, %dma_wait3A_194] : memref<2x2500x128xi32, #tpu.memory_space<hbm>> -> memref<1x1x128xi32, #tpu.memory_space<hbm>>
        %dma_wait3A_196 = tpu.memref_squeeze %dma_wait3A_195 : memref<1x1x128xi32, #tpu.memory_space<hbm>> -> memref<128xi32, #tpu.memory_space<hbm>>
        %dma_wait3A_197 = arith.constant 0 : i32
        %dma_wait3A_198 = tpu.memref_slice %arg10[%add3A_168, %dma_wait3A_197] : memref<88x128xi32, #tpu.memory_space<vmem>> -> memref<1x128xi32, #tpu.memory_space<vmem>>
        %dma_wait3A_199 = tpu.memref_squeeze %dma_wait3A_198 : memref<1x128xi32, #tpu.memory_space<vmem>> -> memref<128xi32, #tpu.memory_space<vmem>>
        %dma_wait3A_200 = arith.constant 0 : i32
        %dma_wait3A_201 = tpu.memref_slice %arg2[%dma_wait3A_190, %add3A_171, %dma_wait3A_200] : memref<2x2500x128xi32, #tpu.memory_space<hbm>> -> memref<1x1x128xi32, #tpu.memory_space<hbm>>
        %dma_wait3A_202 = tpu.memref_squeeze %dma_wait3A_201 : memref<1x1x128xi32, #tpu.memory_space<hbm>> -> memref<128xi32, #tpu.memory_space<hbm>>
        tpu.wait_dma2 semaphore(%arg17 : memref<!tpu.dma_semaphore, #tpu.memory_space<semaphore_mem>>) src(%dma_wait3A_202 : memref<128xi32, #tpu.memory_space<hbm>>) dst(%dma_wait3A_199 : memref<128xi32, #tpu.memory_space<vmem>>)
      } else {
      }
    }
    %scan3A_13 = arith.constant 88 : i32
    %barrier3A = arith.constant 0 : index
    tpu.barrier barrier_id(%barrier3A)
    %broadcast_in_dim3A = arith.constant 0 : i32
    %broadcast_in_dim3A_14 = vector.broadcast %broadcast_in_dim3A : i32 to vector<16xi32>
    %add3A_15 = arith.constant 8 : i32
    %add3A_16 = vector.broadcast %add3A_15 : i32 to vector<16xi32>
    %add3A_17 = arith.addi %broadcast_in_dim3A_14, %add3A_16 : vector<16xi32>
    %lt3A = arith.constant 8 : i32
    %lt3A_18 = vector.broadcast %lt3A : i32 to vector<16xi32>
    %lt3A_19 = arith.cmpi slt, %iota3A, %lt3A_18 : vector<16xi32>
    %eq3A = arith.constant 8 : i32
    %eq3A_20 = vector.broadcast %eq3A : i32 to vector<16xi32>
    %eq3A_21 = arith.cmpi eq, %iota3A, %eq3A_20 : vector<16xi32>
    %broadcast_in_dim3A_22 = arith.constant 0.000000e+00 : f32
    %broadcast_in_dim3A_23 = vector.broadcast %broadcast_in_dim3A_22 : f32 to vector<16xf32>
    %dma_start3A = arith.constant 0 : i32
    %dma_start3A_24 = arith.constant 0 : i32
    %dma_start3A_25 = arith.constant 0 : i32
    %dma_start3A_26 = tpu.memref_slice %arg11[%dma_start3A_24, %dma_start3A_25] : memref<512x16xf32, #tpu.memory_space<vmem>> -> memref<128x16xf32, #tpu.memory_space<vmem>>
    %dma_start3A_27 = arith.constant 0 : i32
    %dma_start3A_28 = tpu.memref_slice %arg9[%dma_start3A, %dma_start3A_27] : memref<88x128xi32, #tpu.memory_space<vmem>> -> memref<1x128xi32, #tpu.memory_space<vmem>>
    %dma_start3A_29 = tpu.memref_squeeze %dma_start3A_28 : memref<1x128xi32, #tpu.memory_space<vmem>> -> memref<128xi32, #tpu.memory_space<vmem>>
    %dma_start3A_30 = arith.constant 0 : i32
    %dma_start3A_31 = arith.constant 0 : i32
    %dma_start3A_32 = tpu.memref_slice %arg3[%dma_start3A_30, %dma_start3A_31] : memref<10240x16xf32, #tpu.memory_space<hbm>> -> memref<10240x16xf32, #tpu.memory_space<hbm>>
    tpu.enqueue_indirect_dma source(%dma_start3A_32 : memref<10240x16xf32, #tpu.memory_space<hbm>>) target(%dma_start3A_26 : memref<128x16xf32, #tpu.memory_space<vmem>>) offsets(%dma_start3A_29 : memref<128xi32, #tpu.memory_space<vmem>>) semaphore(%arg15 : memref<!tpu.dma_semaphore, #tpu.memory_space<semaphore_mem>>)
    %dma_start3A_33 = arith.constant 0 : i32
    %dma_start3A_34 = arith.constant 0 : i32
    %dma_start3A_35 = arith.constant 0 : i32
    %dma_start3A_36 = tpu.memref_slice %arg13[%dma_start3A_34, %dma_start3A_35] : memref<512x16xf32, #tpu.memory_space<vmem>> -> memref<128x16xf32, #tpu.memory_space<vmem>>
    %dma_start3A_37 = arith.constant 0 : i32
    %dma_start3A_38 = tpu.memref_slice %arg10[%dma_start3A_33, %dma_start3A_37] : memref<88x128xi32, #tpu.memory_space<vmem>> -> memref<1x128xi32, #tpu.memory_space<vmem>>
    %dma_start3A_39 = tpu.memref_squeeze %dma_start3A_38 : memref<1x128xi32, #tpu.memory_space<vmem>> -> memref<128xi32, #tpu.memory_space<vmem>>
    %dma_start3A_40 = arith.constant 0 : i32
    %dma_start3A_41 = arith.constant 0 : i32
    %dma_start3A_42 = tpu.memref_slice %arg4[%dma_start3A_40, %dma_start3A_41] : memref<10240x16xf32, #tpu.memory_space<hbm>> -> memref<10240x16xf32, #tpu.memory_space<hbm>>
    tpu.enqueue_indirect_dma source(%dma_start3A_42 : memref<10240x16xf32, #tpu.memory_space<hbm>>) target(%dma_start3A_36 : memref<128x16xf32, #tpu.memory_space<vmem>>) offsets(%dma_start3A_39 : memref<128xi32, #tpu.memory_space<vmem>>) semaphore(%arg15 : memref<!tpu.dma_semaphore, #tpu.memory_space<semaphore_mem>>)
    %dma_start3A_43 = arith.constant 1 : i32
    %dma_start3A_44 = arith.constant 128 : i32
    %dma_start3A_45 = arith.constant 0 : i32
    %dma_start3A_46 = tpu.memref_slice %arg11[%dma_start3A_44, %dma_start3A_45] : memref<512x16xf32, #tpu.memory_space<vmem>> -> memref<128x16xf32, #tpu.memory_space<vmem>>
    %dma_start3A_47 = arith.constant 0 : i32
    %dma_start3A_48 = tpu.memref_slice %arg9[%dma_start3A_43, %dma_start3A_47] : memref<88x128xi32, #tpu.memory_space<vmem>> -> memref<1x128xi32, #tpu.memory_space<vmem>>
    %dma_start3A_49 = tpu.memref_squeeze %dma_start3A_48 : memref<1x128xi32, #tpu.memory_space<vmem>> -> memref<128xi32, #tpu.memory_space<vmem>>
    %dma_start3A_50 = arith.constant 0 : i32
    %dma_start3A_51 = arith.constant 0 : i32
    %dma_start3A_52 = tpu.memref_slice %arg3[%dma_start3A_50, %dma_start3A_51] : memref<10240x16xf32, #tpu.memory_space<hbm>> -> memref<10240x16xf32, #tpu.memory_space<hbm>>
    tpu.enqueue_indirect_dma source(%dma_start3A_52 : memref<10240x16xf32, #tpu.memory_space<hbm>>) target(%dma_start3A_46 : memref<128x16xf32, #tpu.memory_space<vmem>>) offsets(%dma_start3A_49 : memref<128xi32, #tpu.memory_space<vmem>>) semaphore(%arg15 : memref<!tpu.dma_semaphore, #tpu.memory_space<semaphore_mem>>)
    %dma_start3A_53 = arith.constant 1 : i32
    %dma_start3A_54 = arith.constant 128 : i32
    %dma_start3A_55 = arith.constant 0 : i32
    %dma_start3A_56 = tpu.memref_slice %arg13[%dma_start3A_54, %dma_start3A_55] : memref<512x16xf32, #tpu.memory_space<vmem>> -> memref<128x16xf32, #tpu.memory_space<vmem>>
    %dma_start3A_57 = arith.constant 0 : i32
    %dma_start3A_58 = tpu.memref_slice %arg10[%dma_start3A_53, %dma_start3A_57] : memref<88x128xi32, #tpu.memory_space<vmem>> -> memref<1x128xi32, #tpu.memory_space<vmem>>
    %dma_start3A_59 = tpu.memref_squeeze %dma_start3A_58 : memref<1x128xi32, #tpu.memory_space<vmem>> -> memref<128xi32, #tpu.memory_space<vmem>>
    %dma_start3A_60 = arith.constant 0 : i32
    %dma_start3A_61 = arith.constant 0 : i32
    %dma_start3A_62 = tpu.memref_slice %arg4[%dma_start3A_60, %dma_start3A_61] : memref<10240x16xf32, #tpu.memory_space<hbm>> -> memref<10240x16xf32, #tpu.memory_space<hbm>>
    tpu.enqueue_indirect_dma source(%dma_start3A_62 : memref<10240x16xf32, #tpu.memory_space<hbm>>) target(%dma_start3A_56 : memref<128x16xf32, #tpu.memory_space<vmem>>) offsets(%dma_start3A_59 : memref<128xi32, #tpu.memory_space<vmem>>) semaphore(%arg15 : memref<!tpu.dma_semaphore, #tpu.memory_space<semaphore_mem>>)
    %dma_start3A_63 = arith.constant 2 : i32
    %dma_start3A_64 = arith.constant 256 : i32
    %dma_start3A_65 = arith.constant 0 : i32
    %dma_start3A_66 = tpu.memref_slice %arg11[%dma_start3A_64, %dma_start3A_65] : memref<512x16xf32, #tpu.memory_space<vmem>> -> memref<128x16xf32, #tpu.memory_space<vmem>>
    %dma_start3A_67 = arith.constant 0 : i32
    %dma_start3A_68 = tpu.memref_slice %arg9[%dma_start3A_63, %dma_start3A_67] : memref<88x128xi32, #tpu.memory_space<vmem>> -> memref<1x128xi32, #tpu.memory_space<vmem>>
    %dma_start3A_69 = tpu.memref_squeeze %dma_start3A_68 : memref<1x128xi32, #tpu.memory_space<vmem>> -> memref<128xi32, #tpu.memory_space<vmem>>
    %dma_start3A_70 = arith.constant 0 : i32
    %dma_start3A_71 = arith.constant 0 : i32
    %dma_start3A_72 = tpu.memref_slice %arg3[%dma_start3A_70, %dma_start3A_71] : memref<10240x16xf32, #tpu.memory_space<hbm>> -> memref<10240x16xf32, #tpu.memory_space<hbm>>
    tpu.enqueue_indirect_dma source(%dma_start3A_72 : memref<10240x16xf32, #tpu.memory_space<hbm>>) target(%dma_start3A_66 : memref<128x16xf32, #tpu.memory_space<vmem>>) offsets(%dma_start3A_69 : memref<128xi32, #tpu.memory_space<vmem>>) semaphore(%arg15 : memref<!tpu.dma_semaphore, #tpu.memory_space<semaphore_mem>>)
    %dma_start3A_73 = arith.constant 2 : i32
    %dma_start3A_74 = arith.constant 256 : i32
    %dma_start3A_75 = arith.constant 0 : i32
    %dma_start3A_76 = tpu.memref_slice %arg13[%dma_start3A_74, %dma_start3A_75] : memref<512x16xf32, #tpu.memory_space<vmem>> -> memref<128x16xf32, #tpu.memory_space<vmem>>
    %dma_start3A_77 = arith.constant 0 : i32
    %dma_start3A_78 = tpu.memref_slice %arg10[%dma_start3A_73, %dma_start3A_77] : memref<88x128xi32, #tpu.memory_space<vmem>> -> memref<1x128xi32, #tpu.memory_space<vmem>>
    %dma_start3A_79 = tpu.memref_squeeze %dma_start3A_78 : memref<1x128xi32, #tpu.memory_space<vmem>> -> memref<128xi32, #tpu.memory_space<vmem>>
    %dma_start3A_80 = arith.constant 0 : i32
    %dma_start3A_81 = arith.constant 0 : i32
    %dma_start3A_82 = tpu.memref_slice %arg4[%dma_start3A_80, %dma_start3A_81] : memref<10240x16xf32, #tpu.memory_space<hbm>> -> memref<10240x16xf32, #tpu.memory_space<hbm>>
    tpu.enqueue_indirect_dma source(%dma_start3A_82 : memref<10240x16xf32, #tpu.memory_space<hbm>>) target(%dma_start3A_76 : memref<128x16xf32, #tpu.memory_space<vmem>>) offsets(%dma_start3A_79 : memref<128xi32, #tpu.memory_space<vmem>>) semaphore(%arg15 : memref<!tpu.dma_semaphore, #tpu.memory_space<semaphore_mem>>)
    %dma_start3A_83 = arith.constant 3 : i32
    %dma_start3A_84 = arith.constant 384 : i32
    %dma_start3A_85 = arith.constant 0 : i32
    %dma_start3A_86 = tpu.memref_slice %arg11[%dma_start3A_84, %dma_start3A_85] : memref<512x16xf32, #tpu.memory_space<vmem>> -> memref<128x16xf32, #tpu.memory_space<vmem>>
    %dma_start3A_87 = arith.constant 0 : i32
    %dma_start3A_88 = tpu.memref_slice %arg9[%dma_start3A_83, %dma_start3A_87] : memref<88x128xi32, #tpu.memory_space<vmem>> -> memref<1x128xi32, #tpu.memory_space<vmem>>
    %dma_start3A_89 = tpu.memref_squeeze %dma_start3A_88 : memref<1x128xi32, #tpu.memory_space<vmem>> -> memref<128xi32, #tpu.memory_space<vmem>>
    %dma_start3A_90 = arith.constant 0 : i32
    %dma_start3A_91 = arith.constant 0 : i32
    %dma_start3A_92 = tpu.memref_slice %arg3[%dma_start3A_90, %dma_start3A_91] : memref<10240x16xf32, #tpu.memory_space<hbm>> -> memref<10240x16xf32, #tpu.memory_space<hbm>>
    tpu.enqueue_indirect_dma source(%dma_start3A_92 : memref<10240x16xf32, #tpu.memory_space<hbm>>) target(%dma_start3A_86 : memref<128x16xf32, #tpu.memory_space<vmem>>) offsets(%dma_start3A_89 : memref<128xi32, #tpu.memory_space<vmem>>) semaphore(%arg15 : memref<!tpu.dma_semaphore, #tpu.memory_space<semaphore_mem>>)
    %dma_start3A_93 = arith.constant 3 : i32
    %dma_start3A_94 = arith.constant 384 : i32
    %dma_start3A_95 = arith.constant 0 : i32
    %dma_start3A_96 = tpu.memref_slice %arg13[%dma_start3A_94, %dma_start3A_95] : memref<512x16xf32, #tpu.memory_space<vmem>> -> memref<128x16xf32, #tpu.memory_space<vmem>>
    %dma_start3A_97 = arith.constant 0 : i32
    %dma_start3A_98 = tpu.memref_slice %arg10[%dma_start3A_93, %dma_start3A_97] : memref<88x128xi32, #tpu.memory_space<vmem>> -> memref<1x128xi32, #tpu.memory_space<vmem>>
    %dma_start3A_99 = tpu.memref_squeeze %dma_start3A_98 : memref<1x128xi32, #tpu.memory_space<vmem>> -> memref<128xi32, #tpu.memory_space<vmem>>
    %dma_start3A_100 = arith.constant 0 : i32
    %dma_start3A_101 = arith.constant 0 : i32
    %dma_start3A_102 = tpu.memref_slice %arg4[%dma_start3A_100, %dma_start3A_101] : memref<10240x16xf32, #tpu.memory_space<hbm>> -> memref<10240x16xf32, #tpu.memory_space<hbm>>
    tpu.enqueue_indirect_dma source(%dma_start3A_102 : memref<10240x16xf32, #tpu.memory_space<hbm>>) target(%dma_start3A_96 : memref<128x16xf32, #tpu.memory_space<vmem>>) offsets(%dma_start3A_99 : memref<128xi32, #tpu.memory_space<vmem>>) semaphore(%arg15 : memref<!tpu.dma_semaphore, #tpu.memory_space<semaphore_mem>>)
    %scan3A_103 = arith.constant 0 : i32
    %scan3A_104 = arith.constant 11 : i32
    %scan3A_105 = arith.addi %scan3A_103, %scan3A_104 : i32
    %scan3A_106 = arith.constant 1 : i32
    scf.for %scan3A_164 = %scan3A_103 to %scan3A_105 step %scan3A_106  : i32 {
      %mul3A_165 = arith.constant 1 : i32
      %mul3A_166 = arith.muli %scan3A_164, %mul3A_165 : i32
      %add3A_167 = arith.constant 0 : i32
      %add3A_168 = arith.addi %add3A_167, %mul3A_166 : i32
      %mul3A_169 = arith.constant 2 : i32
      %mul3A_170 = arith.muli %mul3A_169, %add3A_168 : i32
      %add3A_171 = arith.constant 1 : i32
      %add3A_172 = arith.addi %mul3A_170, %add3A_171 : i32
      %gt3A = arith.constant 0 : i32
      %gt3A_173 = arith.cmpi sgt, %add3A_168, %gt3A : i32
      %convert_element_type3A_174 = arith.extui %gt3A_173 : i1 to i32
      %cond3A_175 = arith.constant 0 : i32
      %cond3A_176 = arith.cmpi ne, %convert_element_type3A_174, %cond3A_175 : i32
      scf.if %cond3A_176 {
        %dma_wait3A_621 = arith.constant 0 : i32
        %dma_wait3A_622 = arith.constant 0 : i32
        %dma_wait3A_623 = tpu.memref_slice %arg12[%dma_wait3A_621, %dma_wait3A_622] : memref<512x16xf32, #tpu.memory_space<vmem>> -> memref<128x16xf32, #tpu.memory_space<vmem>>
        %dma_wait3A_624 = arith.constant 0 : i32
        %dma_wait3A_625 = arith.constant 0 : i32
        %dma_wait3A_626 = tpu.memref_slice %arg8[%dma_wait3A_624, %dma_wait3A_625] : memref<10240x16xf32, #tpu.memory_space<vmem_shared>> -> memref<128x16xf32, #tpu.memory_space<vmem_shared>>
        %dma_wait3A_627 = arith.constant 0 : i32
        %dma_wait3A_628 = arith.constant 0 : i32
        %dma_wait3A_629 = tpu.memref_slice %arg8[%dma_wait3A_627, %dma_wait3A_628] : memref<10240x16xf32, #tpu.memory_space<vmem_shared>> -> memref<128x16xf32, #tpu.memory_space<vmem_shared>>
        %dma_wait3A_630 = arith.constant 0 : i32
        %dma_wait3A_631 = arith.constant 0 : i32
        %dma_wait3A_632 = tpu.memref_slice %arg12[%dma_wait3A_630, %dma_wait3A_631] : memref<512x16xf32, #tpu.memory_space<vmem>> -> memref<128x16xf32, #tpu.memory_space<vmem>>
        tpu.wait_dma2 semaphore(%arg16 : memref<!tpu.dma_semaphore, #tpu.memory_space<semaphore_mem>>) src(%dma_wait3A_632 : memref<128x16xf32, #tpu.memory_space<vmem>>) dst(%dma_wait3A_629 : memref<128x16xf32, #tpu.memory_space<vmem_shared>>)
        %dma_wait3A_633 = arith.constant 128 : i32
        %dma_wait3A_634 = arith.constant 0 : i32
        %dma_wait3A_635 = tpu.memref_slice %arg12[%dma_wait3A_633, %dma_wait3A_634] : memref<512x16xf32, #tpu.memory_space<vmem>> -> memref<128x16xf32, #tpu.memory_space<vmem>>
        %dma_wait3A_636 = arith.constant 0 : i32
        %dma_wait3A_637 = arith.constant 0 : i32
        %dma_wait3A_638 = tpu.memref_slice %arg8[%dma_wait3A_636, %dma_wait3A_637] : memref<10240x16xf32, #tpu.memory_space<vmem_shared>> -> memref<128x16xf32, #tpu.memory_space<vmem_shared>>
        %dma_wait3A_639 = arith.constant 0 : i32
        %dma_wait3A_640 = arith.constant 0 : i32
        %dma_wait3A_641 = tpu.memref_slice %arg8[%dma_wait3A_639, %dma_wait3A_640] : memref<10240x16xf32, #tpu.memory_space<vmem_shared>> -> memref<128x16xf32, #tpu.memory_space<vmem_shared>>
        %dma_wait3A_642 = arith.constant 128 : i32
        %dma_wait3A_643 = arith.constant 0 : i32
        %dma_wait3A_644 = tpu.memref_slice %arg12[%dma_wait3A_642, %dma_wait3A_643] : memref<512x16xf32, #tpu.memory_space<vmem>> -> memref<128x16xf32, #tpu.memory_space<vmem>>
        tpu.wait_dma2 semaphore(%arg16 : memref<!tpu.dma_semaphore, #tpu.memory_space<semaphore_mem>>) src(%dma_wait3A_644 : memref<128x16xf32, #tpu.memory_space<vmem>>) dst(%dma_wait3A_641 : memref<128x16xf32, #tpu.memory_space<vmem_shared>>)
        %dma_wait3A_645 = arith.constant 256 : i32
        %dma_wait3A_646 = arith.constant 0 : i32
        %dma_wait3A_647 = tpu.memref_slice %arg12[%dma_wait3A_645, %dma_wait3A_646] : memref<512x16xf32, #tpu.memory_space<vmem>> -> memref<128x16xf32, #tpu.memory_space<vmem>>
        %dma_wait3A_648 = arith.constant 0 : i32
        %dma_wait3A_649 = arith.constant 0 : i32
        %dma_wait3A_650 = tpu.memref_slice %arg8[%dma_wait3A_648, %dma_wait3A_649] : memref<10240x16xf32, #tpu.memory_space<vmem_shared>> -> memref<128x16xf32, #tpu.memory_space<vmem_shared>>
        %dma_wait3A_651 = arith.constant 0 : i32
        %dma_wait3A_652 = arith.constant 0 : i32
        %dma_wait3A_653 = tpu.memref_slice %arg8[%dma_wait3A_651, %dma_wait3A_652] : memref<10240x16xf32, #tpu.memory_space<vmem_shared>> -> memref<128x16xf32, #tpu.memory_space<vmem_shared>>
        %dma_wait3A_654 = arith.constant 256 : i32
        %dma_wait3A_655 = arith.constant 0 : i32
        %dma_wait3A_656 = tpu.memref_slice %arg12[%dma_wait3A_654, %dma_wait3A_655] : memref<512x16xf32, #tpu.memory_space<vmem>> -> memref<128x16xf32, #tpu.memory_space<vmem>>
        tpu.wait_dma2 semaphore(%arg16 : memref<!tpu.dma_semaphore, #tpu.memory_space<semaphore_mem>>) src(%dma_wait3A_656 : memref<128x16xf32, #tpu.memory_space<vmem>>) dst(%dma_wait3A_653 : memref<128x16xf32, #tpu.memory_space<vmem_shared>>)
        %dma_wait3A_657 = arith.constant 384 : i32
        %dma_wait3A_658 = arith.constant 0 : i32
        %dma_wait3A_659 = tpu.memref_slice %arg12[%dma_wait3A_657, %dma_wait3A_658] : memref<512x16xf32, #tpu.memory_space<vmem>> -> memref<128x16xf32, #tpu.memory_space<vmem>>
        %dma_wait3A_660 = arith.constant 0 : i32
        %dma_wait3A_661 = arith.constant 0 : i32
        %dma_wait3A_662 = tpu.memref_slice %arg8[%dma_wait3A_660, %dma_wait3A_661] : memref<10240x16xf32, #tpu.memory_space<vmem_shared>> -> memref<128x16xf32, #tpu.memory_space<vmem_shared>>
        %dma_wait3A_663 = arith.constant 0 : i32
        %dma_wait3A_664 = arith.constant 0 : i32
        %dma_wait3A_665 = tpu.memref_slice %arg8[%dma_wait3A_663, %dma_wait3A_664] : memref<10240x16xf32, #tpu.memory_space<vmem_shared>> -> memref<128x16xf32, #tpu.memory_space<vmem_shared>>
        %dma_wait3A_666 = arith.constant 384 : i32
        %dma_wait3A_667 = arith.constant 0 : i32
        %dma_wait3A_668 = tpu.memref_slice %arg12[%dma_wait3A_666, %dma_wait3A_667] : memref<512x16xf32, #tpu.memory_space<vmem>> -> memref<128x16xf32, #tpu.memory_space<vmem>>
        tpu.wait_dma2 semaphore(%arg16 : memref<!tpu.dma_semaphore, #tpu.memory_space<semaphore_mem>>) src(%dma_wait3A_668 : memref<128x16xf32, #tpu.memory_space<vmem>>) dst(%dma_wait3A_665 : memref<128x16xf32, #tpu.memory_space<vmem_shared>>)
      } else {
      }
      %mul3A_177 = arith.constant 4 : i32
      %mul3A_178 = arith.muli %add3A_172, %mul3A_177 : i32
      %add3A_179 = arith.constant 0 : i32
      %add3A_180 = arith.addi %mul3A_178, %add3A_179 : i32
      %dma_start3A_181 = arith.constant 0 : i32
      %dma_start3A_182 = arith.constant 0 : i32
      %dma_start3A_183 = tpu.memref_slice %arg12[%dma_start3A_181, %dma_start3A_182] : memref<512x16xf32, #tpu.memory_space<vmem>> -> memref<128x16xf32, #tpu.memory_space<vmem>>
      %dma_start3A_184 = arith.constant 0 : i32
      %dma_start3A_185 = tpu.memref_slice %arg9[%add3A_180, %dma_start3A_184] : memref<88x128xi32, #tpu.memory_space<vmem>> -> memref<1x128xi32, #tpu.memory_space<vmem>>
      %dma_start3A_186 = tpu.memref_squeeze %dma_start3A_185 : memref<1x128xi32, #tpu.memory_space<vmem>> -> memref<128xi32, #tpu.memory_space<vmem>>
      %dma_start3A_187 = arith.constant 0 : i32
      %dma_start3A_188 = arith.constant 0 : i32
      %dma_start3A_189 = tpu.memref_slice %arg3[%dma_start3A_187, %dma_start3A_188] : memref<10240x16xf32, #tpu.memory_space<hbm>> -> memref<10240x16xf32, #tpu.memory_space<hbm>>
      tpu.enqueue_indirect_dma source(%dma_start3A_189 : memref<10240x16xf32, #tpu.memory_space<hbm>>) target(%dma_start3A_183 : memref<128x16xf32, #tpu.memory_space<vmem>>) offsets(%dma_start3A_186 : memref<128xi32, #tpu.memory_space<vmem>>) semaphore(%arg15 : memref<!tpu.dma_semaphore, #tpu.memory_space<semaphore_mem>>)
      %dma_start3A_190 = arith.constant 0 : i32
      %dma_start3A_191 = arith.constant 0 : i32
      %dma_start3A_192 = tpu.memref_slice %arg14[%dma_start3A_190, %dma_start3A_191] : memref<512x16xf32, #tpu.memory_space<vmem>> -> memref<128x16xf32, #tpu.memory_space<vmem>>
      %dma_start3A_193 = arith.constant 0 : i32
      %dma_start3A_194 = tpu.memref_slice %arg10[%add3A_180, %dma_start3A_193] : memref<88x128xi32, #tpu.memory_space<vmem>> -> memref<1x128xi32, #tpu.memory_space<vmem>>
      %dma_start3A_195 = tpu.memref_squeeze %dma_start3A_194 : memref<1x128xi32, #tpu.memory_space<vmem>> -> memref<128xi32, #tpu.memory_space<vmem>>
      %dma_start3A_196 = arith.constant 0 : i32
      %dma_start3A_197 = arith.constant 0 : i32
      %dma_start3A_198 = tpu.memref_slice %arg4[%dma_start3A_196, %dma_start3A_197] : memref<10240x16xf32, #tpu.memory_space<hbm>> -> memref<10240x16xf32, #tpu.memory_space<hbm>>
      tpu.enqueue_indirect_dma source(%dma_start3A_198 : memref<10240x16xf32, #tpu.memory_space<hbm>>) target(%dma_start3A_192 : memref<128x16xf32, #tpu.memory_space<vmem>>) offsets(%dma_start3A_195 : memref<128xi32, #tpu.memory_space<vmem>>) semaphore(%arg15 : memref<!tpu.dma_semaphore, #tpu.memory_space<semaphore_mem>>)
      %mul3A_199 = arith.constant 4 : i32
      %mul3A_200 = arith.muli %add3A_172, %mul3A_199 : i32
      %add3A_201 = arith.constant 1 : i32
      %add3A_202 = arith.addi %mul3A_200, %add3A_201 : i32
      %dma_start3A_203 = arith.constant 128 : i32
      %dma_start3A_204 = arith.constant 0 : i32
      %dma_start3A_205 = tpu.memref_slice %arg12[%dma_start3A_203, %dma_start3A_204] : memref<512x16xf32, #tpu.memory_space<vmem>> -> memref<128x16xf32, #tpu.memory_space<vmem>>
      %dma_start3A_206 = arith.constant 0 : i32
      %dma_start3A_207 = tpu.memref_slice %arg9[%add3A_202, %dma_start3A_206] : memref<88x128xi32, #tpu.memory_space<vmem>> -> memref<1x128xi32, #tpu.memory_space<vmem>>
      %dma_start3A_208 = tpu.memref_squeeze %dma_start3A_207 : memref<1x128xi32, #tpu.memory_space<vmem>> -> memref<128xi32, #tpu.memory_space<vmem>>
      %dma_start3A_209 = arith.constant 0 : i32
      %dma_start3A_210 = arith.constant 0 : i32
      %dma_start3A_211 = tpu.memref_slice %arg3[%dma_start3A_209, %dma_start3A_210] : memref<10240x16xf32, #tpu.memory_space<hbm>> -> memref<10240x16xf32, #tpu.memory_space<hbm>>
      tpu.enqueue_indirect_dma source(%dma_start3A_211 : memref<10240x16xf32, #tpu.memory_space<hbm>>) target(%dma_start3A_205 : memref<128x16xf32, #tpu.memory_space<vmem>>) offsets(%dma_start3A_208 : memref<128xi32, #tpu.memory_space<vmem>>) semaphore(%arg15 : memref<!tpu.dma_semaphore, #tpu.memory_space<semaphore_mem>>)
      %dma_start3A_212 = arith.constant 128 : i32
      %dma_start3A_213 = arith.constant 0 : i32
      %dma_start3A_214 = tpu.memref_slice %arg14[%dma_start3A_212, %dma_start3A_213] : memref<512x16xf32, #tpu.memory_space<vmem>> -> memref<128x16xf32, #tpu.memory_space<vmem>>
      %dma_start3A_215 = arith.constant 0 : i32
      %dma_start3A_216 = tpu.memref_slice %arg10[%add3A_202, %dma_start3A_215] : memref<88x128xi32, #tpu.memory_space<vmem>> -> memref<1x128xi32, #tpu.memory_space<vmem>>
      %dma_start3A_217 = tpu.memref_squeeze %dma_start3A_216 : memref<1x128xi32, #tpu.memory_space<vmem>> -> memref<128xi32, #tpu.memory_space<vmem>>
      %dma_start3A_218 = arith.constant 0 : i32
      %dma_start3A_219 = arith.constant 0 : i32
      %dma_start3A_220 = tpu.memref_slice %arg4[%dma_start3A_218, %dma_start3A_219] : memref<10240x16xf32, #tpu.memory_space<hbm>> -> memref<10240x16xf32, #tpu.memory_space<hbm>>
      tpu.enqueue_indirect_dma source(%dma_start3A_220 : memref<10240x16xf32, #tpu.memory_space<hbm>>) target(%dma_start3A_214 : memref<128x16xf32, #tpu.memory_space<vmem>>) offsets(%dma_start3A_217 : memref<128xi32, #tpu.memory_space<vmem>>) semaphore(%arg15 : memref<!tpu.dma_semaphore, #tpu.memory_space<semaphore_mem>>)
      %mul3A_221 = arith.constant 4 : i32
      %mul3A_222 = arith.muli %add3A_172, %mul3A_221 : i32
      %add3A_223 = arith.constant 2 : i32
      %add3A_224 = arith.addi %mul3A_222, %add3A_223 : i32
      %dma_start3A_225 = arith.constant 256 : i32
      %dma_start3A_226 = arith.constant 0 : i32
      %dma_start3A_227 = tpu.memref_slice %arg12[%dma_start3A_225, %dma_start3A_226] : memref<512x16xf32, #tpu.memory_space<vmem>> -> memref<128x16xf32, #tpu.memory_space<vmem>>
      %dma_start3A_228 = arith.constant 0 : i32
      %dma_start3A_229 = tpu.memref_slice %arg9[%add3A_224, %dma_start3A_228] : memref<88x128xi32, #tpu.memory_space<vmem>> -> memref<1x128xi32, #tpu.memory_space<vmem>>
      %dma_start3A_230 = tpu.memref_squeeze %dma_start3A_229 : memref<1x128xi32, #tpu.memory_space<vmem>> -> memref<128xi32, #tpu.memory_space<vmem>>
      %dma_start3A_231 = arith.constant 0 : i32
      %dma_start3A_232 = arith.constant 0 : i32
      %dma_start3A_233 = tpu.memref_slice %arg3[%dma_start3A_231, %dma_start3A_232] : memref<10240x16xf32, #tpu.memory_space<hbm>> -> memref<10240x16xf32, #tpu.memory_space<hbm>>
      tpu.enqueue_indirect_dma source(%dma_start3A_233 : memref<10240x16xf32, #tpu.memory_space<hbm>>) target(%dma_start3A_227 : memref<128x16xf32, #tpu.memory_space<vmem>>) offsets(%dma_start3A_230 : memref<128xi32, #tpu.memory_space<vmem>>) semaphore(%arg15 : memref<!tpu.dma_semaphore, #tpu.memory_space<semaphore_mem>>)
      %dma_start3A_234 = arith.constant 256 : i32
      %dma_start3A_235 = arith.constant 0 : i32
      %dma_start3A_236 = tpu.memref_slice %arg14[%dma_start3A_234, %dma_start3A_235] : memref<512x16xf32, #tpu.memory_space<vmem>> -> memref<128x16xf32, #tpu.memory_space<vmem>>
      %dma_start3A_237 = arith.constant 0 : i32
      %dma_start3A_238 = tpu.memref_slice %arg10[%add3A_224, %dma_start3A_237] : memref<88x128xi32, #tpu.memory_space<vmem>> -> memref<1x128xi32, #tpu.memory_space<vmem>>
      %dma_start3A_239 = tpu.memref_squeeze %dma_start3A_238 : memref<1x128xi32, #tpu.memory_space<vmem>> -> memref<128xi32, #tpu.memory_space<vmem>>
      %dma_start3A_240 = arith.constant 0 : i32
      %dma_start3A_241 = arith.constant 0 : i32
      %dma_start3A_242 = tpu.memref_slice %arg4[%dma_start3A_240, %dma_start3A_241] : memref<10240x16xf32, #tpu.memory_space<hbm>> -> memref<10240x16xf32, #tpu.memory_space<hbm>>
      tpu.enqueue_indirect_dma source(%dma_start3A_242 : memref<10240x16xf32, #tpu.memory_space<hbm>>) target(%dma_start3A_236 : memref<128x16xf32, #tpu.memory_space<vmem>>) offsets(%dma_start3A_239 : memref<128xi32, #tpu.memory_space<vmem>>) semaphore(%arg15 : memref<!tpu.dma_semaphore, #tpu.memory_space<semaphore_mem>>)
      %mul3A_243 = arith.constant 4 : i32
      %mul3A_244 = arith.muli %add3A_172, %mul3A_243 : i32
      %add3A_245 = arith.constant 3 : i32
      %add3A_246 = arith.addi %mul3A_244, %add3A_245 : i32
      %dma_start3A_247 = arith.constant 384 : i32
      %dma_start3A_248 = arith.constant 0 : i32
      %dma_start3A_249 = tpu.memref_slice %arg12[%dma_start3A_247, %dma_start3A_248] : memref<512x16xf32, #tpu.memory_space<vmem>> -> memref<128x16xf32, #tpu.memory_space<vmem>>
      %dma_start3A_250 = arith.constant 0 : i32
      %dma_start3A_251 = tpu.memref_slice %arg9[%add3A_246, %dma_start3A_250] : memref<88x128xi32, #tpu.memory_space<vmem>> -> memref<1x128xi32, #tpu.memory_space<vmem>>
      %dma_start3A_252 = tpu.memref_squeeze %dma_start3A_251 : memref<1x128xi32, #tpu.memory_space<vmem>> -> memref<128xi32, #tpu.memory_space<vmem>>
      %dma_start3A_253 = arith.constant 0 : i32
      %dma_start3A_254 = arith.constant 0 : i32
      %dma_start3A_255 = tpu.memref_slice %arg3[%dma_start3A_253, %dma_start3A_254] : memref<10240x16xf32, #tpu.memory_space<hbm>> -> memref<10240x16xf32, #tpu.memory_space<hbm>>
      tpu.enqueue_indirect_dma source(%dma_start3A_255 : memref<10240x16xf32, #tpu.memory_space<hbm>>) target(%dma_start3A_249 : memref<128x16xf32, #tpu.memory_space<vmem>>) offsets(%dma_start3A_252 : memref<128xi32, #tpu.memory_space<vmem>>) semaphore(%arg15 : memref<!tpu.dma_semaphore, #tpu.memory_space<semaphore_mem>>)
      %dma_start3A_256 = arith.constant 384 : i32
      %dma_start3A_257 = arith.constant 0 : i32
      %dma_start3A_258 = tpu.memref_slice %arg14[%dma_start3A_256, %dma_start3A_257] : memref<512x16xf32, #tpu.memory_space<vmem>> -> memref<128x16xf32, #tpu.memory_space<vmem>>
      %dma_start3A_259 = arith.constant 0 : i32
      %dma_start3A_260 = tpu.memref_slice %arg10[%add3A_246, %dma_start3A_259] : memref<88x128xi32, #tpu.memory_space<vmem>> -> memref<1x128xi32, #tpu.memory_space<vmem>>
      %dma_start3A_261 = tpu.memref_squeeze %dma_start3A_260 : memref<1x128xi32, #tpu.memory_space<vmem>> -> memref<128xi32, #tpu.memory_space<vmem>>
      %dma_start3A_262 = arith.constant 0 : i32
      %dma_start3A_263 = arith.constant 0 : i32
      %dma_start3A_264 = tpu.memref_slice %arg4[%dma_start3A_262, %dma_start3A_263] : memref<10240x16xf32, #tpu.memory_space<hbm>> -> memref<10240x16xf32, #tpu.memory_space<hbm>>
      tpu.enqueue_indirect_dma source(%dma_start3A_264 : memref<10240x16xf32, #tpu.memory_space<hbm>>) target(%dma_start3A_258 : memref<128x16xf32, #tpu.memory_space<vmem>>) offsets(%dma_start3A_261 : memref<128xi32, #tpu.memory_space<vmem>>) semaphore(%arg15 : memref<!tpu.dma_semaphore, #tpu.memory_space<semaphore_mem>>)
      %dma_wait3A_265 = arith.constant 0 : i32
      %dma_wait3A_266 = arith.constant 0 : i32
      %dma_wait3A_267 = tpu.memref_slice %arg11[%dma_wait3A_265, %dma_wait3A_266] : memref<512x16xf32, #tpu.memory_space<vmem>> -> memref<128x16xf32, #tpu.memory_space<vmem>>
      %dma_wait3A_268 = arith.constant 0 : i32
      %dma_wait3A_269 = arith.constant 0 : i32
      %dma_wait3A_270 = tpu.memref_slice %arg3[%dma_wait3A_268, %dma_wait3A_269] : memref<10240x16xf32, #tpu.memory_space<hbm>> -> memref<128x16xf32, #tpu.memory_space<hbm>>
      %dma_wait3A_271 = arith.constant 0 : i32
      %dma_wait3A_272 = arith.constant 0 : i32
      %dma_wait3A_273 = tpu.memref_slice %arg11[%dma_wait3A_271, %dma_wait3A_272] : memref<512x16xf32, #tpu.memory_space<vmem>> -> memref<128x16xf32, #tpu.memory_space<vmem>>
      %dma_wait3A_274 = arith.constant 0 : i32
      %dma_wait3A_275 = arith.constant 0 : i32
      %dma_wait3A_276 = tpu.memref_slice %arg3[%dma_wait3A_274, %dma_wait3A_275] : memref<10240x16xf32, #tpu.memory_space<hbm>> -> memref<128x16xf32, #tpu.memory_space<hbm>>
      tpu.wait_dma2 semaphore(%arg15 : memref<!tpu.dma_semaphore, #tpu.memory_space<semaphore_mem>>) src(%dma_wait3A_276 : memref<128x16xf32, #tpu.memory_space<hbm>>) dst(%dma_wait3A_273 : memref<128x16xf32, #tpu.memory_space<vmem>>)
      %dma_wait3A_277 = arith.constant 0 : i32
      %dma_wait3A_278 = arith.constant 0 : i32
      %dma_wait3A_279 = tpu.memref_slice %arg13[%dma_wait3A_277, %dma_wait3A_278] : memref<512x16xf32, #tpu.memory_space<vmem>> -> memref<128x16xf32, #tpu.memory_space<vmem>>
      %dma_wait3A_280 = arith.constant 0 : i32
      %dma_wait3A_281 = arith.constant 0 : i32
      %dma_wait3A_282 = tpu.memref_slice %arg4[%dma_wait3A_280, %dma_wait3A_281] : memref<10240x16xf32, #tpu.memory_space<hbm>> -> memref<128x16xf32, #tpu.memory_space<hbm>>
      %dma_wait3A_283 = arith.constant 0 : i32
      %dma_wait3A_284 = arith.constant 0 : i32
      %dma_wait3A_285 = tpu.memref_slice %arg13[%dma_wait3A_283, %dma_wait3A_284] : memref<512x16xf32, #tpu.memory_space<vmem>> -> memref<128x16xf32, #tpu.memory_space<vmem>>
      %dma_wait3A_286 = arith.constant 0 : i32
      %dma_wait3A_287 = arith.constant 0 : i32
      %dma_wait3A_288 = tpu.memref_slice %arg4[%dma_wait3A_286, %dma_wait3A_287] : memref<10240x16xf32, #tpu.memory_space<hbm>> -> memref<128x16xf32, #tpu.memory_space<hbm>>
      tpu.wait_dma2 semaphore(%arg15 : memref<!tpu.dma_semaphore, #tpu.memory_space<semaphore_mem>>) src(%dma_wait3A_288 : memref<128x16xf32, #tpu.memory_space<hbm>>) dst(%dma_wait3A_285 : memref<128x16xf32, #tpu.memory_space<vmem>>)
      %dma_wait3A_289 = arith.constant 128 : i32
      %dma_wait3A_290 = arith.constant 0 : i32
      %dma_wait3A_291 = tpu.memref_slice %arg11[%dma_wait3A_289, %dma_wait3A_290] : memref<512x16xf32, #tpu.memory_space<vmem>> -> memref<128x16xf32, #tpu.memory_space<vmem>>
      %dma_wait3A_292 = arith.constant 0 : i32
      %dma_wait3A_293 = arith.constant 0 : i32
      %dma_wait3A_294 = tpu.memref_slice %arg3[%dma_wait3A_292, %dma_wait3A_293] : memref<10240x16xf32, #tpu.memory_space<hbm>> -> memref<128x16xf32, #tpu.memory_space<hbm>>
      %dma_wait3A_295 = arith.constant 128 : i32
      %dma_wait3A_296 = arith.constant 0 : i32
      %dma_wait3A_297 = tpu.memref_slice %arg11[%dma_wait3A_295, %dma_wait3A_296] : memref<512x16xf32, #tpu.memory_space<vmem>> -> memref<128x16xf32, #tpu.memory_space<vmem>>
      %dma_wait3A_298 = arith.constant 0 : i32
      %dma_wait3A_299 = arith.constant 0 : i32
      %dma_wait3A_300 = tpu.memref_slice %arg3[%dma_wait3A_298, %dma_wait3A_299] : memref<10240x16xf32, #tpu.memory_space<hbm>> -> memref<128x16xf32, #tpu.memory_space<hbm>>
      tpu.wait_dma2 semaphore(%arg15 : memref<!tpu.dma_semaphore, #tpu.memory_space<semaphore_mem>>) src(%dma_wait3A_300 : memref<128x16xf32, #tpu.memory_space<hbm>>) dst(%dma_wait3A_297 : memref<128x16xf32, #tpu.memory_space<vmem>>)
      %dma_wait3A_301 = arith.constant 128 : i32
      %dma_wait3A_302 = arith.constant 0 : i32
      %dma_wait3A_303 = tpu.memref_slice %arg13[%dma_wait3A_301, %dma_wait3A_302] : memref<512x16xf32, #tpu.memory_space<vmem>> -> memref<128x16xf32, #tpu.memory_space<vmem>>
      %dma_wait3A_304 = arith.constant 0 : i32
      %dma_wait3A_305 = arith.constant 0 : i32
      %dma_wait3A_306 = tpu.memref_slice %arg4[%dma_wait3A_304, %dma_wait3A_305] : memref<10240x16xf32, #tpu.memory_space<hbm>> -> memref<128x16xf32, #tpu.memory_space<hbm>>
      %dma_wait3A_307 = arith.constant 128 : i32
      %dma_wait3A_308 = arith.constant 0 : i32
      %dma_wait3A_309 = tpu.memref_slice %arg13[%dma_wait3A_307, %dma_wait3A_308] : memref<512x16xf32, #tpu.memory_space<vmem>> -> memref<128x16xf32, #tpu.memory_space<vmem>>
      %dma_wait3A_310 = arith.constant 0 : i32
      %dma_wait3A_311 = arith.constant 0 : i32
      %dma_wait3A_312 = tpu.memref_slice %arg4[%dma_wait3A_310, %dma_wait3A_311] : memref<10240x16xf32, #tpu.memory_space<hbm>> -> memref<128x16xf32, #tpu.memory_space<hbm>>
      tpu.wait_dma2 semaphore(%arg15 : memref<!tpu.dma_semaphore, #tpu.memory_space<semaphore_mem>>) src(%dma_wait3A_312 : memref<128x16xf32, #tpu.memory_space<hbm>>) dst(%dma_wait3A_309 : memref<128x16xf32, #tpu.memory_space<vmem>>)
      %dma_wait3A_313 = arith.constant 256 : i32
      %dma_wait3A_314 = arith.constant 0 : i32
      %dma_wait3A_315 = tpu.memref_slice %arg11[%dma_wait3A_313, %dma_wait3A_314] : memref<512x16xf32, #tpu.memory_space<vmem>> -> memref<128x16xf32, #tpu.memory_space<vmem>>
      %dma_wait3A_316 = arith.constant 0 : i32
      %dma_wait3A_317 = arith.constant 0 : i32
      %dma_wait3A_318 = tpu.memref_slice %arg3[%dma_wait3A_316, %dma_wait3A_317] : memref<10240x16xf32, #tpu.memory_space<hbm>> -> memref<128x16xf32, #tpu.memory_space<hbm>>
      %dma_wait3A_319 = arith.constant 256 : i32
      %dma_wait3A_320 = arith.constant 0 : i32
      %dma_wait3A_321 = tpu.memref_slice %arg11[%dma_wait3A_319, %dma_wait3A_320] : memref<512x16xf32, #tpu.memory_space<vmem>> -> memref<128x16xf32, #tpu.memory_space<vmem>>
      %dma_wait3A_322 = arith.constant 0 : i32
      %dma_wait3A_323 = arith.constant 0 : i32
      %dma_wait3A_324 = tpu.memref_slice %arg3[%dma_wait3A_322, %dma_wait3A_323] : memref<10240x16xf32, #tpu.memory_space<hbm>> -> memref<128x16xf32, #tpu.memory_space<hbm>>
      tpu.wait_dma2 semaphore(%arg15 : memref<!tpu.dma_semaphore, #tpu.memory_space<semaphore_mem>>) src(%dma_wait3A_324 : memref<128x16xf32, #tpu.memory_space<hbm>>) dst(%dma_wait3A_321 : memref<128x16xf32, #tpu.memory_space<vmem>>)
      %dma_wait3A_325 = arith.constant 256 : i32
      %dma_wait3A_326 = arith.constant 0 : i32
      %dma_wait3A_327 = tpu.memref_slice %arg13[%dma_wait3A_325, %dma_wait3A_326] : memref<512x16xf32, #tpu.memory_space<vmem>> -> memref<128x16xf32, #tpu.memory_space<vmem>>
      %dma_wait3A_328 = arith.constant 0 : i32
      %dma_wait3A_329 = arith.constant 0 : i32
      %dma_wait3A_330 = tpu.memref_slice %arg4[%dma_wait3A_328, %dma_wait3A_329] : memref<10240x16xf32, #tpu.memory_space<hbm>> -> memref<128x16xf32, #tpu.memory_space<hbm>>
      %dma_wait3A_331 = arith.constant 256 : i32
      %dma_wait3A_332 = arith.constant 0 : i32
      %dma_wait3A_333 = tpu.memref_slice %arg13[%dma_wait3A_331, %dma_wait3A_332] : memref<512x16xf32, #tpu.memory_space<vmem>> -> memref<128x16xf32, #tpu.memory_space<vmem>>
      %dma_wait3A_334 = arith.constant 0 : i32
      %dma_wait3A_335 = arith.constant 0 : i32
      %dma_wait3A_336 = tpu.memref_slice %arg4[%dma_wait3A_334, %dma_wait3A_335] : memref<10240x16xf32, #tpu.memory_space<hbm>> -> memref<128x16xf32, #tpu.memory_space<hbm>>
      tpu.wait_dma2 semaphore(%arg15 : memref<!tpu.dma_semaphore, #tpu.memory_space<semaphore_mem>>) src(%dma_wait3A_336 : memref<128x16xf32, #tpu.memory_space<hbm>>) dst(%dma_wait3A_333 : memref<128x16xf32, #tpu.memory_space<vmem>>)
      %dma_wait3A_337 = arith.constant 384 : i32
      %dma_wait3A_338 = arith.constant 0 : i32
      %dma_wait3A_339 = tpu.memref_slice %arg11[%dma_wait3A_337, %dma_wait3A_338] : memref<512x16xf32, #tpu.memory_space<vmem>> -> memref<128x16xf32, #tpu.memory_space<vmem>>
      %dma_wait3A_340 = arith.constant 0 : i32
      %dma_wait3A_341 = arith.constant 0 : i32
      %dma_wait3A_342 = tpu.memref_slice %arg3[%dma_wait3A_340, %dma_wait3A_341] : memref<10240x16xf32, #tpu.memory_space<hbm>> -> memref<128x16xf32, #tpu.memory_space<hbm>>
      %dma_wait3A_343 = arith.constant 384 : i32
      %dma_wait3A_344 = arith.constant 0 : i32
      %dma_wait3A_345 = tpu.memref_slice %arg11[%dma_wait3A_343, %dma_wait3A_344] : memref<512x16xf32, #tpu.memory_space<vmem>> -> memref<128x16xf32, #tpu.memory_space<vmem>>
      %dma_wait3A_346 = arith.constant 0 : i32
      %dma_wait3A_347 = arith.constant 0 : i32
      %dma_wait3A_348 = tpu.memref_slice %arg3[%dma_wait3A_346, %dma_wait3A_347] : memref<10240x16xf32, #tpu.memory_space<hbm>> -> memref<128x16xf32, #tpu.memory_space<hbm>>
      tpu.wait_dma2 semaphore(%arg15 : memref<!tpu.dma_semaphore, #tpu.memory_space<semaphore_mem>>) src(%dma_wait3A_348 : memref<128x16xf32, #tpu.memory_space<hbm>>) dst(%dma_wait3A_345 : memref<128x16xf32, #tpu.memory_space<vmem>>)
      %dma_wait3A_349 = arith.constant 384 : i32
      %dma_wait3A_350 = arith.constant 0 : i32
      %dma_wait3A_351 = tpu.memref_slice %arg13[%dma_wait3A_349, %dma_wait3A_350] : memref<512x16xf32, #tpu.memory_space<vmem>> -> memref<128x16xf32, #tpu.memory_space<vmem>>
      %dma_wait3A_352 = arith.constant 0 : i32
      %dma_wait3A_353 = arith.constant 0 : i32
      %dma_wait3A_354 = tpu.memref_slice %arg4[%dma_wait3A_352, %dma_wait3A_353] : memref<10240x16xf32, #tpu.memory_space<hbm>> -> memref<128x16xf32, #tpu.memory_space<hbm>>
      %dma_wait3A_355 = arith.constant 384 : i32
      %dma_wait3A_356 = arith.constant 0 : i32
      %dma_wait3A_357 = tpu.memref_slice %arg13[%dma_wait3A_355, %dma_wait3A_356] : memref<512x16xf32, #tpu.memory_space<vmem>> -> memref<128x16xf32, #tpu.memory_space<vmem>>
      %dma_wait3A_358 = arith.constant 0 : i32
      %dma_wait3A_359 = arith.constant 0 : i32
      %dma_wait3A_360 = tpu.memref_slice %arg4[%dma_wait3A_358, %dma_wait3A_359] : memref<10240x16xf32, #tpu.memory_space<hbm>> -> memref<128x16xf32, #tpu.memory_space<hbm>>
      tpu.wait_dma2 semaphore(%arg15 : memref<!tpu.dma_semaphore, #tpu.memory_space<semaphore_mem>>) src(%dma_wait3A_360 : memref<128x16xf32, #tpu.memory_space<hbm>>) dst(%dma_wait3A_357 : memref<128x16xf32, #tpu.memory_space<vmem>>)
      %parallel_loop3A = arith.constant 0 : i32
      %parallel_loop3A_361 = arith.constant 512 : i32
      %parallel_loop3A_362 = arith.constant 1 : i32
      scf.for %parallel_loop3A_621 = %parallel_loop3A to %parallel_loop3A_361 step %parallel_loop3A_362  : i32 {
        %parallel_loop3A_622 = arith.index_cast %parallel_loop3A_621 : i32 to index
        %parallel_loop3A_623 = arith.constant 0 : index
        %parallel_loop3A_624 = tpu.vector_load %arg13[%parallel_loop3A_622, %parallel_loop3A_623] {strides = array<i32>} : memref<512x16xf32, #tpu.memory_space<vmem>>, vector<16xf32>,
        %parallel_loop3A_625 = arith.index_cast %parallel_loop3A_621 : i32 to index
        %parallel_loop3A_626 = arith.constant 0 : index
        %parallel_loop3A_627 = tpu.vector_load %arg11[%parallel_loop3A_625, %parallel_loop3A_626] {strides = array<i32>} : memref<512x16xf32, #tpu.memory_space<vmem>>, vector<16xf32>,
        %parallel_loop3A_628 = arith.constant 0 : i32
        %parallel_loop3A_629 = vector.broadcast %parallel_loop3A_628 : i32 to vector<16xi32>
        %parallel_loop3A_630 = arith.cmpi slt, %add3A_17, %parallel_loop3A_629 : vector<16xi32>
        %parallel_loop3A_631 = arith.constant 16 : i32
        %parallel_loop3A_632 = vector.broadcast %parallel_loop3A_631 : i32 to vector<16xi32>
        %parallel_loop3A_633 = arith.addi %add3A_17, %parallel_loop3A_632 : vector<16xi32>
        %parallel_loop3A_634 = arith.select %parallel_loop3A_630, %parallel_loop3A_633, %add3A_17 : vector<16xi1>, vector<16xi32>
        %parallel_loop3A_635 = vector.shape_cast %parallel_loop3A_634 : vector<16xi32> to vector<16x1xi32>
        %parallel_loop3A_636 = vector.shape_cast %parallel_loop3A_635 : vector<16x1xi32> to vector<16xi32>
        %parallel_loop3A_637 = tpu.dynamic_gather %parallel_loop3A_627[%parallel_loop3A_636] in [0] : vector<16xf32>, vector<16xi32> -> vector<16xf32>
        %parallel_loop3A_638 = arith.addf %parallel_loop3A_637, %parallel_loop3A_624 : vector<16xf32>
        %parallel_loop3A_639 = arith.constant 2.000000e-01 : f32
        %parallel_loop3A_640 = vector.broadcast %parallel_loop3A_639 : f32 to vector<16xf32>
        %parallel_loop3A_641 = arith.mulf %parallel_loop3A_640, %parallel_loop3A_638 : vector<16xf32>
        %parallel_loop3A_642 = arith.maximumf %parallel_loop3A_638, %parallel_loop3A_641 : vector<16xf32>
        %parallel_loop3A_643 = math.exp %parallel_loop3A_642 : vector<16xf32>
        %parallel_loop3A_644 = arith.mulf %parallel_loop3A_643, %parallel_loop3A_627 : vector<16xf32>
        %parallel_loop3A_645 = arith.select %eq3A_21, %parallel_loop3A_643, %broadcast_in_dim3A_23 : vector<16xi1>, vector<16xf32>
        %parallel_loop3A_646 = arith.select %lt3A_19, %parallel_loop3A_644, %parallel_loop3A_645 : vector<16xi1>, vector<16xf32>
        %parallel_loop3A_647 = arith.index_cast %parallel_loop3A_621 : i32 to index
        %parallel_loop3A_648 = arith.constant 0 : index
        %parallel_loop3A_649 = tpu.vector_load %arg11[%parallel_loop3A_647, %parallel_loop3A_648] {strides = array<i32>} : memref<512x16xf32, #tpu.memory_space<vmem>>, vector<16xf32>,
        tpu.vector_store %arg11[%parallel_loop3A_647, %parallel_loop3A_648], %parallel_loop3A_646 {strides = array<i32>} : memref<512x16xf32, #tpu.memory_space<vmem>>, vector<16xf32>,
      } {sc.loop_unroll_factor = 4 : i64, sc.parallel_access}
      %mul3A_363 = arith.constant 4 : i32
      %mul3A_364 = arith.muli %mul3A_170, %mul3A_363 : i32
      %add3A_365 = arith.constant 0 : i32
      %add3A_366 = arith.addi %mul3A_364, %add3A_365 : i32
      %dma_start3A_367 = arith.constant 0 : i32
      %dma_start3A_368 = arith.constant 0 : i32
      %dma_start3A_369 = tpu.memref_slice %arg11[%dma_start3A_367, %dma_start3A_368] : memref<512x16xf32, #tpu.memory_space<vmem>> -> memref<128x16xf32, #tpu.memory_space<vmem>>
      %dma_start3A_370 = arith.constant 0 : i32
      %dma_start3A_371 = tpu.memref_slice %arg10[%add3A_366, %dma_start3A_370] : memref<88x128xi32, #tpu.memory_space<vmem>> -> memref<1x128xi32, #tpu.memory_space<vmem>>
      %dma_start3A_372 = tpu.memref_squeeze %dma_start3A_371 : memref<1x128xi32, #tpu.memory_space<vmem>> -> memref<128xi32, #tpu.memory_space<vmem>>
      %dma_start3A_373 = arith.constant 0 : i32
      %dma_start3A_374 = arith.constant 0 : i32
      %dma_start3A_375 = tpu.memref_slice %arg8[%dma_start3A_373, %dma_start3A_374] : memref<10240x16xf32, #tpu.memory_space<vmem_shared>> -> memref<10240x16xf32, #tpu.memory_space<vmem_shared>>
      tpu.enqueue_indirect_dma source(%dma_start3A_369 : memref<128x16xf32, #tpu.memory_space<vmem>>) target(%dma_start3A_375 : memref<10240x16xf32, #tpu.memory_space<vmem_shared>>) offsets(%dma_start3A_372 : memref<128xi32, #tpu.memory_space<vmem>>) semaphore(%arg16 : memref<!tpu.dma_semaphore, #tpu.memory_space<semaphore_mem>>) {add = true}
      %mul3A_376 = arith.constant 4 : i32
      %mul3A_377 = arith.muli %mul3A_170, %mul3A_376 : i32
      %add3A_378 = arith.constant 1 : i32
      %add3A_379 = arith.addi %mul3A_377, %add3A_378 : i32
      %dma_start3A_380 = arith.constant 128 : i32
      %dma_start3A_381 = arith.constant 0 : i32
      %dma_start3A_382 = tpu.memref_slice %arg11[%dma_start3A_380, %dma_start3A_381] : memref<512x16xf32, #tpu.memory_space<vmem>> -> memref<128x16xf32, #tpu.memory_space<vmem>>
      %dma_start3A_383 = arith.constant 0 : i32
      %dma_start3A_384 = tpu.memref_slice %arg10[%add3A_379, %dma_start3A_383] : memref<88x128xi32, #tpu.memory_space<vmem>> -> memref<1x128xi32, #tpu.memory_space<vmem>>
      %dma_start3A_385 = tpu.memref_squeeze %dma_start3A_384 : memref<1x128xi32, #tpu.memory_space<vmem>> -> memref<128xi32, #tpu.memory_space<vmem>>
      %dma_start3A_386 = arith.constant 0 : i32
      %dma_start3A_387 = arith.constant 0 : i32
      %dma_start3A_388 = tpu.memref_slice %arg8[%dma_start3A_386, %dma_start3A_387] : memref<10240x16xf32, #tpu.memory_space<vmem_shared>> -> memref<10240x16xf32, #tpu.memory_space<vmem_shared>>
      tpu.enqueue_indirect_dma source(%dma_start3A_382 : memref<128x16xf32, #tpu.memory_space<vmem>>) target(%dma_start3A_388 : memref<10240x16xf32, #tpu.memory_space<vmem_shared>>) offsets(%dma_start3A_385 : memref<128xi32, #tpu.memory_space<vmem>>) semaphore(%arg16 : memref<!tpu.dma_semaphore, #tpu.memory_space<semaphore_mem>>) {add = true}
      %mul3A_389 = arith.constant 4 : i32
      %mul3A_390 = arith.muli %mul3A_170, %mul3A_389 : i32
      %add3A_391 = arith.constant 2 : i32
      %add3A_392 = arith.addi %mul3A_390, %add3A_391 : i32
      %dma_start3A_393 = arith.constant 256 : i32
      %dma_start3A_394 = arith.constant 0 : i32
      %dma_start3A_395 = tpu.memref_slice %arg11[%dma_start3A_393, %dma_start3A_394] : memref<512x16xf32, #tpu.memory_space<vmem>> -> memref<128x16xf32, #tpu.memory_space<vmem>>
      %dma_start3A_396 = arith.constant 0 : i32
      %dma_start3A_397 = tpu.memref_slice %arg10[%add3A_392, %dma_start3A_396] : memref<88x128xi32, #tpu.memory_space<vmem>> -> memref<1x128xi32, #tpu.memory_space<vmem>>
      %dma_start3A_398 = tpu.memref_squeeze %dma_start3A_397 : memref<1x128xi32, #tpu.memory_space<vmem>> -> memref<128xi32, #tpu.memory_space<vmem>>
      %dma_start3A_399 = arith.constant 0 : i32
      %dma_start3A_400 = arith.constant 0 : i32
      %dma_start3A_401 = tpu.memref_slice %arg8[%dma_start3A_399, %dma_start3A_400] : memref<10240x16xf32, #tpu.memory_space<vmem_shared>> -> memref<10240x16xf32, #tpu.memory_space<vmem_shared>>
      tpu.enqueue_indirect_dma source(%dma_start3A_395 : memref<128x16xf32, #tpu.memory_space<vmem>>) target(%dma_start3A_401 : memref<10240x16xf32, #tpu.memory_space<vmem_shared>>) offsets(%dma_start3A_398 : memref<128xi32, #tpu.memory_space<vmem>>) semaphore(%arg16 : memref<!tpu.dma_semaphore, #tpu.memory_space<semaphore_mem>>) {add = true}
      %mul3A_402 = arith.constant 4 : i32
      %mul3A_403 = arith.muli %mul3A_170, %mul3A_402 : i32
      %add3A_404 = arith.constant 3 : i32
      %add3A_405 = arith.addi %mul3A_403, %add3A_404 : i32
      %dma_start3A_406 = arith.constant 384 : i32
      %dma_start3A_407 = arith.constant 0 : i32
      %dma_start3A_408 = tpu.memref_slice %arg11[%dma_start3A_406, %dma_start3A_407] : memref<512x16xf32, #tpu.memory_space<vmem>> -> memref<128x16xf32, #tpu.memory_space<vmem>>
      %dma_start3A_409 = arith.constant 0 : i32
      %dma_start3A_410 = tpu.memref_slice %arg10[%add3A_405, %dma_start3A_409] : memref<88x128xi32, #tpu.memory_space<vmem>> -> memref<1x128xi32, #tpu.memory_space<vmem>>
      %dma_start3A_411 = tpu.memref_squeeze %dma_start3A_410 : memref<1x128xi32, #tpu.memory_space<vmem>> -> memref<128xi32, #tpu.memory_space<vmem>>
      %dma_start3A_412 = arith.constant 0 : i32
      %dma_start3A_413 = arith.constant 0 : i32
      %dma_start3A_414 = tpu.memref_slice %arg8[%dma_start3A_412, %dma_start3A_413] : memref<10240x16xf32, #tpu.memory_space<vmem_shared>> -> memref<10240x16xf32, #tpu.memory_space<vmem_shared>>
      tpu.enqueue_indirect_dma source(%dma_start3A_408 : memref<128x16xf32, #tpu.memory_space<vmem>>) target(%dma_start3A_414 : memref<10240x16xf32, #tpu.memory_space<vmem_shared>>) offsets(%dma_start3A_411 : memref<128xi32, #tpu.memory_space<vmem>>) semaphore(%arg16 : memref<!tpu.dma_semaphore, #tpu.memory_space<semaphore_mem>>) {add = true}
      %dma_wait3A_415 = arith.constant 0 : i32
      %dma_wait3A_416 = arith.constant 0 : i32
      %dma_wait3A_417 = tpu.memref_slice %arg12[%dma_wait3A_415, %dma_wait3A_416] : memref<512x16xf32, #tpu.memory_space<vmem>> -> memref<128x16xf32, #tpu.memory_space<vmem>>
      %dma_wait3A_418 = arith.constant 0 : i32
      %dma_wait3A_419 = arith.constant 0 : i32
      %dma_wait3A_420 = tpu.memref_slice %arg3[%dma_wait3A_418, %dma_wait3A_419] : memref<10240x16xf32, #tpu.memory_space<hbm>> -> memref<128x16xf32, #tpu.memory_space<hbm>>
      %dma_wait3A_421 = arith.constant 0 : i32
      %dma_wait3A_422 = arith.constant 0 : i32
      %dma_wait3A_423 = tpu.memref_slice %arg12[%dma_wait3A_421, %dma_wait3A_422] : memref<512x16xf32, #tpu.memory_space<vmem>> -> memref<128x16xf32, #tpu.memory_space<vmem>>
      %dma_wait3A_424 = arith.constant 0 : i32
      %dma_wait3A_425 = arith.constant 0 : i32
      %dma_wait3A_426 = tpu.memref_slice %arg3[%dma_wait3A_424, %dma_wait3A_425] : memref<10240x16xf32, #tpu.memory_space<hbm>> -> memref<128x16xf32, #tpu.memory_space<hbm>>
      tpu.wait_dma2 semaphore(%arg15 : memref<!tpu.dma_semaphore, #tpu.memory_space<semaphore_mem>>) src(%dma_wait3A_426 : memref<128x16xf32, #tpu.memory_space<hbm>>) dst(%dma_wait3A_423 : memref<128x16xf32, #tpu.memory_space<vmem>>)
      %dma_wait3A_427 = arith.constant 0 : i32
      %dma_wait3A_428 = arith.constant 0 : i32
      %dma_wait3A_429 = tpu.memref_slice %arg14[%dma_wait3A_427, %dma_wait3A_428] : memref<512x16xf32, #tpu.memory_space<vmem>> -> memref<128x16xf32, #tpu.memory_space<vmem>>
      %dma_wait3A_430 = arith.constant 0 : i32
      %dma_wait3A_431 = arith.constant 0 : i32
      %dma_wait3A_432 = tpu.memref_slice %arg4[%dma_wait3A_430, %dma_wait3A_431] : memref<10240x16xf32, #tpu.memory_space<hbm>> -> memref<128x16xf32, #tpu.memory_space<hbm>>
      %dma_wait3A_433 = arith.constant 0 : i32
      %dma_wait3A_434 = arith.constant 0 : i32
      %dma_wait3A_435 = tpu.memref_slice %arg14[%dma_wait3A_433, %dma_wait3A_434] : memref<512x16xf32, #tpu.memory_space<vmem>> -> memref<128x16xf32, #tpu.memory_space<vmem>>
      %dma_wait3A_436 = arith.constant 0 : i32
      %dma_wait3A_437 = arith.constant 0 : i32
      %dma_wait3A_438 = tpu.memref_slice %arg4[%dma_wait3A_436, %dma_wait3A_437] : memref<10240x16xf32, #tpu.memory_space<hbm>> -> memref<128x16xf32, #tpu.memory_space<hbm>>
      tpu.wait_dma2 semaphore(%arg15 : memref<!tpu.dma_semaphore, #tpu.memory_space<semaphore_mem>>) src(%dma_wait3A_438 : memref<128x16xf32, #tpu.memory_space<hbm>>) dst(%dma_wait3A_435 : memref<128x16xf32, #tpu.memory_space<vmem>>)
      %dma_wait3A_439 = arith.constant 128 : i32
      %dma_wait3A_440 = arith.constant 0 : i32
      %dma_wait3A_441 = tpu.memref_slice %arg12[%dma_wait3A_439, %dma_wait3A_440] : memref<512x16xf32, #tpu.memory_space<vmem>> -> memref<128x16xf32, #tpu.memory_space<vmem>>
      %dma_wait3A_442 = arith.constant 0 : i32
      %dma_wait3A_443 = arith.constant 0 : i32
      %dma_wait3A_444 = tpu.memref_slice %arg3[%dma_wait3A_442, %dma_wait3A_443] : memref<10240x16xf32, #tpu.memory_space<hbm>> -> memref<128x16xf32, #tpu.memory_space<hbm>>
      %dma_wait3A_445 = arith.constant 128 : i32
      %dma_wait3A_446 = arith.constant 0 : i32
      %dma_wait3A_447 = tpu.memref_slice %arg12[%dma_wait3A_445, %dma_wait3A_446] : memref<512x16xf32, #tpu.memory_space<vmem>> -> memref<128x16xf32, #tpu.memory_space<vmem>>
      %dma_wait3A_448 = arith.constant 0 : i32
      %dma_wait3A_449 = arith.constant 0 : i32
      %dma_wait3A_450 = tpu.memref_slice %arg3[%dma_wait3A_448, %dma_wait3A_449] : memref<10240x16xf32, #tpu.memory_space<hbm>> -> memref<128x16xf32, #tpu.memory_space<hbm>>
      tpu.wait_dma2 semaphore(%arg15 : memref<!tpu.dma_semaphore, #tpu.memory_space<semaphore_mem>>) src(%dma_wait3A_450 : memref<128x16xf32, #tpu.memory_space<hbm>>) dst(%dma_wait3A_447 : memref<128x16xf32, #tpu.memory_space<vmem>>)
      %dma_wait3A_451 = arith.constant 128 : i32
      %dma_wait3A_452 = arith.constant 0 : i32
      %dma_wait3A_453 = tpu.memref_slice %arg14[%dma_wait3A_451, %dma_wait3A_452] : memref<512x16xf32, #tpu.memory_space<vmem>> -> memref<128x16xf32, #tpu.memory_space<vmem>>
      %dma_wait3A_454 = arith.constant 0 : i32
      %dma_wait3A_455 = arith.constant 0 : i32
      %dma_wait3A_456 = tpu.memref_slice %arg4[%dma_wait3A_454, %dma_wait3A_455] : memref<10240x16xf32, #tpu.memory_space<hbm>> -> memref<128x16xf32, #tpu.memory_space<hbm>>
      %dma_wait3A_457 = arith.constant 128 : i32
      %dma_wait3A_458 = arith.constant 0 : i32
      %dma_wait3A_459 = tpu.memref_slice %arg14[%dma_wait3A_457, %dma_wait3A_458] : memref<512x16xf32, #tpu.memory_space<vmem>> -> memref<128x16xf32, #tpu.memory_space<vmem>>
      %dma_wait3A_460 = arith.constant 0 : i32
      %dma_wait3A_461 = arith.constant 0 : i32
      %dma_wait3A_462 = tpu.memref_slice %arg4[%dma_wait3A_460, %dma_wait3A_461] : memref<10240x16xf32, #tpu.memory_space<hbm>> -> memref<128x16xf32, #tpu.memory_space<hbm>>
      tpu.wait_dma2 semaphore(%arg15 : memref<!tpu.dma_semaphore, #tpu.memory_space<semaphore_mem>>) src(%dma_wait3A_462 : memref<128x16xf32, #tpu.memory_space<hbm>>) dst(%dma_wait3A_459 : memref<128x16xf32, #tpu.memory_space<vmem>>)
      %dma_wait3A_463 = arith.constant 256 : i32
      %dma_wait3A_464 = arith.constant 0 : i32
      %dma_wait3A_465 = tpu.memref_slice %arg12[%dma_wait3A_463, %dma_wait3A_464] : memref<512x16xf32, #tpu.memory_space<vmem>> -> memref<128x16xf32, #tpu.memory_space<vmem>>
      %dma_wait3A_466 = arith.constant 0 : i32
      %dma_wait3A_467 = arith.constant 0 : i32
      %dma_wait3A_468 = tpu.memref_slice %arg3[%dma_wait3A_466, %dma_wait3A_467] : memref<10240x16xf32, #tpu.memory_space<hbm>> -> memref<128x16xf32, #tpu.memory_space<hbm>>
      %dma_wait3A_469 = arith.constant 256 : i32
      %dma_wait3A_470 = arith.constant 0 : i32
      %dma_wait3A_471 = tpu.memref_slice %arg12[%dma_wait3A_469, %dma_wait3A_470] : memref<512x16xf32, #tpu.memory_space<vmem>> -> memref<128x16xf32, #tpu.memory_space<vmem>>
      %dma_wait3A_472 = arith.constant 0 : i32
      %dma_wait3A_473 = arith.constant 0 : i32
      %dma_wait3A_474 = tpu.memref_slice %arg3[%dma_wait3A_472, %dma_wait3A_473] : memref<10240x16xf32, #tpu.memory_space<hbm>> -> memref<128x16xf32, #tpu.memory_space<hbm>>
      tpu.wait_dma2 semaphore(%arg15 : memref<!tpu.dma_semaphore, #tpu.memory_space<semaphore_mem>>) src(%dma_wait3A_474 : memref<128x16xf32, #tpu.memory_space<hbm>>) dst(%dma_wait3A_471 : memref<128x16xf32, #tpu.memory_space<vmem>>)
      %dma_wait3A_475 = arith.constant 256 : i32
      %dma_wait3A_476 = arith.constant 0 : i32
      %dma_wait3A_477 = tpu.memref_slice %arg14[%dma_wait3A_475, %dma_wait3A_476] : memref<512x16xf32, #tpu.memory_space<vmem>> -> memref<128x16xf32, #tpu.memory_space<vmem>>
      %dma_wait3A_478 = arith.constant 0 : i32
      %dma_wait3A_479 = arith.constant 0 : i32
      %dma_wait3A_480 = tpu.memref_slice %arg4[%dma_wait3A_478, %dma_wait3A_479] : memref<10240x16xf32, #tpu.memory_space<hbm>> -> memref<128x16xf32, #tpu.memory_space<hbm>>
      %dma_wait3A_481 = arith.constant 256 : i32
      %dma_wait3A_482 = arith.constant 0 : i32
      %dma_wait3A_483 = tpu.memref_slice %arg14[%dma_wait3A_481, %dma_wait3A_482] : memref<512x16xf32, #tpu.memory_space<vmem>> -> memref<128x16xf32, #tpu.memory_space<vmem>>
      %dma_wait3A_484 = arith.constant 0 : i32
      %dma_wait3A_485 = arith.constant 0 : i32
      %dma_wait3A_486 = tpu.memref_slice %arg4[%dma_wait3A_484, %dma_wait3A_485] : memref<10240x16xf32, #tpu.memory_space<hbm>> -> memref<128x16xf32, #tpu.memory_space<hbm>>
      tpu.wait_dma2 semaphore(%arg15 : memref<!tpu.dma_semaphore, #tpu.memory_space<semaphore_mem>>) src(%dma_wait3A_486 : memref<128x16xf32, #tpu.memory_space<hbm>>) dst(%dma_wait3A_483 : memref<128x16xf32, #tpu.memory_space<vmem>>)
      %dma_wait3A_487 = arith.constant 384 : i32
      %dma_wait3A_488 = arith.constant 0 : i32
      %dma_wait3A_489 = tpu.memref_slice %arg12[%dma_wait3A_487, %dma_wait3A_488] : memref<512x16xf32, #tpu.memory_space<vmem>> -> memref<128x16xf32, #tpu.memory_space<vmem>>
      %dma_wait3A_490 = arith.constant 0 : i32
      %dma_wait3A_491 = arith.constant 0 : i32
      %dma_wait3A_492 = tpu.memref_slice %arg3[%dma_wait3A_490, %dma_wait3A_491] : memref<10240x16xf32, #tpu.memory_space<hbm>> -> memref<128x16xf32, #tpu.memory_space<hbm>>
      %dma_wait3A_493 = arith.constant 384 : i32
      %dma_wait3A_494 = arith.constant 0 : i32
      %dma_wait3A_495 = tpu.memref_slice %arg12[%dma_wait3A_493, %dma_wait3A_494] : memref<512x16xf32, #tpu.memory_space<vmem>> -> memref<128x16xf32, #tpu.memory_space<vmem>>
      %dma_wait3A_496 = arith.constant 0 : i32
      %dma_wait3A_497 = arith.constant 0 : i32
      %dma_wait3A_498 = tpu.memref_slice %arg3[%dma_wait3A_496, %dma_wait3A_497] : memref<10240x16xf32, #tpu.memory_space<hbm>> -> memref<128x16xf32, #tpu.memory_space<hbm>>
      tpu.wait_dma2 semaphore(%arg15 : memref<!tpu.dma_semaphore, #tpu.memory_space<semaphore_mem>>) src(%dma_wait3A_498 : memref<128x16xf32, #tpu.memory_space<hbm>>) dst(%dma_wait3A_495 : memref<128x16xf32, #tpu.memory_space<vmem>>)
      %dma_wait3A_499 = arith.constant 384 : i32
      %dma_wait3A_500 = arith.constant 0 : i32
      %dma_wait3A_501 = tpu.memref_slice %arg14[%dma_wait3A_499, %dma_wait3A_500] : memref<512x16xf32, #tpu.memory_space<vmem>> -> memref<128x16xf32, #tpu.memory_space<vmem>>
      %dma_wait3A_502 = arith.constant 0 : i32
      %dma_wait3A_503 = arith.constant 0 : i32
      %dma_wait3A_504 = tpu.memref_slice %arg4[%dma_wait3A_502, %dma_wait3A_503] : memref<10240x16xf32, #tpu.memory_space<hbm>> -> memref<128x16xf32, #tpu.memory_space<hbm>>
      %dma_wait3A_505 = arith.constant 384 : i32
      %dma_wait3A_506 = arith.constant 0 : i32
      %dma_wait3A_507 = tpu.memref_slice %arg14[%dma_wait3A_505, %dma_wait3A_506] : memref<512x16xf32, #tpu.memory_space<vmem>> -> memref<128x16xf32, #tpu.memory_space<vmem>>
      %dma_wait3A_508 = arith.constant 0 : i32
      %dma_wait3A_509 = arith.constant 0 : i32
      %dma_wait3A_510 = tpu.memref_slice %arg4[%dma_wait3A_508, %dma_wait3A_509] : memref<10240x16xf32, #tpu.memory_space<hbm>> -> memref<128x16xf32, #tpu.memory_space<hbm>>
      tpu.wait_dma2 semaphore(%arg15 : memref<!tpu.dma_semaphore, #tpu.memory_space<semaphore_mem>>) src(%dma_wait3A_510 : memref<128x16xf32, #tpu.memory_space<hbm>>) dst(%dma_wait3A_507 : memref<128x16xf32, #tpu.memory_space<vmem>>)
      %parallel_loop3A_511 = arith.constant 0 : i32
      %parallel_loop3A_512 = arith.constant 512 : i32
      %parallel_loop3A_513 = arith.constant 1 : i32
      scf.for %parallel_loop3A_621 = %parallel_loop3A_511 to %parallel_loop3A_512 step %parallel_loop3A_513  : i32 {
        %parallel_loop3A_622 = arith.index_cast %parallel_loop3A_621 : i32 to index
        %parallel_loop3A_623 = arith.constant 0 : index
        %parallel_loop3A_624 = tpu.vector_load %arg14[%parallel_loop3A_622, %parallel_loop3A_623] {strides = array<i32>} : memref<512x16xf32, #tpu.memory_space<vmem>>, vector<16xf32>,
        %parallel_loop3A_625 = arith.index_cast %parallel_loop3A_621 : i32 to index
        %parallel_loop3A_626 = arith.constant 0 : index
        %parallel_loop3A_627 = tpu.vector_load %arg12[%parallel_loop3A_625, %parallel_loop3A_626] {strides = array<i32>} : memref<512x16xf32, #tpu.memory_space<vmem>>, vector<16xf32>,
        %parallel_loop3A_628 = arith.constant 0 : i32
        %parallel_loop3A_629 = vector.broadcast %parallel_loop3A_628 : i32 to vector<16xi32>
        %parallel_loop3A_630 = arith.cmpi slt, %add3A_17, %parallel_loop3A_629 : vector<16xi32>
        %parallel_loop3A_631 = arith.constant 16 : i32
        %parallel_loop3A_632 = vector.broadcast %parallel_loop3A_631 : i32 to vector<16xi32>
        %parallel_loop3A_633 = arith.addi %add3A_17, %parallel_loop3A_632 : vector<16xi32>
        %parallel_loop3A_634 = arith.select %parallel_loop3A_630, %parallel_loop3A_633, %add3A_17 : vector<16xi1>, vector<16xi32>
        %parallel_loop3A_635 = vector.shape_cast %parallel_loop3A_634 : vector<16xi32> to vector<16x1xi32>
        %parallel_loop3A_636 = vector.shape_cast %parallel_loop3A_635 : vector<16x1xi32> to vector<16xi32>
        %parallel_loop3A_637 = tpu.dynamic_gather %parallel_loop3A_627[%parallel_loop3A_636] in [0] : vector<16xf32>, vector<16xi32> -> vector<16xf32>
        %parallel_loop3A_638 = arith.addf %parallel_loop3A_637, %parallel_loop3A_624 : vector<16xf32>
        %parallel_loop3A_639 = arith.constant 2.000000e-01 : f32
        %parallel_loop3A_640 = vector.broadcast %parallel_loop3A_639 : f32 to vector<16xf32>
        %parallel_loop3A_641 = arith.mulf %parallel_loop3A_640, %parallel_loop3A_638 : vector<16xf32>
        %parallel_loop3A_642 = arith.maximumf %parallel_loop3A_638, %parallel_loop3A_641 : vector<16xf32>
        %parallel_loop3A_643 = math.exp %parallel_loop3A_642 : vector<16xf32>
        %parallel_loop3A_644 = arith.mulf %parallel_loop3A_643, %parallel_loop3A_627 : vector<16xf32>
        %parallel_loop3A_645 = arith.select %eq3A_21, %parallel_loop3A_643, %broadcast_in_dim3A_23 : vector<16xi1>, vector<16xf32>
        %parallel_loop3A_646 = arith.select %lt3A_19, %parallel_loop3A_644, %parallel_loop3A_645 : vector<16xi1>, vector<16xf32>
        %parallel_loop3A_647 = arith.index_cast %parallel_loop3A_621 : i32 to index
        %parallel_loop3A_648 = arith.constant 0 : index
        %parallel_loop3A_649 = tpu.vector_load %arg12[%parallel_loop3A_647, %parallel_loop3A_648] {strides = array<i32>} : memref<512x16xf32, #tpu.memory_space<vmem>>, vector<16xf32>,
        tpu.vector_store %arg12[%parallel_loop3A_647, %parallel_loop3A_648], %parallel_loop3A_646 {strides = array<i32>} : memref<512x16xf32, #tpu.memory_space<vmem>>, vector<16xf32>,
      } {sc.loop_unroll_factor = 4 : i64, sc.parallel_access}
      %dma_wait3A_514 = arith.constant 0 : i32
      %dma_wait3A_515 = arith.constant 0 : i32
      %dma_wait3A_516 = tpu.memref_slice %arg11[%dma_wait3A_514, %dma_wait3A_515] : memref<512x16xf32, #tpu.memory_space<vmem>> -> memref<128x16xf32, #tpu.memory_space<vmem>>
      %dma_wait3A_517 = arith.constant 0 : i32
      %dma_wait3A_518 = arith.constant 0 : i32
      %dma_wait3A_519 = tpu.memref_slice %arg8[%dma_wait3A_517, %dma_wait3A_518] : memref<10240x16xf32, #tpu.memory_space<vmem_shared>> -> memref<128x16xf32, #tpu.memory_space<vmem_shared>>
      %dma_wait3A_520 = arith.constant 0 : i32
      %dma_wait3A_521 = arith.constant 0 : i32
      %dma_wait3A_522 = tpu.memref_slice %arg8[%dma_wait3A_520, %dma_wait3A_521] : memref<10240x16xf32, #tpu.memory_space<vmem_shared>> -> memref<128x16xf32, #tpu.memory_space<vmem_shared>>
      %dma_wait3A_523 = arith.constant 0 : i32
      %dma_wait3A_524 = arith.constant 0 : i32
      %dma_wait3A_525 = tpu.memref_slice %arg11[%dma_wait3A_523, %dma_wait3A_524] : memref<512x16xf32, #tpu.memory_space<vmem>> -> memref<128x16xf32, #tpu.memory_space<vmem>>
      tpu.wait_dma2 semaphore(%arg16 : memref<!tpu.dma_semaphore, #tpu.memory_space<semaphore_mem>>) src(%dma_wait3A_525 : memref<128x16xf32, #tpu.memory_space<vmem>>) dst(%dma_wait3A_522 : memref<128x16xf32, #tpu.memory_space<vmem_shared>>)
      %dma_wait3A_526 = arith.constant 128 : i32
      %dma_wait3A_527 = arith.constant 0 : i32
      %dma_wait3A_528 = tpu.memref_slice %arg11[%dma_wait3A_526, %dma_wait3A_527] : memref<512x16xf32, #tpu.memory_space<vmem>> -> memref<128x16xf32, #tpu.memory_space<vmem>>
      %dma_wait3A_529 = arith.constant 0 : i32
      %dma_wait3A_530 = arith.constant 0 : i32
      %dma_wait3A_531 = tpu.memref_slice %arg8[%dma_wait3A_529, %dma_wait3A_530] : memref<10240x16xf32, #tpu.memory_space<vmem_shared>> -> memref<128x16xf32, #tpu.memory_space<vmem_shared>>
      %dma_wait3A_532 = arith.constant 0 : i32
      %dma_wait3A_533 = arith.constant 0 : i32
      %dma_wait3A_534 = tpu.memref_slice %arg8[%dma_wait3A_532, %dma_wait3A_533] : memref<10240x16xf32, #tpu.memory_space<vmem_shared>> -> memref<128x16xf32, #tpu.memory_space<vmem_shared>>
      %dma_wait3A_535 = arith.constant 128 : i32
      %dma_wait3A_536 = arith.constant 0 : i32
      %dma_wait3A_537 = tpu.memref_slice %arg11[%dma_wait3A_535, %dma_wait3A_536] : memref<512x16xf32, #tpu.memory_space<vmem>> -> memref<128x16xf32, #tpu.memory_space<vmem>>
      tpu.wait_dma2 semaphore(%arg16 : memref<!tpu.dma_semaphore, #tpu.memory_space<semaphore_mem>>) src(%dma_wait3A_537 : memref<128x16xf32, #tpu.memory_space<vmem>>) dst(%dma_wait3A_534 : memref<128x16xf32, #tpu.memory_space<vmem_shared>>)
      %dma_wait3A_538 = arith.constant 256 : i32
      %dma_wait3A_539 = arith.constant 0 : i32
      %dma_wait3A_540 = tpu.memref_slice %arg11[%dma_wait3A_538, %dma_wait3A_539] : memref<512x16xf32, #tpu.memory_space<vmem>> -> memref<128x16xf32, #tpu.memory_space<vmem>>
      %dma_wait3A_541 = arith.constant 0 : i32
      %dma_wait3A_542 = arith.constant 0 : i32
      %dma_wait3A_543 = tpu.memref_slice %arg8[%dma_wait3A_541, %dma_wait3A_542] : memref<10240x16xf32, #tpu.memory_space<vmem_shared>> -> memref<128x16xf32, #tpu.memory_space<vmem_shared>>
      %dma_wait3A_544 = arith.constant 0 : i32
      %dma_wait3A_545 = arith.constant 0 : i32
      %dma_wait3A_546 = tpu.memref_slice %arg8[%dma_wait3A_544, %dma_wait3A_545] : memref<10240x16xf32, #tpu.memory_space<vmem_shared>> -> memref<128x16xf32, #tpu.memory_space<vmem_shared>>
      %dma_wait3A_547 = arith.constant 256 : i32
      %dma_wait3A_548 = arith.constant 0 : i32
      %dma_wait3A_549 = tpu.memref_slice %arg11[%dma_wait3A_547, %dma_wait3A_548] : memref<512x16xf32, #tpu.memory_space<vmem>> -> memref<128x16xf32, #tpu.memory_space<vmem>>
      tpu.wait_dma2 semaphore(%arg16 : memref<!tpu.dma_semaphore, #tpu.memory_space<semaphore_mem>>) src(%dma_wait3A_549 : memref<128x16xf32, #tpu.memory_space<vmem>>) dst(%dma_wait3A_546 : memref<128x16xf32, #tpu.memory_space<vmem_shared>>)
      %dma_wait3A_550 = arith.constant 384 : i32
      %dma_wait3A_551 = arith.constant 0 : i32
      %dma_wait3A_552 = tpu.memref_slice %arg11[%dma_wait3A_550, %dma_wait3A_551] : memref<512x16xf32, #tpu.memory_space<vmem>> -> memref<128x16xf32, #tpu.memory_space<vmem>>
      %dma_wait3A_553 = arith.constant 0 : i32
      %dma_wait3A_554 = arith.constant 0 : i32
      %dma_wait3A_555 = tpu.memref_slice %arg8[%dma_wait3A_553, %dma_wait3A_554] : memref<10240x16xf32, #tpu.memory_space<vmem_shared>> -> memref<128x16xf32, #tpu.memory_space<vmem_shared>>
      %dma_wait3A_556 = arith.constant 0 : i32
      %dma_wait3A_557 = arith.constant 0 : i32
      %dma_wait3A_558 = tpu.memref_slice %arg8[%dma_wait3A_556, %dma_wait3A_557] : memref<10240x16xf32, #tpu.memory_space<vmem_shared>> -> memref<128x16xf32, #tpu.memory_space<vmem_shared>>
      %dma_wait3A_559 = arith.constant 384 : i32
      %dma_wait3A_560 = arith.constant 0 : i32
      %dma_wait3A_561 = tpu.memref_slice %arg11[%dma_wait3A_559, %dma_wait3A_560] : memref<512x16xf32, #tpu.memory_space<vmem>> -> memref<128x16xf32, #tpu.memory_space<vmem>>
      tpu.wait_dma2 semaphore(%arg16 : memref<!tpu.dma_semaphore, #tpu.memory_space<semaphore_mem>>) src(%dma_wait3A_561 : memref<128x16xf32, #tpu.memory_space<vmem>>) dst(%dma_wait3A_558 : memref<128x16xf32, #tpu.memory_space<vmem_shared>>)
      %add3A_562 = arith.constant 1 : i32
      %add3A_563 = arith.addi %add3A_172, %add3A_562 : i32
      %lt3A_564 = arith.constant 22 : i32
      %lt3A_565 = arith.cmpi slt, %add3A_563, %lt3A_564 : i32
      %convert_element_type3A_566 = arith.extui %lt3A_565 : i1 to i32
      %cond3A_567 = arith.constant 0 : i32
      %cond3A_568 = arith.cmpi ne, %convert_element_type3A_566, %cond3A_567 : i32
      scf.if %cond3A_568 {
        %add3A_621 = arith.constant 1 : i32
        %add3A_622 = arith.addi %add3A_172, %add3A_621 : i32
        %mul3A_623 = arith.constant 4 : i32
        %mul3A_624 = arith.muli %add3A_622, %mul3A_623 : i32
        %add3A_625 = arith.constant 0 : i32
        %add3A_626 = arith.addi %mul3A_624, %add3A_625 : i32
        %dma_start3A_627 = arith.constant 0 : i32
        %dma_start3A_628 = arith.constant 0 : i32
        %dma_start3A_629 = tpu.memref_slice %arg11[%dma_start3A_627, %dma_start3A_628] : memref<512x16xf32, #tpu.memory_space<vmem>> -> memref<128x16xf32, #tpu.memory_space<vmem>>
        %dma_start3A_630 = arith.constant 0 : i32
        %dma_start3A_631 = tpu.memref_slice %arg9[%add3A_626, %dma_start3A_630] : memref<88x128xi32, #tpu.memory_space<vmem>> -> memref<1x128xi32, #tpu.memory_space<vmem>>
        %dma_start3A_632 = tpu.memref_squeeze %dma_start3A_631 : memref<1x128xi32, #tpu.memory_space<vmem>> -> memref<128xi32, #tpu.memory_space<vmem>>
        %dma_start3A_633 = arith.constant 0 : i32
        %dma_start3A_634 = arith.constant 0 : i32
        %dma_start3A_635 = tpu.memref_slice %arg3[%dma_start3A_633, %dma_start3A_634] : memref<10240x16xf32, #tpu.memory_space<hbm>> -> memref<10240x16xf32, #tpu.memory_space<hbm>>
        tpu.enqueue_indirect_dma source(%dma_start3A_635 : memref<10240x16xf32, #tpu.memory_space<hbm>>) target(%dma_start3A_629 : memref<128x16xf32, #tpu.memory_space<vmem>>) offsets(%dma_start3A_632 : memref<128xi32, #tpu.memory_space<vmem>>) semaphore(%arg15 : memref<!tpu.dma_semaphore, #tpu.memory_space<semaphore_mem>>)
        %dma_start3A_636 = arith.constant 0 : i32
        %dma_start3A_637 = arith.constant 0 : i32
        %dma_start3A_638 = tpu.memref_slice %arg13[%dma_start3A_636, %dma_start3A_637] : memref<512x16xf32, #tpu.memory_space<vmem>> -> memref<128x16xf32, #tpu.memory_space<vmem>>
        %dma_start3A_639 = arith.constant 0 : i32
        %dma_start3A_640 = tpu.memref_slice %arg10[%add3A_626, %dma_start3A_639] : memref<88x128xi32, #tpu.memory_space<vmem>> -> memref<1x128xi32, #tpu.memory_space<vmem>>
        %dma_start3A_641 = tpu.memref_squeeze %dma_start3A_640 : memref<1x128xi32, #tpu.memory_space<vmem>> -> memref<128xi32, #tpu.memory_space<vmem>>
        %dma_start3A_642 = arith.constant 0 : i32
        %dma_start3A_643 = arith.constant 0 : i32
        %dma_start3A_644 = tpu.memref_slice %arg4[%dma_start3A_642, %dma_start3A_643] : memref<10240x16xf32, #tpu.memory_space<hbm>> -> memref<10240x16xf32, #tpu.memory_space<hbm>>
        tpu.enqueue_indirect_dma source(%dma_start3A_644 : memref<10240x16xf32, #tpu.memory_space<hbm>>) target(%dma_start3A_638 : memref<128x16xf32, #tpu.memory_space<vmem>>) offsets(%dma_start3A_641 : memref<128xi32, #tpu.memory_space<vmem>>) semaphore(%arg15 : memref<!tpu.dma_semaphore, #tpu.memory_space<semaphore_mem>>)
        %mul3A_645 = arith.constant 4 : i32
        %mul3A_646 = arith.muli %add3A_622, %mul3A_645 : i32
        %add3A_647 = arith.constant 1 : i32
        %add3A_648 = arith.addi %mul3A_646, %add3A_647 : i32
        %dma_start3A_649 = arith.constant 128 : i32
        %dma_start3A_650 = arith.constant 0 : i32
        %dma_start3A_651 = tpu.memref_slice %arg11[%dma_start3A_649, %dma_start3A_650] : memref<512x16xf32, #tpu.memory_space<vmem>> -> memref<128x16xf32, #tpu.memory_space<vmem>>
        %dma_start3A_652 = arith.constant 0 : i32
        %dma_start3A_653 = tpu.memref_slice %arg9[%add3A_648, %dma_start3A_652] : memref<88x128xi32, #tpu.memory_space<vmem>> -> memref<1x128xi32, #tpu.memory_space<vmem>>
        %dma_start3A_654 = tpu.memref_squeeze %dma_start3A_653 : memref<1x128xi32, #tpu.memory_space<vmem>> -> memref<128xi32, #tpu.memory_space<vmem>>
        %dma_start3A_655 = arith.constant 0 : i32
        %dma_start3A_656 = arith.constant 0 : i32
        %dma_start3A_657 = tpu.memref_slice %arg3[%dma_start3A_655, %dma_start3A_656] : memref<10240x16xf32, #tpu.memory_space<hbm>> -> memref<10240x16xf32, #tpu.memory_space<hbm>>
        tpu.enqueue_indirect_dma source(%dma_start3A_657 : memref<10240x16xf32, #tpu.memory_space<hbm>>) target(%dma_start3A_651 : memref<128x16xf32, #tpu.memory_space<vmem>>) offsets(%dma_start3A_654 : memref<128xi32, #tpu.memory_space<vmem>>) semaphore(%arg15 : memref<!tpu.dma_semaphore, #tpu.memory_space<semaphore_mem>>)
        %dma_start3A_658 = arith.constant 128 : i32
        %dma_start3A_659 = arith.constant 0 : i32
        %dma_start3A_660 = tpu.memref_slice %arg13[%dma_start3A_658, %dma_start3A_659] : memref<512x16xf32, #tpu.memory_space<vmem>> -> memref<128x16xf32, #tpu.memory_space<vmem>>
        %dma_start3A_661 = arith.constant 0 : i32
        %dma_start3A_662 = tpu.memref_slice %arg10[%add3A_648, %dma_start3A_661] : memref<88x128xi32, #tpu.memory_space<vmem>> -> memref<1x128xi32, #tpu.memory_space<vmem>>
        %dma_start3A_663 = tpu.memref_squeeze %dma_start3A_662 : memref<1x128xi32, #tpu.memory_space<vmem>> -> memref<128xi32, #tpu.memory_space<vmem>>
        %dma_start3A_664 = arith.constant 0 : i32
        %dma_start3A_665 = arith.constant 0 : i32
        %dma_start3A_666 = tpu.memref_slice %arg4[%dma_start3A_664, %dma_start3A_665] : memref<10240x16xf32, #tpu.memory_space<hbm>> -> memref<10240x16xf32, #tpu.memory_space<hbm>>
        tpu.enqueue_indirect_dma source(%dma_start3A_666 : memref<10240x16xf32, #tpu.memory_space<hbm>>) target(%dma_start3A_660 : memref<128x16xf32, #tpu.memory_space<vmem>>) offsets(%dma_start3A_663 : memref<128xi32, #tpu.memory_space<vmem>>) semaphore(%arg15 : memref<!tpu.dma_semaphore, #tpu.memory_space<semaphore_mem>>)
        %mul3A_667 = arith.constant 4 : i32
        %mul3A_668 = arith.muli %add3A_622, %mul3A_667 : i32
        %add3A_669 = arith.constant 2 : i32
        %add3A_670 = arith.addi %mul3A_668, %add3A_669 : i32
        %dma_start3A_671 = arith.constant 256 : i32
        %dma_start3A_672 = arith.constant 0 : i32
        %dma_start3A_673 = tpu.memref_slice %arg11[%dma_start3A_671, %dma_start3A_672] : memref<512x16xf32, #tpu.memory_space<vmem>> -> memref<128x16xf32, #tpu.memory_space<vmem>>
        %dma_start3A_674 = arith.constant 0 : i32
        %dma_start3A_675 = tpu.memref_slice %arg9[%add3A_670, %dma_start3A_674] : memref<88x128xi32, #tpu.memory_space<vmem>> -> memref<1x128xi32, #tpu.memory_space<vmem>>
        %dma_start3A_676 = tpu.memref_squeeze %dma_start3A_675 : memref<1x128xi32, #tpu.memory_space<vmem>> -> memref<128xi32, #tpu.memory_space<vmem>>
        %dma_start3A_677 = arith.constant 0 : i32
        %dma_start3A_678 = arith.constant 0 : i32
        %dma_start3A_679 = tpu.memref_slice %arg3[%dma_start3A_677, %dma_start3A_678] : memref<10240x16xf32, #tpu.memory_space<hbm>> -> memref<10240x16xf32, #tpu.memory_space<hbm>>
        tpu.enqueue_indirect_dma source(%dma_start3A_679 : memref<10240x16xf32, #tpu.memory_space<hbm>>) target(%dma_start3A_673 : memref<128x16xf32, #tpu.memory_space<vmem>>) offsets(%dma_start3A_676 : memref<128xi32, #tpu.memory_space<vmem>>) semaphore(%arg15 : memref<!tpu.dma_semaphore, #tpu.memory_space<semaphore_mem>>)
        %dma_start3A_680 = arith.constant 256 : i32
        %dma_start3A_681 = arith.constant 0 : i32
        %dma_start3A_682 = tpu.memref_slice %arg13[%dma_start3A_680, %dma_start3A_681] : memref<512x16xf32, #tpu.memory_space<vmem>> -> memref<128x16xf32, #tpu.memory_space<vmem>>
        %dma_start3A_683 = arith.constant 0 : i32
        %dma_start3A_684 = tpu.memref_slice %arg10[%add3A_670, %dma_start3A_683] : memref<88x128xi32, #tpu.memory_space<vmem>> -> memref<1x128xi32, #tpu.memory_space<vmem>>
        %dma_start3A_685 = tpu.memref_squeeze %dma_start3A_684 : memref<1x128xi32, #tpu.memory_space<vmem>> -> memref<128xi32, #tpu.memory_space<vmem>>
        %dma_start3A_686 = arith.constant 0 : i32
        %dma_start3A_687 = arith.constant 0 : i32
        %dma_start3A_688 = tpu.memref_slice %arg4[%dma_start3A_686, %dma_start3A_687] : memref<10240x16xf32, #tpu.memory_space<hbm>> -> memref<10240x16xf32, #tpu.memory_space<hbm>>
        tpu.enqueue_indirect_dma source(%dma_start3A_688 : memref<10240x16xf32, #tpu.memory_space<hbm>>) target(%dma_start3A_682 : memref<128x16xf32, #tpu.memory_space<vmem>>) offsets(%dma_start3A_685 : memref<128xi32, #tpu.memory_space<vmem>>) semaphore(%arg15 : memref<!tpu.dma_semaphore, #tpu.memory_space<semaphore_mem>>)
        %mul3A_689 = arith.constant 4 : i32
        %mul3A_690 = arith.muli %add3A_622, %mul3A_689 : i32
        %add3A_691 = arith.constant 3 : i32
        %add3A_692 = arith.addi %mul3A_690, %add3A_691 : i32
        %dma_start3A_693 = arith.constant 384 : i32
        %dma_start3A_694 = arith.constant 0 : i32
        %dma_start3A_695 = tpu.memref_slice %arg11[%dma_start3A_693, %dma_start3A_694] : memref<512x16xf32, #tpu.memory_space<vmem>> -> memref<128x16xf32, #tpu.memory_space<vmem>>
        %dma_start3A_696 = arith.constant 0 : i32
        %dma_start3A_697 = tpu.memref_slice %arg9[%add3A_692, %dma_start3A_696] : memref<88x128xi32, #tpu.memory_space<vmem>> -> memref<1x128xi32, #tpu.memory_space<vmem>>
        %dma_start3A_698 = tpu.memref_squeeze %dma_start3A_697 : memref<1x128xi32, #tpu.memory_space<vmem>> -> memref<128xi32, #tpu.memory_space<vmem>>
        %dma_start3A_699 = arith.constant 0 : i32
        %dma_start3A_700 = arith.constant 0 : i32
        %dma_start3A_701 = tpu.memref_slice %arg3[%dma_start3A_699, %dma_start3A_700] : memref<10240x16xf32, #tpu.memory_space<hbm>> -> memref<10240x16xf32, #tpu.memory_space<hbm>>
        tpu.enqueue_indirect_dma source(%dma_start3A_701 : memref<10240x16xf32, #tpu.memory_space<hbm>>) target(%dma_start3A_695 : memref<128x16xf32, #tpu.memory_space<vmem>>) offsets(%dma_start3A_698 : memref<128xi32, #tpu.memory_space<vmem>>) semaphore(%arg15 : memref<!tpu.dma_semaphore, #tpu.memory_space<semaphore_mem>>)
        %dma_start3A_702 = arith.constant 384 : i32
        %dma_start3A_703 = arith.constant 0 : i32
        %dma_start3A_704 = tpu.memref_slice %arg13[%dma_start3A_702, %dma_start3A_703] : memref<512x16xf32, #tpu.memory_space<vmem>> -> memref<128x16xf32, #tpu.memory_space<vmem>>
        %dma_start3A_705 = arith.constant 0 : i32
        %dma_start3A_706 = tpu.memref_slice %arg10[%add3A_692, %dma_start3A_705] : memref<88x128xi32, #tpu.memory_space<vmem>> -> memref<1x128xi32, #tpu.memory_space<vmem>>
        %dma_start3A_707 = tpu.memref_squeeze %dma_start3A_706 : memref<1x128xi32, #tpu.memory_space<vmem>> -> memref<128xi32, #tpu.memory_space<vmem>>
        %dma_start3A_708 = arith.constant 0 : i32
        %dma_start3A_709 = arith.constant 0 : i32
        %dma_start3A_710 = tpu.memref_slice %arg4[%dma_start3A_708, %dma_start3A_709] : memref<10240x16xf32, #tpu.memory_space<hbm>> -> memref<10240x16xf32, #tpu.memory_space<hbm>>
        tpu.enqueue_indirect_dma source(%dma_start3A_710 : memref<10240x16xf32, #tpu.memory_space<hbm>>) target(%dma_start3A_704 : memref<128x16xf32, #tpu.memory_space<vmem>>) offsets(%dma_start3A_707 : memref<128xi32, #tpu.memory_space<vmem>>) semaphore(%arg15 : memref<!tpu.dma_semaphore, #tpu.memory_space<semaphore_mem>>)
      } else {
      }
      %mul3A_569 = arith.constant 4 : i32
      %mul3A_570 = arith.muli %add3A_172, %mul3A_569 : i32
      %add3A_571 = arith.constant 0 : i32
      %add3A_572 = arith.addi %mul3A_570, %add3A_571 : i32
      %dma_start3A_573 = arith.constant 0 : i32
      %dma_start3A_574 = arith.constant 0 : i32
      %dma_start3A_575 = tpu.memref_slice %arg12[%dma_start3A_573, %dma_start3A_574] : memref<512x16xf32, #tpu.memory_space<vmem>> -> memref<128x16xf32, #tpu.memory_space<vmem>>
      %dma_start3A_576 = arith.constant 0 : i32
      %dma_start3A_577 = tpu.memref_slice %arg10[%add3A_572, %dma_start3A_576] : memref<88x128xi32, #tpu.memory_space<vmem>> -> memref<1x128xi32, #tpu.memory_space<vmem>>
      %dma_start3A_578 = tpu.memref_squeeze %dma_start3A_577 : memref<1x128xi32, #tpu.memory_space<vmem>> -> memref<128xi32, #tpu.memory_space<vmem>>
      %dma_start3A_579 = arith.constant 0 : i32
      %dma_start3A_580 = arith.constant 0 : i32
      %dma_start3A_581 = tpu.memref_slice %arg8[%dma_start3A_579, %dma_start3A_580] : memref<10240x16xf32, #tpu.memory_space<vmem_shared>> -> memref<10240x16xf32, #tpu.memory_space<vmem_shared>>
      tpu.enqueue_indirect_dma source(%dma_start3A_575 : memref<128x16xf32, #tpu.memory_space<vmem>>) target(%dma_start3A_581 : memref<10240x16xf32, #tpu.memory_space<vmem_shared>>) offsets(%dma_start3A_578 : memref<128xi32, #tpu.memory_space<vmem>>) semaphore(%arg16 : memref<!tpu.dma_semaphore, #tpu.memory_space<semaphore_mem>>) {add = true}
      %mul3A_582 = arith.constant 4 : i32
      %mul3A_583 = arith.muli %add3A_172, %mul3A_582 : i32
      %add3A_584 = arith.constant 1 : i32
      %add3A_585 = arith.addi %mul3A_583, %add3A_584 : i32
      %dma_start3A_586 = arith.constant 128 : i32
      %dma_start3A_587 = arith.constant 0 : i32
      %dma_start3A_588 = tpu.memref_slice %arg12[%dma_start3A_586, %dma_start3A_587] : memref<512x16xf32, #tpu.memory_space<vmem>> -> memref<128x16xf32, #tpu.memory_space<vmem>>
      %dma_start3A_589 = arith.constant 0 : i32
      %dma_start3A_590 = tpu.memref_slice %arg10[%add3A_585, %dma_start3A_589] : memref<88x128xi32, #tpu.memory_space<vmem>> -> memref<1x128xi32, #tpu.memory_space<vmem>>
      %dma_start3A_591 = tpu.memref_squeeze %dma_start3A_590 : memref<1x128xi32, #tpu.memory_space<vmem>> -> memref<128xi32, #tpu.memory_space<vmem>>
      %dma_start3A_592 = arith.constant 0 : i32
      %dma_start3A_593 = arith.constant 0 : i32
      %dma_start3A_594 = tpu.memref_slice %arg8[%dma_start3A_592, %dma_start3A_593] : memref<10240x16xf32, #tpu.memory_space<vmem_shared>> -> memref<10240x16xf32, #tpu.memory_space<vmem_shared>>
      tpu.enqueue_indirect_dma source(%dma_start3A_588 : memref<128x16xf32, #tpu.memory_space<vmem>>) target(%dma_start3A_594 : memref<10240x16xf32, #tpu.memory_space<vmem_shared>>) offsets(%dma_start3A_591 : memref<128xi32, #tpu.memory_space<vmem>>) semaphore(%arg16 : memref<!tpu.dma_semaphore, #tpu.memory_space<semaphore_mem>>) {add = true}
      %mul3A_595 = arith.constant 4 : i32
      %mul3A_596 = arith.muli %add3A_172, %mul3A_595 : i32
      %add3A_597 = arith.constant 2 : i32
      %add3A_598 = arith.addi %mul3A_596, %add3A_597 : i32
      %dma_start3A_599 = arith.constant 256 : i32
      %dma_start3A_600 = arith.constant 0 : i32
      %dma_start3A_601 = tpu.memref_slice %arg12[%dma_start3A_599, %dma_start3A_600] : memref<512x16xf32, #tpu.memory_space<vmem>> -> memref<128x16xf32, #tpu.memory_space<vmem>>
      %dma_start3A_602 = arith.constant 0 : i32
      %dma_start3A_603 = tpu.memref_slice %arg10[%add3A_598, %dma_start3A_602] : memref<88x128xi32, #tpu.memory_space<vmem>> -> memref<1x128xi32, #tpu.memory_space<vmem>>
      %dma_start3A_604 = tpu.memref_squeeze %dma_start3A_603 : memref<1x128xi32, #tpu.memory_space<vmem>> -> memref<128xi32, #tpu.memory_space<vmem>>
      %dma_start3A_605 = arith.constant 0 : i32
      %dma_start3A_606 = arith.constant 0 : i32
      %dma_start3A_607 = tpu.memref_slice %arg8[%dma_start3A_605, %dma_start3A_606] : memref<10240x16xf32, #tpu.memory_space<vmem_shared>> -> memref<10240x16xf32, #tpu.memory_space<vmem_shared>>
      tpu.enqueue_indirect_dma source(%dma_start3A_601 : memref<128x16xf32, #tpu.memory_space<vmem>>) target(%dma_start3A_607 : memref<10240x16xf32, #tpu.memory_space<vmem_shared>>) offsets(%dma_start3A_604 : memref<128xi32, #tpu.memory_space<vmem>>) semaphore(%arg16 : memref<!tpu.dma_semaphore, #tpu.memory_space<semaphore_mem>>) {add = true}
      %mul3A_608 = arith.constant 4 : i32
      %mul3A_609 = arith.muli %add3A_172, %mul3A_608 : i32
      %add3A_610 = arith.constant 3 : i32
      %add3A_611 = arith.addi %mul3A_609, %add3A_610 : i32
      %dma_start3A_612 = arith.constant 384 : i32
      %dma_start3A_613 = arith.constant 0 : i32
      %dma_start3A_614 = tpu.memref_slice %arg12[%dma_start3A_612, %dma_start3A_613] : memref<512x16xf32, #tpu.memory_space<vmem>> -> memref<128x16xf32, #tpu.memory_space<vmem>>
      %dma_start3A_615 = arith.constant 0 : i32
      %dma_start3A_616 = tpu.memref_slice %arg10[%add3A_611, %dma_start3A_615] : memref<88x128xi32, #tpu.memory_space<vmem>> -> memref<1x128xi32, #tpu.memory_space<vmem>>
      %dma_start3A_617 = tpu.memref_squeeze %dma_start3A_616 : memref<1x128xi32, #tpu.memory_space<vmem>> -> memref<128xi32, #tpu.memory_space<vmem>>
      %dma_start3A_618 = arith.constant 0 : i32
      %dma_start3A_619 = arith.constant 0 : i32
      %dma_start3A_620 = tpu.memref_slice %arg8[%dma_start3A_618, %dma_start3A_619] : memref<10240x16xf32, #tpu.memory_space<vmem_shared>> -> memref<10240x16xf32, #tpu.memory_space<vmem_shared>>
      tpu.enqueue_indirect_dma source(%dma_start3A_614 : memref<128x16xf32, #tpu.memory_space<vmem>>) target(%dma_start3A_620 : memref<10240x16xf32, #tpu.memory_space<vmem_shared>>) offsets(%dma_start3A_617 : memref<128xi32, #tpu.memory_space<vmem>>) semaphore(%arg16 : memref<!tpu.dma_semaphore, #tpu.memory_space<semaphore_mem>>) {add = true}
    }
    %scan3A_107 = arith.constant 11 : i32
    %dma_wait3A = arith.constant 0 : i32
    %dma_wait3A_108 = arith.constant 0 : i32
    %dma_wait3A_109 = tpu.memref_slice %arg12[%dma_wait3A, %dma_wait3A_108] : memref<512x16xf32, #tpu.memory_space<vmem>> -> memref<128x16xf32, #tpu.memory_space<vmem>>
    %dma_wait3A_110 = arith.constant 0 : i32
    %dma_wait3A_111 = arith.constant 0 : i32
    %dma_wait3A_112 = tpu.memref_slice %arg8[%dma_wait3A_110, %dma_wait3A_111] : memref<10240x16xf32, #tpu.memory_space<vmem_shared>> -> memref<128x16xf32, #tpu.memory_space<vmem_shared>>
    %dma_wait3A_113 = arith.constant 0 : i32
    %dma_wait3A_114 = arith.constant 0 : i32
    %dma_wait3A_115 = tpu.memref_slice %arg8[%dma_wait3A_113, %dma_wait3A_114] : memref<10240x16xf32, #tpu.memory_space<vmem_shared>> -> memref<128x16xf32, #tpu.memory_space<vmem_shared>>
    %dma_wait3A_116 = arith.constant 0 : i32
    %dma_wait3A_117 = arith.constant 0 : i32
    %dma_wait3A_118 = tpu.memref_slice %arg12[%dma_wait3A_116, %dma_wait3A_117] : memref<512x16xf32, #tpu.memory_space<vmem>> -> memref<128x16xf32, #tpu.memory_space<vmem>>
    tpu.wait_dma2 semaphore(%arg16 : memref<!tpu.dma_semaphore, #tpu.memory_space<semaphore_mem>>) src(%dma_wait3A_118 : memref<128x16xf32, #tpu.memory_space<vmem>>) dst(%dma_wait3A_115 : memref<128x16xf32, #tpu.memory_space<vmem_shared>>)
    %dma_wait3A_119 = arith.constant 128 : i32
    %dma_wait3A_120 = arith.constant 0 : i32
    %dma_wait3A_121 = tpu.memref_slice %arg12[%dma_wait3A_119, %dma_wait3A_120] : memref<512x16xf32, #tpu.memory_space<vmem>> -> memref<128x16xf32, #tpu.memory_space<vmem>>
    %dma_wait3A_122 = arith.constant 0 : i32
    %dma_wait3A_123 = arith.constant 0 : i32
    %dma_wait3A_124 = tpu.memref_slice %arg8[%dma_wait3A_122, %dma_wait3A_123] : memref<10240x16xf32, #tpu.memory_space<vmem_shared>> -> memref<128x16xf32, #tpu.memory_space<vmem_shared>>
    %dma_wait3A_125 = arith.constant 0 : i32
    %dma_wait3A_126 = arith.constant 0 : i32
    %dma_wait3A_127 = tpu.memref_slice %arg8[%dma_wait3A_125, %dma_wait3A_126] : memref<10240x16xf32, #tpu.memory_space<vmem_shared>> -> memref<128x16xf32, #tpu.memory_space<vmem_shared>>
    %dma_wait3A_128 = arith.constant 128 : i32
    %dma_wait3A_129 = arith.constant 0 : i32
    %dma_wait3A_130 = tpu.memref_slice %arg12[%dma_wait3A_128, %dma_wait3A_129] : memref<512x16xf32, #tpu.memory_space<vmem>> -> memref<128x16xf32, #tpu.memory_space<vmem>>
    tpu.wait_dma2 semaphore(%arg16 : memref<!tpu.dma_semaphore, #tpu.memory_space<semaphore_mem>>) src(%dma_wait3A_130 : memref<128x16xf32, #tpu.memory_space<vmem>>) dst(%dma_wait3A_127 : memref<128x16xf32, #tpu.memory_space<vmem_shared>>)
    %dma_wait3A_131 = arith.constant 256 : i32
    %dma_wait3A_132 = arith.constant 0 : i32
    %dma_wait3A_133 = tpu.memref_slice %arg12[%dma_wait3A_131, %dma_wait3A_132] : memref<512x16xf32, #tpu.memory_space<vmem>> -> memref<128x16xf32, #tpu.memory_space<vmem>>
    %dma_wait3A_134 = arith.constant 0 : i32
    %dma_wait3A_135 = arith.constant 0 : i32
    %dma_wait3A_136 = tpu.memref_slice %arg8[%dma_wait3A_134, %dma_wait3A_135] : memref<10240x16xf32, #tpu.memory_space<vmem_shared>> -> memref<128x16xf32, #tpu.memory_space<vmem_shared>>
    %dma_wait3A_137 = arith.constant 0 : i32
    %dma_wait3A_138 = arith.constant 0 : i32
    %dma_wait3A_139 = tpu.memref_slice %arg8[%dma_wait3A_137, %dma_wait3A_138] : memref<10240x16xf32, #tpu.memory_space<vmem_shared>> -> memref<128x16xf32, #tpu.memory_space<vmem_shared>>
    %dma_wait3A_140 = arith.constant 256 : i32
    %dma_wait3A_141 = arith.constant 0 : i32
    %dma_wait3A_142 = tpu.memref_slice %arg12[%dma_wait3A_140, %dma_wait3A_141] : memref<512x16xf32, #tpu.memory_space<vmem>> -> memref<128x16xf32, #tpu.memory_space<vmem>>
    tpu.wait_dma2 semaphore(%arg16 : memref<!tpu.dma_semaphore, #tpu.memory_space<semaphore_mem>>) src(%dma_wait3A_142 : memref<128x16xf32, #tpu.memory_space<vmem>>) dst(%dma_wait3A_139 : memref<128x16xf32, #tpu.memory_space<vmem_shared>>)
    %dma_wait3A_143 = arith.constant 384 : i32
    %dma_wait3A_144 = arith.constant 0 : i32
    %dma_wait3A_145 = tpu.memref_slice %arg12[%dma_wait3A_143, %dma_wait3A_144] : memref<512x16xf32, #tpu.memory_space<vmem>> -> memref<128x16xf32, #tpu.memory_space<vmem>>
    %dma_wait3A_146 = arith.constant 0 : i32
    %dma_wait3A_147 = arith.constant 0 : i32
    %dma_wait3A_148 = tpu.memref_slice %arg8[%dma_wait3A_146, %dma_wait3A_147] : memref<10240x16xf32, #tpu.memory_space<vmem_shared>> -> memref<128x16xf32, #tpu.memory_space<vmem_shared>>
    %dma_wait3A_149 = arith.constant 0 : i32
    %dma_wait3A_150 = arith.constant 0 : i32
    %dma_wait3A_151 = tpu.memref_slice %arg8[%dma_wait3A_149, %dma_wait3A_150] : memref<10240x16xf32, #tpu.memory_space<vmem_shared>> -> memref<128x16xf32, #tpu.memory_space<vmem_shared>>
    %dma_wait3A_152 = arith.constant 384 : i32
    %dma_wait3A_153 = arith.constant 0 : i32
    %dma_wait3A_154 = tpu.memref_slice %arg12[%dma_wait3A_152, %dma_wait3A_153] : memref<512x16xf32, #tpu.memory_space<vmem>> -> memref<128x16xf32, #tpu.memory_space<vmem>>
    tpu.wait_dma2 semaphore(%arg16 : memref<!tpu.dma_semaphore, #tpu.memory_space<semaphore_mem>>) src(%dma_wait3A_154 : memref<128x16xf32, #tpu.memory_space<vmem>>) dst(%dma_wait3A_151 : memref<128x16xf32, #tpu.memory_space<vmem_shared>>)
    %barrier3A_155 = arith.constant 0 : index
    tpu.barrier barrier_id(%barrier3A_155)
    %eq3A_156 = arith.constant 0 : i32
    %eq3A_157 = arith.cmpi eq, %arg0, %eq3A_156 : i32
    %convert_element_type3A = arith.extui %eq3A_157 : i1 to i32
    %cond3A = arith.constant 0 : i32
    %cond3A_158 = arith.cmpi ne, %convert_element_type3A, %cond3A : i32
    scf.if %cond3A_158 {
      %mul3A_164 = arith.constant 640 : i32
      %mul3A_165 = arith.muli %arg1, %mul3A_164 : i32
      %mul3A_166 = arith.constant 640 : i32
      %mul3A_167 = arith.muli %arg1, %mul3A_166 : i32
      "tpu.region"() ({
        %run_scoped3A = tpu.sem_alloc : memref<!tpu.dma_semaphore, #tpu.memory_space<semaphore_mem>>
        %dma_start3A_168 = arith.constant 0 : i32
        %dma_start3A_169 = tpu.memref_slice %arg6[%mul3A_167, %dma_start3A_168] : memref<10240x16xf32, #tpu.memory_space<hbm>> -> memref<640x16xf32, #tpu.memory_space<hbm>>
        %dma_start3A_170 = arith.constant 0 : i32
        %dma_start3A_171 = tpu.memref_slice %arg8[%mul3A_165, %dma_start3A_170] : memref<10240x16xf32, #tpu.memory_space<vmem_shared>> -> memref<640x16xf32, #tpu.memory_space<vmem_shared>>
        tpu.enqueue_dma source(%dma_start3A_171 : memref<640x16xf32, #tpu.memory_space<vmem_shared>>) target(%dma_start3A_169 : memref<640x16xf32, #tpu.memory_space<hbm>>) target_semaphore(%run_scoped3A : memref<!tpu.dma_semaphore, #tpu.memory_space<semaphore_mem>>)
        %dma_wait3A_172 = arith.constant 0 : i32
        %dma_wait3A_173 = tpu.memref_slice %arg6[%mul3A_167, %dma_wait3A_172] : memref<10240x16xf32, #tpu.memory_space<hbm>> -> memref<640x16xf32, #tpu.memory_space<hbm>>
        %dma_wait3A_174 = arith.constant 0 : i32
        %dma_wait3A_175 = tpu.memref_slice %arg8[%mul3A_165, %dma_wait3A_174] : memref<10240x16xf32, #tpu.memory_space<vmem_shared>> -> memref<640x16xf32, #tpu.memory_space<vmem_shared>>
        tpu.wait_dma2 semaphore(%run_scoped3A : memref<!tpu.dma_semaphore, #tpu.memory_space<semaphore_mem>>) src(%dma_wait3A_175 : memref<640x16xf32, #tpu.memory_space<vmem_shared>>) dst(%dma_wait3A_173 : memref<640x16xf32, #tpu.memory_space<hbm>>)
        tpu.yield
      }) : () -> ()
    } else {
    }
    %eq3A_159 = arith.constant 1 : i32
    %eq3A_160 = arith.cmpi eq, %arg0, %eq3A_159 : i32
    %convert_element_type3A_161 = arith.extui %eq3A_160 : i1 to i32
    %cond3A_162 = arith.constant 0 : i32
    %cond3A_163 = arith.cmpi ne, %convert_element_type3A_161, %cond3A_162 : i32
    scf.if %cond3A_163 {
      %mul3A_164 = arith.constant 640 : i32
      %mul3A_165 = arith.muli %arg1, %mul3A_164 : i32
      %mul3A_166 = arith.constant 640 : i32
      %mul3A_167 = arith.muli %arg1, %mul3A_166 : i32
      "tpu.region"() ({
        %run_scoped3A = tpu.sem_alloc : memref<!tpu.dma_semaphore, #tpu.memory_space<semaphore_mem>>
        %dma_start3A_168 = arith.constant 0 : i32
        %dma_start3A_169 = tpu.memref_slice %arg7[%mul3A_167, %dma_start3A_168] : memref<10240x16xf32, #tpu.memory_space<hbm>> -> memref<640x16xf32, #tpu.memory_space<hbm>>
        %dma_start3A_170 = arith.constant 0 : i32
        %dma_start3A_171 = tpu.memref_slice %arg8[%mul3A_165, %dma_start3A_170] : memref<10240x16xf32, #tpu.memory_space<vmem_shared>> -> memref<640x16xf32, #tpu.memory_space<vmem_shared>>
        tpu.enqueue_dma source(%dma_start3A_171 : memref<640x16xf32, #tpu.memory_space<vmem_shared>>) target(%dma_start3A_169 : memref<640x16xf32, #tpu.memory_space<hbm>>) target_semaphore(%run_scoped3A : memref<!tpu.dma_semaphore, #tpu.memory_space<semaphore_mem>>)
        %dma_wait3A_172 = arith.constant 0 : i32
        %dma_wait3A_173 = tpu.memref_slice %arg7[%mul3A_167, %dma_wait3A_172] : memref<10240x16xf32, #tpu.memory_space<hbm>> -> memref<640x16xf32, #tpu.memory_space<hbm>>
        %dma_wait3A_174 = arith.constant 0 : i32
        %dma_wait3A_175 = tpu.memref_slice %arg8[%mul3A_165, %dma_wait3A_174] : memref<10240x16xf32, #tpu.memory_space<vmem_shared>> -> memref<640x16xf32, #tpu.memory_space<vmem_shared>>
        tpu.wait_dma2 semaphore(%run_scoped3A : memref<!tpu.dma_semaphore, #tpu.memory_space<semaphore_mem>>) src(%dma_wait3A_175 : memref<640x16xf32, #tpu.memory_space<vmem_shared>>) dst(%dma_wait3A_173 : memref<640x16xf32, #tpu.memory_space<hbm>>)
        tpu.yield
      }) : () -> ()
    } else {
    }
    return
  }
}

module attributes {stable_mosaic.version = 14 : i64} {
  func.func @body(%arg0: i32, %arg1: memref<2048x128xf32, #tpu.memory_space<vmem>>, %arg2: memref<128x64xf32, #tpu.memory_space<vmem>>, %arg3: memref<64x8xf32, #tpu.memory_space<vmem>>, %arg4: memref<64x8xf32, #tpu.memory_space<vmem>>, %arg5: memref<2048x72xf32, #tpu.memory_space<vmem>>, %arg6: memref<2048x16xf32, #tpu.memory_space<vmem>>) attributes {dimension_semantics = [#tpu.dimension_semantics<arbitrary>], iteration_bounds = array<i64: 5>, scalar_prefetch = 0 : i64, scratch_operands = 0 : i64, tpu.core_type = #tpu.core_type<tc>, window_params = [{transform_indices = @transform_0, window_bounds = array<i64: 2048, 128>}, {pipeline_mode = #tpu.pipeline_mode<synchronous>, transform_indices = @transform_1, window_bounds = array<i64: 128, 64>}, {pipeline_mode = #tpu.pipeline_mode<synchronous>, transform_indices = @transform_2, window_bounds = array<i64: 64, 8>}, {pipeline_mode = #tpu.pipeline_mode<synchronous>, transform_indices = @transform_3, window_bounds = array<i64: 64, 8>}, {transform_indices = @transform_4, window_bounds = array<i64: 2048, 72>}, {transform_indices = @transform_5, window_bounds = array<i64: 2048, 16>}]} {
    %get3A = arith.constant 0 : index
    %get3A_0 = arith.constant 0 : index
    %get3A_1 = vector.load %arg1[%get3A, %get3A_0] : memref<2048x128xf32, #tpu.memory_space<vmem>>, vector<2048x128xf32>
    %get3A_2 = arith.constant 0 : index
    %get3A_3 = arith.constant 0 : index
    %get3A_4 = vector.load %arg2[%get3A_2, %get3A_3] : memref<128x64xf32, #tpu.memory_space<vmem>>, vector<128x64xf32>
    %dot_general3A = arith.constant dense<0.000000e+00> : vector<2048x64xf32>
    %dot_general3A_5 = tpu.matmul %get3A_1, %get3A_4, %dot_general3A {dimension_numbers = #tpu.dot_dimension_numbers<[1], [0], [0], [1], [0, 0, 1, 1], [], []>, transpose_lhs_hint = false} : vector<2048x128xf32>, vector<128x64xf32>, vector<2048x64xf32> -> vector<2048x64xf32>
    %get3A_6 = arith.constant 0 : index
    %get3A_7 = arith.constant 0 : index
    %get3A_8 = vector.load %arg3[%get3A_6, %get3A_7] : memref<64x8xf32, #tpu.memory_space<vmem>>, vector<64x8xf32>
    %dot_general3A_9 = arith.constant dense<0.000000e+00> : vector<2048x8xf32>
    %dot_general3A_10 = tpu.matmul %dot_general3A_5, %get3A_8, %dot_general3A_9 {dimension_numbers = #tpu.dot_dimension_numbers<[1], [0], [0], [1], [0, 0, 1, 1], [], []>, transpose_lhs_hint = false} : vector<2048x64xf32>, vector<64x8xf32>, vector<2048x8xf32> -> vector<2048x8xf32>
    %get3A_11 = arith.constant 0 : index
    %get3A_12 = arith.constant 0 : index
    %get3A_13 = vector.load %arg4[%get3A_11, %get3A_12] : memref<64x8xf32, #tpu.memory_space<vmem>>, vector<64x8xf32>
    %dot_general3A_14 = arith.constant dense<0.000000e+00> : vector<2048x8xf32>
    %dot_general3A_15 = tpu.matmul %dot_general3A_5, %get3A_13, %dot_general3A_14 {dimension_numbers = #tpu.dot_dimension_numbers<[1], [0], [0], [1], [0, 0, 1, 1], [], []>, transpose_lhs_hint = false} : vector<2048x64xf32>, vector<64x8xf32>, vector<2048x8xf32> -> vector<2048x8xf32>
    %broadcast_in_dim3A = arith.constant 0.000000e+00 : f32
    %broadcast_in_dim3A_16 = vector.broadcast %broadcast_in_dim3A : f32 to vector<2048x8xf32>
    %concatenate3A = tpu.concatenate %dot_general3A_5, %dot_general3A_10 in 1 : vector<2048x64xf32>, vector<2048x8xf32> -> vector<2048x72xf32>
    %swap3A = arith.constant 0 : index
    %swap3A_17 = arith.constant 0 : index
    %swap3A_18 = vector.load %arg5[%swap3A, %swap3A_17] : memref<2048x72xf32, #tpu.memory_space<vmem>>, vector<2048x72xf32>
    tpu.vector_store %arg5[%swap3A, %swap3A_17], %concatenate3A {strides = array<i32>} : memref<2048x72xf32, #tpu.memory_space<vmem>>, vector<2048x72xf32>,
    %concatenate3A_19 = tpu.concatenate %broadcast_in_dim3A_16, %dot_general3A_15 in 1 : vector<2048x8xf32>, vector<2048x8xf32> -> vector<2048x16xf32>
    %swap3A_20 = arith.constant 0 : index
    %swap3A_21 = arith.constant 0 : index
    %swap3A_22 = vector.load %arg6[%swap3A_20, %swap3A_21] : memref<2048x16xf32, #tpu.memory_space<vmem>>, vector<2048x16xf32>
    tpu.vector_store %arg6[%swap3A_20, %swap3A_21], %concatenate3A_19 {strides = array<i32>} : memref<2048x16xf32, #tpu.memory_space<vmem>>, vector<2048x16xf32>,
    return
  }
  func.func @transform_0(%arg0: i32) -> (i32, i32) {
    %c0_i32 = arith.constant 0 : i32
    %c0_i32_0 = arith.constant 0 : i32
    return %arg0, %c0_i32 : i32, i32
  }
  func.func @transform_1(%arg0: i32) -> (i32, i32) {
    %c0_i32 = arith.constant 0 : i32
    %c0_i32_0 = arith.constant 0 : i32
    %c0_i32_1 = arith.constant 0 : i32
    return %c0_i32, %c0_i32_0 : i32, i32
  }
  func.func @transform_2(%arg0: i32) -> (i32, i32) {
    %c0_i32 = arith.constant 0 : i32
    %c0_i32_0 = arith.constant 0 : i32
    %c0_i32_1 = arith.constant 0 : i32
    return %c0_i32, %c0_i32_0 : i32, i32
  }
  func.func @transform_3(%arg0: i32) -> (i32, i32) {
    %c0_i32 = arith.constant 0 : i32
    %c0_i32_0 = arith.constant 0 : i32
    %c0_i32_1 = arith.constant 0 : i32
    return %c0_i32, %c0_i32_0 : i32, i32
  }
  func.func @transform_4(%arg0: i32) -> (i32, i32) {
    %c0_i32 = arith.constant 0 : i32
    %c0_i32_0 = arith.constant 0 : i32
    return %arg0, %c0_i32 : i32, i32
  }
  func.func @transform_5(%arg0: i32) -> (i32, i32) {
    %c0_i32 = arith.constant 0 : i32
    %c0_i32_0 = arith.constant 0 : i32
    return %arg0, %c0_i32 : i32, i32
  }
}

module attributes {stable_mosaic.version = 14 : i64} {
  func.func @body(%arg0: i32, %arg1: memref<1024x72xf32, #tpu.memory_space<vmem>>, %arg2: memref<1024x72xf32, #tpu.memory_space<vmem>>, %arg3: memref<8x64xf32, #tpu.memory_space<vmem>>, %arg4: memref<1x64xf32, #tpu.memory_space<vmem>>, %arg5: memref<64x8xf32, #tpu.memory_space<vmem>>, %arg6: memref<1x8xf32, #tpu.memory_space<vmem>>, %arg7: memref<1x8xf32, #tpu.memory_space<vmem>>, %arg8: memref<1024x16xf32, #tpu.memory_space<vmem>>, %arg9: memref<1024x16xf32, #tpu.memory_space<vmem>>) attributes {dimension_semantics = [#tpu.dimension_semantics<arbitrary>], iteration_bounds = array<i64: 10>, scalar_prefetch = 0 : i64, scratch_operands = 0 : i64, tpu.core_type = #tpu.core_type<tc>, window_params = [{transform_indices = @transform_0, window_bounds = array<i64: 1024, 72>}, {transform_indices = @transform_1, window_bounds = array<i64: 1024, 72>}, {pipeline_mode = #tpu.pipeline_mode<synchronous>, transform_indices = @transform_2, window_bounds = array<i64: 8, 64>}, {pipeline_mode = #tpu.pipeline_mode<synchronous>, transform_indices = @transform_3, window_bounds = array<i64: 1, 64>}, {pipeline_mode = #tpu.pipeline_mode<synchronous>, transform_indices = @transform_4, window_bounds = array<i64: 64, 8>}, {pipeline_mode = #tpu.pipeline_mode<synchronous>, transform_indices = @transform_5, window_bounds = array<i64: 1, 8>}, {pipeline_mode = #tpu.pipeline_mode<synchronous>, transform_indices = @transform_6, window_bounds = array<i64: 1, 8>}, {transform_indices = @transform_7, window_bounds = array<i64: 1024, 16>}, {transform_indices = @transform_8, window_bounds = array<i64: 1024, 16>}]} {
    %get3A = arith.constant 0 : index
    %get3A_0 = arith.constant 0 : index
    %get3A_1 = vector.load %arg1[%get3A, %get3A_0] : memref<1024x72xf32, #tpu.memory_space<vmem>>, vector<1024x72xf32>
    %get3A_2 = arith.constant 0 : index
    %get3A_3 = arith.constant 0 : index
    %get3A_4 = vector.load %arg2[%get3A_2, %get3A_3] : memref<1024x72xf32, #tpu.memory_space<vmem>>, vector<1024x72xf32>
    %add3A = arith.addf %get3A_1, %get3A_4 : vector<1024x72xf32>
    %slice3A = vector.extract_strided_slice %add3A {offsets = [0, 0], sizes = [1024, 64], strides = [1, 1]} : vector<1024x72xf32> to vector<1024x64xf32>
    %slice3A_5 = vector.extract_strided_slice %add3A {offsets = [0, 64], sizes = [1024, 8], strides = [1, 1]} : vector<1024x72xf32> to vector<1024x8xf32>
    %get3A_6 = arith.constant 0 : index
    %get3A_7 = arith.constant 0 : index
    %get3A_8 = vector.load %arg3[%get3A_6, %get3A_7] : memref<8x64xf32, #tpu.memory_space<vmem>>, vector<8x64xf32>
    %dot_general3A = arith.constant dense<0.000000e+00> : vector<1024x64xf32>
    %dot_general3A_9 = tpu.matmul %slice3A_5, %get3A_8, %dot_general3A {dimension_numbers = #tpu.dot_dimension_numbers<[1], [0], [0], [1], [0, 0, 1, 1], [], []>, transpose_lhs_hint = false} : vector<1024x8xf32>, vector<8x64xf32>, vector<1024x64xf32> -> vector<1024x64xf32>
    %add3A_10 = arith.constant 1.000000e-16 : f32
    %add3A_11 = vector.broadcast %add3A_10 : f32 to vector<1024x64xf32>
    %add3A_12 = arith.addf %dot_general3A_9, %add3A_11 : vector<1024x64xf32>
    %div3A = arith.divf %slice3A, %add3A_12 : vector<1024x64xf32>
    %get3A_13 = arith.constant 0 : index
    %get3A_14 = arith.constant 0 : index
    %get3A_15 = vector.load %arg4[%get3A_13, %get3A_14] : memref<1x64xf32, #tpu.memory_space<vmem>>, vector<1x64xf32>
    %add3A_16 = vector.broadcast %get3A_15 : vector<1x64xf32> to vector<1024x64xf32>
    %add3A_17 = arith.addf %div3A, %add3A_16 : vector<1024x64xf32>
    %gt3A = arith.constant 0.000000e+00 : f32
    %gt3A_18 = vector.broadcast %gt3A : f32 to vector<1024x64xf32>
    %gt3A_19 = arith.cmpf ogt, %add3A_17, %gt3A_18 : vector<1024x64xf32>
    %exp3A = math.exp %add3A_17 : vector<1024x64xf32>
    %sub3A = arith.constant 1.000000e+00 : f32
    %sub3A_20 = vector.broadcast %sub3A : f32 to vector<1024x64xf32>
    %sub3A_21 = arith.subf %exp3A, %sub3A_20 : vector<1024x64xf32>
    %select_n3A = arith.select %gt3A_19, %add3A_17, %sub3A_21 : vector<1024x64xi1>, vector<1024x64xf32>
    %get3A_22 = arith.constant 0 : index
    %get3A_23 = arith.constant 0 : index
    %get3A_24 = vector.load %arg5[%get3A_22, %get3A_23] : memref<64x8xf32, #tpu.memory_space<vmem>>, vector<64x8xf32>
    %dot_general3A_25 = arith.constant dense<0.000000e+00> : vector<1024x8xf32>
    %dot_general3A_26 = tpu.matmul %select_n3A, %get3A_24, %dot_general3A_25 {dimension_numbers = #tpu.dot_dimension_numbers<[1], [0], [0], [1], [0, 0, 1, 1], [], []>, transpose_lhs_hint = false} : vector<1024x64xf32>, vector<64x8xf32>, vector<1024x8xf32> -> vector<1024x8xf32>
    %get3A_27 = arith.constant 0 : index
    %get3A_28 = arith.constant 0 : index
    %get3A_29 = vector.load %arg6[%get3A_27, %get3A_28] : memref<1x8xf32, #tpu.memory_space<vmem>>, vector<1x8xf32>
    %mul3A = vector.broadcast %get3A_29 : vector<1x8xf32> to vector<1024x8xf32>
    %mul3A_30 = arith.mulf %dot_general3A_26, %mul3A : vector<1024x8xf32>
    %reduce_sum3A = arith.constant dense<0.000000e+00> : vector<1024xf32>
    %reduce_sum3A_31 = vector.multi_reduction <add>, %mul3A_30, %reduce_sum3A [1] : vector<1024x8xf32> to vector<1024xf32>
    %broadcast_in_dim3A = vector.shape_cast %reduce_sum3A_31 : vector<1024xf32> to vector<1024x1xf32>
    %get3A_32 = arith.constant 0 : index
    %get3A_33 = arith.constant 0 : index
    %get3A_34 = vector.load %arg7[%get3A_32, %get3A_33] : memref<1x8xf32, #tpu.memory_space<vmem>>, vector<1x8xf32>
    %mul3A_35 = vector.broadcast %get3A_34 : vector<1x8xf32> to vector<1024x8xf32>
    %mul3A_36 = arith.mulf %dot_general3A_26, %mul3A_35 : vector<1024x8xf32>
    %reduce_sum3A_37 = arith.constant dense<0.000000e+00> : vector<1024xf32>
    %reduce_sum3A_38 = vector.multi_reduction <add>, %mul3A_36, %reduce_sum3A_37 [1] : vector<1024x8xf32> to vector<1024xf32>
    %broadcast_in_dim3A_39 = vector.shape_cast %reduce_sum3A_38 : vector<1024xf32> to vector<1024x1xf32>
    %broadcast_in_dim3A_40 = arith.constant 0.000000e+00 : f32
    %broadcast_in_dim3A_41 = vector.broadcast %broadcast_in_dim3A_40 : f32 to vector<1024x7xf32>
    %concatenate3A = tpu.concatenate %dot_general3A_26, %broadcast_in_dim3A, %broadcast_in_dim3A_41 in 1 : vector<1024x8xf32>, vector<1024x1xf32>, vector<1024x7xf32> -> vector<1024x16xf32>
    %swap3A = arith.constant 0 : index
    %swap3A_42 = arith.constant 0 : index
    %swap3A_43 = vector.load %arg8[%swap3A, %swap3A_42] : memref<1024x16xf32, #tpu.memory_space<vmem>>, vector<1024x16xf32>
    tpu.vector_store %arg8[%swap3A, %swap3A_42], %concatenate3A {strides = array<i32>} : memref<1024x16xf32, #tpu.memory_space<vmem>>, vector<1024x16xf32>,
    %broadcast_in_dim3A_44 = vector.shape_cast %broadcast_in_dim3A_39 : vector<1024x1xf32> to vector<1024x1xf32>
    %broadcast_in_dim3A_45 = vector.broadcast %broadcast_in_dim3A_44 : vector<1024x1xf32> to vector<1024x16xf32>
    %swap3A_46 = arith.constant 0 : index
    %swap3A_47 = arith.constant 0 : index
    %swap3A_48 = vector.load %arg9[%swap3A_46, %swap3A_47] : memref<1024x16xf32, #tpu.memory_space<vmem>>, vector<1024x16xf32>
    tpu.vector_store %arg9[%swap3A_46, %swap3A_47], %broadcast_in_dim3A_45 {strides = array<i32>} : memref<1024x16xf32, #tpu.memory_space<vmem>>, vector<1024x16xf32>,
    return
  }
  func.func @transform_0(%arg0: i32) -> (i32, i32) {
    %c0_i32 = arith.constant 0 : i32
    %c0_i32_0 = arith.constant 0 : i32
    return %arg0, %c0_i32 : i32, i32
  }
  func.func @transform_1(%arg0: i32) -> (i32, i32) {
    %c0_i32 = arith.constant 0 : i32
    %c0_i32_0 = arith.constant 0 : i32
    return %arg0, %c0_i32 : i32, i32
  }
  func.func @transform_2(%arg0: i32) -> (i32, i32) {
    %c0_i32 = arith.constant 0 : i32
    %c0_i32_0 = arith.constant 0 : i32
    %c0_i32_1 = arith.constant 0 : i32
    return %c0_i32, %c0_i32_0 : i32, i32
  }
  func.func @transform_3(%arg0: i32) -> (i32, i32) {
    %c0_i32 = arith.constant 0 : i32
    %c0_i32_0 = arith.constant 0 : i32
    %c0_i32_1 = arith.constant 0 : i32
    return %c0_i32, %c0_i32_0 : i32, i32
  }
  func.func @transform_4(%arg0: i32) -> (i32, i32) {
    %c0_i32 = arith.constant 0 : i32
    %c0_i32_0 = arith.constant 0 : i32
    %c0_i32_1 = arith.constant 0 : i32
    return %c0_i32, %c0_i32_0 : i32, i32
  }
  func.func @transform_5(%arg0: i32) -> (i32, i32) {
    %c0_i32 = arith.constant 0 : i32
    %c0_i32_0 = arith.constant 0 : i32
    %c0_i32_1 = arith.constant 0 : i32
    return %c0_i32, %c0_i32_0 : i32, i32
  }
  func.func @transform_6(%arg0: i32) -> (i32, i32) {
    %c0_i32 = arith.constant 0 : i32
    %c0_i32_0 = arith.constant 0 : i32
    %c0_i32_1 = arith.constant 0 : i32
    return %c0_i32, %c0_i32_0 : i32, i32
  }
  func.func @transform_7(%arg0: i32) -> (i32, i32) {
    %c0_i32 = arith.constant 0 : i32
    %c0_i32_0 = arith.constant 0 : i32
    return %arg0, %c0_i32 : i32, i32
  }
  func.func @transform_8(%arg0: i32) -> (i32, i32) {
    %c0_i32 = arith.constant 0 : i32
    %c0_i32_0 = arith.constant 0 : i32
    return %arg0, %c0_i32 : i32, i32
  }
}

module attributes {stable_mosaic.version = 14 : i64} {
  func.func @body(%arg0: i32, %arg1: memref<2000x16xf32, #tpu.memory_space<vmem>>, %arg2: memref<2000x16xf32, #tpu.memory_space<vmem>>, %arg3: memref<1x8xf32, #tpu.memory_space<vmem>>, %arg4: memref<2000x8xf32, #tpu.memory_space<vmem>>) attributes {dimension_semantics = [#tpu.dimension_semantics<arbitrary>], iteration_bounds = array<i64: 5>, scalar_prefetch = 0 : i64, scratch_operands = 0 : i64, tpu.core_type = #tpu.core_type<tc>, window_params = [{transform_indices = @transform_0, window_bounds = array<i64: 2000, 16>}, {transform_indices = @transform_1, window_bounds = array<i64: 2000, 16>}, {pipeline_mode = #tpu.pipeline_mode<synchronous>, transform_indices = @transform_2, window_bounds = array<i64: 1, 8>}, {transform_indices = @transform_3, window_bounds = array<i64: 2000, 8>}]} {
    %get3A = arith.constant 0 : index
    %get3A_0 = arith.constant 0 : index
    %get3A_1 = vector.load %arg1[%get3A, %get3A_0] : memref<2000x16xf32, #tpu.memory_space<vmem>>, vector<2000x16xf32>
    %get3A_2 = arith.constant 0 : index
    %get3A_3 = arith.constant 0 : index
    %get3A_4 = vector.load %arg2[%get3A_2, %get3A_3] : memref<2000x16xf32, #tpu.memory_space<vmem>>, vector<2000x16xf32>
    %add3A = arith.addf %get3A_1, %get3A_4 : vector<2000x16xf32>
    %slice3A = vector.extract_strided_slice %add3A {offsets = [0, 0], sizes = [2000, 8], strides = [1, 1]} : vector<2000x16xf32> to vector<2000x8xf32>
    %slice3A_5 = vector.extract_strided_slice %add3A {offsets = [0, 8], sizes = [2000, 1], strides = [1, 1]} : vector<2000x16xf32> to vector<2000x1xf32>
    %add3A_6 = arith.constant 1.000000e-16 : f32
    %add3A_7 = vector.broadcast %add3A_6 : f32 to vector<2000x1xf32>
    %add3A_8 = arith.addf %slice3A_5, %add3A_7 : vector<2000x1xf32>
    %div3A = vector.broadcast %add3A_8 : vector<2000x1xf32> to vector<2000x8xf32>
    %div3A_9 = arith.divf %slice3A, %div3A : vector<2000x8xf32>
    %get3A_10 = arith.constant 0 : index
    %get3A_11 = arith.constant 0 : index
    %get3A_12 = vector.load %arg3[%get3A_10, %get3A_11] : memref<1x8xf32, #tpu.memory_space<vmem>>, vector<1x8xf32>
    %add3A_13 = vector.broadcast %get3A_12 : vector<1x8xf32> to vector<2000x8xf32>
    %add3A_14 = arith.addf %div3A_9, %add3A_13 : vector<2000x8xf32>
    %reduce_max3A = arith.constant dense<0xFF800000> : vector<2000xf32>
    %reduce_max3A_15 = vector.multi_reduction <maximumf>, %add3A_14, %reduce_max3A [1] : vector<2000x8xf32> to vector<2000xf32>
    %broadcast_in_dim3A = vector.shape_cast %reduce_max3A_15 : vector<2000xf32> to vector<2000x1xf32>
    %sub3A = vector.broadcast %broadcast_in_dim3A : vector<2000x1xf32> to vector<2000x8xf32>
    %sub3A_16 = arith.subf %add3A_14, %sub3A : vector<2000x8xf32>
    %exp3A = math.exp %sub3A_16 : vector<2000x8xf32>
    %reduce_sum3A = arith.constant dense<0.000000e+00> : vector<2000xf32>
    %reduce_sum3A_17 = vector.multi_reduction <add>, %exp3A, %reduce_sum3A [1] : vector<2000x8xf32> to vector<2000xf32>
    %broadcast_in_dim3A_18 = vector.shape_cast %reduce_sum3A_17 : vector<2000xf32> to vector<2000x1xf32>
    %log3A = math.log %broadcast_in_dim3A_18 : vector<2000x1xf32>
    %add3A_19 = arith.addf %broadcast_in_dim3A, %log3A : vector<2000x1xf32>
    %sub3A_20 = vector.broadcast %add3A_19 : vector<2000x1xf32> to vector<2000x8xf32>
    %sub3A_21 = arith.subf %add3A_14, %sub3A_20 : vector<2000x8xf32>
    %swap3A = arith.constant 0 : index
    %swap3A_22 = arith.constant 0 : index
    %swap3A_23 = vector.load %arg4[%swap3A, %swap3A_22] : memref<2000x8xf32, #tpu.memory_space<vmem>>, vector<2000x8xf32>
    tpu.vector_store %arg4[%swap3A, %swap3A_22], %sub3A_21 {strides = array<i32>} : memref<2000x8xf32, #tpu.memory_space<vmem>>, vector<2000x8xf32>,
    return
  }
  func.func @transform_0(%arg0: i32) -> (i32, i32) {
    %c0_i32 = arith.constant 0 : i32
    %c0_i32_0 = arith.constant 0 : i32
    return %arg0, %c0_i32 : i32, i32
  }
  func.func @transform_1(%arg0: i32) -> (i32, i32) {
    %c0_i32 = arith.constant 0 : i32
    %c0_i32_0 = arith.constant 0 : i32
    return %arg0, %c0_i32 : i32, i32
  }
  func.func @transform_2(%arg0: i32) -> (i32, i32) {
    %c0_i32 = arith.constant 0 : i32
    %c0_i32_0 = arith.constant 0 : i32
    %c0_i32_1 = arith.constant 0 : i32
    return %c0_i32, %c0_i32_0 : i32, i32
  }
  func.func @transform_3(%arg0: i32) -> (i32, i32) {
    %c0_i32 = arith.constant 0 : i32
    %c0_i32_0 = arith.constant 0 : i32
    return %arg0, %c0_i32 : i32, i32
  }
}

</mosaic_0001>

<sc_bundles>
// kernel: kernel.10.cloned.1.call-start
scs
__scs_entry_jumppad:
0x0: {  	(pc) =	sbr.rel $0x88, $3  }
0x1: {  	(tag) =	ssettag $0x0;
	lr =	simm.s32 $0x1  }
0x2: {  	[smem:$0x3F97] =	sst lr;
	_ =	strace $0xD0000000  }
0x3: {  	_ = 	snop  }
0x4: {  	_ = 	snop  }
0x5: {  	_ = 	snop  }
0x6: {  	_ = 	snop  }
0x7: {  	_ = 	snop  }
__scs_overlays_trampoline_lowered:
0x8: {  	[smem:$0x3FA6] =	sst s0  }
0x9: {  	[smem:$0x3FA7] =	sst s1  }
0xa: {  	[smem:$0x3FA8] =	sst s2  }
0xb: {  	[smem:$0x3FA9] =	sst s3  }
0xc: {  	[smem:$0x3FAA] =	sst s4  }
0xd: {  	[smem:$0x3FAB] =	sst s5  }
0xe: {  	[smem:$0x3FAC] =	sst s6  }
0xf: {  	[smem:$0x3FAD] =	sst s7  }
0x10: {  	[smem:$0x3FAE] =	sst s8  }
0x11: {  	[smem:$0x3FAF] =	sst s9;
	s0 =	simm.s32 @!p0 $0x0  }
0x12: {  	s1 =	sld [smem:$0x3F95];
	s0 =	simm.s32 @p0 $0x1  }
0x13: {  	[smem:$0x3FB0] =	sst s0;
	s0 =	simm.s32 @!p1 $0x0  }
0x14: {  	s2 =	sld [smem:$0x3F94];
	s0 =	simm.s32 @p1 $0x1  }
0x15: {  	[smem:$0x3FB1] =	sst s0;
	s0 =	simm.s32 @!p2 $0x0  }
0x16: {  	s3 =	sld [smem:$0x3FDB];
	s0 =	simm.s32 @p2 $0x1  }
0x17: {  	s4 =	simm.s32 $0x1BF5;
	[smem:$0x3FB3] =	sst s0  }
0x18: {  	s0 =	sld [smem:$0x3F96];
	_ =	swait.ge [sflag:s4], $0x0  }
0x19: {  	s7 =	sld [smem:$0x3F97]  }
0x1a: {  	s8 =	sadd.s32 $0xFFFFE003, lr  }
0x1b: {  	s9 =	sadd.s32 $0xFFFFFEF7, lr;
	s5 =	simm.s32 $0xFFFFFFFF;
	p2 =	slt.u32 s8, $0xFFFFF086  }
0x1c: {  	p1 =	slt.u32 s9, $0xF7A;
	s5 =	simm.s32 @!p2 $0x0  }
0x1d: {  	s5 =	simm.s32 @p1 $0x1;
	p0 =	seq.s32 s7, s2  }
0x1e: {  	s7 =	smul.u32 @!p0 $0xF7A, s2;
	p2 =	seq.s32 @!p0 s5, $0x0  }
0x1f: {  	s9 =	smul.u32 $0xF7A, s1;
	s8 =	simm.s32 @!p0 $0x1BF5;
	p2 =	por !p2, p0  }
0x20: {  	[sflag:s8] =	ssyncset.s32 @!p0 $0xFFFFF086;
	s6 =	sadd.s32 @!p0 s3, s7;
	s7 =	simm.s32 @!p0 $0x108  }
0x21: {  	s3 =	sadd.s32 s3, s9;
	s6 =	sadd.s32 @!p0 $0x88, s6;
	s7 =	simm.s32 @p2 $0x1082  }
0x22: {  	[simem:s7], [sflag:s8] =	dma.local @!p0 [hbm:s6], $0xF7A  }
0x23: {  	s9 =	sor.u32 $0xD0000000, s2;
	s6 =	simm.s32 $0x108;
	_ =	swait.ge @!p0 [sflag:s8], $0x0  }
0x24: {  	s3 =	sadd.s32 $0x88, s3;
	s6 =	simm.s32 @!p1 $0x1082;
	[sflag:s4] =	ssyncset.s32 $0xFFFFF086  }
0x25: {  	[simem:s6], [sflag:s4] =	dma.local [hbm:s3], $0xF7A  }
0x26: {  	[smem:$0x3F97] =	sst s1;
	(tag) =	ssettag s2;
	_ =	strace s9  }
0x27: {  	s1 =	sld [smem:$0x3FA7]  }
0x28: {  	s2 =	sld [smem:$0x3FA8]  }
0x29: {  	s4 =	sld [smem:$0x3FAA]  }
0x2a: {  	p0 =	seq.s32 s5, $0x0;
	s5 =	sld [smem:$0x3FAB]  }
0x2b: {  	s6 =	sld [smem:$0x3FAC]  }
0x2c: {  	s7 =	sld [smem:$0x3FAD]  }
0x2d: {  	s3 =	simm.s32 $0x108;
	s8 =	sld [smem:$0x3FAE]  }
0x2e: {  	s3 =	simm.s32 @!p0 $0x1082;
	s9 =	sld [smem:$0x3FAF]  }
0x2f: {  	lr =	sadd.s32 s0, s3;
	s0 =	sld [smem:$0x3FA6]  }
0x30: {  	s3 =	sld [smem:$0x3FA9]  }
0x31: {  	[smem:$0x3FB2] =	sst s10  }
0x32: {  	s10 =	sld [smem:$0x3FB0];
	_ =	sdelay $0x3  }
0x33: {  	p0 =	seq.s32 s10, $0x1;
	s10 =	sld [smem:$0x3FB2];
	_ =	sdelay $0x3  }
0x34: {  	[smem:$0x3FB2] =	sst s10  }
0x35: {  	s10 =	sld [smem:$0x3FB1];
	_ =	sdelay $0x3  }
0x36: {  	p1 =	seq.s32 s10, $0x1;
	s10 =	sld [smem:$0x3FB2];
	_ =	sdelay $0x3  }
0x37: {  	[smem:$0x3FB2] =	sst s10  }
0x38: {  	s10 =	sld [smem:$0x3FB3]  }
0x39: {  	_ = 	snop;
	(pc) =	sbr.ind lr, $3  }
0x3a: {  	_ = 	snop  }
0x3b: {  	_ = 	snop  }
0x3c: {  	p2 =	seq.s32 s10, $0x1;
	s10 =	sld [smem:$0x3FB2]  }
0x3d: {  	_ =	shalt  }
0x3e: {  	_ =	shalt  }
0x3f: {  	_ =	shalt  }
0x40: {  	_ =	shalt  }
0x41: {  	_ =	shalt  }
0x42: {  	_ =	shalt  }
0x43: {  	_ =	shalt  }
0x44: {  	_ =	shalt  }
0x45: {  	_ =	shalt  }
0x46: {  	_ =	shalt  }
0x47: {  	_ =	shalt  }
0x48: {  	_ =	shalt  }
0x49: {  	_ =	shalt  }
0x4a: {  	_ =	shalt  }
0x4b: {  	_ =	shalt  }
0x4c: {  	_ =	shalt  }
0x4d: {  	_ =	shalt  }
0x4e: {  	_ =	shalt  }
0x4f: {  	_ =	shalt  }
0x50: {  	_ =	shalt  }
0x51: {  	_ =	shalt  }
0x52: {  	_ =	shalt  }
0x53: {  	_ =	shalt  }
0x54: {  	_ =	shalt  }
0x55: {  	_ =	shalt  }
0x56: {  	_ =	shalt  }
0x57: {  	_ =	shalt  }
0x58: {  	_ =	shalt  }
0x59: {  	_ =	shalt  }
0x5a: {  	_ =	shalt  }
0x5b: {  	_ =	shalt  }
0x5c: {  	_ =	shalt  }
0x5d: {  	_ =	shalt  }
0x5e: {  	_ =	shalt  }
0x5f: {  	_ =	shalt  }
0x60: {  	_ =	shalt  }
0x61: {  	_ =	shalt  }
0x62: {  	_ =	shalt  }
0x63: {  	_ =	shalt  }
0x64: {  	_ =	shalt  }
0x65: {  	_ =	shalt  }
0x66: {  	_ =	shalt  }
0x67: {  	_ =	shalt  }
0x68: {  	_ =	shalt  }
0x69: {  	_ =	shalt  }
0x6a: {  	_ =	shalt  }
0x6b: {  	_ =	shalt  }
0x6c: {  	_ =	shalt  }
0x6d: {  	_ =	shalt  }
0x6e: {  	_ =	shalt  }
0x6f: {  	_ =	shalt  }
0x70: {  	_ =	shalt  }
0x71: {  	_ =	shalt  }
0x72: {  	_ =	shalt  }
0x73: {  	_ =	shalt  }
0x74: {  	_ =	shalt  }
0x75: {  	_ =	shalt  }
0x76: {  	_ =	shalt  }
0x77: {  	_ =	shalt  }
0x78: {  	_ =	shalt  }
0x79: {  	_ =	shalt  }
0x7a: {  	_ =	shalt  }
0x7b: {  	_ =	shalt  }
0x7c: {  	_ =	shalt  }
0x7d: {  	_ =	shalt  }
0x7e: {  	_ =	shalt  }
0x7f: {  	_ =	shalt  }
0x80: {  	_ =	shalt  }
0x81: {  	_ =	shalt  }
0x82: {  	_ =	shalt  }
0x83: {  	_ =	shalt  }
0x84: {  	_ =	shalt  }
0x85: {  	_ =	shalt  }
0x86: {  	_ =	shalt  }
0x87: {  	_ =	shalt  }
.Lfunc_end0:
.L_simem_size_0:
called_computation.1_lowered:
.L_overlay_start_0:
0x88: {  	s2 =	sld [smem:$0x3FD9]  }
0x89: {  	s3 =	sld [smem:$0x3FFE];
	_ =	sdelay $0x1  }
0x8a: {  	s1 =	srdreg.scid  }
0x8b: {  	s0 =	sand.u32 $0x1, s1  }
0x8c: {  	s16 =	sshll.u32 s0, $0xA;
	s2 =	sadd.s32 s3, s2  }
0x8d: {  	s2 =	sadd.s32 s2, s16  }
0x8e: {  	[smem:$0x3FBE] =	sst s2  }
0x8f: {  	_ = 	snop  }
0x90: {  	(tm) =	ssettm $0x1  }
0x91: {  	s17 =	sld [smem:$0x3FFB];
	_ =	sdelay $0x3  }
0x92: {  	_ =	strace s17  }
0x93: {  	s2 =	sld [smem:$0x3FFC];
	_ =	sdelay $0x3  }
0x94: {  	_ =	strace s2  }
0x95: {  	s2 =	sld [smem:$0x3FFD];
	_ =	sdelay $0x3  }
0x96: {  	_ =	strace s2  }
0x97: {  	_ =	strace $0x8FFFFFFF  }
0x98: {  	s18 =	sld [smem:$0x3FDB];
	_ =	sdelay $0x1  }
0x99: {  	s19 =	simm.s32 $_scs_section_size  }
0x9a: {  	s4 =	simm.s32 $_size__tile_overlayer_lowered;
	s5 =	simm.s32 $_tile_overlayer_lowered  }
0x9b: {  	s22 =	simm.s32 $0x1BFF;
	s21 =	sshll.u32 s5, $0x1;
	s2 =	sadd.s32 s19, s18  }
0x9c: {  	s6 =	simm.s32 $0x0;
	s20 =	sshll.u32 s4, $0x1;
	s4 =	sadd.s32 s21, s2  }
0x9d: {  	[timem:s6], [sflag:s22] =	dma.local [hbm:s4], s20  }
0x9e: {  	_ =	swait.ge [sflag:s22], s20  }
0x9f: {  	s3 =	ssub.s32 $0x0, s20;
	[sflag:s22] =	ssyncset.done $0x0  }
0xa0: {  	[sflag:s22] =	ssyncadd.s32 s3;
	_ =	sdelay $0x1  }
0xa1: {  	s23 =	simm.s32 $0x1B8B  }
0xa2: {  	_ =	swait.ge [sflag:s23], $0x1  }
0xa3: {  	[sflag:s23] =	ssyncset.done $0x0  }
0xa4: {  	s25 =	simm.s32 $0x1B8E;
	s24 =	sld [smem:$0x3FFE];
	[sflag:s23] =	ssyncadd.s32 $0xFFFFFFFF  }
0xa5: {  	s26 =	simm.s32 $execute0_lowered;
	[smem:$0x3FD2] =	sst s25  }
0xa6: {  	s4 =	sshll.u32 s26, $0x1;
	_ =	strace $0x80000049;
	[dreg:$0x1] =	wrdreg $0xFFFFFFFF  }
0xa7: {  	s28 =	simm.s32 $_size_execute0_lowered;
	s2 =	sadd.s32 s2, s4;
	[dreg:$0x0] =	wrdreg $0x0  }
0xa8: {  	s4 =	sshll.u32 s28, $0x1;
	[dreg:$0x2] =	wrdreg s2  }
0xa9: {  	[dreg:$0x3] =	wrdreg s4  }
0xaa: {  	[dreg:$0x4] =	wrdreg $0xC0  }
0xab: {  	_ =	task [dreg:s6], $0x5FFFF  }
0xac: {  	[dreg:$0x1] =	wrdreg $0xFFFFFFFF  }
0xad: {  	[dreg:$0x0] =	wrdreg $0x60  }
0xae: {  	[dreg:$0x2] =	wrdreg s24  }
0xaf: {  	[dreg:$0x3] =	wrdreg $0x0  }
0xb0: {  	[dreg:$0x4] =	wrdreg $0x9  }
0xb1: {  	_ =	task.clear_ibuf [dreg:s6], $0x5FFFF;
	_ =	strace $0x90000049  }
0xb2: {  	s29 =	simm.s32 $0x9;
	_ =	strace $0x8000004B  }
0xb3: {  	_ =	swait.ge [sflag:s29], $0x1  }
0xb4: {  	[sflag:s29] =	ssyncadd.s32 $0xFFFFFFFF  }
0xb5: {  	_ =	strace $0x9000004B  }
0xb6: {  	_ =	sfence  }
0xb7: {  	s30 =	sld [smem:$0x0];
	_ =	sdelay $0x2  }
0xb8: {  	s31 =	sshll.u32 s1, $0xD;
	s1 =	sshrl.u32 s1, $0x2  }
0xb9: {  	s3 =	sand.u32 $0x4000, s31;
	s1 =	sadd.s32 s1, s30  }
0xba: {  	s0 =	sor.u32 s3, s0;
	s1 =	sshll.u32 s1, $0x11  }
0xbb: {  	s0 =	sor.u32 s1, s0  }
0xbc: {  	s0 =	sadd.s32 $0x8F2B, s0  }
0xbd: {  	[sflag:s0] =	ssyncadd.remote.s32 $0x1  }
0xbe: {  	_ =	sfence.sel $0xFFFF  }
0xbf: {  	[dreg:$0x0] =	wrdreg $0xFFFFFFFF;
	(pc) =	sbr.abs _section_cstart, $3  }
0xc0: {  	[dreg:$0x1] =	wrdreg $0xFFFFFFFF  }
0xc1: {  	_ =	task.clear_ibuf [dreg:s6], $0x2FFFF;
	_ =	strace $0x9FFFFFFF  }
0xc2: {  	(tm) =	ssettm $0x7FFFFFFF  }
0xc3: {  	_ =	shalt  }
tec
execute0_lowered:
.L_overlay_start_1:
0x0: {  	(tag) =	ssettag $0x1  }
0x1: {  	s0 =	rddreg [dreg:$0x0]  }
0x2: {  	s1 =	rddreg [dreg:$0x1];
	s2 =	srdreg.scid  }
0x3: {  	s14 =	simm.s32 $0x0;
	s13 =	stileid.u32;
	s12 =	simm.s32 $0x11600  }
0x4: {  	s15 =	simm.s32 $0x80;
	s17 =	simm.s32 $0x8000;
	s21 =	simm.s32 $0x8800  }
0x5: {  	s30 =	simm.s32 $0x9800;
	s18 =	simm.s32 $0xA800;
	s19 =	simm.s32 $0xE800  }
0x6: {  	s20 =	simm.s32 $0xB000;
	s22 =	simm.s32 $0xF000;
	s6 =	smul.u32 $0x2800, s13  }
0x7: {  	s23 =	simm.s32 $0xB800;
	s24 =	simm.s32 $0xF800;
	s26 =	smul.u32 $0x58, s13  }
0x8: {  	s28 =	simm.s32 $0x2;
	s2 =	sand.u32 $0x1, s2;
	s11 =	smul.u32 $0x580, s13  }
0x9: {  	[smem:$0x7FF] =	sst s14;
	s29 =	sshll.u32 s13, $0x6;
	s13 =	smul.u32 $0x2C00, s13  }
0xa: {  	s4 =	sadd.s32 $0x7600, s0;
	s5 =	sadd.s32 $0x2600, s0;
	s3 =	smul.u32 $0x5800, s2  }
0xb: {  	_ =	strace $0x8000004A;
	s8 =	ssub.s32 $0x2, s2;
	s9 =	smul.u32 $0x580, s2  }
0xc: {  	p0 =	seq.s32 s2, $0x1;
	s2 =	smul.u32 $0x2C000, s2;
	s16 =	sor.u32 $0x1C04, s29  }
0xd: {  	s7 =	sshrl.u32 s6, $0x3;
	s25 =	sshrl.u32 s8, $0x1;
	s6 =	sadd.s32 s6, s1  }
0xe: {  	s12 =	simm.s32 @!p0 $0x16600;
	s3 =	sadd.s32 s3, s0;
	s0 =	sadd.s32 s7, s0  }
0xf: {  	[dreg:$0x4] =	wrdreg s16;
	s7 =	ssub.s32 s8, s25;
	s10 =	sadd.s32 $0xC600, s0  }
0x10: {  	s25 =	simm.s32 $0x9000;
	s7 =	smax.u32 s7, $0x1;
	[dreg:$0x3] =	wrdreg s10  }
0x11: {  	s0 =	sadd.s32 s12, s0;
	s31 =	sadd.s32 s11, s3;
	[dreg:$0x5] =	wrdreg s7  }
0x12: {  	s12 =	sadd.s32 s13, s2;
	s3 =	sshrl.u32 s6, $0x3;
	[dreg:$0x6] =	wrdreg s0  }
0x13: {  	s6 =	simm.s32 $0x4;
	s2 =	simm.s32 $0xA000;
	[dreg:$0x8] =	wrdreg s12  }
0x14: {  	v0 =	vimm.s32 $0x8;
	v1 =	vlaneseq.u32;
	s10 =	sadd.s32 s26, s9;
	s0 =	sadd.s32 $0x1DE00, s31;
	[dreg:$0x9] =	wrdreg s3  }
0x15: {  	vm0 =	vcmask $0x3F24;
	vm1 =	vmmov $0xff;
	v2 =	vor.u32 $0xFFFB1E00, v1;
	s26 =	simm.s32 $0x1;
	s7 =	simm.s32 $0x0;
	[dreg:$0x7] =	wrdreg s0  }
.LBB2_1:
0x16: {  	[dreg:$0xa] =	wrdreg s7  }
.Ltmp0:
0x17: {  	s0 =	rddreg [dreg:$0x3];
	(pc) =	sbr.rel .LBB2_2-.Ltmp0, $4  }
0x18: {  	[spmem:s3], [sflag:s16] =	dma.local [hbm:s0], $0x500  }
0x19: {  	_ =	swait.ge [sflag:s6], $0x500  }
0x1a: {  	s7 =	simm.s32 $0x0;
	s0 =	simm.s32 $0x0;
	[sflag:s6] =	ssyncset.done $0x0  }
0x1b: {  	s3 =	rddreg [dreg:$0x7];
	[sflag:s6] =	ssyncadd.s32 $0xFFFFFB00;
	s6 =	smov.u32 s10  }
.LBB2_4:
0x1c: {  	s9 =	sadd.s32 s7, s12  }
0x1d: {  	v3 =	vor.u32 s9, v1;
	s11 =	sadd.s32 $0x10, s9;
	v6 =	vmov s9  }
0x1e: {  	v9 =	vadd.s32 s9, v2;
	v4 =	vmulhi.u32 $0x88888889, v3;
	v5 =	vor.u32 s11, v1  }
0x1f: {  	s31 =	sadd.s32 $0x20, s9;
	vm2 =	vlt.u32 v6, $0x50910;
	v32 =	vmov s11;
	v8 =	vadd.s32 s11, v2  }
0x20: {  	s13 =	sadd.s32 $0x30, s9;
	v34 =	vor.u32 s31, v1;
	v35 =	vmov s31;
	v36 =	vadd.s32 s31, v2  }
0x21: {  	s16 =	sadd.s32 $0x40, s9;
	v38 =	vor.u32 s13, v1;
	v40 =	vmov s13;
	v41 =	vadd.s32 s13, v2  }
0x22: {  	s29 =	sadd.s32 $0x50, s9;
	v11 =	vor.u32 s16, v1;
	v43 =	vmov s16;
	v7 =	vmulhi.u32 $0x88888889, v5  }
0x23: {  	v12 =	vadd.s32 s16, v2;
	v44 =	vor.u32 s29, v1;
	v10 =	vmulhi.u32 $0x88888889, v34  }
0x24: {  	v47 =	vmov s29;
	v39 =	vmulhi.u32 $0x88888889, v38;
	v4 =	vshrl.u32 v4, $0x7  }
0x25: {  	v42 =	vmulhi.u32 $0x88888889, v11;
	v4 =	vmul.u32 $0xF0, v4;
	v7 =	vshrl.u32 v7, $0x7  }
0x26: {  	v13 =	vadd.s32 s29, v2;
	s31 =	sadd.s32 $0x60, s9;
	v46 =	vmulhi.u32 $0x88888889, v44;
	v33 =	vmul.u32 $0xF0, v7  }
0x27: {  	vm3 =	vlt.u32 v43, $0x50910;
	v50 =	vor.u32 s31, v1;
	v3 =	vsub.s32 v3, v4  }
0x28: {  	v37 =	vshrl.u32 v10, $0x7;
	v3 =	vadd.s32 $0x2710, v3;
	v4 =	vsub.s32 v5, v33  }
0x29: {  	v5 =	vshrl.u32 v39, $0x7;
	v3 =	vsel vm2, v9, v3;
	vm2 =	vlt.u32 v32, $0x50910  }
0x2a: {  	v4 =	vadd.s32 $0x2710, v4;
	v9 =	vmul.u32 $0xF0, v37;
	v5 =	vmul.u32 $0xF0, v5  }
0x2b: {  	v51 =	vmulhi.u32 $0x88888889, v50;
	v49 =	vshrl.u32 v46, $0x7;
	v4 =	vsel vm2, v8, v4;
	[tilespmem:s8+$0x2800] =	vst v3  }
0x2c: {  	vm2 =	vlt.u32 v35, $0x50910;
	[tilespmem:s8+$0x5400] =	vst v3;
	v7 =	vsub.s32 v34, v9;
	v5 =	vsub.s32 v38, v5  }
0x2d: {  	[tilespmem:s8+$0x2810] =	vst v4;
	v7 =	vadd.s32 $0x2710, v7;
	v3 =	vadd.s32 $0x2710, v5;
	v5 =	vmul.u32 $0xF0, v49  }
0x2e: {  	s9 =	sadd.s32 $0x70, s9;
	[tilespmem:s8+$0x5410] =	vst v4;
	v6 =	vsel vm2, v36, v7;
	vm2 =	vlt.u32 v40, $0x50910;
	v7 =	vshrl.u32 v42, $0x7  }
0x2f: {  	v52 =	vor.u32 s9, v1;
	v45 =	vmul.u32 $0xF0, v7;
	[tilespmem:s8+$0x2820] =	vst v6;
	v3 =	vsel vm2, v41, v3  }
0x30: {  	v54 =	vmulhi.u32 $0x88888889, v52;
	v53 =	vshrl.u32 v51, $0x7;
	v5 =	vsub.s32 v44, v5;
	[tilespmem:s8+$0x2830] =	vst v3  }
0x31: {  	vm2 =	vlt.u32 v47, $0x50910;
	[tilespmem:s8+$0x5430] =	vst v3;
	v3 =	vadd.s32 $0x2710, v5;
	v48 =	vsub.s32 v11, v45  }
0x32: {  	v55 =	vmul.u32 $0xF0, v53;
	[tilespmem:s8+$0x5420] =	vst v6;
	v3 =	vsel vm2, v13, v3;
	v4 =	vadd.s32 $0x2710, v48  }
0x33: {  	v56 =	vshrl.u32 v54, $0x7;
	[tilespmem:s8+$0x2850] =	vst v3;
	v4 =	vsel vm3, v12, v4  }
0x34: {  	v58 =	vmov s31;
	v59 =	vmul.u32 $0xF0, v56;
	v57 =	vsub.s32 v50, v55;
	[tilespmem:s8+$0x2840] =	vst v4  }
0x35: {  	v60 =	vadd.s32 s31, v2;
	vm2 =	vlt.u32 v58, $0x50910;
	[tilespmem:s8+$0x5440] =	vst v4;
	v4 =	vadd.s32 $0x2710, v57  }
0x36: {  	v62 =	vmov s9;
	v61 =	vsub.s32 v52, v59;
	[tilespmem:s8+$0x5450] =	vst v3;
	v3 =	vsel vm2, v60, v4  }
0x37: {  	v63 =	vadd.s32 s9, v2;
	vm2 =	vlt.u32 v62, $0x50910;
	v4 =	vadd.s32 $0x2710, v61;
	[tilespmem:s8+$0x2860] =	vst v3  }
0x38: {  	[tilespmem:s8+$0x5460] =	vst v3;
	v3 =	vsel vm2, v63, v4  }
0x39: {  	[tilespmem:s8+$0x2870] =	vst v3  }
0x3a: {  	[tilespmem:s8+$0x5470] =	vst v3  }
.LBB2_5:
0x3b: {  	s7 =	sadd.s32 $0x80, s7  }
0x3c: {  	p0 =	sne.s32 s7, $0x2C00  }
.Ltmp1:
0x3d: {  	_ = 	snop;
	(pc) =	sbr.rel @!p0 .LBB2_6-.Ltmp1, $2  }
0x3e: {  	_ =	sdelay $0x2  }
0x3f: {  	s6 =	sadd.s32 $0x1, s6;
	s3 =	sadd.s32 $0x10, s3;
	s0 =	sadd.s32 $0x200, s0  }
.LBB2_2:
0x40: {  	p0 =	sgt.u32 s6, $0x9C3  }
.Ltmp2:
0x41: {  	_ = 	snop;
	(pc) =	sbr.rel @p0 .LBB2_4-.Ltmp2, $2  }
0x42: {  	_ =	sdelay $0x2  }
0x43: {  	s8 =	sshra.s32 s0, $0x2  }
.Ltmp3:
0x44: {  	(pc) =	sbr.rel .LBB2_5-.Ltmp3, $4  }
0x45: {  	s9 =	sadd.s32 $0x2800, s8  }
0x46: {  	[tilespmem:s9], [sflag:$0x3] =	stream.linear.gather [hbm4b:s3+s14], $0x80, $0x38;
	[tilespmem:$0x10000] =	vst v63  }
0x47: {  	s29 =	sadd.s32 $0x5400, s8;
	s31 =	sadd.s32 $0x9C40, s3  }
0x48: {  	[tilespmem:s29], [sflag:$0x3] =	stream.linear.gather [hbm4b:s31+s14], $0x80, $0x38;
	[tilespmem:$0x10000] =	vst v63  }
.LBB2_6:
0x49: {  	s0 =	sadd.s32 $0x0, s10  }
0x4a: {  	p0 =	sgt.u32 s0, $0x9C3  }
0x4b: {  	s0 =	simm.s32 @!p0 $0x3;
	p0 =	por p0, p0  }
0x4c: {  	_ =	swait.ge @!p0 [sflag:s0], $0x80  }
0x4d: {  	[sflag:s0] =	ssyncset.done @!p0 $0x0  }
0x4e: {  	[sflag:s0] =	ssyncadd.s32 @!p0 $0xFFFFFF80  }
0x4f: {  	s6 =	sadd.s32 $0x1, s10;
	_ =	swait.ge @!p0 [sflag:s0], $0x80  }
0x50: {  	s3 =	simm.s32 $0x2;
	p1 =	sgt.u32 s6, $0x9C3;
	[sflag:s0] =	ssyncset.done @!p0 $0x0  }
.LBB2_7:
0x51: {  	[sflag:s0] =	ssyncadd.s32 @!p0 $0xFFFFFF80;
	s6 =	smov.u32 s3;
	s3 =	sadd.s32 $0x1, s3  }
0x52: {  	s0 =	simm.s32 @!p1 $0x3;
	p0 =	por p1, p1;
	p2 =	sne.s32 s3, $0x58  }
.Ltmp4:
0x53: {  	_ =	swait.ge @!p0 [sflag:s0], $0x80;
	(pc) =	sbr.rel @p2 .LBB2_7-.Ltmp4, $4  }
0x54: {  	[sflag:s0] =	ssyncset.done @!p0 $0x0  }
0x55: {  	[sflag:s0] =	ssyncadd.s32 @!p0 $0xFFFFFF80  }
0x56: {  	s6 =	sadd.s32 s6, s10;
	_ =	swait.ge @!p0 [sflag:s0], $0x80  }
0x57: {  	p1 =	sgt.u32 s6, $0x9C3;
	[sflag:s0] =	ssyncset.done @!p0 $0x0  }
0x58: {  	s3 =	simm.s32 @!p1 $0x3;
	[sflag:s0] =	ssyncadd.s32 @!p0 $0xFFFFFF80;
	p0 =	por p1, p1  }
0x59: {  	_ =	swait.ge @!p0 [sflag:s3], $0x80  }
0x5a: {  	[sflag:s3] =	ssyncset.done @!p0 $0x0  }
0x5b: {  	[sflag:s3] =	ssyncadd.s32 @!p0 $0xFFFFFF80  }
0x5c: {  	_ =	swait.ge @!p0 [sflag:s3], $0x80  }
0x5d: {  	[sflag:s3] =	ssyncset.done @!p0 $0x0  }
0x5e: {  	[sflag:s3] =	ssyncadd.s32 @!p0 $0xFFFFFF80  }
0x5f: {  	s29 =	simm.s32 $0x2800;
	[bflag:$0x0] =	sbarrier.arrive $0xFFFF  }
0x60: {  	[tilespmem:s17], [sflag:$0x1] =	stream.indirect.gather [hbm4b:s4+s15], $0x10, s29, s15, $0xb8;
	[tilespmem:$0x10000] =	vst v63  }
0x61: {  	s6 =	simm.s32 $0xC000;
	s3 =	simm.s32 $0x5400  }
0x62: {  	[tilespmem:s6], [sflag:$0x1] =	stream.indirect.gather [hbm4b:s5+s15], $0x10, s3, s15, $0xb8;
	[tilespmem:$0x10000] =	vst v63  }
0x63: {  	s7 =	simm.s32 $0x2880  }
0x64: {  	[tilespmem:s21], [sflag:$0x1] =	stream.indirect.gather [hbm4b:s4+s15], $0x10, s7, s15, $0xb8;
	[tilespmem:$0x10000] =	vst v63  }
0x65: {  	s8 =	simm.s32 $0x5480;
	s9 =	simm.s32 $0xC800  }
0x66: {  	[tilespmem:s9], [sflag:$0x1] =	stream.indirect.gather [hbm4b:s5+s15], $0x10, s8, s15, $0xb8;
	[tilespmem:$0x10000] =	vst v63  }
0x67: {  	s11 =	simm.s32 $0x2900  }
0x68: {  	[tilespmem:s25], [sflag:$0x1] =	stream.indirect.gather [hbm4b:s4+s15], $0x10, s11, s15, $0xb8;
	[tilespmem:$0x10000] =	vst v63  }
0x69: {  	s12 =	simm.s32 $0x5500;
	s13 =	simm.s32 $0xD000  }
0x6a: {  	[tilespmem:s13], [sflag:$0x1] =	stream.indirect.gather [hbm4b:s5+s15], $0x10, s12, s15, $0xb8;
	[tilespmem:$0x10000] =	vst v63  }
0x6b: {  	s14 =	simm.s32 $0x2980  }
0x6c: {  	[tilespmem:s30], [sflag:$0x1] =	stream.indirect.gather [hbm4b:s4+s15], $0x10, s14, s15, $0xb8;
	[tilespmem:$0x10000] =	vst v63  }
0x6d: {  	s16 =	simm.s32 $0x5580;
	s31 =	simm.s32 $0x0;
	s29 =	simm.s32 $0xD800  }
0x6e: {  	[tilespmem:s29], [sflag:$0x1] =	stream.indirect.gather [hbm4b:s5+s15], $0x10, s16, s15, $0xb8;
	[tilespmem:$0x10000] =	vst v63  }
.LBB2_9:
0x6f: {  	p0 =	seq.s32 s31, $0x0  }
0x70: {  	s3 =	simm.s32 @!p0 $0x2  }
0x71: {  	_ =	swait.ge @!p0 [sflag:s3], $0x800  }
0x72: {  	[sflag:s3] =	ssyncset.done @!p0 $0x0  }
0x73: {  	[sflag:s3] =	ssyncadd.s32 @!p0 $0xFFFFF800  }
0x74: {  	_ =	swait.ge @!p0 [sflag:s3], $0x800  }
0x75: {  	[sflag:s3] =	ssyncset.done @!p0 $0x0  }
0x76: {  	[sflag:s3] =	ssyncadd.s32 @!p0 $0xFFFFF800  }
0x77: {  	_ =	swait.ge @!p0 [sflag:s3], $0x800  }
0x78: {  	[sflag:s3] =	ssyncset.done @!p0 $0x0  }
0x79: {  	[sflag:s3] =	ssyncadd.s32 @!p0 $0xFFFFF800  }
0x7a: {  	_ =	swait.ge @!p0 [sflag:s3], $0x800  }
0x7b: {  	s0 =	sshll.u32 s31, $0xA;
	[sflag:s3] =	ssyncset.done @!p0 $0x0  }
0x7c: {  	s6 =	sadd.s32 $0x2A00, s0;
	[sflag:s3] =	ssyncadd.s32 @!p0 $0xFFFFF800  }
0x7d: {  	[tilespmem:s2], [sflag:$0x1] =	stream.indirect.gather [hbm4b:s4+s15], $0x10, s6, s15, $0xb8;
	[tilespmem:$0x10000] =	vst v63  }
0x7e: {  	s7 =	simm.s32 $0xE000;
	s6 =	sadd.s32 $0x5600, s0  }
0x7f: {  	[tilespmem:s7], [sflag:$0x1] =	stream.indirect.gather [hbm4b:s5+s15], $0x10, s6, s15, $0xb8;
	[tilespmem:$0x10000] =	vst v63  }
0x80: {  	s8 =	sadd.s32 $0x2A80, s0  }
0x81: {  	[tilespmem:s18], [sflag:$0x1] =	stream.indirect.gather [hbm4b:s4+s15], $0x10, s8, s15, $0xb8;
	[tilespmem:$0x10000] =	vst v63  }
0x82: {  	s8 =	sadd.s32 $0x5680, s0  }
0x83: {  	[tilespmem:s19], [sflag:$0x1] =	stream.indirect.gather [hbm4b:s5+s15], $0x10, s8, s15, $0xb8;
	[tilespmem:$0x10000] =	vst v63  }
0x84: {  	s9 =	sadd.s32 $0x2B00, s0  }
0x85: {  	[tilespmem:s20], [sflag:$0x1] =	stream.indirect.gather [hbm4b:s4+s15], $0x10, s9, s15, $0xb8;
	[tilespmem:$0x10000] =	vst v63  }
0x86: {  	s9 =	sadd.s32 $0x5700, s0  }
0x87: {  	[tilespmem:s22], [sflag:$0x1] =	stream.indirect.gather [hbm4b:s5+s15], $0x10, s9, s15, $0xb8;
	[tilespmem:$0x10000] =	vst v63  }
0x88: {  	s11 =	sadd.s32 $0x2B80, s0  }
0x89: {  	[tilespmem:s23], [sflag:$0x1] =	stream.indirect.gather [hbm4b:s4+s15], $0x10, s11, s15, $0xb8;
	[tilespmem:$0x10000] =	vst v63  }
0x8a: {  	s11 =	sadd.s32 $0x5780, s0  }
0x8b: {  	[tilespmem:s24], [sflag:$0x1] =	stream.indirect.gather [hbm4b:s5+s15], $0x10, s11, s15, $0xb8;
	[tilespmem:$0x10000] =	vst v63  }
0x8c: {  	_ =	swait.ge [sflag:s26], $0x800  }
0x8d: {  	[sflag:s26] =	ssyncset.done $0x0  }
0x8e: {  	[sflag:s26] =	ssyncadd.s32 $0xFFFFF800  }
0x8f: {  	_ =	swait.ge [sflag:s26], $0x800  }
0x90: {  	[sflag:s26] =	ssyncset.done $0x0  }
0x91: {  	[sflag:s26] =	ssyncadd.s32 $0xFFFFF800  }
0x92: {  	_ =	swait.ge [sflag:s26], $0x800  }
0x93: {  	[sflag:s26] =	ssyncset.done $0x0  }
0x94: {  	[sflag:s26] =	ssyncadd.s32 $0xFFFFF800  }
0x95: {  	_ =	swait.ge [sflag:s26], $0x800  }
0x96: {  	[sflag:s26] =	ssyncset.done $0x0  }
0x97: {  	[sflag:s26] =	ssyncadd.s32 $0xFFFFF800  }
0x98: {  	_ =	swait.ge [sflag:s26], $0x800  }
0x99: {  	[sflag:s26] =	ssyncset.done $0x0  }
0x9a: {  	[sflag:s26] =	ssyncadd.s32 $0xFFFFF800  }
0x9b: {  	_ =	swait.ge [sflag:s26], $0x800  }
0x9c: {  	[sflag:s26] =	ssyncset.done $0x0  }
0x9d: {  	[sflag:s26] =	ssyncadd.s32 $0xFFFFF800  }
0x9e: {  	_ =	swait.ge [sflag:s26], $0x800  }
0x9f: {  	[sflag:s26] =	ssyncset.done $0x0  }
0xa0: {  	[sflag:s26] =	ssyncadd.s32 $0xFFFFF800  }
0xa1: {  	_ =	swait.ge [sflag:s26], $0x800  }
0xa2: {  	[sflag:s26] =	ssyncset.done $0x0  }
0xa3: {  	s13 =	simm.s32 $0x8020;
	[sflag:s26] =	ssyncadd.s32 $0xFFFFF800  }
0xa4: {  	v3 =	vld [tilespmem:s13+$0x10]  }
0xa5: {  	s12 =	simm.s32 $0xC020  }
0xa6: {  	v4 =	vld [tilespmem:s12+$0x10]  }
0xa7: {  	v7 =	vld [tilespmem:s13+$0xFFFFFFE0]  }
0xa8: {  	v8 =	vld [tilespmem:s13+$0xFFFFFFF0]  }
0xa9: {  	v9 =	vld [tilespmem:s13+$0x0];
	v5 =	vperm.xlane v3, v0  }
0xaa: {  	v6 =	vld [tilespmem:s12+$0xFFFFFFF0]  }
0xab: {  	v4 =	vadd.f32 v5, v4;
	v5 =	vld [tilespmem:s12+$0xFFFFFFE0]  }
0xac: {  	v10 =	vld [tilespmem:s12+$0x0]  }
0xad: {  	v12 =	vperm.xlane v8, v0;
	v11 =	vmul.f32 $2.000000030e-01, v4  }
0xae: {  	s7 =	simm.s32 $0x8060;
	v13 =	vperm.xlane v7, v0  }
0xaf: {  	v6 =	vadd.f32 v12, v6;
	v12 =	vld [tilespmem:s7+$0x10];
	v4 =	vmax.f32 v4, v11;
	v11 =	vperm.xlane v9, v0  }
0xb0: {  	s14 =	simm.s32 $0xC060;
	v4 =	vmul.f32 $1.442695020e+00, v4;
	v5 =	vadd.f32 v13, v5  }
0xb1: {  	v14 =	vld [tilespmem:s14+$0x10];
	v10 =	vadd.f32 v11, v10;
	v11 =	vmul.f32 $2.000000030e-01, v6  }
0xb2: {  	v17 =	vld [tilespmem:s7+$0xFFFFFFF0];
	(erf) = vpow2.f32 v4;
	v4 =	vmul.f32 $2.000000030e-01, v5  }
0xb3: {  	v18 =	vld [tilespmem:s7+$0x0];
	v15 =	vmul.f32 $2.000000030e-01, v10;
	v6 =	vmax.f32 v6, v11  }
0xb4: {  	v13 =	vld [tilespmem:s7+$0xFFFFFFE0];
	v11 =	vperm.xlane v12, v0;
	v4 =	vmax.f32 v5, v4;
	v5 =	vmul.f32 $1.442695020e+00, v6  }
0xb5: {  	v6 =	vld [tilespmem:s14+$0xFFFFFFF0];
	v4 =	vmul.f32 $1.442695020e+00, v4  }
0xb6: {  	v10 =	vmax.f32 v10, v15;
	v15 =	vld [tilespmem:s14+$0x0];
	v11 =	vadd.f32 v11, v14;
	(erf) = vpow2.f32 v5  }
0xb7: {  	v10 =	vmul.f32 $1.442695020e+00, v10;
	v5 =	vld [tilespmem:s14+$0xFFFFFFE0];
	(erf) = vpow2.f32 v4  }
0xb8: {  	v4 =	vperm.xlane v17, v0;
	v16 =	vmul.f32 $2.000000030e-01, v11  }
0xb9: {  	v14 =	vperm.xlane v18, v0;
	v19 =	vperm.xlane v13, v0;
	s14 =	simm.s32 $0x80A0  }
0xba: {  	s16 =	simm.s32 $0xC0A0;
	(erf) = vpow2.f32 v10;
	v10 =	vadd.f32 v4, v6;
	v4 =	vmax.f32 v11, v16;
	v6 =	vld [tilespmem:s14+$0x10]  }
0xbb: {  	v20 =	vld [tilespmem:s16+$0x10];
	v14 =	vadd.f32 v14, v15;
	v4 =	vmul.f32 $1.442695020e+00, v4;
	v11 =	vpop (erf)  }
0xbc: {  	v15 =	vadd.f32 v19, v5;
	v5 =	vld [tilespmem:s14+$0xFFFFFFE0];
	v16 =	vmul.f32 v11, v3;
	v3 =	vmul.f32 $2.000000030e-01, v10  }
0xbd: {  	v19 =	vmul.f32 $2.000000030e-01, v14;
	(erf) = vpow2.f32 v4;
	v4 =	vld [tilespmem:s14+$0xFFFFFFF0]  }
0xbe: {  	v11 =	vsel vm0, $0x0, v11;
	v21 =	vmul.f32 $2.000000030e-01, v15  }
0xbf: {  	v10 =	vmax.f32 v10, v3;
	v14 =	vmax.f32 v14, v19;
	v22 =	vperm.xlane v6, v0  }
0xc0: {  	v3 =	vld [tilespmem:s14+$0x0];
	v15 =	vmax.f32 v15, v21;
	v10 =	vmul.f32 $1.442695020e+00, v10;
	v14 =	vmul.f32 $1.442695020e+00, v14  }
0xc1: {  	v11 =	vsel vm1, v16, v11;
	v21 =	vld [tilespmem:s16+$0xFFFFFFF0];
	v19 =	vpop (erf);
	v15 =	vmul.f32 $1.442695020e+00, v15;
	v24 =	vperm.xlane v5, v0  }
0xc2: {  	v20 =	vadd.f32 v22, v20;
	v16 =	vpop (erf);
	(erf) = vpow2.f32 v10;
	v22 =	vperm.xlane v4, v0  }
0xc3: {  	v10 =	vld [tilespmem:s16+$0xFFFFFFE0];
	v23 =	vsel vm0, $0x0, v16;
	(erf) = vpow2.f32 v15;
	v7 =	vmul.f32 v16, v7  }
0xc4: {  	v25 =	vld [tilespmem:s16+$0x0];
	v16 =	vsel vm0, $0x0, v19;
	v27 =	vmul.f32 $2.000000030e-01, v20;
	v19 =	vmul.f32 v19, v8  }
0xc5: {  	v15 =	vpop (erf);
	(erf) = vpow2.f32 v14;
	v14 =	vperm.xlane v3, v0  }
0xc6: {  	s29 =	simm.s32 $0x80E0;
	v23 =	vsel vm1, v7, v23;
	v21 =	vadd.f32 v22, v21;
	v22 =	vmul.f32 v15, v9;
	v9 =	vpop (erf)  }
0xc7: {  	v8 =	vld [tilespmem:s29+$0x10];
	v7 =	vmax.f32 v20, v27;
	v26 =	vsel vm0, $0x0, v15;
	v12 =	vmul.f32 v9, v12  }
0xc8: {  	v15 =	vadd.f32 v24, v10;
	v20 =	vmul.f32 $2.000000030e-01, v21;
	v9 =	vsel vm0, $0x0, v9  }
0xc9: {  	s3 =	simm.s32 $0xC0E0;
	v14 =	vadd.f32 v14, v25;
	v10 =	vmul.f32 $1.442695020e+00, v7;
	v28 =	vsel vm1, v12, v9;
	v9 =	vld [tilespmem:s29+$0xFFFFFFF0]  }
0xca: {  	v58 =	vld [tilespmem:s3+$0x10];
	v59 =	vmul.f32 $2.000000030e-01, v15  }
0xcb: {  	v60 =	vld [tilespmem:s3+$0xFFFFFFF0];
	v16 =	vsel vm1, v19, v16;
	v57 =	vmul.f32 $2.000000030e-01, v14;
	(erf) = vpow2.f32 v10  }
0xcc: {  	v7 =	vld [tilespmem:s29+$0xFFFFFFE0];
	v12 =	vmax.f32 v21, v20;
	v21 =	vperm.xlane v8, v0;
	v20 =	vpop (erf);
	v15 =	vmax.f32 v15, v59  }
0xcd: {  	v10 =	vld [tilespmem:s29+$0x0];
	v12 =	vmul.f32 $1.442695020e+00, v12;
	v14 =	vmax.f32 v14, v57;
	v19 =	vpop (erf);
	v27 =	vmul.f32 $1.442695020e+00, v15  }
0xce: {  	v29 =	vsel vm0, $0x0, v19;
	v13 =	vmul.f32 v19, v13;
	v19 =	vperm.xlane v9, v0  }
0xcf: {  	v61 =	vld [tilespmem:s3+$0x0];
	v14 =	vmul.f32 $1.442695020e+00, v14;
	(erf) = vpow2.f32 v12  }
0xd0: {  	[tilespmem:s13+$0xFFFFFFF0] =	vst v16;
	v21 =	vadd.f32 v21, v58;
	(erf) = vpow2.f32 v27;
	v16 =	vadd.f32 v19, v60;
	v19 =	vld [tilespmem:s3+$0xFFFFFFE0]  }
0xd1: {  	[tilespmem:s13+$0x10] =	vst v11;
	v15 =	vperm.xlane v7, v0;
	v12 =	vsel vm0, $0x0, v20;
	v30 =	vpop (erf);
	(erf) = vpow2.f32 v14  }
0xd2: {  	[tilespmem:s13+$0xFFFFFFE0] =	vst v23;
	v62 =	vmul.f32 $2.000000030e-01, v21;
	v23 =	vperm.xlane v10, v0;
	v11 =	vsel vm0, $0x0, v30  }
0xd3: {  	[tilespmem:s7+$0x10] =	vst v28;
	v63 =	vsel vm1, v13, v29;
	v14 =	vmul.f32 v20, v17;
	v13 =	vmul.f32 v30, v18  }
0xd4: {  	s12 =	simm.s32 $0xC;
	s16 =	simm.s32 $0x8120;
	v21 =	vmax.f32 v21, v62;
	v20 =	vsel vm1, v22, v26;
	[tilespmem:s7+$0xFFFFFFE0] =	vst v63;
	v17 =	vadd.f32 v23, v61;
	v18 =	vpop (erf)  }
.LBB2_10:
0xd5: {  	s12 =	sadd.s32 $0x4, s12;
	v15 =	vadd.f32 v15, v19;
	v19 =	vmul.f32 $1.442695020e+00, v21;
	v27 =	vmul.f32 v18, v6;
	[tilespmem:s13+$0x0] =	vst v20;
	v6 =	vmovc v8;
	v8 =	vld [tilespmem:s16+$0x10];
	s13 =	smov.u32 s7;
	s7 =	smov.u32 s14  }
0xd6: {  	v28 =	vmul.f32 $2.000000030e-01, v16;
	s3 =	sadd.s32 $0x40, s3;
	v22 =	vsel vm0, $0x0, v18;
	v24 =	vmovc v4;
	v4 =	vmovc v9;
	s14 =	smov.u32 s29;
	v20 =	vld [tilespmem:s16+$0xFFFFFFE0];
	p0 =	slt.u32 s12, $0x1FC;
	v23 =	vmul.f32 $2.000000030e-01, v17  }
0xd7: {  	v21 =	vmovc v3;
	v3 =	vmovc v10;
	s29 =	smov.u32 s16;
	v25 =	vld [tilespmem:s3+$0x10];
	v26 =	vmul.f32 $2.000000030e-01, v15;
	(erf) = vpow2.f32 v19;
	v19 =	vsel vm1, v27, v22  }
0xd8: {  	v12 =	vsel vm1, v14, v12;
	v16 =	vmax.f32 v16, v28;
	v9 =	vld [tilespmem:s16+$0xFFFFFFF0];
	v17 =	vmax.f32 v17, v23;
	[tilespmem:s7+$0x10] =	vst v19;
	v18 =	vpop (erf)  }
0xd9: {  	v16 =	vmul.f32 $1.442695020e+00, v16;
	v10 =	vld [tilespmem:s16+$0x0];
	v14 =	vmax.f32 v15, v26;
	v17 =	vmul.f32 $1.442695020e+00, v17;
	v22 =	vpop (erf);
	[tilespmem:s13+$0xFFFFFFF0] =	vst v12  }
0xda: {  	v23 =	vld [tilespmem:s3+$0xFFFFFFF0];
	v26 =	vperm.xlane v8, v0;
	v14 =	vmul.f32 $1.442695020e+00, v14;
	v27 =	vsel vm0, $0x0, v22;
	v28 =	vpop (erf)  }
0xdb: {  	v30 =	vmovc v11;
	v31 =	vmovc v13;
	v12 =	vsel vm0, $0x0, v18;
	v15 =	vperm.xlane v20, v0;
	v29 =	vld [tilespmem:s3+$0x0];
	(erf) = vpow2.f32 v16  }
.Ltmp5:
0xdc: {  	v13 =	vmul.f32 v22, v5;
	v5 =	vmovc v7;
	v7 =	vmovc v20;
	v19 =	vld [tilespmem:s3+$0xFFFFFFE0];
	v25 =	vadd.f32 v26, v25;
	(erf) = vpow2.f32 v14;
	(pc) =	sbr.rel @p0 .LBB2_10-.Ltmp5, $4  }
0xdd: {  	v11 =	vsel vm0, $0x0, v28;
	v14 =	vperm.xlane v9, v0;
	(erf) = vpow2.f32 v17  }
0xde: {  	v13 =	vsel vm1, v13, v27;
	v17 =	vperm.xlane v10, v0;
	v20 =	vmul.f32 $2.000000030e-01, v25  }
0xdf: {  	v16 =	vadd.f32 v14, v23;
	[tilespmem:s7+$0xFFFFFFE0] =	vst v13;
	v14 =	vmul.f32 v18, v24;
	v13 =	vmul.f32 v28, v21  }
0xe0: {  	s16 =	sadd.s32 $0x40, s16;
	v17 =	vadd.f32 v17, v29;
	v21 =	vmax.f32 v25, v20;
	v18 =	vpop (erf);
	v20 =	vsel vm1, v31, v30  }
0xe1: {  	v15 =	vadd.f32 v15, v19  }
0xe2: {  	v19 =	vmul.f32 $2.000000030e-01, v16  }
0xe3: {  	v22 =	vmul.f32 $2.000000030e-01, v15  }
0xe4: {  	v21 =	vmul.f32 $1.442695020e+00, v21;
	v16 =	vmax.f32 v16, v19  }
0xe5: {  	v19 =	vmul.f32 $2.000000030e-01, v17;
	v16 =	vmul.f32 $1.442695020e+00, v16;
	v15 =	vmax.f32 v15, v22  }
0xe6: {  	(erf) = vpow2.f32 v21;
	v15 =	vmul.f32 $1.442695020e+00, v15  }
0xe7: {  	(erf) = vpow2.f32 v16;
	v16 =	vmax.f32 v17, v19  }
0xe8: {  	(erf) = vpow2.f32 v15;
	v15 =	vmul.f32 $1.442695020e+00, v16;
	_ =	sdelay $0x3  }
0xe9: {  	v6 =	vmul.f32 v18, v6;
	(erf) = vpow2.f32 v15;
	v15 =	vpop (erf)  }
0xea: {  	v17 =	vsel vm0, $0x0, v18;
	v16 =	vpop (erf)  }
0xeb: {  	v6 =	vsel vm1, v6, v17;
	v5 =	vmul.f32 v16, v5  }
0xec: {  	[tilespmem:s14+$0x10] =	vst v6;
	v6 =	vsel vm1, v14, v12;
	v18 =	vpop (erf);
	v12 =	vsel vm0, $0x0, v16  }
0xed: {  	[tilespmem:s7+$0xFFFFFFF0] =	vst v6;
	v4 =	vmul.f32 v15, v4;
	v14 =	vpop (erf);
	v5 =	vsel vm1, v5, v12  }
0xee: {  	v6 =	vmul.f32 v14, v8;
	v8 =	vpop (erf);
	[tilespmem:s14+$0xFFFFFFE0] =	vst v5;
	v5 =	vsel vm1, v13, v11;
	v13 =	vsel vm0, $0x0, v15  }
0xef: {  	[tilespmem:s13+$0x0] =	vst v20;
	v11 =	vsel vm0, $0x0, v14;
	v12 =	vpop (erf);
	v4 =	vsel vm1, v4, v13  }
0xf0: {  	[tilespmem:s7+$0x0] =	vst v5;
	v5 =	vsel vm1, v6, v11;
	v6 =	vmul.f32 v12, v7  }
0xf1: {  	v3 =	vmul.f32 v18, v3;
	[tilespmem:s29+$0x10] =	vst v5;
	v5 =	vsel vm0, $0x0, v12  }
0xf2: {  	v7 =	vsel vm0, $0x0, v18;
	[tilespmem:s14+$0xFFFFFFF0] =	vst v4;
	v5 =	vsel vm1, v6, v5;
	v6 =	vmul.f32 v8, v9;
	v4 =	vpop (erf)  }
0xf3: {  	v3 =	vsel vm1, v3, v7;
	v8 =	vsel vm0, $0x0, v8;
	[tilespmem:s29+$0xFFFFFFE0] =	vst v5;
	v5 =	vmul.f32 v4, v10  }
0xf4: {  	[tilespmem:s14+$0x0] =	vst v3;
	v4 =	vsel vm0, $0x0, v4;
	v3 =	vsel vm1, v6, v8  }
0xf5: {  	s3 =	sand.u32 $0x3FFFFC00, s0;
	[tilespmem:s29+$0xFFFFFFF0] =	vst v3;
	v3 =	vsel vm1, v5, v4  }
0xf6: {  	s13 =	sadd.s32 $0x5400, s3;
	[tilespmem:s29+$0x0] =	vst v3  }
0xf7: {  	[spmem:s1] =	stream.indirect.scatter.add.f32 [tilespmem:s17], [sflag:$0x2], $0x10, s13, s15, $0xb8;
	[tilespmem:$0x10000] =	vst v63  }
0xf8: {  	s14 =	sadd.s32 $0x5480, s3  }
0xf9: {  	[spmem:s1] =	stream.indirect.scatter.add.f32 [tilespmem:s21], [sflag:$0x2], $0x10, s14, s15, $0xb8;
	[tilespmem:$0x10000] =	vst v63  }
0xfa: {  	s16 =	sadd.s32 $0x5500, s3  }
0xfb: {  	[spmem:s1] =	stream.indirect.scatter.add.f32 [tilespmem:s25], [sflag:$0x2], $0x10, s16, s15, $0xb8;
	[tilespmem:$0x10000] =	vst v63  }
0xfc: {  	s3 =	sadd.s32 $0x5580, s3  }
0xfd: {  	[spmem:s1] =	stream.indirect.scatter.add.f32 [tilespmem:s30], [sflag:$0x2], $0x10, s3, s15, $0xb8;
	[tilespmem:$0x10000] =	vst v63  }
0xfe: {  	_ =	swait.ge [sflag:s26], $0x800  }
0xff: {  	[sflag:s26] =	ssyncset.done $0x0  }
0x100: {  	[sflag:s26] =	ssyncadd.s32 $0xFFFFF800  }
0x101: {  	_ =	swait.ge [sflag:s26], $0x800  }
0x102: {  	[sflag:s26] =	ssyncset.done $0x0  }
0x103: {  	[sflag:s26] =	ssyncadd.s32 $0xFFFFF800  }
0x104: {  	_ =	swait.ge [sflag:s26], $0x800  }
0x105: {  	[sflag:s26] =	ssyncset.done $0x0  }
0x106: {  	[sflag:s26] =	ssyncadd.s32 $0xFFFFF800  }
0x107: {  	_ =	swait.ge [sflag:s26], $0x800  }
0x108: {  	[sflag:s26] =	ssyncset.done $0x0  }
0x109: {  	[sflag:s26] =	ssyncadd.s32 $0xFFFFF800  }
0x10a: {  	_ =	swait.ge [sflag:s26], $0x800  }
0x10b: {  	[sflag:s26] =	ssyncset.done $0x0  }
0x10c: {  	[sflag:s26] =	ssyncadd.s32 $0xFFFFF800  }
0x10d: {  	_ =	swait.ge [sflag:s26], $0x800  }
0x10e: {  	[sflag:s26] =	ssyncset.done $0x0  }
0x10f: {  	[sflag:s26] =	ssyncadd.s32 $0xFFFFF800  }
0x110: {  	_ =	swait.ge [sflag:s26], $0x800  }
0x111: {  	[sflag:s26] =	ssyncset.done $0x0  }
0x112: {  	[sflag:s26] =	ssyncadd.s32 $0xFFFFF800  }
0x113: {  	_ =	swait.ge [sflag:s26], $0x800  }
0x114: {  	[sflag:s26] =	ssyncset.done $0x0  }
0x115: {  	s13 =	simm.s32 $0xA020;
	[sflag:s26] =	ssyncadd.s32 $0xFFFFF800  }
0x116: {  	v3 =	vld [tilespmem:s13+$0x10]  }
0x117: {  	s12 =	simm.s32 $0xE020  }
0x118: {  	v4 =	vld [tilespmem:s12+$0x10]  }
0x119: {  	v7 =	vld [tilespmem:s13+$0xFFFFFFE0]  }
0x11a: {  	v8 =	vld [tilespmem:s13+$0xFFFFFFF0]  }
0x11b: {  	v9 =	vld [tilespmem:s13+$0x0];
	v5 =	vperm.xlane v3, v0  }
0x11c: {  	v6 =	vld [tilespmem:s12+$0xFFFFFFF0]  }
0x11d: {  	v4 =	vadd.f32 v5, v4;
	v5 =	vld [tilespmem:s12+$0xFFFFFFE0]  }
0x11e: {  	v10 =	vld [tilespmem:s12+$0x0]  }
0x11f: {  	v12 =	vperm.xlane v8, v0;
	v11 =	vmul.f32 $2.000000030e-01, v4  }
0x120: {  	s7 =	simm.s32 $0xA060;
	v13 =	vperm.xlane v7, v0  }
0x121: {  	v6 =	vadd.f32 v12, v6;
	v12 =	vld [tilespmem:s7+$0x10];
	v4 =	vmax.f32 v4, v11;
	v11 =	vperm.xlane v9, v0  }
0x122: {  	s14 =	simm.s32 $0xE060;
	v4 =	vmul.f32 $1.442695020e+00, v4;
	v5 =	vadd.f32 v13, v5  }
0x123: {  	v14 =	vld [tilespmem:s14+$0x10];
	v10 =	vadd.f32 v11, v10;
	v11 =	vmul.f32 $2.000000030e-01, v6  }
0x124: {  	v17 =	vld [tilespmem:s7+$0xFFFFFFF0];
	(erf) = vpow2.f32 v4;
	v4 =	vmul.f32 $2.000000030e-01, v5  }
0x125: {  	v18 =	vld [tilespmem:s7+$0x0];
	v15 =	vmul.f32 $2.000000030e-01, v10;
	v6 =	vmax.f32 v6, v11  }
0x126: {  	v13 =	vld [tilespmem:s7+$0xFFFFFFE0];
	v11 =	vperm.xlane v12, v0;
	v4 =	vmax.f32 v5, v4;
	v5 =	vmul.f32 $1.442695020e+00, v6  }
0x127: {  	v6 =	vld [tilespmem:s14+$0xFFFFFFF0];
	v4 =	vmul.f32 $1.442695020e+00, v4  }
0x128: {  	v10 =	vmax.f32 v10, v15;
	v15 =	vld [tilespmem:s14+$0x0];
	v11 =	vadd.f32 v11, v14;
	(erf) = vpow2.f32 v5  }
0x129: {  	v10 =	vmul.f32 $1.442695020e+00, v10;
	v5 =	vld [tilespmem:s14+$0xFFFFFFE0];
	(erf) = vpow2.f32 v4  }
0x12a: {  	v4 =	vperm.xlane v17, v0;
	v16 =	vmul.f32 $2.000000030e-01, v11  }
0x12b: {  	v14 =	vperm.xlane v18, v0;
	v19 =	vperm.xlane v13, v0;
	s14 =	simm.s32 $0xA0A0  }
0x12c: {  	s16 =	simm.s32 $0xE0A0;
	(erf) = vpow2.f32 v10;
	v10 =	vadd.f32 v4, v6;
	v4 =	vmax.f32 v11, v16;
	v6 =	vld [tilespmem:s14+$0x10]  }
0x12d: {  	v20 =	vld [tilespmem:s16+$0x10];
	v14 =	vadd.f32 v14, v15;
	v4 =	vmul.f32 $1.442695020e+00, v4;
	v11 =	vpop (erf)  }
0x12e: {  	v15 =	vadd.f32 v19, v5;
	v5 =	vld [tilespmem:s14+$0xFFFFFFE0];
	v16 =	vmul.f32 v11, v3;
	v3 =	vmul.f32 $2.000000030e-01, v10  }
0x12f: {  	v19 =	vmul.f32 $2.000000030e-01, v14;
	(erf) = vpow2.f32 v4;
	v4 =	vld [tilespmem:s14+$0xFFFFFFF0]  }
0x130: {  	v11 =	vsel vm0, $0x0, v11;
	v21 =	vmul.f32 $2.000000030e-01, v15  }
0x131: {  	v10 =	vmax.f32 v10, v3;
	v14 =	vmax.f32 v14, v19;
	v22 =	vperm.xlane v6, v0  }
0x132: {  	v3 =	vld [tilespmem:s14+$0x0];
	v15 =	vmax.f32 v15, v21;
	v10 =	vmul.f32 $1.442695020e+00, v10;
	v14 =	vmul.f32 $1.442695020e+00, v14  }
0x133: {  	v11 =	vsel vm1, v16, v11;
	v21 =	vld [tilespmem:s16+$0xFFFFFFF0];
	v19 =	vpop (erf);
	v15 =	vmul.f32 $1.442695020e+00, v15;
	v24 =	vperm.xlane v5, v0  }
0x134: {  	v20 =	vadd.f32 v22, v20;
	v16 =	vpop (erf);
	(erf) = vpow2.f32 v10;
	v22 =	vperm.xlane v4, v0  }
0x135: {  	v10 =	vld [tilespmem:s16+$0xFFFFFFE0];
	v23 =	vsel vm0, $0x0, v16;
	(erf) = vpow2.f32 v15;
	v7 =	vmul.f32 v16, v7  }
0x136: {  	v25 =	vld [tilespmem:s16+$0x0];
	v16 =	vsel vm0, $0x0, v19;
	v27 =	vmul.f32 $2.000000030e-01, v20;
	v19 =	vmul.f32 v19, v8  }
0x137: {  	v15 =	vpop (erf);
	(erf) = vpow2.f32 v14;
	v14 =	vperm.xlane v3, v0  }
0x138: {  	s29 =	simm.s32 $0xA0E0;
	v23 =	vsel vm1, v7, v23;
	v21 =	vadd.f32 v22, v21;
	v22 =	vmul.f32 v15, v9;
	v9 =	vpop (erf)  }
0x139: {  	v8 =	vld [tilespmem:s29+$0x10];
	v7 =	vmax.f32 v20, v27;
	v26 =	vsel vm0, $0x0, v15;
	v12 =	vmul.f32 v9, v12  }
0x13a: {  	v15 =	vadd.f32 v24, v10;
	v20 =	vmul.f32 $2.000000030e-01, v21;
	v9 =	vsel vm0, $0x0, v9  }
0x13b: {  	s3 =	simm.s32 $0xE0E0;
	v14 =	vadd.f32 v14, v25;
	v10 =	vmul.f32 $1.442695020e+00, v7;
	v28 =	vsel vm1, v12, v9;
	v9 =	vld [tilespmem:s29+$0xFFFFFFF0]  }
0x13c: {  	v58 =	vld [tilespmem:s3+$0x10];
	v59 =	vmul.f32 $2.000000030e-01, v15  }
0x13d: {  	v60 =	vld [tilespmem:s3+$0xFFFFFFF0];
	v16 =	vsel vm1, v19, v16;
	v57 =	vmul.f32 $2.000000030e-01, v14;
	(erf) = vpow2.f32 v10  }
0x13e: {  	v7 =	vld [tilespmem:s29+$0xFFFFFFE0];
	v12 =	vmax.f32 v21, v20;
	v21 =	vperm.xlane v8, v0;
	v20 =	vpop (erf);
	v15 =	vmax.f32 v15, v59  }
0x13f: {  	v10 =	vld [tilespmem:s29+$0x0];
	v12 =	vmul.f32 $1.442695020e+00, v12;
	v14 =	vmax.f32 v14, v57;
	v19 =	vpop (erf);
	v27 =	vmul.f32 $1.442695020e+00, v15  }
0x140: {  	v29 =	vsel vm0, $0x0, v19;
	v13 =	vmul.f32 v19, v13;
	v19 =	vperm.xlane v9, v0  }
0x141: {  	v61 =	vld [tilespmem:s3+$0x0];
	v14 =	vmul.f32 $1.442695020e+00, v14;
	(erf) = vpow2.f32 v12  }
0x142: {  	[tilespmem:s13+$0xFFFFFFF0] =	vst v16;
	v21 =	vadd.f32 v21, v58;
	(erf) = vpow2.f32 v27;
	v16 =	vadd.f32 v19, v60;
	v19 =	vld [tilespmem:s3+$0xFFFFFFE0]  }
0x143: {  	[tilespmem:s13+$0x10] =	vst v11;
	v15 =	vperm.xlane v7, v0;
	v12 =	vsel vm0, $0x0, v20;
	v30 =	vpop (erf);
	(erf) = vpow2.f32 v14  }
0x144: {  	[tilespmem:s13+$0xFFFFFFE0] =	vst v23;
	v62 =	vmul.f32 $2.000000030e-01, v21;
	v23 =	vperm.xlane v10, v0;
	v11 =	vsel vm0, $0x0, v30  }
0x145: {  	[tilespmem:s7+$0x10] =	vst v28;
	v63 =	vsel vm1, v13, v29;
	v14 =	vmul.f32 v20, v17;
	v13 =	vmul.f32 v30, v18  }
0x146: {  	s12 =	simm.s32 $0xC;
	s16 =	simm.s32 $0xA120;
	v21 =	vmax.f32 v21, v62;
	v20 =	vsel vm1, v22, v26;
	[tilespmem:s7+$0xFFFFFFE0] =	vst v63;
	v17 =	vadd.f32 v23, v61;
	v18 =	vpop (erf)  }
.LBB2_12:
0x147: {  	s12 =	sadd.s32 $0x4, s12;
	v15 =	vadd.f32 v15, v19;
	v19 =	vmul.f32 $1.442695020e+00, v21;
	v27 =	vmul.f32 v18, v6;
	[tilespmem:s13+$0x0] =	vst v20;
	v6 =	vmovc v8;
	v8 =	vld [tilespmem:s16+$0x10];
	s13 =	smov.u32 s7;
	s7 =	smov.u32 s14  }
0x148: {  	v28 =	vmul.f32 $2.000000030e-01, v16;
	s3 =	sadd.s32 $0x40, s3;
	v22 =	vsel vm0, $0x0, v18;
	v24 =	vmovc v4;
	v4 =	vmovc v9;
	s14 =	smov.u32 s29;
	v20 =	vld [tilespmem:s16+$0xFFFFFFE0];
	p0 =	slt.u32 s12, $0x1FC;
	v23 =	vmul.f32 $2.000000030e-01, v17  }
0x149: {  	v21 =	vmovc v3;
	v3 =	vmovc v10;
	s29 =	smov.u32 s16;
	v25 =	vld [tilespmem:s3+$0x10];
	v26 =	vmul.f32 $2.000000030e-01, v15;
	(erf) = vpow2.f32 v19;
	v19 =	vsel vm1, v27, v22  }
0x14a: {  	v12 =	vsel vm1, v14, v12;
	v16 =	vmax.f32 v16, v28;
	v9 =	vld [tilespmem:s16+$0xFFFFFFF0];
	v17 =	vmax.f32 v17, v23;
	[tilespmem:s7+$0x10] =	vst v19;
	v18 =	vpop (erf)  }
0x14b: {  	v16 =	vmul.f32 $1.442695020e+00, v16;
	v10 =	vld [tilespmem:s16+$0x0];
	v14 =	vmax.f32 v15, v26;
	v17 =	vmul.f32 $1.442695020e+00, v17;
	v22 =	vpop (erf);
	[tilespmem:s13+$0xFFFFFFF0] =	vst v12  }
0x14c: {  	v23 =	vld [tilespmem:s3+$0xFFFFFFF0];
	v26 =	vperm.xlane v8, v0;
	v14 =	vmul.f32 $1.442695020e+00, v14;
	v27 =	vsel vm0, $0x0, v22;
	v28 =	vpop (erf)  }
0x14d: {  	v30 =	vmovc v11;
	v31 =	vmovc v13;
	v12 =	vsel vm0, $0x0, v18;
	v15 =	vperm.xlane v20, v0;
	v29 =	vld [tilespmem:s3+$0x0];
	(erf) = vpow2.f32 v16  }
.Ltmp6:
0x14e: {  	v13 =	vmul.f32 v22, v5;
	v5 =	vmovc v7;
	v7 =	vmovc v20;
	v19 =	vld [tilespmem:s3+$0xFFFFFFE0];
	v25 =	vadd.f32 v26, v25;
	(erf) = vpow2.f32 v14;
	(pc) =	sbr.rel @p0 .LBB2_12-.Ltmp6, $4  }
0x14f: {  	v11 =	vsel vm0, $0x0, v28;
	v14 =	vperm.xlane v9, v0;
	(erf) = vpow2.f32 v17  }
0x150: {  	v13 =	vsel vm1, v13, v27;
	v17 =	vperm.xlane v10, v0;
	v20 =	vmul.f32 $2.000000030e-01, v25  }
0x151: {  	v16 =	vadd.f32 v14, v23;
	[tilespmem:s7+$0xFFFFFFE0] =	vst v13;
	v14 =	vmul.f32 v18, v24;
	v13 =	vmul.f32 v28, v21  }
0x152: {  	s16 =	sadd.s32 $0x40, s16;
	v17 =	vadd.f32 v17, v29;
	v21 =	vmax.f32 v25, v20;
	v18 =	vpop (erf);
	v20 =	vsel vm1, v31, v30  }
0x153: {  	v15 =	vadd.f32 v15, v19  }
0x154: {  	v40 =	vmul.f32 $2.000000030e-01, v16  }
0x155: {  	v22 =	vmul.f32 $2.000000030e-01, v15  }
0x156: {  	v21 =	vmul.f32 $1.442695020e+00, v21;
	v41 =	vmul.f32 $2.000000030e-01, v17;
	v16 =	vmax.f32 v16, v40  }
0x157: {  	v16 =	vmul.f32 $1.442695020e+00, v16;
	v15 =	vmax.f32 v15, v22  }
0x158: {  	(erf) = vpow2.f32 v21;
	v42 =	vmax.f32 v17, v41;
	v15 =	vmul.f32 $1.442695020e+00, v15  }
0x159: {  	v43 =	vmul.f32 $1.442695020e+00, v42;
	(erf) = vpow2.f32 v16  }
0x15a: {  	(erf) = vpow2.f32 v15  }
0x15b: {  	(erf) = vpow2.f32 v43;
	_ =	sdelay $0x2  }
0x15c: {  	v6 =	vmul.f32 v18, v6;
	[tilespmem:s13+$0x0] =	vst v20;
	v48 =	vsel vm1, v14, v12;
	v44 =	vpop (erf)  }
0x15d: {  	v46 =	vsel vm0, $0x0, v18;
	v53 =	vsel vm1, v13, v11;
	[tilespmem:s7+$0xFFFFFFF0] =	vst v48;
	v45 =	vpop (erf);
	v4 =	vmul.f32 v44, v4  }
0x15e: {  	[tilespmem:s7+$0x0] =	vst v53;
	v6 =	vsel vm1, v6, v46;
	v56 =	vsel vm0, $0x0, v44;
	v47 =	vpop (erf);
	v5 =	vmul.f32 v45, v5  }
0x15f: {  	[tilespmem:s14+$0x10] =	vst v6;
	v49 =	vsel vm0, $0x0, v45;
	v3 =	vmul.f32 v47, v3;
	v4 =	vsel vm1, v4, v56;
	v50 =	vpop (erf)  }
0x160: {  	v60 =	vsel vm0, $0x0, v47;
	v5 =	vsel vm1, v5, v49;
	[tilespmem:s14+$0xFFFFFFF0] =	vst v4;
	v51 =	vmul.f32 v50, v8;
	v52 =	vpop (erf)  }
0x161: {  	[tilespmem:s14+$0xFFFFFFE0] =	vst v5;
	v3 =	vsel vm1, v3, v60;
	v54 =	vsel vm0, $0x0, v50;
	v62 =	vmul.f32 v52, v9;
	v55 =	vpop (erf)  }
0x162: {  	[tilespmem:s14+$0x0] =	vst v3;
	v57 =	vsel vm1, v51, v54;
	v8 =	vsel vm0, $0x0, v52;
	v58 =	vmul.f32 v55, v7;
	v61 =	vpop (erf)  }
0x163: {  	[tilespmem:s29+$0x10] =	vst v57;
	v59 =	vsel vm0, $0x0, v55;
	v3 =	vsel vm1, v62, v8;
	v63 =	vmul.f32 v61, v10  }
0x164: {  	v4 =	vsel vm0, $0x0, v61;
	[tilespmem:s29+$0xFFFFFFF0] =	vst v3;
	v5 =	vsel vm1, v58, v59  }
0x165: {  	[tilespmem:s29+$0xFFFFFFE0] =	vst v5;
	v3 =	vsel vm1, v63, v4  }
0x166: {  	[tilespmem:s29+$0x0] =	vst v3  }
0x167: {  	_ =	swait.ge [sflag:s28], $0x800  }
0x168: {  	[sflag:s28] =	ssyncset.done $0x0  }
0x169: {  	[sflag:s28] =	ssyncadd.s32 $0xFFFFF800  }
0x16a: {  	_ =	swait.ge [sflag:s28], $0x800  }
0x16b: {  	[sflag:s28] =	ssyncset.done $0x0  }
0x16c: {  	[sflag:s28] =	ssyncadd.s32 $0xFFFFF800  }
0x16d: {  	_ =	swait.ge [sflag:s28], $0x800  }
0x16e: {  	[sflag:s28] =	ssyncset.done $0x0  }
0x16f: {  	[sflag:s28] =	ssyncadd.s32 $0xFFFFF800  }
0x170: {  	p0 =	seq.s32 s31, $0xA;
	_ =	swait.ge [sflag:s28], $0x800  }
0x171: {  	s3 =	sadd.s32 @!p0 $0x2C00, s0;
	[sflag:s28] =	ssyncset.done $0x0  }
0x172: {  	s7 =	simm.s32 @!p0 $0x80;
	s12 =	simm.s32 @!p0 $0x8000;
	[sflag:s28] =	ssyncadd.s32 $0xFFFFF800  }
0x173: {  	[tilespmem:s12], [sflag:$0x1] =	stream.indirect.gather @!p0 [hbm4b:s4+s7], $0x10, s3, s7, $0xb8;
	[tilespmem:$0x10000] =	vst v63  }
0x174: {  	s3 =	sadd.s32 @!p0 $0x5800, s0;
	s12 =	simm.s32 @!p0 $0xC000  }
0x175: {  	[tilespmem:s12], [sflag:$0x1] =	stream.indirect.gather @!p0 [hbm4b:s5+s7], $0x10, s3, s7, $0xb8;
	[tilespmem:$0x10000] =	vst v63  }
0x176: {  	s3 =	sadd.s32 @!p0 $0x2C80, s0;
	s12 =	simm.s32 @!p0 $0x8800  }
0x177: {  	[tilespmem:s12], [sflag:$0x1] =	stream.indirect.gather @!p0 [hbm4b:s4+s7], $0x10, s3, s7, $0xb8;
	[tilespmem:$0x10000] =	vst v63  }
0x178: {  	s3 =	sadd.s32 @!p0 $0x5880, s0;
	s12 =	simm.s32 @!p0 $0xC800  }
0x179: {  	[tilespmem:s12], [sflag:$0x1] =	stream.indirect.gather @!p0 [hbm4b:s5+s7], $0x10, s3, s7, $0xb8;
	[tilespmem:$0x10000] =	vst v63  }
0x17a: {  	s3 =	sadd.s32 @!p0 $0x2D00, s0;
	s12 =	simm.s32 @!p0 $0x9000  }
0x17b: {  	[tilespmem:s12], [sflag:$0x1] =	stream.indirect.gather @!p0 [hbm4b:s4+s7], $0x10, s3, s7, $0xb8;
	[tilespmem:$0x10000] =	vst v63  }
0x17c: {  	s3 =	sadd.s32 @!p0 $0x5900, s0;
	s12 =	simm.s32 @!p0 $0xD000  }
0x17d: {  	[tilespmem:s12], [sflag:$0x1] =	stream.indirect.gather @!p0 [hbm4b:s5+s7], $0x10, s3, s7, $0xb8;
	[tilespmem:$0x10000] =	vst v63  }
0x17e: {  	s3 =	sadd.s32 @!p0 $0x2D80, s0;
	s12 =	simm.s32 @!p0 $0x9800  }
0x17f: {  	[tilespmem:s12], [sflag:$0x1] =	stream.indirect.gather @!p0 [hbm4b:s4+s7], $0x10, s3, s7, $0xb8;
	[tilespmem:$0x10000] =	vst v63  }
0x180: {  	s0 =	sadd.s32 @!p0 $0x5980, s0;
	s3 =	simm.s32 @!p0 $0xD800  }
0x181: {  	[tilespmem:s3], [sflag:$0x1] =	stream.indirect.gather @!p0 [hbm4b:s5+s7], $0x10, s0, s7, $0xb8;
	[tilespmem:$0x10000] =	vst v63  }
0x182: {  	s31 =	sadd.s32 $0x1, s31  }
0x183: {  	[spmem:s1] =	stream.indirect.scatter.add.f32 [tilespmem:s2], [sflag:$0x2], $0x10, s6, s15, $0xb8;
	[tilespmem:$0x10000] =	vst v63  }
0x184: {  	p0 =	sne.s32 s31, $0xB  }
0x185: {  	[spmem:s1] =	stream.indirect.scatter.add.f32 [tilespmem:s18], [sflag:$0x2], $0x10, s8, s15, $0xb8;
	[tilespmem:$0x10000] =	vst v63  }
.Ltmp7:
0x186: {  	_ = 	snop;
	(pc) =	sbr.rel @p0 .LBB2_9-.Ltmp7, $4  }
0x187: {  	_ = 	snop  }
0x188: {  	[spmem:s1] =	stream.indirect.scatter.add.f32 [tilespmem:s20], [sflag:$0x2], $0x10, s9, s15, $0xb8;
	[tilespmem:$0x10000] =	vst v63  }
0x189: {  	_ = 	snop  }
0x18a: {  	[spmem:s1] =	stream.indirect.scatter.add.f32 [tilespmem:s23], [sflag:$0x2], $0x10, s11, s15, $0xb8;
	[tilespmem:$0x10000] =	vst v63  }
0x18b: {  	_ =	swait.ge [sflag:s28], $0x800  }
0x18c: {  	[sflag:s28] =	ssyncset.done $0x0  }
0x18d: {  	[sflag:s28] =	ssyncadd.s32 $0xFFFFF800  }
0x18e: {  	_ =	swait.ge [sflag:s28], $0x800  }
0x18f: {  	[sflag:s28] =	ssyncset.done $0x0  }
0x190: {  	[sflag:s28] =	ssyncadd.s32 $0xFFFFF800  }
0x191: {  	_ =	swait.ge [sflag:s28], $0x800  }
0x192: {  	[sflag:s28] =	ssyncset.done $0x0  }
0x193: {  	[sflag:s28] =	ssyncadd.s32 $0xFFFFF800  }
0x194: {  	_ =	swait.ge [sflag:s28], $0x800  }
0x195: {  	[sflag:s28] =	ssyncset.done $0x0  }
0x196: {  	[sflag:s28] =	ssyncadd.s32 $0xFFFFF800  }
0x197: {  	[bflag:$0x0] =	sbarrier.arrive $0xFFFF  }
0x198: {  	s16 =	rddreg [dreg:$0x4]  }
0x199: {  	s0 =	rddreg [dreg:$0x6]  }
0x19a: {  	s6 =	simm.s32 $0x4;
	s3 =	rddreg [dreg:$0x9]  }
0x19b: {  	[hbm:s0], [sflag:s16] =	dma.local [spmem:s3], $0x500  }
0x19c: {  	_ =	swait.ge [sflag:s6], $0x500  }
0x19d: {  	s7 =	rddreg [dreg:$0xa]  }
0x19e: {  	s31 =	rddreg [dreg:$0x5];
	s7 =	sadd.s32 $0x1, s7  }
0x19f: {  	p0 =	sne.s32 s7, s31  }
.Ltmp8:
0x1a0: {  	_ = 	snop;
	(pc) =	sbr.rel @p0 .LBB2_1-.Ltmp8, $3  }
0x1a1: {  	_ =	sdelay $0x1  }
0x1a2: {  	[sflag:s6] =	ssyncset.done $0x0  }
0x1a3: {  	s14 =	simm.s32 $0x0;
	s12 =	rddreg [dreg:$0x8];
	[sflag:s6] =	ssyncadd.s32 $0xFFFFFB00  }
0x1a4: {  	_ =	sfence.sel $0x180000  }
0x1a5: {  	[bflag:$0x0] =	sbarrier.arrive $0xFFFF  }
0x1a6: {  	_ =	strace $0x9000004A  }
0x1a7: {  	s0 =	stileid.u32;
	[bflag:$0x2] =	sbarrier.arrive $0xFFFF  }
0x1a8: {  	p0 =	sne.s32 s0, $0x0;
	s0 =	rddreg [dreg:$0x2]  }
0x1a9: {  	s0 =	sadd.s32 @!p0 $0x100000, s0  }
0x1aa: {  	[sflag:s0] =	ssyncadd.tile.s32 @!p0 $0x1;
	_ =	shalt  }
.Lfunc_end2:
_tile_overlayer_lowered:
.L_overlay_start_2:
0x1ab: {  	(tag) =	ssettag $0x2  }
0x1ac: {  	s0 =	rddreg [dreg:$0x0];
	s2 =	stileid.u32  }
0x1ad: {  	s1 =	rddreg [dreg:$0x1];
	p0 =	sne.s32 s2, $0x0  }
0x1ae: {  	s3 =	rddreg [dreg:$0x2];
	[bflag:$0x3] =	sbarrier.arrive $0xFFFF;
	s2 =	simm.s32 @!p0 $0x1C04  }
0x1af: {  	[timem:s3], [sflag:s2] =	dma.local @!p0 [hbm:s0], s1  }
0x1b0: {  	s0 =	simm.s32 @!p0 $0x4  }
0x1b1: {  	_ =	swait.ge @!p0 [sflag:s0], s1  }
0x1b2: {  	s1 =	ssub.s32 @!p0 $0x0, s1;
	[sflag:s0] =	ssyncset.done @!p0 $0x0  }
0x1b3: {  	[sflag:s0] =	ssyncadd.s32 @!p0 s1  }
0x1b4: {  	[bflag:$0x3] =	sbarrier.arrive $0xFFFF  }
0x1b5: {  	_ =	shalt  }

// kernel: kernel.7.cloned.1.call-start
scs
__scs_entry_jumppad:
0x0: {  	(pc) =	sbr.rel $0x88, $3  }
0x1: {  	(tag) =	ssettag $0x0;
	lr =	simm.s32 $0x1  }
0x2: {  	[smem:$0x3F97] =	sst lr;
	_ =	strace $0xD0000000  }
0x3: {  	_ = 	snop  }
0x4: {  	_ = 	snop  }
0x5: {  	_ = 	snop  }
0x6: {  	_ = 	snop  }
0x7: {  	_ = 	snop  }
__scs_overlays_trampoline_lowered:
0x8: {  	[smem:$0x3FA6] =	sst s0  }
0x9: {  	[smem:$0x3FA7] =	sst s1  }
0xa: {  	[smem:$0x3FA8] =	sst s2  }
0xb: {  	[smem:$0x3FA9] =	sst s3  }
0xc: {  	[smem:$0x3FAA] =	sst s4  }
0xd: {  	[smem:$0x3FAB] =	sst s5  }
0xe: {  	[smem:$0x3FAC] =	sst s6  }
0xf: {  	[smem:$0x3FAD] =	sst s7  }
0x10: {  	[smem:$0x3FAE] =	sst s8  }
0x11: {  	[smem:$0x3FAF] =	sst s9;
	s0 =	simm.s32 @!p0 $0x0  }
0x12: {  	s1 =	sld [smem:$0x3F95];
	s0 =	simm.s32 @p0 $0x1  }
0x13: {  	[smem:$0x3FB0] =	sst s0;
	s0 =	simm.s32 @!p1 $0x0  }
0x14: {  	s2 =	sld [smem:$0x3F94];
	s0 =	simm.s32 @p1 $0x1  }
0x15: {  	[smem:$0x3FB1] =	sst s0;
	s0 =	simm.s32 @!p2 $0x0  }
0x16: {  	s3 =	sld [smem:$0x3FDB];
	s0 =	simm.s32 @p2 $0x1  }
0x17: {  	s4 =	simm.s32 $0x1BF5;
	[smem:$0x3FB3] =	sst s0  }
0x18: {  	s0 =	sld [smem:$0x3F96];
	_ =	swait.ge [sflag:s4], $0x0  }
0x19: {  	s7 =	sld [smem:$0x3F97]  }
0x1a: {  	s8 =	sadd.s32 $0xFFFFE003, lr  }
0x1b: {  	s9 =	sadd.s32 $0xFFFFFEF7, lr;
	s5 =	simm.s32 $0xFFFFFFFF;
	p2 =	slt.u32 s8, $0xFFFFF086  }
0x1c: {  	p1 =	slt.u32 s9, $0xF7A;
	s5 =	simm.s32 @!p2 $0x0  }
0x1d: {  	s5 =	simm.s32 @p1 $0x1;
	p0 =	seq.s32 s7, s2  }
0x1e: {  	s7 =	smul.u32 @!p0 $0xF7A, s2;
	p2 =	seq.s32 @!p0 s5, $0x0  }
0x1f: {  	s9 =	smul.u32 $0xF7A, s1;
	s8 =	simm.s32 @!p0 $0x1BF5;
	p2 =	por !p2, p0  }
0x20: {  	[sflag:s8] =	ssyncset.s32 @!p0 $0xFFFFF086;
	s6 =	sadd.s32 @!p0 s3, s7;
	s7 =	simm.s32 @!p0 $0x108  }
0x21: {  	s3 =	sadd.s32 s3, s9;
	s6 =	sadd.s32 @!p0 $0x88, s6;
	s7 =	simm.s32 @p2 $0x1082  }
0x22: {  	[simem:s7], [sflag:s8] =	dma.local @!p0 [hbm:s6], $0xF7A  }
0x23: {  	s9 =	sor.u32 $0xD0000000, s2;
	s6 =	simm.s32 $0x108;
	_ =	swait.ge @!p0 [sflag:s8], $0x0  }
0x24: {  	s3 =	sadd.s32 $0x88, s3;
	s6 =	simm.s32 @!p1 $0x1082;
	[sflag:s4] =	ssyncset.s32 $0xFFFFF086  }
0x25: {  	[simem:s6], [sflag:s4] =	dma.local [hbm:s3], $0xF7A  }
0x26: {  	[smem:$0x3F97] =	sst s1;
	(tag) =	ssettag s2;
	_ =	strace s9  }
0x27: {  	s1 =	sld [smem:$0x3FA7]  }
0x28: {  	s2 =	sld [smem:$0x3FA8]  }
0x29: {  	s4 =	sld [smem:$0x3FAA]  }
0x2a: {  	p0 =	seq.s32 s5, $0x0;
	s5 =	sld [smem:$0x3FAB]  }
0x2b: {  	s6 =	sld [smem:$0x3FAC]  }
0x2c: {  	s7 =	sld [smem:$0x3FAD]  }
0x2d: {  	s3 =	simm.s32 $0x108;
	s8 =	sld [smem:$0x3FAE]  }
0x2e: {  	s3 =	simm.s32 @!p0 $0x1082;
	s9 =	sld [smem:$0x3FAF]  }
0x2f: {  	lr =	sadd.s32 s0, s3;
	s0 =	sld [smem:$0x3FA6]  }
0x30: {  	s3 =	sld [smem:$0x3FA9]  }
0x31: {  	[smem:$0x3FB2] =	sst s10  }
0x32: {  	s10 =	sld [smem:$0x3FB0];
	_ =	sdelay $0x3  }
0x33: {  	p0 =	seq.s32 s10, $0x1;
	s10 =	sld [smem:$0x3FB2];
	_ =	sdelay $0x3  }
0x34: {  	[smem:$0x3FB2] =	sst s10  }
0x35: {  	s10 =	sld [smem:$0x3FB1];
	_ =	sdelay $0x3  }
0x36: {  	p1 =	seq.s32 s10, $0x1;
	s10 =	sld [smem:$0x3FB2];
	_ =	sdelay $0x3  }
0x37: {  	[smem:$0x3FB2] =	sst s10  }
0x38: {  	s10 =	sld [smem:$0x3FB3]  }
0x39: {  	_ = 	snop;
	(pc) =	sbr.ind lr, $3  }
0x3a: {  	_ = 	snop  }
0x3b: {  	_ = 	snop  }
0x3c: {  	p2 =	seq.s32 s10, $0x1;
	s10 =	sld [smem:$0x3FB2]  }
0x3d: {  	_ =	shalt  }
0x3e: {  	_ =	shalt  }
0x3f: {  	_ =	shalt  }
0x40: {  	_ =	shalt  }
0x41: {  	_ =	shalt  }
0x42: {  	_ =	shalt  }
0x43: {  	_ =	shalt  }
0x44: {  	_ =	shalt  }
0x45: {  	_ =	shalt  }
0x46: {  	_ =	shalt  }
0x47: {  	_ =	shalt  }
0x48: {  	_ =	shalt  }
0x49: {  	_ =	shalt  }
0x4a: {  	_ =	shalt  }
0x4b: {  	_ =	shalt  }
0x4c: {  	_ =	shalt  }
0x4d: {  	_ =	shalt  }
0x4e: {  	_ =	shalt  }
0x4f: {  	_ =	shalt  }
0x50: {  	_ =	shalt  }
0x51: {  	_ =	shalt  }
0x52: {  	_ =	shalt  }
0x53: {  	_ =	shalt  }
0x54: {  	_ =	shalt  }
0x55: {  	_ =	shalt  }
0x56: {  	_ =	shalt  }
0x57: {  	_ =	shalt  }
0x58: {  	_ =	shalt  }
0x59: {  	_ =	shalt  }
0x5a: {  	_ =	shalt  }
0x5b: {  	_ =	shalt  }
0x5c: {  	_ =	shalt  }
0x5d: {  	_ =	shalt  }
0x5e: {  	_ =	shalt  }
0x5f: {  	_ =	shalt  }
0x60: {  	_ =	shalt  }
0x61: {  	_ =	shalt  }
0x62: {  	_ =	shalt  }
0x63: {  	_ =	shalt  }
0x64: {  	_ =	shalt  }
0x65: {  	_ =	shalt  }
0x66: {  	_ =	shalt  }
0x67: {  	_ =	shalt  }
0x68: {  	_ =	shalt  }
0x69: {  	_ =	shalt  }
0x6a: {  	_ =	shalt  }
0x6b: {  	_ =	shalt  }
0x6c: {  	_ =	shalt  }
0x6d: {  	_ =	shalt  }
0x6e: {  	_ =	shalt  }
0x6f: {  	_ =	shalt  }
0x70: {  	_ =	shalt  }
0x71: {  	_ =	shalt  }
0x72: {  	_ =	shalt  }
0x73: {  	_ =	shalt  }
0x74: {  	_ =	shalt  }
0x75: {  	_ =	shalt  }
0x76: {  	_ =	shalt  }
0x77: {  	_ =	shalt  }
0x78: {  	_ =	shalt  }
0x79: {  	_ =	shalt  }
0x7a: {  	_ =	shalt  }
0x7b: {  	_ =	shalt  }
0x7c: {  	_ =	shalt  }
0x7d: {  	_ =	shalt  }
0x7e: {  	_ =	shalt  }
0x7f: {  	_ =	shalt  }
0x80: {  	_ =	shalt  }
0x81: {  	_ =	shalt  }
0x82: {  	_ =	shalt  }
0x83: {  	_ =	shalt  }
0x84: {  	_ =	shalt  }
0x85: {  	_ =	shalt  }
0x86: {  	_ =	shalt  }
0x87: {  	_ =	shalt  }
.Lfunc_end0:
.L_simem_size_0:
called_computation_lowered:
.L_overlay_start_0:
0x88: {  	s2 =	sld [smem:$0x3FD9]  }
0x89: {  	s3 =	sld [smem:$0x3FFE];
	_ =	sdelay $0x1  }
0x8a: {  	s1 =	srdreg.scid  }
0x8b: {  	s0 =	sand.u32 $0x1, s1  }
0x8c: {  	s16 =	sshll.u32 s0, $0xA;
	s2 =	sadd.s32 s3, s2  }
0x8d: {  	s2 =	sadd.s32 s2, s16  }
0x8e: {  	[smem:$0x3FBE] =	sst s2  }
0x8f: {  	_ = 	snop  }
0x90: {  	(tm) =	ssettm $0x1  }
0x91: {  	s17 =	sld [smem:$0x3FFB];
	_ =	sdelay $0x3  }
0x92: {  	_ =	strace s17  }
0x93: {  	s2 =	sld [smem:$0x3FFC];
	_ =	sdelay $0x3  }
0x94: {  	_ =	strace s2  }
0x95: {  	s2 =	sld [smem:$0x3FFD];
	_ =	sdelay $0x3  }
0x96: {  	_ =	strace s2  }
0x97: {  	_ =	strace $0x8FFFFFFF  }
0x98: {  	s18 =	sld [smem:$0x3FDB];
	_ =	sdelay $0x1  }
0x99: {  	s19 =	simm.s32 $_scs_section_size  }
0x9a: {  	s4 =	simm.s32 $_size__tile_overlayer_lowered;
	s5 =	simm.s32 $_tile_overlayer_lowered  }
0x9b: {  	s22 =	simm.s32 $0x1BFF;
	s21 =	sshll.u32 s5, $0x1;
	s2 =	sadd.s32 s19, s18  }
0x9c: {  	s6 =	simm.s32 $0x0;
	s20 =	sshll.u32 s4, $0x1;
	s4 =	sadd.s32 s21, s2  }
0x9d: {  	[timem:s6], [sflag:s22] =	dma.local [hbm:s4], s20  }
0x9e: {  	_ =	swait.ge [sflag:s22], s20  }
0x9f: {  	s3 =	ssub.s32 $0x0, s20;
	[sflag:s22] =	ssyncset.done $0x0  }
0xa0: {  	[sflag:s22] =	ssyncadd.s32 s3;
	_ =	sdelay $0x1  }
0xa1: {  	s23 =	simm.s32 $0x1B8B  }
0xa2: {  	_ =	swait.ge [sflag:s23], $0x1  }
0xa3: {  	[sflag:s23] =	ssyncset.done $0x0  }
0xa4: {  	s25 =	simm.s32 $0x1B8E;
	s24 =	sld [smem:$0x3FFE];
	[sflag:s23] =	ssyncadd.s32 $0xFFFFFFFF  }
0xa5: {  	s26 =	simm.s32 $execute0_lowered;
	[smem:$0x3FD2] =	sst s25  }
0xa6: {  	s4 =	sshll.u32 s26, $0x1;
	_ =	strace $0x80000046;
	[dreg:$0x1] =	wrdreg $0xFFFFFFFF  }
0xa7: {  	s28 =	simm.s32 $_size_execute0_lowered;
	s2 =	sadd.s32 s2, s4;
	[dreg:$0x0] =	wrdreg $0x0  }
0xa8: {  	s4 =	sshll.u32 s28, $0x1;
	[dreg:$0x2] =	wrdreg s2  }
0xa9: {  	[dreg:$0x3] =	wrdreg s4  }
0xaa: {  	[dreg:$0x4] =	wrdreg $0xC0  }
0xab: {  	_ =	task [dreg:s6], $0x5FFFF  }
0xac: {  	[dreg:$0x1] =	wrdreg $0xFFFFFFFF  }
0xad: {  	[dreg:$0x0] =	wrdreg $0x60  }
0xae: {  	[dreg:$0x2] =	wrdreg s24  }
0xaf: {  	[dreg:$0x3] =	wrdreg $0x0  }
0xb0: {  	[dreg:$0x4] =	wrdreg $0x9  }
0xb1: {  	_ =	task.clear_ibuf [dreg:s6], $0x5FFFF;
	_ =	strace $0x90000046  }
0xb2: {  	s29 =	simm.s32 $0x9;
	_ =	strace $0x80000048  }
0xb3: {  	_ =	swait.ge [sflag:s29], $0x1  }
0xb4: {  	[sflag:s29] =	ssyncadd.s32 $0xFFFFFFFF  }
0xb5: {  	_ =	strace $0x90000048  }
0xb6: {  	_ =	sfence  }
0xb7: {  	s30 =	sld [smem:$0x0];
	_ =	sdelay $0x2  }
0xb8: {  	s31 =	sshll.u32 s1, $0xD;
	s1 =	sshrl.u32 s1, $0x2  }
0xb9: {  	s3 =	sand.u32 $0x4000, s31;
	s1 =	sadd.s32 s1, s30  }
0xba: {  	s0 =	sor.u32 s3, s0;
	s1 =	sshll.u32 s1, $0x11  }
0xbb: {  	s0 =	sor.u32 s1, s0  }
0xbc: {  	s0 =	sadd.s32 $0x8F2B, s0  }
0xbd: {  	[sflag:s0] =	ssyncadd.remote.s32 $0x1  }
0xbe: {  	_ =	sfence.sel $0xFFFF  }
0xbf: {  	[dreg:$0x0] =	wrdreg $0xFFFFFFFF;
	(pc) =	sbr.abs _section_cstart, $3  }
0xc0: {  	[dreg:$0x1] =	wrdreg $0xFFFFFFFF  }
0xc1: {  	_ =	task.clear_ibuf [dreg:s6], $0x2FFFF;
	_ =	strace $0x9FFFFFFF  }
0xc2: {  	(tm) =	ssettm $0x7FFFFFFF  }
0xc3: {  	_ =	shalt  }
tec
execute0_lowered:
.L_overlay_start_1:
0x0: {  	(tag) =	ssettag $0x1  }
0x1: {  	s0 =	rddreg [dreg:$0x0]  }
0x2: {  	s1 =	rddreg [dreg:$0x1];
	s2 =	srdreg.scid  }
0x3: {  	s3 =	simm.s32 $0x0;
	s14 =	stileid.u32;
	s13 =	simm.s32 $0x48000  }
0x4: {  	s15 =	simm.s32 $0x80;
	s17 =	simm.s32 $0x10800;
	s19 =	simm.s32 $0x19800  }
0x5: {  	s21 =	simm.s32 $0x12C00;
	s28 =	simm.s32 $0x1B000;
	s6 =	smul.u32 $0xB400, s14  }
0x6: {  	s29 =	simm.s32 $0x1;
	s30 =	simm.s32 $0x2;
	s11 =	smul.u32 $0x54, s14  }
0x7: {  	s31 =	simm.s32 $0x0;
	s2 =	sand.u32 $0x1, s2;
	s12 =	smul.u32 $0x540, s14  }
0x8: {  	[smem:$0x7FF] =	sst s3;
	s25 =	sshll.u32 s14, $0x6;
	s14 =	smul.u32 $0x2A00, s14  }
0x9: {  	s5 =	sadd.s32 $0x18E00, s0;
	s4 =	smul.u32 $0x5400, s2;
	_ =	strace $0x80000047  }
0xa: {  	s9 =	ssub.s32 $0x2, s2;
	s10 =	smul.u32 $0x540, s2;
	p0 =	seq.s32 s2, $0x1  }
0xb: {  	s2 =	smul.u32 $0x2A000, s2;
	s7 =	sshrl.u32 s6, $0x3;
	s23 =	sshrl.u32 s9, $0x1  }
0xc: {  	s6 =	sadd.s32 s6, s1;
	s13 =	simm.s32 @!p0 $0x5E800;
	s8 =	sadd.s32 s4, s0  }
0xd: {  	v0 =	vimm.s32 $0xFEDCBA98;
	s4 =	sadd.s32 $0x2600, s0;
	s0 =	sadd.s32 s7, s0;
	s9 =	ssub.s32 s9, s23  }
0xe: {  	v1 =	vimm.s32 $0x76543210;
	v2 =	vunpack.c.l.s4.s8 v0;
	s7 =	sor.u32 $0x1C04, s25;
	s10 =	sadd.s32 s11, s10;
	s23 =	simm.s32 $0x1A000  }
.Ltmp0:
0xf: {  	v0 =	vlaneseq.u32;
	v3 =	vunpack.c.l.s4.s8 v1;
	s25 =	simm.s32 $0x1A800;
	s24 =	sadd.s32 $0x31800, s0;
	(pc) =	sbr.rel .LBB2_1-.Ltmp0, $4  }
0x10: {  	v4 =	vshrl.u32 v0, $0x3;
	v5 =	vunpack.c.0.s8.s32 v2;
	s9 =	smax.u32 s9, $0x1;
	s0 =	sadd.s32 s13, s0;
	[dreg:$0x3] =	wrdreg s24  }
0x11: {  	vm0 =	vmmov $0xff;
	v1 =	vor.u32 $0x8, v4;
	v6 =	vunpack.c.0.s8.s32 v3;
	s26 =	sadd.s32 s12, s8;
	s12 =	sadd.s32 s14, s2;
	[dreg:$0x4] =	wrdreg s9  }
0x12: {  	v2 =	vor.u32 $0xA, v4;
	v3 =	vor.u32 $0xC, v4;
	s13 =	sshrl.u32 s6, $0x3;
	s14 =	simm.s32 $0x4;
	v5 =	vand.u32 $0xF, v5;
	[dreg:$0x5] =	wrdreg s0  }
0x13: {  	v4 =	vor.u32 $0xE, v4;
	s11 =	sadd.s32 $0x1DE00, s26;
	s24 =	simm.s32 $0x15000;
	s26 =	simm.s32 $0x17400;
	v5 =	vcombine.low v5, v6;
	v6 =	vor.u32 $0xFFFB1E00, v0  }
.LBB2_15:
0x14: {  	[spmem:s1] =	stream.indirect.scatter.add.f32 [tilespmem:s24], [sflag:$0x2], $0x48, s16, s15, $0xb8;
	[tilespmem:$0x1B800] =	vst v63  }
0x15: {  	_ = 	snop  }
0x16: {  	[spmem:s1] =	stream.indirect.scatter.add.f32 [tilespmem:s26], [sflag:$0x2], $0x48, s18, s15, $0xb8;
	[tilespmem:$0x1B800] =	vst v63  }
0x17: {  	_ =	swait.ge [sflag:s30], $0x2400  }
0x18: {  	[sflag:s30] =	ssyncset.done $0x0  }
0x19: {  	[sflag:s30] =	ssyncadd.s32 $0xFFFFDC00  }
0x1a: {  	_ =	swait.ge [sflag:s30], $0x2400  }
0x1b: {  	[sflag:s30] =	ssyncset.done $0x0  }
0x1c: {  	[sflag:s30] =	ssyncadd.s32 $0xFFFFDC00  }
0x1d: {  	[bflag:$0x0] =	sbarrier.arrive $0xFFFF  }
0x1e: {  	s0 =	rddreg [dreg:$0x5]  }
0x1f: {  	[hbm:s0], [sflag:s7] =	dma.local [spmem:s13], $0x1680  }
0x20: {  	_ =	swait.ge [sflag:s14], $0x1680  }
0x21: {  	s31 =	sadd.s32 $0x1, s31;
	s22 =	rddreg [dreg:$0x4]  }
0x22: {  	p0 =	sne.s32 s31, s22  }
.Ltmp1:
0x23: {  	_ = 	snop;
	(pc) =	sbr.rel @!p0 .LBB2_16-.Ltmp1, $3  }
0x24: {  	_ =	sdelay $0x1  }
0x25: {  	[sflag:s14] =	ssyncset.done $0x0  }
0x26: {  	[sflag:s14] =	ssyncadd.s32 $0xFFFFE980  }
.LBB2_1:
.Ltmp2:
0x27: {  	s0 =	rddreg [dreg:$0x3];
	(pc) =	sbr.rel .LBB2_2-.Ltmp2, $4  }
0x28: {  	[spmem:s13], [sflag:s7] =	dma.local [hbm:s0], $0x1680  }
0x29: {  	_ =	swait.ge [sflag:s14], $0x1680  }
0x2a: {  	s2 =	smov.u32 s11;
	s6 =	smov.u32 s10;
	[sflag:s14] =	ssyncset.done $0x0  }
0x2b: {  	s8 =	simm.s32 $0x0;
	s0 =	simm.s32 $0x0;
	[sflag:s14] =	ssyncadd.s32 $0xFFFFE980  }
.LBB2_4:
0x2c: {  	s16 =	sadd.s32 s8, s12  }
0x2d: {  	v7 =	vor.u32 s16, v0  }
0x2e: {  	s18 =	sadd.s32 $0x10, s16;
	v10 =	vmov s16;
	v13 =	vadd.s32 s16, v6;
	v8 =	vmulhi.u32 $0x88888889, v7  }
0x2f: {  	s22 =	sadd.s32 $0x20, s16;
	v9 =	vor.u32 s18, v0;
	vm1 =	vlt.u32 v10, $0x50910;
	v36 =	vmov s18  }
0x30: {  	s20 =	sadd.s32 $0x30, s16;
	v12 =	vadd.s32 s18, v6;
	v37 =	vor.u32 s22, v0;
	v38 =	vmov s22  }
0x31: {  	v39 =	vadd.s32 s22, v6;
	v41 =	vor.u32 s20, v0;
	v11 =	vmulhi.u32 $0x88888889, v9  }
0x32: {  	v43 =	vmov s20;
	v44 =	vadd.s32 s20, v6;
	s22 =	sadd.s32 $0x40, s16;
	v14 =	vmulhi.u32 $0x88888889, v37  }
0x33: {  	s20 =	sadd.s32 $0x50, s16;
	v42 =	vmulhi.u32 $0x88888889, v41;
	v15 =	vor.u32 s22, v0;
	v46 =	vmov s22  }
0x34: {  	v16 =	vadd.s32 s22, v6;
	v47 =	vor.u32 s20, v0;
	v8 =	vshrl.u32 v8, $0x7  }
0x35: {  	v50 =	vmov s20;
	v45 =	vmulhi.u32 $0x88888889, v15;
	v8 =	vmul.u32 $0xF0, v8  }
0x36: {  	v17 =	vadd.s32 s20, v6;
	s22 =	sadd.s32 $0x60, s16;
	v49 =	vmulhi.u32 $0x88888889, v47;
	vm2 =	vlt.u32 v46, $0x50910  }
0x37: {  	v52 =	vor.u32 s22, v0;
	v11 =	vshrl.u32 v11, $0x7;
	v7 =	vsub.s32 v7, v8  }
0x38: {  	s16 =	sadd.s32 $0x70, s16;
	v40 =	vshrl.u32 v14, $0x7;
	v8 =	vmul.u32 $0xF0, v11;
	v7 =	vadd.s32 $0x2710, v7  }
0x39: {  	v54 =	vor.u32 s16, v0;
	v7 =	vsel vm1, v13, v7;
	v13 =	vmul.u32 $0xF0, v40  }
0x3a: {  	vm1 =	vlt.u32 v36, $0x50910;
	v8 =	vsub.s32 v9, v8;
	v9 =	vshrl.u32 v42, $0x7  }
0x3b: {  	v8 =	vadd.s32 $0x2710, v8;
	v9 =	vmul.u32 $0xF0, v9;
	[tilespmem:s9+$0xB400] =	vst v7;
	v11 =	vsub.s32 v37, v13  }
0x3c: {  	[tilespmem:s9+$0xDE00] =	vst v7;
	v8 =	vsel vm1, v12, v8;
	vm1 =	vlt.u32 v38, $0x50910;
	v11 =	vadd.s32 $0x2710, v11  }
0x3d: {  	v59 =	vmov s22;
	[tilespmem:s9+$0xB410] =	vst v8;
	v10 =	vsel vm1, v39, v11;
	v11 =	vshrl.u32 v45, $0x7  }
0x3e: {  	v53 =	vmulhi.u32 $0x88888889, v52;
	v9 =	vsub.s32 v41, v9;
	[tilespmem:s9+$0xDE10] =	vst v8;
	v48 =	vmul.u32 $0xF0, v11  }
0x3f: {  	v51 =	vshrl.u32 v49, $0x7;
	vm1 =	vlt.u32 v43, $0x50910;
	v7 =	vadd.s32 $0x2710, v9;
	[tilespmem:s9+$0xB420] =	vst v10  }
0x40: {  	v9 =	vmul.u32 $0xF0, v51;
	v7 =	vsel vm1, v44, v7;
	[tilespmem:s9+$0xDE20] =	vst v10;
	v8 =	vsub.s32 v15, v48  }
0x41: {  	v56 =	vmulhi.u32 $0x88888889, v54;
	v55 =	vshrl.u32 v53, $0x7;
	[tilespmem:s9+$0xB430] =	vst v7;
	v8 =	vadd.s32 $0x2710, v8  }
0x42: {  	v57 =	vmul.u32 $0xF0, v55;
	v9 =	vsub.s32 v47, v9;
	[tilespmem:s9+$0xDE30] =	vst v7;
	v8 =	vsel vm2, v16, v8  }
0x43: {  	v58 =	vshrl.u32 v56, $0x7;
	vm1 =	vlt.u32 v50, $0x50910;
	v7 =	vadd.s32 $0x2710, v9;
	[tilespmem:s9+$0xB440] =	vst v8  }
0x44: {  	v60 =	vmul.u32 $0xF0, v58;
	v7 =	vsel vm1, v17, v7;
	[tilespmem:s9+$0xDE40] =	vst v8;
	v8 =	vsub.s32 v52, v57  }
0x45: {  	v61 =	vadd.s32 s22, v6;
	vm1 =	vlt.u32 v59, $0x50910;
	[tilespmem:s9+$0xB450] =	vst v7;
	v8 =	vadd.s32 $0x2710, v8  }
0x46: {  	v62 =	vmov s16;
	[tilespmem:s9+$0xDE50] =	vst v7;
	v7 =	vsel vm1, v61, v8;
	v8 =	vsub.s32 v54, v60  }
0x47: {  	v63 =	vadd.s32 s16, v6;
	vm1 =	vlt.u32 v62, $0x50910;
	[tilespmem:s9+$0xB460] =	vst v7;
	v8 =	vadd.s32 $0x2710, v8  }
0x48: {  	[tilespmem:s9+$0xDE60] =	vst v7;
	v7 =	vsel vm1, v63, v8  }
0x49: {  	[tilespmem:s9+$0xB470] =	vst v7  }
0x4a: {  	[tilespmem:s9+$0xDE70] =	vst v7  }
.LBB2_5:
0x4b: {  	s8 =	sadd.s32 $0x80, s8  }
0x4c: {  	p0 =	sne.s32 s8, $0x2A00  }
.Ltmp3:
0x4d: {  	_ = 	snop;
	(pc) =	sbr.rel @!p0 .LBB2_6-.Ltmp3, $2  }
0x4e: {  	_ =	sdelay $0x2  }
0x4f: {  	s6 =	sadd.s32 $0x1, s6;
	s2 =	sadd.s32 $0x10, s2;
	s0 =	sadd.s32 $0x200, s0  }
.LBB2_2:
0x50: {  	p0 =	sgt.u32 s6, $0x9C3  }
.Ltmp4:
0x51: {  	_ = 	snop;
	(pc) =	sbr.rel @p0 .LBB2_4-.Ltmp4, $2  }
0x52: {  	_ =	sdelay $0x2  }
0x53: {  	s9 =	sshra.s32 s0, $0x2  }
.Ltmp5:
0x54: {  	(pc) =	sbr.rel .LBB2_5-.Ltmp5, $4  }
0x55: {  	s16 =	sadd.s32 $0xB400, s9  }
0x56: {  	[tilespmem:s16], [sflag:$0x3] =	stream.linear.gather [hbm4b:s2+s3], $0x80, $0x38;
	[tilespmem:$0x1B800] =	vst v63  }
0x57: {  	s20 =	sadd.s32 $0xDE00, s9;
	s22 =	sadd.s32 $0x9C40, s2  }
0x58: {  	[tilespmem:s20], [sflag:$0x3] =	stream.linear.gather [hbm4b:s22+s3], $0x80, $0x38;
	[tilespmem:$0x1B800] =	vst v63  }
.LBB2_6:
0x59: {  	s0 =	sadd.s32 $0x0, s10  }
0x5a: {  	p0 =	sgt.u32 s0, $0x9C3  }
0x5b: {  	s0 =	simm.s32 @!p0 $0x3;
	p0 =	por p0, p0  }
0x5c: {  	_ =	swait.ge @!p0 [sflag:s0], $0x80  }
0x5d: {  	[sflag:s0] =	ssyncset.done @!p0 $0x0  }
0x5e: {  	[sflag:s0] =	ssyncadd.s32 @!p0 $0xFFFFFF80  }
0x5f: {  	s6 =	sadd.s32 $0x1, s10;
	_ =	swait.ge @!p0 [sflag:s0], $0x80  }
0x60: {  	s2 =	simm.s32 $0x2;
	p1 =	sgt.u32 s6, $0x9C3;
	[sflag:s0] =	ssyncset.done @!p0 $0x0  }
.LBB2_7:
0x61: {  	[sflag:s0] =	ssyncadd.s32 @!p0 $0xFFFFFF80;
	s6 =	smov.u32 s2;
	s2 =	sadd.s32 $0x1, s2  }
0x62: {  	s0 =	simm.s32 @!p1 $0x3;
	p0 =	por p1, p1;
	p2 =	sne.s32 s2, $0x54  }
.Ltmp6:
0x63: {  	_ =	swait.ge @!p0 [sflag:s0], $0x80;
	(pc) =	sbr.rel @p2 .LBB2_7-.Ltmp6, $4  }
0x64: {  	[sflag:s0] =	ssyncset.done @!p0 $0x0  }
0x65: {  	[sflag:s0] =	ssyncadd.s32 @!p0 $0xFFFFFF80  }
0x66: {  	s6 =	sadd.s32 s6, s10;
	_ =	swait.ge @!p0 [sflag:s0], $0x80  }
0x67: {  	p1 =	sgt.u32 s6, $0x9C3;
	[sflag:s0] =	ssyncset.done @!p0 $0x0  }
0x68: {  	s2 =	simm.s32 @!p1 $0x3;
	[sflag:s0] =	ssyncadd.s32 @!p0 $0xFFFFFF80;
	p0 =	por p1, p1  }
0x69: {  	_ =	swait.ge @!p0 [sflag:s2], $0x80  }
0x6a: {  	[sflag:s2] =	ssyncset.done @!p0 $0x0  }
0x6b: {  	[sflag:s2] =	ssyncadd.s32 @!p0 $0xFFFFFF80  }
0x6c: {  	_ =	swait.ge @!p0 [sflag:s2], $0x80  }
0x6d: {  	[sflag:s2] =	ssyncset.done @!p0 $0x0  }
0x6e: {  	[sflag:s2] =	ssyncadd.s32 @!p0 $0xFFFFFF80  }
0x6f: {  	s16 =	simm.s32 $0xB400;
	[bflag:$0x0] =	sbarrier.arrive $0xFFFF  }
0x70: {  	[tilespmem:s17], [sflag:$0x1] =	stream.indirect.gather [hbm4b:s4+s15], $0x48, s16, s15, $0xb8;
	[tilespmem:$0x1B800] =	vst v63  }
0x71: {  	s18 =	simm.s32 $0xDE00  }
0x72: {  	[tilespmem:s19], [sflag:$0x1] =	stream.indirect.gather [hbm4b:s5+s15], $0x10, s18, s15, $0xb8;
	[tilespmem:$0x1B800] =	vst v63  }
0x73: {  	s20 =	simm.s32 $0xB480  }
0x74: {  	[tilespmem:s21], [sflag:$0x1] =	stream.indirect.gather [hbm4b:s4+s15], $0x48, s20, s15, $0xb8;
	[tilespmem:$0x1B800] =	vst v63  }
0x75: {  	s22 =	simm.s32 $0xDE80;
	s0 =	simm.s32 $0x0  }
0x76: {  	[tilespmem:s23], [sflag:$0x1] =	stream.indirect.gather [hbm4b:s5+s15], $0x10, s22, s15, $0xb8;
	[tilespmem:$0x1B800] =	vst v63  }
.LBB2_9:
0x77: {  	p0 =	seq.s32 s0, $0x0  }
0x78: {  	s6 =	simm.s32 @!p0 $0x2  }
0x79: {  	_ =	swait.ge @!p0 [sflag:s6], $0x2400  }
0x7a: {  	[sflag:s6] =	ssyncset.done @!p0 $0x0  }
0x7b: {  	[sflag:s6] =	ssyncadd.s32 @!p0 $0xFFFFDC00  }
0x7c: {  	_ =	swait.ge @!p0 [sflag:s6], $0x2400  }
0x7d: {  	s2 =	sshll.u32 s0, $0x9;
	[sflag:s6] =	ssyncset.done @!p0 $0x0  }
0x7e: {  	s20 =	sadd.s32 $0xB500, s2;
	[sflag:s6] =	ssyncadd.s32 @!p0 $0xFFFFDC00  }
0x7f: {  	[tilespmem:s24], [sflag:$0x1] =	stream.indirect.gather [hbm4b:s4+s15], $0x48, s20, s15, $0xb8;
	[tilespmem:$0x1B800] =	vst v63  }
0x80: {  	s16 =	sadd.s32 $0xDF00, s2  }
0x81: {  	[tilespmem:s25], [sflag:$0x1] =	stream.indirect.gather [hbm4b:s5+s15], $0x10, s16, s15, $0xb8;
	[tilespmem:$0x1B800] =	vst v63  }
0x82: {  	s22 =	sadd.s32 $0xB580, s2  }
0x83: {  	[tilespmem:s26], [sflag:$0x1] =	stream.indirect.gather [hbm4b:s4+s15], $0x48, s22, s15, $0xb8;
	[tilespmem:$0x1B800] =	vst v63  }
0x84: {  	s18 =	sadd.s32 $0xDF80, s2  }
0x85: {  	[tilespmem:s28], [sflag:$0x1] =	stream.indirect.gather [hbm4b:s5+s15], $0x10, s18, s15, $0xb8;
	[tilespmem:$0x1B800] =	vst v63  }
0x86: {  	_ =	swait.ge [sflag:s29], $0x2400  }
0x87: {  	[sflag:s29] =	ssyncset.done $0x0  }
0x88: {  	[sflag:s29] =	ssyncadd.s32 $0xFFFFDC00  }
0x89: {  	_ =	swait.ge [sflag:s29], $0x800  }
0x8a: {  	[sflag:s29] =	ssyncset.done $0x0  }
0x8b: {  	[sflag:s29] =	ssyncadd.s32 $0xFFFFF800  }
0x8c: {  	_ =	swait.ge [sflag:s29], $0x2400  }
0x8d: {  	[sflag:s29] =	ssyncset.done $0x0  }
0x8e: {  	[sflag:s29] =	ssyncadd.s32 $0xFFFFDC00  }
0x8f: {  	_ =	swait.ge [sflag:s29], $0x800  }
0x90: {  	[sflag:s29] =	ssyncset.done $0x0  }
0x91: {  	s8 =	simm.s32 $0x19820;
	[sflag:s29] =	ssyncadd.s32 $0xFFFFF800  }
0x92: {  	s20 =	simm.s32 $0x10890;
	v7 =	vld [tilespmem:s8+$0x10]  }
0x93: {  	v8 =	vld [tilespmem:s20+$0x80]  }
0x94: {  	v10 =	vld [tilespmem:s8+$0xFFFFFFF0]  }
0x95: {  	v11 =	vld [tilespmem:s20+$0xFFFFFFF0]  }
0x96: {  	v12 =	vld [tilespmem:s8+$0x0]  }
0x97: {  	v13 =	vld [tilespmem:s20+$0x38]  }
0x98: {  	v9 =	vld [tilespmem:s20+$0xFFFFFFA8];
	v7 =	vadd.f32 v8, v7  }
0x99: {  	v8 =	vld [tilespmem:s8+$0xFFFFFFE0]  }
0x9a: {  	v10 =	vadd.f32 v11, v10;
	v14 =	vmul.f32 $2.000000030e-01, v7  }
0x9b: {  	v16 =	vld [tilespmem:s20+$0xFFFFFF80]  }
0x9c: {  	v17 =	vld [tilespmem:s20+$0xFFFFFF90];
	v12 =	vadd.f32 v13, v12;
	v15 =	vmul.f32 $2.000000030e-01, v10;
	v7 =	vmax.f32 v7, v14  }
0x9d: {  	v20 =	vld [tilespmem:s20+$0xFFFFFFB8];
	v7 =	vmul.f32 $1.442695020e+00, v7  }
0x9e: {  	v21 =	vld [tilespmem:s20+$0xFFFFFFC8];
	v10 =	vmax.f32 v10, v15;
	v15 =	vmul.f32 $2.000000030e-01, v12;
	v8 =	vadd.f32 v9, v8  }
0x9f: {  	s22 =	simm.s32 $0x109B0;
	v22 =	vld [tilespmem:s20+$0xFFFFFFD8];
	v10 =	vmul.f32 $1.442695020e+00, v10;
	(erf) = vpow2.f32 v7  }
0xa0: {  	s9 =	simm.s32 $0x19860;
	v34 =	vld [tilespmem:s22+$0xFFFFFFA8];
	v7 =	vmul.f32 $2.000000030e-01, v8  }
0xa1: {  	v61 =	vld [tilespmem:s9+$0xFFFFFFE0];
	v12 =	vmax.f32 v12, v15;
	(erf) = vpow2.f32 v10  }
0xa2: {  	v24 =	vld [tilespmem:s20+$0x0];
	v7 =	vmax.f32 v8, v7;
	v8 =	vmul.f32 $1.442695020e+00, v12  }
0xa3: {  	v25 =	vld [tilespmem:s20+$0x10]  }
0xa4: {  	v26 =	vld [tilespmem:s20+$0x20];
	v7 =	vmul.f32 $1.442695020e+00, v7;
	(erf) = vpow2.f32 v8  }
0xa5: {  	v27 =	vld [tilespmem:s20+$0x48]  }
0xa6: {  	v34 =	vadd.f32 v34, v61;
	(erf) = vpow2.f32 v7;
	v7 =	vld [tilespmem:s20+$0x78]  }
0xa7: {  	v19 =	vld [tilespmem:s9+$0xFFFFFFF0]  }
0xa8: {  	v62 =	vmul.f32 $2.000000030e-01, v34;
	v14 =	vld [tilespmem:s20+$0xFFFFFFE8];
	v8 =	vpop (erf)  }
0xa9: {  	v13 =	vld [tilespmem:s20+$0x30];
	v10 =	vperm.xlane v8, v4;
	v28 =	vperm.xlane v8, v1  }
0xaa: {  	v12 =	vld [tilespmem:s9+$0x10];
	v32 =	vperm.xlane v8, v2;
	v33 =	vperm.xlane v8, v3;
	v29 =	vpop (erf)  }
0xab: {  	v15 =	vperm.xlane v29, v4;
	v7 =	vmul.f32 v10, v7;
	v10 =	vld [tilespmem:s22+$0x80]  }
0xac: {  	v23 =	vld [tilespmem:s22+$0xFFFFFFF0];
	v30 =	vperm.xlane v29, v1;
	v35 =	vperm.xlane v29, v2  }
0xad: {  	v31 =	vld [tilespmem:s20+$0x58];
	v42 =	vperm.xlane v29, v3;
	v36 =	vpop (erf);
	v14 =	vmul.f32 v15, v14  }
0xae: {  	v40 =	vld [tilespmem:s9+$0x0];
	v20 =	vmul.f32 v30, v20;
	v15 =	vperm.xlane v36, v4  }
0xaf: {  	v11 =	vld [tilespmem:s20+$0xFFFFFFA0];
	v18 =	vperm.xlane v7, v5;
	v37 =	vpop (erf);
	v43 =	vperm.xlane v36, v1  }
0xb0: {  	v38 =	vperm.xlane v37, v1;
	v13 =	vmul.f32 v15, v13;
	v15 =	vld [tilespmem:s22+$0x38];
	v10 =	vadd.f32 v10, v12  }
0xb1: {  	v44 =	vld [tilespmem:s20+$0x68];
	v46 =	vadd.f32 v23, v19;
	v39 =	vperm.xlane v37, v4;
	v41 =	vperm.xlane v37, v2  }
0xb2: {  	v23 =	vld [tilespmem:s22+$0xFFFFFFE8];
	[tilespmem:s20+$0x78] =	vst v7;
	v49 =	vperm.xlane v14, v5;
	v8 =	vsel vm0, v18, v8;
	v18 =	vmul.f32 $2.000000030e-01, v10  }
0xb3: {  	v9 =	vld [tilespmem:s20+$0xFFFFFF70];
	[tilespmem:s20+$0xFFFFFFE8] =	vst v14;
	v14 =	vmul.f32 $2.000000030e-01, v46;
	v12 =	vperm.xlane v37, v3  }
0xb4: {  	v19 =	vld [tilespmem:s22+$0x30];
	v11 =	vmul.f32 v39, v11;
	[tilespmem:s20+$0x80] =	vst v8;
	v16 =	vmul.f32 v41, v16;
	v8 =	vmax.f32 v10, v18  }
0xb5: {  	v7 =	vld [tilespmem:s22+$0xFFFFFFA0];
	v50 =	vperm.xlane v13, v5;
	[tilespmem:s20+$0x30] =	vst v13;
	v10 =	vadd.f32 v15, v40;
	v15 =	vmul.f32 $1.442695020e+00, v8  }
0xb6: {  	v13 =	vld [tilespmem:s22+$0xFFFFFF90];
	v47 =	vperm.xlane v11, v5;
	[tilespmem:s20+$0xFFFFFF80] =	vst v16;
	v16 =	vmul.f32 v12, v17  }
0xb7: {  	[tilespmem:s20+$0xFFFFFFA0] =	vst v11;
	v11 =	vmax.f32 v46, v14;
	v12 =	vld [tilespmem:s22+$0xFFFFFFD8];
	v14 =	vmul.f32 $2.000000030e-01, v10;
	(erf) = vpow2.f32 v15  }
0xb8: {  	v9 =	vmul.f32 v38, v9;
	v17 =	vmax.f32 v34, v62;
	v11 =	vmul.f32 $1.442695020e+00, v11;
	v18 =	vld [tilespmem:s22+$0xFFFFFF70]  }
0xb9: {  	[tilespmem:s20+$0xFFFFFF90] =	vst v16;
	v16 =	vmul.f32 v35, v21;
	v21 =	vmul.f32 v42, v22;
	v22 =	vld [tilespmem:s22+$0x20];
	v14 =	vmax.f32 v10, v14  }
0xba: {  	[tilespmem:s20+$0xFFFFFF70] =	vst v9;
	v9 =	vsel vm0, v47, v37;
	v8 =	vld [tilespmem:s22+$0xFFFFFF80];
	(erf) = vpow2.f32 v11;
	v30 =	vmul.f32 $1.442695020e+00, v14  }
0xbb: {  	v45 =	vperm.xlane v36, v2;
	[tilespmem:s20+$0xFFFFFFA8] =	vst v9;
	v9 =	vmul.f32 $1.442695020e+00, v17;
	v17 =	vld [tilespmem:s22+$0x10]  }
0xbc: {  	v24 =	vmul.f32 v43, v24;
	[tilespmem:s20+$0xFFFFFFC8] =	vst v16;
	v16 =	vld [tilespmem:s22+$0x68];
	(erf) = vpow2.f32 v30  }
0xbd: {  	[tilespmem:s20+$0xFFFFFFB8] =	vst v20;
	v63 =	vmul.f32 v45, v25;
	v15 =	vld [tilespmem:s22+$0xFFFFFFB8];
	(erf) = vpow2.f32 v9  }
0xbe: {  	v48 =	vperm.xlane v36, v3;
	[tilespmem:s20+$0x0] =	vst v24;
	v11 =	vsel vm0, v49, v29;
	v29 =	vld [tilespmem:s22+$0x78]  }
0xbf: {  	v28 =	vmul.f32 v28, v27;
	v27 =	vmul.f32 v33, v44;
	[tilespmem:s20+$0x10] =	vst v63;
	v10 =	vld [tilespmem:s22+$0xFFFFFFC8]  }
0xc0: {  	v14 =	vld [tilespmem:s22+$0x0];
	[tilespmem:s20+$0xFFFFFFF0] =	vst v11;
	v11 =	vsel vm0, v50, v36;
	v30 =	vmul.f32 v48, v26;
	v26 =	vmul.f32 v32, v31;
	v25 =	vpop (erf)  }
0xc1: {  	[tilespmem:s20+$0x38] =	vst v11;
	v11 =	vld [tilespmem:s22+$0x58];
	v20 =	vperm.xlane v25, v1;
	v31 =	vperm.xlane v25, v4  }
0xc2: {  	s6 =	simm.s32 $0x109B0;
	s8 =	simm.s32 $0x4;
	s9 =	simm.s32 $0x198A0;
	[tilespmem:s20+$0xFFFFFFD8] =	vst v21;
	v9 =	vld [tilespmem:s22+$0x48];
	v24 =	vperm.xlane v25, v2;
	v21 =	vperm.xlane v25, v3  }
.LBB2_10:
0xc3: {  	v32 =	vld [tilespmem:s9+$0x10];
	v29 =	vmul.f32 v31, v29;
	s22 =	sadd.s32 $0x120, s22;
	v31 =	vpop (erf);
	[tilespmem:s20+$0x20] =	vst v30  }
0xc4: {  	s8 =	sadd.s32 $0x4, s8;
	v30 =	vld [tilespmem:s22+$0x80];
	v33 =	vperm.xlane v31, v1;
	v34 =	vperm.xlane v31, v4;
	[tilespmem:s20+$0x48] =	vst v28  }
0xc5: {  	p0 =	slt.u32 s8, $0xFC;
	v35 =	vperm.xlane v31, v2;
	v28 =	vld [tilespmem:s22+$0xFFFFFFA8];
	v36 =	vperm.xlane v29, v5;
	v37 =	vpop (erf);
	[tilespmem:s20+$0x58] =	vst v26  }
0xc6: {  	v26 =	vld [tilespmem:s9+$0xFFFFFFF0];
	v34 =	vmul.f32 v34, v23;
	v23 =	vperm.xlane v37, v4;
	v38 =	vpop (erf);
	[tilespmem:s20+$0x68] =	vst v27;
	s20 =	smov.u32 s6;
	s6 =	smov.u32 s22  }
0xc7: {  	v27 =	vld [tilespmem:s22+$0xFFFFFFF0];
	v39 =	vperm.xlane v38, v1;
	v40 =	vperm.xlane v38, v4;
	[tilespmem:s20+$0x78] =	vst v29;
	v25 =	vsel vm0, v36, v25  }
0xc8: {  	v36 =	vperm.xlane v38, v2;
	v29 =	vld [tilespmem:s9+$0x0];
	v41 =	vmul.f32 v23, v19;
	[tilespmem:s20+$0x80] =	vst v25  }
0xc9: {  	v25 =	vld [tilespmem:s22+$0x38];
	v30 =	vadd.f32 v30, v32;
	v32 =	vperm.xlane v38, v3;
	v19 =	vmul.f32 v40, v7;
	[tilespmem:s20+$0xFFFFFFE8] =	vst v34  }
0xca: {  	v42 =	vperm.xlane v31, v3;
	v43 =	vperm.xlane v37, v1;
	v40 =	vld [tilespmem:s9+$0xFFFFFFE0];
	[tilespmem:s20+$0x30] =	vst v41  }
0xcb: {  	v45 =	vperm.xlane v37, v2;
	v7 =	vld [tilespmem:s22+$0xFFFFFFA0];
	v44 =	vmul.f32 $2.000000030e-01, v30;
	[tilespmem:s20+$0xFFFFFFA0] =	vst v19  }
0xcc: {  	v46 =	vperm.xlane v37, v3;
	v26 =	vadd.f32 v27, v26;
	v23 =	vld [tilespmem:s22+$0xFFFFFFE8];
	v27 =	vperm.xlane v19, v5  }
0xcd: {  	v34 =	vperm.xlane v34, v5;
	v41 =	vperm.xlane v41, v5;
	v19 =	vld [tilespmem:s22+$0x30];
	v30 =	vmax.f32 v30, v44  }
0xce: {  	v44 =	vld [tilespmem:s22+$0xFFFFFF70];
	v47 =	vmul.f32 $2.000000030e-01, v26;
	v25 =	vadd.f32 v25, v29;
	v29 =	vmul.f32 $1.442695020e+00, v30  }
0xcf: {  	v18 =	vmul.f32 v39, v18;
	v30 =	vmul.f32 v36, v8;
	v28 =	vadd.f32 v28, v40;
	v8 =	vld [tilespmem:s22+$0xFFFFFF80]  }
0xd0: {  	v36 =	vld [tilespmem:s22+$0xFFFFFF90];
	v26 =	vmax.f32 v26, v47;
	v39 =	vmul.f32 $2.000000030e-01, v25;
	(erf) = vpow2.f32 v29  }
0xd1: {  	v38 =	vsel vm0, v27, v38;
	v29 =	vmul.f32 $2.000000030e-01, v28;
	v26 =	vmul.f32 $1.442695020e+00, v26;
	v40 =	vld [tilespmem:s22+$0xFFFFFFB8];
	[tilespmem:s20+$0xFFFFFF70] =	vst v18  }
0xd2: {  	v27 =	vld [tilespmem:s22+$0xFFFFFFC8];
	v25 =	vmax.f32 v25, v39;
	[tilespmem:s20+$0xFFFFFF80] =	vst v30;
	v39 =	vmul.f32 v32, v13;
	v30 =	vmul.f32 v33, v15  }
0xd3: {  	v15 =	vmax.f32 v28, v29;
	v32 =	vld [tilespmem:s22+$0xFFFFFFD8];
	v25 =	vmul.f32 $1.442695020e+00, v25;
	(erf) = vpow2.f32 v26;
	[tilespmem:s20+$0xFFFFFFA8] =	vst v38;
	v18 =	vmovc v44  }
0xd4: {  	v26 =	vmul.f32 v35, v10;
	v10 =	vsel vm0, v34, v31;
	v28 =	vmul.f32 $1.442695020e+00, v15;
	v33 =	vld [tilespmem:s22+$0x0];
	[tilespmem:s20+$0xFFFFFF90] =	vst v39  }
0xd5: {  	v31 =	vmul.f32 v42, v12;
	v12 =	vsel vm0, v41, v37;
	v34 =	vld [tilespmem:s22+$0x10];
	(erf) = vpow2.f32 v25;
	[tilespmem:s20+$0xFFFFFFF0] =	vst v10;
	v13 =	vmovc v36  }
0xd6: {  	v36 =	vmul.f32 v43, v14;
	v35 =	vld [tilespmem:s22+$0x20];
	(erf) = vpow2.f32 v28;
	[tilespmem:s20+$0x38] =	vst v12;
	v15 =	vmov v40  }
.Ltmp7:
0xd7: {  	v37 =	vmul.f32 v45, v17;
	v29 =	vld [tilespmem:s22+$0x78];
	[tilespmem:s20+$0xFFFFFFB8] =	vst v30;
	v30 =	vmul.f32 v46, v22;
	v10 =	vmov v27;
	(pc) =	sbr.rel @p0 .LBB2_10-.Ltmp7, $4  }
0xd8: {  	v28 =	vmul.f32 v20, v9;
	[tilespmem:s20+$0xFFFFFFC8] =	vst v26;
	v9 =	vld [tilespmem:s22+$0x48];
	v26 =	vmul.f32 v24, v11;
	v12 =	vmov v32  }
0xd9: {  	v27 =	vmul.f32 v21, v16;
	v11 =	vld [tilespmem:s22+$0x58];
	v25 =	vpop (erf);
	[tilespmem:s20+$0xFFFFFFD8] =	vst v31;
	v14 =	vmov v33  }
0xda: {  	v20 =	vperm.xlane v25, v1;
	v16 =	vld [tilespmem:s22+$0x68];
	v31 =	vperm.xlane v25, v4;
	[tilespmem:s20+$0x0] =	vst v36;
	v17 =	vmov v34  }
0xdb: {  	s9 =	sadd.s32 $0x40, s9;
	v24 =	vperm.xlane v25, v2;
	v21 =	vperm.xlane v25, v3;
	[tilespmem:s20+$0x10] =	vst v37;
	v22 =	vmov v35  }
0xdc: {  	[tilespmem:s20+$0x20] =	vst v30  }
0xdd: {  	v29 =	vmul.f32 v31, v29;
	v30 =	vpop (erf);
	[tilespmem:s20+$0x48] =	vst v28  }
0xde: {  	[tilespmem:s20+$0x58] =	vst v26;
	v28 =	vperm.xlane v30, v4  }
0xdf: {  	[tilespmem:s20+$0x68] =	vst v27;
	v9 =	vmul.f32 v20, v9;
	v31 =	vperm.xlane v29, v5;
	v32 =	vpop (erf)  }
0xe0: {  	[tilespmem:s6+$0x78] =	vst v29;
	v26 =	vperm.xlane v32, v4;
	v33 =	vpop (erf)  }
0xe1: {  	v23 =	vmul.f32 v28, v23;
	[tilespmem:s6+$0x48] =	vst v9;
	v27 =	vperm.xlane v33, v4;
	v25 =	vsel vm0, v31, v25  }
0xe2: {  	v28 =	vperm.xlane v33, v1;
	v19 =	vmul.f32 v26, v19;
	[tilespmem:s6+$0x80] =	vst v25  }
0xe3: {  	v25 =	vperm.xlane v33, v2;
	[tilespmem:s6+$0xFFFFFFE8] =	vst v23;
	v7 =	vmul.f32 v27, v7  }
0xe4: {  	v26 =	vperm.xlane v33, v3;
	v18 =	vmul.f32 v28, v18;
	[tilespmem:s6+$0x30] =	vst v19  }
0xe5: {  	v8 =	vmul.f32 v25, v8;
	[tilespmem:s6+$0xFFFFFFA0] =	vst v7;
	v7 =	vperm.xlane v7, v5  }
0xe6: {  	[tilespmem:s6+$0xFFFFFF70] =	vst v18  }
0xe7: {  	v18 =	vperm.xlane v23, v5;
	[tilespmem:s6+$0xFFFFFF80] =	vst v8;
	v8 =	vmul.f32 v26, v13;
	v7 =	vsel vm0, v7, v33  }
0xe8: {  	v19 =	vperm.xlane v19, v5;
	v13 =	vperm.xlane v30, v1;
	[tilespmem:s6+$0xFFFFFFA8] =	vst v7  }
0xe9: {  	v7 =	vperm.xlane v30, v2;
	[tilespmem:s6+$0xFFFFFF90] =	vst v8;
	v8 =	vsel vm0, v18, v30  }
0xea: {  	v18 =	vperm.xlane v30, v3;
	v13 =	vmul.f32 v13, v15;
	[tilespmem:s6+$0xFFFFFFF0] =	vst v8;
	v8 =	vsel vm0, v19, v32  }
0xeb: {  	v15 =	vperm.xlane v32, v1;
	v7 =	vmul.f32 v7, v10;
	[tilespmem:s6+$0x38] =	vst v8  }
0xec: {  	v8 =	vperm.xlane v32, v2;
	v10 =	vmul.f32 v18, v12;
	[tilespmem:s6+$0xFFFFFFB8] =	vst v13  }
0xed: {  	v12 =	vperm.xlane v32, v3;
	v13 =	vmul.f32 v15, v14;
	[tilespmem:s6+$0xFFFFFFC8] =	vst v7  }
0xee: {  	v7 =	vmul.f32 v8, v17;
	[tilespmem:s6+$0xFFFFFFD8] =	vst v10  }
0xef: {  	v8 =	vmul.f32 v12, v22;
	[tilespmem:s6+$0x0] =	vst v13  }
0xf0: {  	[tilespmem:s6+$0x10] =	vst v7;
	v7 =	vmul.f32 v24, v11  }
0xf1: {  	[tilespmem:s6+$0x20] =	vst v8;
	v8 =	vmul.f32 v21, v16  }
0xf2: {  	s8 =	sand.u32 $0x3FFFFE00, s2;
	[tilespmem:s6+$0x58] =	vst v7  }
0xf3: {  	s20 =	sadd.s32 $0xDE00, s8;
	[tilespmem:s6+$0x68] =	vst v8  }
0xf4: {  	[spmem:s1] =	stream.indirect.scatter.add.f32 [tilespmem:s17], [sflag:$0x2], $0x48, s20, s15, $0xb8;
	[tilespmem:$0x1B800] =	vst v63  }
0xf5: {  	s22 =	sadd.s32 $0xDE80, s8  }
0xf6: {  	[spmem:s1] =	stream.indirect.scatter.add.f32 [tilespmem:s21], [sflag:$0x2], $0x48, s22, s15, $0xb8;
	[tilespmem:$0x1B800] =	vst v63  }
0xf7: {  	_ =	swait.ge [sflag:s29], $0x2400  }
0xf8: {  	[sflag:s29] =	ssyncset.done $0x0  }
0xf9: {  	[sflag:s29] =	ssyncadd.s32 $0xFFFFDC00  }
0xfa: {  	_ =	swait.ge [sflag:s29], $0x800  }
0xfb: {  	[sflag:s29] =	ssyncset.done $0x0  }
0xfc: {  	[sflag:s29] =	ssyncadd.s32 $0xFFFFF800  }
0xfd: {  	_ =	swait.ge [sflag:s29], $0x2400  }
0xfe: {  	[sflag:s29] =	ssyncset.done $0x0  }
0xff: {  	[sflag:s29] =	ssyncadd.s32 $0xFFFFDC00  }
0x100: {  	_ =	swait.ge [sflag:s29], $0x800  }
0x101: {  	[sflag:s29] =	ssyncset.done $0x0  }
0x102: {  	s8 =	simm.s32 $0x1A820;
	[sflag:s29] =	ssyncadd.s32 $0xFFFFF800  }
0x103: {  	s20 =	simm.s32 $0x15090;
	v7 =	vld [tilespmem:s8+$0x10]  }
0x104: {  	v8 =	vld [tilespmem:s20+$0x80]  }
0x105: {  	v10 =	vld [tilespmem:s8+$0xFFFFFFF0]  }
0x106: {  	v11 =	vld [tilespmem:s20+$0xFFFFFFF0]  }
0x107: {  	v12 =	vld [tilespmem:s8+$0x0]  }
0x108: {  	v13 =	vld [tilespmem:s20+$0x38]  }
0x109: {  	v9 =	vld [tilespmem:s20+$0xFFFFFFA8];
	v7 =	vadd.f32 v8, v7  }
0x10a: {  	v8 =	vld [tilespmem:s8+$0xFFFFFFE0]  }
0x10b: {  	v10 =	vadd.f32 v11, v10;
	v14 =	vmul.f32 $2.000000030e-01, v7  }
0x10c: {  	v16 =	vld [tilespmem:s20+$0xFFFFFF80]  }
0x10d: {  	v17 =	vld [tilespmem:s20+$0xFFFFFF90];
	v12 =	vadd.f32 v13, v12;
	v15 =	vmul.f32 $2.000000030e-01, v10;
	v7 =	vmax.f32 v7, v14  }
0x10e: {  	v20 =	vld [tilespmem:s20+$0xFFFFFFB8];
	v7 =	vmul.f32 $1.442695020e+00, v7  }
0x10f: {  	v21 =	vld [tilespmem:s20+$0xFFFFFFC8];
	v10 =	vmax.f32 v10, v15;
	v15 =	vmul.f32 $2.000000030e-01, v12;
	v8 =	vadd.f32 v9, v8  }
0x110: {  	s22 =	simm.s32 $0x151B0;
	v22 =	vld [tilespmem:s20+$0xFFFFFFD8];
	v10 =	vmul.f32 $1.442695020e+00, v10;
	(erf) = vpow2.f32 v7  }
0x111: {  	s9 =	simm.s32 $0x1A860;
	v34 =	vld [tilespmem:s22+$0xFFFFFFA8];
	v7 =	vmul.f32 $2.000000030e-01, v8  }
0x112: {  	v61 =	vld [tilespmem:s9+$0xFFFFFFE0];
	v12 =	vmax.f32 v12, v15;
	(erf) = vpow2.f32 v10  }
0x113: {  	v24 =	vld [tilespmem:s20+$0x0];
	v7 =	vmax.f32 v8, v7;
	v8 =	vmul.f32 $1.442695020e+00, v12  }
0x114: {  	v25 =	vld [tilespmem:s20+$0x10]  }
0x115: {  	v26 =	vld [tilespmem:s20+$0x20];
	v7 =	vmul.f32 $1.442695020e+00, v7;
	(erf) = vpow2.f32 v8  }
0x116: {  	v27 =	vld [tilespmem:s20+$0x48]  }
0x117: {  	v34 =	vadd.f32 v34, v61;
	(erf) = vpow2.f32 v7;
	v7 =	vld [tilespmem:s20+$0x78]  }
0x118: {  	v19 =	vld [tilespmem:s9+$0xFFFFFFF0]  }
0x119: {  	v62 =	vmul.f32 $2.000000030e-01, v34;
	v14 =	vld [tilespmem:s20+$0xFFFFFFE8];
	v8 =	vpop (erf)  }
0x11a: {  	v13 =	vld [tilespmem:s20+$0x30];
	v10 =	vperm.xlane v8, v4;
	v28 =	vperm.xlane v8, v1  }
0x11b: {  	v12 =	vld [tilespmem:s9+$0x10];
	v59 =	vperm.xlane v8, v2;
	v60 =	vperm.xlane v8, v3;
	v29 =	vpop (erf)  }
0x11c: {  	v15 =	vperm.xlane v29, v4;
	v7 =	vmul.f32 v10, v7;
	v10 =	vld [tilespmem:s22+$0x80]  }
0x11d: {  	v23 =	vld [tilespmem:s22+$0xFFFFFFF0];
	v30 =	vperm.xlane v29, v1;
	v35 =	vperm.xlane v29, v2  }
0x11e: {  	v31 =	vld [tilespmem:s20+$0x58];
	v42 =	vperm.xlane v29, v3;
	v36 =	vpop (erf);
	v14 =	vmul.f32 v15, v14  }
0x11f: {  	v40 =	vld [tilespmem:s9+$0x0];
	v20 =	vmul.f32 v30, v20;
	v15 =	vperm.xlane v36, v4  }
0x120: {  	v11 =	vld [tilespmem:s20+$0xFFFFFFA0];
	v18 =	vperm.xlane v7, v5;
	v37 =	vpop (erf);
	v43 =	vperm.xlane v36, v1  }
0x121: {  	v38 =	vperm.xlane v37, v1;
	v13 =	vmul.f32 v15, v13;
	v15 =	vld [tilespmem:s22+$0x38];
	v10 =	vadd.f32 v10, v12  }
0x122: {  	v44 =	vld [tilespmem:s20+$0x68];
	v46 =	vadd.f32 v23, v19;
	v39 =	vperm.xlane v37, v4;
	v41 =	vperm.xlane v37, v2  }
0x123: {  	v23 =	vld [tilespmem:s22+$0xFFFFFFE8];
	[tilespmem:s20+$0x78] =	vst v7;
	v49 =	vperm.xlane v14, v5;
	v8 =	vsel vm0, v18, v8;
	v18 =	vmul.f32 $2.000000030e-01, v10  }
0x124: {  	v9 =	vld [tilespmem:s20+$0xFFFFFF70];
	[tilespmem:s20+$0xFFFFFFE8] =	vst v14;
	v14 =	vmul.f32 $2.000000030e-01, v46;
	v12 =	vperm.xlane v37, v3  }
0x125: {  	v19 =	vld [tilespmem:s22+$0x30];
	v11 =	vmul.f32 v39, v11;
	[tilespmem:s20+$0x80] =	vst v8;
	v16 =	vmul.f32 v41, v16;
	v8 =	vmax.f32 v10, v18  }
0x126: {  	v7 =	vld [tilespmem:s22+$0xFFFFFFA0];
	v50 =	vperm.xlane v13, v5;
	[tilespmem:s20+$0x30] =	vst v13;
	v10 =	vadd.f32 v15, v40;
	v15 =	vmul.f32 $1.442695020e+00, v8  }
0x127: {  	v13 =	vld [tilespmem:s22+$0xFFFFFF90];
	v47 =	vperm.xlane v11, v5;
	[tilespmem:s20+$0xFFFFFF80] =	vst v16;
	v16 =	vmul.f32 v12, v17  }
0x128: {  	[tilespmem:s20+$0xFFFFFFA0] =	vst v11;
	v11 =	vmax.f32 v46, v14;
	v12 =	vld [tilespmem:s22+$0xFFFFFFD8];
	v14 =	vmul.f32 $2.000000030e-01, v10;
	(erf) = vpow2.f32 v15  }
0x129: {  	v9 =	vmul.f32 v38, v9;
	v17 =	vmax.f32 v34, v62;
	v11 =	vmul.f32 $1.442695020e+00, v11;
	v18 =	vld [tilespmem:s22+$0xFFFFFF70]  }
0x12a: {  	[tilespmem:s20+$0xFFFFFF90] =	vst v16;
	v16 =	vmul.f32 v35, v21;
	v21 =	vmul.f32 v42, v22;
	v22 =	vld [tilespmem:s22+$0x20];
	v14 =	vmax.f32 v10, v14  }
0x12b: {  	[tilespmem:s20+$0xFFFFFF70] =	vst v9;
	v9 =	vsel vm0, v47, v37;
	v8 =	vld [tilespmem:s22+$0xFFFFFF80];
	(erf) = vpow2.f32 v11;
	v30 =	vmul.f32 $1.442695020e+00, v14  }
0x12c: {  	v45 =	vperm.xlane v36, v2;
	[tilespmem:s20+$0xFFFFFFA8] =	vst v9;
	v9 =	vmul.f32 $1.442695020e+00, v17;
	v17 =	vld [tilespmem:s22+$0x10]  }
0x12d: {  	v24 =	vmul.f32 v43, v24;
	[tilespmem:s20+$0xFFFFFFC8] =	vst v16;
	v16 =	vld [tilespmem:s22+$0x68];
	(erf) = vpow2.f32 v30  }
0x12e: {  	[tilespmem:s20+$0xFFFFFFB8] =	vst v20;
	v63 =	vmul.f32 v45, v25;
	v15 =	vld [tilespmem:s22+$0xFFFFFFB8];
	(erf) = vpow2.f32 v9  }
0x12f: {  	v48 =	vperm.xlane v36, v3;
	[tilespmem:s20+$0x0] =	vst v24;
	v11 =	vsel vm0, v49, v29;
	v29 =	vld [tilespmem:s22+$0x78]  }
0x130: {  	v28 =	vmul.f32 v28, v27;
	v27 =	vmul.f32 v60, v44;
	[tilespmem:s20+$0x10] =	vst v63;
	v10 =	vld [tilespmem:s22+$0xFFFFFFC8]  }
0x131: {  	v14 =	vld [tilespmem:s22+$0x0];
	[tilespmem:s20+$0xFFFFFFF0] =	vst v11;
	v11 =	vsel vm0, v50, v36;
	v30 =	vmul.f32 v48, v26;
	v26 =	vmul.f32 v59, v31;
	v25 =	vpop (erf)  }
0x132: {  	[tilespmem:s20+$0x38] =	vst v11;
	v11 =	vld [tilespmem:s22+$0x58];
	v20 =	vperm.xlane v25, v1;
	v31 =	vperm.xlane v25, v4  }
0x133: {  	s6 =	simm.s32 $0x151B0;
	s8 =	simm.s32 $0x4;
	s9 =	simm.s32 $0x1A8A0;
	[tilespmem:s20+$0xFFFFFFD8] =	vst v21;
	v9 =	vld [tilespmem:s22+$0x48];
	v24 =	vperm.xlane v25, v2;
	v21 =	vperm.xlane v25, v3  }
.LBB2_12:
0x134: {  	v32 =	vld [tilespmem:s9+$0x10];
	v29 =	vmul.f32 v31, v29;
	s22 =	sadd.s32 $0x120, s22;
	v31 =	vpop (erf);
	[tilespmem:s20+$0x20] =	vst v30  }
0x135: {  	s8 =	sadd.s32 $0x4, s8;
	v30 =	vld [tilespmem:s22+$0x80];
	v33 =	vperm.xlane v31, v1;
	v34 =	vperm.xlane v31, v4;
	[tilespmem:s20+$0x48] =	vst v28  }
0x136: {  	p0 =	slt.u32 s8, $0xFC;
	v35 =	vperm.xlane v31, v2;
	v28 =	vld [tilespmem:s22+$0xFFFFFFA8];
	v36 =	vperm.xlane v29, v5;
	v37 =	vpop (erf);
	[tilespmem:s20+$0x58] =	vst v26  }
0x137: {  	v26 =	vld [tilespmem:s9+$0xFFFFFFF0];
	v34 =	vmul.f32 v34, v23;
	v23 =	vperm.xlane v37, v4;
	v38 =	vpop (erf);
	[tilespmem:s20+$0x68] =	vst v27;
	s20 =	smov.u32 s6;
	s6 =	smov.u32 s22  }
0x138: {  	v27 =	vld [tilespmem:s22+$0xFFFFFFF0];
	v39 =	vperm.xlane v38, v1;
	v40 =	vperm.xlane v38, v4;
	[tilespmem:s20+$0x78] =	vst v29;
	v25 =	vsel vm0, v36, v25  }
0x139: {  	v36 =	vperm.xlane v38, v2;
	v29 =	vld [tilespmem:s9+$0x0];
	v41 =	vmul.f32 v23, v19;
	[tilespmem:s20+$0x80] =	vst v25  }
0x13a: {  	v25 =	vld [tilespmem:s22+$0x38];
	v30 =	vadd.f32 v30, v32;
	v32 =	vperm.xlane v38, v3;
	v19 =	vmul.f32 v40, v7;
	[tilespmem:s20+$0xFFFFFFE8] =	vst v34  }
0x13b: {  	v42 =	vperm.xlane v31, v3;
	v43 =	vperm.xlane v37, v1;
	v40 =	vld [tilespmem:s9+$0xFFFFFFE0];
	[tilespmem:s20+$0x30] =	vst v41  }
0x13c: {  	v45 =	vperm.xlane v37, v2;
	v7 =	vld [tilespmem:s22+$0xFFFFFFA0];
	v44 =	vmul.f32 $2.000000030e-01, v30;
	[tilespmem:s20+$0xFFFFFFA0] =	vst v19  }
0x13d: {  	v46 =	vperm.xlane v37, v3;
	v26 =	vadd.f32 v27, v26;
	v23 =	vld [tilespmem:s22+$0xFFFFFFE8];
	v27 =	vperm.xlane v19, v5  }
0x13e: {  	v34 =	vperm.xlane v34, v5;
	v41 =	vperm.xlane v41, v5;
	v19 =	vld [tilespmem:s22+$0x30];
	v30 =	vmax.f32 v30, v44  }
0x13f: {  	v44 =	vld [tilespmem:s22+$0xFFFFFF70];
	v47 =	vmul.f32 $2.000000030e-01, v26;
	v25 =	vadd.f32 v25, v29;
	v29 =	vmul.f32 $1.442695020e+00, v30  }
0x140: {  	v18 =	vmul.f32 v39, v18;
	v30 =	vmul.f32 v36, v8;
	v28 =	vadd.f32 v28, v40;
	v8 =	vld [tilespmem:s22+$0xFFFFFF80]  }
0x141: {  	v36 =	vld [tilespmem:s22+$0xFFFFFF90];
	v26 =	vmax.f32 v26, v47;
	v39 =	vmul.f32 $2.000000030e-01, v25;
	(erf) = vpow2.f32 v29  }
0x142: {  	v38 =	vsel vm0, v27, v38;
	v29 =	vmul.f32 $2.000000030e-01, v28;
	v26 =	vmul.f32 $1.442695020e+00, v26;
	v40 =	vld [tilespmem:s22+$0xFFFFFFB8];
	[tilespmem:s20+$0xFFFFFF70] =	vst v18  }
0x143: {  	v27 =	vld [tilespmem:s22+$0xFFFFFFC8];
	v25 =	vmax.f32 v25, v39;
	[tilespmem:s20+$0xFFFFFF80] =	vst v30;
	v39 =	vmul.f32 v32, v13;
	v30 =	vmul.f32 v33, v15  }
0x144: {  	v15 =	vmax.f32 v28, v29;
	v32 =	vld [tilespmem:s22+$0xFFFFFFD8];
	v25 =	vmul.f32 $1.442695020e+00, v25;
	(erf) = vpow2.f32 v26;
	[tilespmem:s20+$0xFFFFFFA8] =	vst v38;
	v18 =	vmovc v44  }
0x145: {  	v26 =	vmul.f32 v35, v10;
	v10 =	vsel vm0, v34, v31;
	v28 =	vmul.f32 $1.442695020e+00, v15;
	v33 =	vld [tilespmem:s22+$0x0];
	[tilespmem:s20+$0xFFFFFF90] =	vst v39  }
0x146: {  	v31 =	vmul.f32 v42, v12;
	v12 =	vsel vm0, v41, v37;
	v34 =	vld [tilespmem:s22+$0x10];
	(erf) = vpow2.f32 v25;
	[tilespmem:s20+$0xFFFFFFF0] =	vst v10;
	v13 =	vmovc v36  }
0x147: {  	v36 =	vmul.f32 v43, v14;
	v35 =	vld [tilespmem:s22+$0x20];
	(erf) = vpow2.f32 v28;
	[tilespmem:s20+$0x38] =	vst v12;
	v15 =	vmov v40  }
.Ltmp8:
0x148: {  	v37 =	vmul.f32 v45, v17;
	v29 =	vld [tilespmem:s22+$0x78];
	[tilespmem:s20+$0xFFFFFFB8] =	vst v30;
	v30 =	vmul.f32 v46, v22;
	v10 =	vmov v27;
	(pc) =	sbr.rel @p0 .LBB2_12-.Ltmp8, $4  }
0x149: {  	v28 =	vmul.f32 v20, v9;
	[tilespmem:s20+$0xFFFFFFC8] =	vst v26;
	v9 =	vld [tilespmem:s22+$0x48];
	v26 =	vmul.f32 v24, v11;
	v12 =	vmov v32  }
0x14a: {  	v27 =	vmul.f32 v21, v16;
	v11 =	vld [tilespmem:s22+$0x58];
	v25 =	vpop (erf);
	[tilespmem:s20+$0xFFFFFFD8] =	vst v31;
	v14 =	vmov v33  }
0x14b: {  	v20 =	vperm.xlane v25, v1;
	v16 =	vld [tilespmem:s22+$0x68];
	v31 =	vperm.xlane v25, v4;
	[tilespmem:s20+$0x0] =	vst v36;
	v17 =	vmov v34  }
0x14c: {  	s9 =	sadd.s32 $0x40, s9;
	v24 =	vperm.xlane v25, v2;
	v21 =	vperm.xlane v25, v3;
	[tilespmem:s20+$0x10] =	vst v37;
	v22 =	vmov v35  }
0x14d: {  	[tilespmem:s20+$0x20] =	vst v30  }
0x14e: {  	v29 =	vmul.f32 v31, v29;
	v50 =	vpop (erf);
	[tilespmem:s20+$0x48] =	vst v28  }
0x14f: {  	[tilespmem:s20+$0x58] =	vst v26;
	v51 =	vperm.xlane v50, v4  }
0x150: {  	[tilespmem:s20+$0x68] =	vst v27;
	v9 =	vmul.f32 v20, v9;
	v31 =	vperm.xlane v29, v5  }
0x151: {  	v59 =	vperm.xlane v50, v3;
	v32 =	vpop (erf);
	[tilespmem:s6+$0x78] =	vst v29  }
0x152: {  	v52 =	vperm.xlane v32, v4;
	v33 =	vpop (erf);
	v23 =	vmul.f32 v51, v23;
	[tilespmem:s6+$0x48] =	vst v9;
	v25 =	vsel vm0, v31, v25  }
0x153: {  	v61 =	vmul.f32 v59, v12;
	v53 =	vperm.xlane v33, v4;
	[tilespmem:s6+$0x80] =	vst v25  }
0x154: {  	v55 =	vperm.xlane v33, v2;
	v19 =	vmul.f32 v52, v19;
	[tilespmem:s6+$0xFFFFFFE8] =	vst v23  }
0x155: {  	v60 =	vperm.xlane v32, v1;
	[tilespmem:s6+$0xFFFFFFD8] =	vst v61;
	v7 =	vmul.f32 v53, v7  }
0x156: {  	v56 =	vperm.xlane v33, v3;
	v8 =	vmul.f32 v55, v8;
	[tilespmem:s6+$0x30] =	vst v19  }
0x157: {  	v63 =	vmul.f32 v60, v14;
	[tilespmem:s6+$0xFFFFFFA0] =	vst v7  }
0x158: {  	v7 =	vperm.xlane v7, v5;
	[tilespmem:s6+$0xFFFFFF80] =	vst v8;
	v8 =	vmul.f32 v56, v13  }
0x159: {  	v57 =	vperm.xlane v23, v5;
	[tilespmem:s6+$0x0] =	vst v63  }
0x15a: {  	v54 =	vperm.xlane v33, v1;
	v19 =	vperm.xlane v19, v5;
	v7 =	vsel vm0, v7, v33;
	[tilespmem:s6+$0xFFFFFF90] =	vst v8  }
0x15b: {  	v8 =	vsel vm0, v57, v50;
	[tilespmem:s6+$0xFFFFFFA8] =	vst v7;
	v7 =	vperm.xlane v50, v2  }
0x15c: {  	v58 =	vperm.xlane v50, v1;
	v18 =	vmul.f32 v54, v18;
	[tilespmem:s6+$0xFFFFFFF0] =	vst v8;
	v8 =	vsel vm0, v19, v32  }
0x15d: {  	[tilespmem:s6+$0x38] =	vst v8;
	v8 =	vperm.xlane v32, v2;
	v7 =	vmul.f32 v7, v10  }
0x15e: {  	v62 =	vperm.xlane v32, v3;
	[tilespmem:s6+$0xFFFFFF70] =	vst v18;
	v13 =	vmul.f32 v58, v15  }
0x15f: {  	[tilespmem:s6+$0xFFFFFFC8] =	vst v7;
	v7 =	vmul.f32 v8, v17  }
0x160: {  	[tilespmem:s6+$0xFFFFFFB8] =	vst v13;
	v8 =	vmul.f32 v62, v22  }
0x161: {  	[tilespmem:s6+$0x10] =	vst v7;
	v7 =	vmul.f32 v24, v11  }
0x162: {  	[tilespmem:s6+$0x20] =	vst v8;
	v8 =	vmul.f32 v21, v16  }
0x163: {  	[tilespmem:s6+$0x58] =	vst v7  }
0x164: {  	[tilespmem:s6+$0x68] =	vst v8  }
0x165: {  	p0 =	seq.s32 s0, $0x14;
	_ =	swait.ge [sflag:s30], $0x2400  }
.Ltmp9:
0x166: {  	[sflag:s30] =	ssyncset.done $0x0;
	(pc) =	sbr.rel @p0 .LBB2_15-.Ltmp9, $4  }
0x167: {  	[sflag:s30] =	ssyncadd.s32 $0xFFFFDC00  }
0x168: {  	_ =	swait.ge [sflag:s30], $0x2400  }
0x169: {  	[sflag:s30] =	ssyncset.done $0x0  }
0x16a: {  	[sflag:s30] =	ssyncadd.s32 $0xFFFFDC00  }
0x16b: {  	s6 =	sadd.s32 $0xB600, s2  }
0x16c: {  	[tilespmem:s17], [sflag:$0x1] =	stream.indirect.gather [hbm4b:s4+s15], $0x48, s6, s15, $0xb8;
	[tilespmem:$0x1B800] =	vst v63  }
0x16d: {  	s9 =	sadd.s32 $0xE000, s2  }
0x16e: {  	[tilespmem:s19], [sflag:$0x1] =	stream.indirect.gather [hbm4b:s5+s15], $0x10, s9, s15, $0xb8;
	[tilespmem:$0x1B800] =	vst v63  }
0x16f: {  	s20 =	sadd.s32 $0xB680, s2  }
0x170: {  	[tilespmem:s21], [sflag:$0x1] =	stream.indirect.gather [hbm4b:s4+s15], $0x48, s20, s15, $0xb8;
	[tilespmem:$0x1B800] =	vst v63  }
0x171: {  	s22 =	sadd.s32 $0xE080, s2  }
0x172: {  	[tilespmem:s23], [sflag:$0x1] =	stream.indirect.gather [hbm4b:s5+s15], $0x10, s22, s15, $0xb8;
	[tilespmem:$0x1B800] =	vst v63  }
.Ltmp10:
0x173: {  	_ = 	snop;
	(pc) =	sbr.rel .LBB2_9-.Ltmp10, $4  }
0x174: {  	_ = 	snop  }
0x175: {  	[spmem:s1] =	stream.indirect.scatter.add.f32 [tilespmem:s24], [sflag:$0x2], $0x48, s16, s15, $0xb8;
	[tilespmem:$0x1B800] =	vst v63  }
0x176: {  	s0 =	sadd.s32 $0x1, s0  }
0x177: {  	[spmem:s1] =	stream.indirect.scatter.add.f32 [tilespmem:s26], [sflag:$0x2], $0x48, s18, s15, $0xb8;
	[tilespmem:$0x1B800] =	vst v63  }
.LBB2_16:
0x178: {  	_ =	sfence.sel $0x180000  }
0x179: {  	[bflag:$0x0] =	sbarrier.arrive $0xFFFF  }
0x17a: {  	_ =	strace $0x90000047  }
0x17b: {  	s0 =	stileid.u32;
	[bflag:$0x2] =	sbarrier.arrive $0xFFFF  }
0x17c: {  	p0 =	sne.s32 s0, $0x0;
	s0 =	rddreg [dreg:$0x2]  }
0x17d: {  	s0 =	sadd.s32 @!p0 $0x100000, s0  }
0x17e: {  	[sflag:s0] =	ssyncadd.tile.s32 @!p0 $0x1;
	_ =	shalt  }
.Lfunc_end2:
_tile_overlayer_lowered:
.L_overlay_start_2:
0x17f: {  	(tag) =	ssettag $0x2  }
0x180: {  	s0 =	rddreg [dreg:$0x0];
	s2 =	stileid.u32  }
0x181: {  	s1 =	rddreg [dreg:$0x1];
	p0 =	sne.s32 s2, $0x0  }
0x182: {  	s3 =	rddreg [dreg:$0x2];
	[bflag:$0x3] =	sbarrier.arrive $0xFFFF;
	s2 =	simm.s32 @!p0 $0x1C04  }
0x183: {  	[timem:s3], [sflag:s2] =	dma.local @!p0 [hbm:s0], s1  }
0x184: {  	s0 =	simm.s32 @!p0 $0x4  }
0x185: {  	_ =	swait.ge @!p0 [sflag:s0], s1  }
0x186: {  	s1 =	ssub.s32 @!p0 $0x0, s1;
	[sflag:s0] =	ssyncset.done @!p0 $0x0  }
0x187: {  	[sflag:s0] =	ssyncadd.s32 @!p0 s1  }
0x188: {  	[bflag:$0x3] =	sbarrier.arrive $0xFFFF  }
0x189: {  	_ =	shalt  }

</sc_bundles>
